<compile_context>
chip_gen: v7x
topology: tpu7x:2x2x1
jax: 0.10.2.dev20260603
libtpu: 0.0.44.dev20260713+nightly
codegen_flags: <defaults>
</compile_context>

<pallas_src>
import functools

import jax
import jax.numpy as jnp
from jax import lax
from jax.experimental import pallas as pl
from jax.experimental.pallas import tpu as pltpu
from jax.experimental.pallas import tpu_sc as plsc

N = 10000
E = 320000
D = 128
DA = 144
NC, NS = 2, 16
CB = 40
NB = 5
NCH = E // (NC * NS * CB)
HCH = NCH // 2
RPT = N // NS
BN = 2000


def _mm_body(a_ref, x0_ref, x1_ref, x2_ref, wl_ref, wr_ref, bb_ref,
             y0_ref, y1_ref, y2_ref, zb_ref):
    av = a_ref[0, 0]
    weights = (1.0, av, 1.0 - av)
    zb = bb_ref[0][None, :]
    for g, (x_ref, y_ref) in enumerate(
            ((x0_ref, y0_ref), (x1_ref, y1_ref), (x2_ref, y2_ref))):
        x = x_ref[...]
        y_ref[...] = jnp.dot(x, wl_ref[g], preferred_element_type=jnp.float32)
        zb = zb + weights[g] * jnp.dot(
            x, wr_ref[g], preferred_element_type=jnp.float32)
    zb_ref[...] = zb


def _matmuls(a2d, x0, x1, x2, wlts, wrts, bb):
    xspec = pl.BlockSpec((BN, D), lambda i: (i, 0))
    wspec = pl.BlockSpec((3, D, D), lambda i: (0, 0, 0))
    return pl.pallas_call(
        _mm_body,
        grid=(N // BN,),
        in_specs=[pl.BlockSpec(memory_space=pltpu.SMEM),
                  xspec, xspec, xspec, wspec, wspec,
                  pl.BlockSpec((1, D), lambda i: (0, 0))],
        out_specs=[xspec, xspec, xspec, xspec],
        out_shape=[jax.ShapeDtypeStruct((N, D), jnp.float32)] * 4,
    )(a2d, x0, x1, x2, wlts, wrts, bb)


def _sc_body(y0, y1, y2, e0, e1, e2, ones16, zf, zc,
             f0, f1, f2, c0, c1, c2,
             accf, accc, onesb, srcb, dstb, *bufs_and_sems):
    bufs = bufs_and_sems[:NB]
    gsems = bufs_and_sems[NB:2 * NB]
    fsems = bufs_and_sems[2 * NB:3 * NB]
    csems = bufs_and_sems[3 * NB:4 * NB]
    c = lax.axis_index("c")
    s = lax.axis_index("s")
    w = c * NS + s
    r0 = s * RPT
    ebase = w * NCH * CB

    pltpu.sync_copy(ones16, onesb)

    for y_hbm, e_hbm, fo, co in ((y0, e0, f0, c0), (y1, e1, f1, c1),
                                 (y2, e2, f2, c2)):
        pltpu.sync_copy(zf, accf.at[pl.ds(r0, RPT)])
        pltpu.sync_copy(zc, accc.at[pl.ds(r0, RPT)])
        plsc.subcore_barrier()

        for h in range(NCH // HCH):
            hbase = ebase + h * HCH * CB
            pltpu.sync_copy(e_hbm.at[0, pl.ds(hbase, HCH * CB)], srcb)
            pltpu.sync_copy(e_hbm.at[1, pl.ds(hbase, HCH * CB)], dstb)

            def gather(ch, j, y_hbm=y_hbm):
                return pltpu.make_async_copy(
                    y_hbm.at[srcb.at[pl.ds(ch * CB, CB)]], bufs[j], gsems[j])

            for j in range(NB):
                gather(j, j).start()

            def body(i, carry, gather=gather):
                base = NB * i
                scs = []
                for j in range(NB):
                    idx = dstb.at[pl.ds((base + j) * CB, CB)]
                    gather(base + j, j).wait()
                    scs.append(pltpu.async_copy(
                        bufs[j], accf.at[idx], fsems[j], add=True))
                    scs.append(pltpu.async_copy(
                        onesb, accc.at[idx], csems[j], add=True))
                for j in range(NB):
                    scs[2 * j].wait()
                    scs[2 * j + 1].wait()

                    @pl.when(i < HCH // NB - 1)
                    def _(j=j):
                        gather(base + NB + j, j).start()

                return carry

            lax.fori_loop(0, HCH // NB, body, 0)
        plsc.subcore_barrier()
        f8 = s * (RPT - 1)
        pltpu.sync_copy(accf.at[pl.ds(f8, RPT - 1)],
                        fo.at[c, pl.ds(f8, RPT - 1)])

        @pl.when(s == 0)
        def _(fo=fo):
            tail = NS * (RPT - 1)
            pltpu.sync_copy(accf.at[pl.ds(tail, N - tail)],
                            fo.at[c, pl.ds(tail, N - tail)])

        pltpu.sync_copy(accc.at[pl.ds(r0, RPT)], co.at[c, pl.ds(r0, RPT)])
        plsc.subcore_barrier()


@functools.cache
def _sc_call():
    return pl.kernel(
        _sc_body,
        out_type=[jax.ShapeDtypeStruct((NC, N, D), jnp.float32)] * 3
                 + [jax.ShapeDtypeStruct((NC, N, DA - D), jnp.float32)] * 3,
        mesh=plsc.VectorSubcoreMesh(
            core_axis_name="c", subcore_axis_name="s",
            num_cores=NC, num_subcores=NS),
        scratch_types=[
            pltpu.VMEM_SHARED((N, D), jnp.float32),
            pltpu.VMEM_SHARED((N, DA - D), jnp.float32),
            pltpu.VMEM((CB, DA - D), jnp.float32),
            pltpu.VMEM((HCH * CB,), jnp.int32),
            pltpu.VMEM((HCH * CB,), jnp.int32),
        ] + [pltpu.VMEM((CB, D), jnp.float32)] * NB
          + [pltpu.SemaphoreType.DMA] * (3 * NB),
        compiler_params=pltpu.CompilerParams(use_tc_tiling_on_sc=False),
    )


def _comb_body(a_ref, f0_ref, f1_ref, f2_ref, c0_ref, c1_ref, c2_ref,
               zb_ref, out_ref):
    av = a_ref[0, 0]
    weights = (1.0, av, 1.0 - av)
    tot = zb_ref[...]
    for g, (f_ref, c_ref) in enumerate(
            ((f0_ref, c0_ref), (f1_ref, c1_ref), (f2_ref, c2_ref))):
        sm = f_ref[0] + f_ref[1]
        cnt = c_ref[0, :, 0] + c_ref[1, :, 0]
        tot = tot + weights[g] * (sm / jnp.maximum(cnt, 1.0)[:, None])
    out_ref[...] = tot


def _combine(a2d, f0, f1, f2, c0, c1, c2, zb):
    fspec = pl.BlockSpec((NC, BN, D), lambda i: (0, i, 0))
    cspec = pl.BlockSpec((NC, BN, DA - D), lambda i: (0, i, 0))
    return pl.pallas_call(
        _comb_body,
        grid=(N // BN,),
        in_specs=[
            pl.BlockSpec(memory_space=pltpu.SMEM),
            fspec, fspec, fspec, cspec, cspec, cspec,
            pl.BlockSpec((BN, D), lambda i: (i, 0)),
        ],
        out_specs=pl.BlockSpec((BN, D), lambda i: (i, 0)),
        out_shape=jax.ShapeDtypeStruct((N, D), jnp.float32),
    )(a2d, f0, f1, f2, c0, c1, c2, zb)


def kernel(ui_x, ui_edge_index, s_x, s_edge_index, k_x, k_edge_index, a,
           W_l_ui, b_l_ui, W_r_ui, W_l_s, b_l_s, W_r_s, W_l_k, b_l_k, W_r_k):
    wlts = jnp.stack([W_l_ui.T, W_l_s.T, W_l_k.T])
    wrts = jnp.stack([W_r_ui.T, W_r_s.T, W_r_k.T])
    a2d = jnp.reshape(a, (1, 1))
    bb = (b_l_ui + a * b_l_s + (1.0 - a) * b_l_k).reshape(1, D)
    y0, y1, y2, zb = _matmuls(a2d, ui_x, s_x, k_x, wlts, wrts, bb)
    ones16 = jnp.concatenate(
        [jnp.ones((CB, 1), jnp.float32),
         jnp.zeros((CB, DA - D - 1), jnp.float32)], axis=1)
    zf = jnp.zeros((RPT, D), jnp.float32)
    zc = jnp.zeros((RPT, DA - D), jnp.float32)
    f0, f1, f2, c0, c1, c2 = _sc_call()(
        y0, y1, y2, ui_edge_index, s_edge_index, k_edge_index, ones16, zf, zc)
    return _combine(a2d, f0, f1, f2, c0, c1, c2, zb)

# --- scband reference (transcript-rebuilt; emitter-appended) ---
"""Pipeline reference for scband-enhanced-gnnmodel-50457275793793 (READ-ONLY COPY).

The authoritative reference and input builder live on the scoring server;
editing this copy changes nothing except your own understanding.
"""

import jax, jax.numpy as jnp
import numpy as np

N = 10000
E = 320000
D = 128

def _sage(x, edge_index, W_l, b_l, W_r):
    # PyG SAGEConv (aggr='mean', root_weight=True, normalize=False):
    # out = lin_l(mean_{j in N(i)} x_j) + lin_r(x_i), bias on lin_l
    src = edge_index[0]
    dst = edge_index[1]
    msgs = jnp.take(x, src, axis=0)
    agg = jax.ops.segment_sum(msgs, dst, num_segments=N)
    cnt = jax.ops.segment_sum(jnp.ones((msgs.shape[0],), x.dtype), dst, num_segments=N)
    mean = agg / jnp.clip(cnt, 1.0)[:, None]
    return mean @ W_l.T + b_l + x @ W_r.T

def setup_inputs(seed: int = 0):
    key = jax.random.key(seed)
    ks = jax.random.split(key, 20)
    s = 1.0 / np.sqrt(D)
    inp = {}
    inp['ui_x'] = jax.random.normal(ks[0], (N, D), dtype=jnp.float32)
    inp['ui_edge_index'] = jax.random.randint(ks[1], (2, E), 0, N, dtype=jnp.int32)
    inp['s_x'] = jax.random.normal(ks[2], (N, D), dtype=jnp.float32)
    inp['s_edge_index'] = jax.random.randint(ks[3], (2, E), 0, N, dtype=jnp.int32)
    inp['k_x'] = jax.random.normal(ks[4], (N, D), dtype=jnp.float32)
    inp['k_edge_index'] = jax.random.randint(ks[5], (2, E), 0, N, dtype=jnp.int32)
    inp['a'] = jax.random.uniform(ks[6], (), dtype=jnp.float32)
    inp['W_l_ui'] = jax.random.normal(ks[7], (D, D), dtype=jnp.float32) * s
    inp['b_l_ui'] = jnp.zeros((D,), dtype=jnp.float32)
    inp['W_r_ui'] = jax.random.normal(ks[8], (D, D), dtype=jnp.float32) * s
    inp['W_l_s'] = jax.random.normal(ks[9], (D, D), dtype=jnp.float32) * s
    inp['b_l_s'] = jnp.zeros((D,), dtype=jnp.float32)
    inp['W_r_s'] = jax.random.normal(ks[10], (D, D), dtype=jnp.float32) * s
    inp['W_l_k'] = jax.random.normal(ks[11], (D, D), dtype=jnp.float32) * s
    inp['b_l_k'] = jnp.zeros((D,), dtype=jnp.float32)
    inp['W_r_k'] = jax.random.normal(ks[12], (D, D), dtype=jnp.float32) * s
    return inp

def reference(ui_x, ui_edge_index, s_x, s_edge_index, k_x, k_edge_index, a,
              W_l_ui, b_l_ui, W_r_ui, W_l_s, b_l_s, W_r_s, W_l_k, b_l_k, W_r_k):
    ui = _sage(ui_x, ui_edge_index, W_l_ui, b_l_ui, W_r_ui)
    so = _sage(s_x, s_edge_index, W_l_s, b_l_s, W_r_s)
    kn = _sage(k_x, k_edge_index, W_l_k, b_l_k, W_r_k)
    return ui + a * so + (1.0 - a) * kn

if __name__ == "__main__":
    import jax
    _d = setup_inputs()
    print(jax.jit(kernel)(*tuple(_d.values())))

</pallas_src>

<mosaic_0001>
#map = affine_map<(d0, d1) -> (0, 0)>
#map1 = affine_map<(d0, d1) -> (0, 0, 0)>
module attributes {stable_mosaic.version = 14 : i64} {
  func.func @_sc_body(%arg0: i32, %arg1: i32, %arg2: memref<10000x128xf32, #tpu.memory_space<hbm>>, %arg3: memref<10000x128xf32, #tpu.memory_space<hbm>>, %arg4: memref<10000x128xf32, #tpu.memory_space<hbm>>, %arg5: memref<2x320000xi32, #tpu.memory_space<hbm>>, %arg6: memref<2x320000xi32, #tpu.memory_space<hbm>>, %arg7: memref<2x320000xi32, #tpu.memory_space<hbm>>, %arg8: memref<40x16xf32, #tpu.memory_space<hbm>>, %arg9: memref<625x128xf32, #tpu.memory_space<hbm>>, %arg10: memref<625x16xf32, #tpu.memory_space<hbm>>, %arg11: memref<2x10000x128xf32, #tpu.memory_space<hbm>>, %arg12: memref<2x10000x128xf32, #tpu.memory_space<hbm>>, %arg13: memref<2x10000x128xf32, #tpu.memory_space<hbm>>, %arg14: memref<2x10000x16xf32, #tpu.memory_space<hbm>>, %arg15: memref<2x10000x16xf32, #tpu.memory_space<hbm>>, %arg16: memref<2x10000x16xf32, #tpu.memory_space<hbm>>, %arg17: memref<10000x128xf32, #tpu.memory_space<vmem_shared>>, %arg18: memref<10000x16xf32, #tpu.memory_space<vmem_shared>>, %arg19: memref<40x16xf32, #tpu.memory_space<vmem>>, %arg20: memref<5000xi32, #tpu.memory_space<vmem>>, %arg21: memref<5000xi32, #tpu.memory_space<vmem>>, %arg22: memref<40x128xf32, #tpu.memory_space<vmem>>, %arg23: memref<40x128xf32, #tpu.memory_space<vmem>>, %arg24: memref<40x128xf32, #tpu.memory_space<vmem>>, %arg25: memref<40x128xf32, #tpu.memory_space<vmem>>, %arg26: memref<40x128xf32, #tpu.memory_space<vmem>>, %arg27: memref<!tpu.dma_semaphore, #tpu.memory_space<semaphore_mem>>, %arg28: memref<!tpu.dma_semaphore, #tpu.memory_space<semaphore_mem>>, %arg29: memref<!tpu.dma_semaphore, #tpu.memory_space<semaphore_mem>>, %arg30: memref<!tpu.dma_semaphore, #tpu.memory_space<semaphore_mem>>, %arg31: memref<!tpu.dma_semaphore, #tpu.memory_space<semaphore_mem>>, %arg32: memref<!tpu.dma_semaphore, #tpu.memory_space<semaphore_mem>>, %arg33: memref<!tpu.dma_semaphore, #tpu.memory_space<semaphore_mem>>, %arg34: memref<!tpu.dma_semaphore, #tpu.memory_space<semaphore_mem>>, %arg35: memref<!tpu.dma_semaphore, #tpu.memory_space<semaphore_mem>>, %arg36: memref<!tpu.dma_semaphore, #tpu.memory_space<semaphore_mem>>, %arg37: memref<!tpu.dma_semaphore, #tpu.memory_space<semaphore_mem>>, %arg38: memref<!tpu.dma_semaphore, #tpu.memory_space<semaphore_mem>>, %arg39: memref<!tpu.dma_semaphore, #tpu.memory_space<semaphore_mem>>, %arg40: memref<!tpu.dma_semaphore, #tpu.memory_space<semaphore_mem>>, %arg41: memref<!tpu.dma_semaphore, #tpu.memory_space<semaphore_mem>>) attributes {dimension_semantics = [#tpu.dimension_semantics<core_parallel>, #tpu.dimension_semantics<subcore_parallel>], iteration_bounds = array<i64: 2, 16>, scalar_prefetch = 0 : i64, scratch_operands = 25 : i64, tpu.core_type = #tpu.core_type<sc_vector_subcore>, window_params = [{transform_indices = #map}, {transform_indices = #map}, {transform_indices = #map}, {transform_indices = #map}, {transform_indices = #map}, {transform_indices = #map}, {transform_indices = #map}, {transform_indices = #map}, {transform_indices = #map}, {transform_indices = #map1}, {transform_indices = #map1}, {transform_indices = #map1}, {transform_indices = #map1}, {transform_indices = #map1}, {transform_indices = #map1}]} {
    %mul3A = arith.constant 16 : i32
    %mul3A_0 = arith.muli %arg0, %mul3A : i32
    %add3A = arith.addi %mul3A_0, %arg1 : i32
    %mul3A_1 = arith.constant 625 : i32
    %mul3A_2 = arith.muli %arg1, %mul3A_1 : i32
    %mul3A_3 = arith.constant 250 : i32
    %mul3A_4 = arith.muli %add3A, %mul3A_3 : i32
    %mul3A_5 = arith.constant 40 : i32
    %mul3A_6 = arith.muli %mul3A_4, %mul3A_5 : i32
    "tpu.region"() ({
      %run_scoped3A_240 = tpu.sem_alloc : memref<!tpu.dma_semaphore, #tpu.memory_space<semaphore_mem>>
      tpu.enqueue_dma source(%arg8 : memref<40x16xf32, #tpu.memory_space<hbm>>) target(%arg19 : memref<40x16xf32, #tpu.memory_space<vmem>>) target_semaphore(%run_scoped3A_240 : memref<!tpu.dma_semaphore, #tpu.memory_space<semaphore_mem>>)
      tpu.wait_dma2 semaphore(%run_scoped3A_240 : memref<!tpu.dma_semaphore, #tpu.memory_space<semaphore_mem>>) src(%arg8 : memref<40x16xf32, #tpu.memory_space<hbm>>) dst(%arg19 : memref<40x16xf32, #tpu.memory_space<vmem>>)
      tpu.yield
    }) : () -> ()
    "tpu.region"() ({
      %run_scoped3A_240 = tpu.sem_alloc : memref<!tpu.dma_semaphore, #tpu.memory_space<semaphore_mem>>
      %dma_start3A_241 = arith.constant 0 : i32
      %dma_start3A_242 = tpu.memref_slice %arg17[%mul3A_2, %dma_start3A_241] : memref<10000x128xf32, #tpu.memory_space<vmem_shared>> -> memref<625x128xf32, #tpu.memory_space<vmem_shared>>
      tpu.enqueue_dma source(%arg9 : memref<625x128xf32, #tpu.memory_space<hbm>>) target(%dma_start3A_242 : memref<625x128xf32, #tpu.memory_space<vmem_shared>>) target_semaphore(%run_scoped3A_240 : memref<!tpu.dma_semaphore, #tpu.memory_space<semaphore_mem>>)
      %dma_wait3A = arith.constant 0 : i32
      %dma_wait3A_243 = tpu.memref_slice %arg17[%mul3A_2, %dma_wait3A] : memref<10000x128xf32, #tpu.memory_space<vmem_shared>> -> memref<625x128xf32, #tpu.memory_space<vmem_shared>>
      tpu.wait_dma2 semaphore(%run_scoped3A_240 : memref<!tpu.dma_semaphore, #tpu.memory_space<semaphore_mem>>) src(%arg9 : memref<625x128xf32, #tpu.memory_space<hbm>>) dst(%dma_wait3A_243 : memref<625x128xf32, #tpu.memory_space<vmem_shared>>)
      tpu.yield
    }) : () -> ()
    "tpu.region"() ({
      %run_scoped3A_240 = tpu.sem_alloc : memref<!tpu.dma_semaphore, #tpu.memory_space<semaphore_mem>>
      %dma_start3A_241 = arith.constant 0 : i32
      %dma_start3A_242 = tpu.memref_slice %arg18[%mul3A_2, %dma_start3A_241] : memref<10000x16xf32, #tpu.memory_space<vmem_shared>> -> memref<625x16xf32, #tpu.memory_space<vmem_shared>>
      tpu.enqueue_dma source(%arg10 : memref<625x16xf32, #tpu.memory_space<hbm>>) target(%dma_start3A_242 : memref<625x16xf32, #tpu.memory_space<vmem_shared>>) target_semaphore(%run_scoped3A_240 : memref<!tpu.dma_semaphore, #tpu.memory_space<semaphore_mem>>)
      %dma_wait3A = arith.constant 0 : i32
      %dma_wait3A_243 = tpu.memref_slice %arg18[%mul3A_2, %dma_wait3A] : memref<10000x16xf32, #tpu.memory_space<vmem_shared>> -> memref<625x16xf32, #tpu.memory_space<vmem_shared>>
      tpu.wait_dma2 semaphore(%run_scoped3A_240 : memref<!tpu.dma_semaphore, #tpu.memory_space<semaphore_mem>>) src(%arg10 : memref<625x16xf32, #tpu.memory_space<hbm>>) dst(%dma_wait3A_243 : memref<625x16xf32, #tpu.memory_space<vmem_shared>>)
      tpu.yield
    }) : () -> ()
    %barrier3A = arith.constant 0 : index
    tpu.barrier barrier_id(%barrier3A)
    %add3A_7 = arith.constant 0 : i32
    %add3A_8 = arith.addi %mul3A_6, %add3A_7 : i32
    %run_scoped3A = arith.constant 0 : i32
    "tpu.region"() ({
      %run_scoped3A_240 = tpu.sem_alloc : memref<!tpu.dma_semaphore, #tpu.memory_space<semaphore_mem>>
      %dma_start3A_241 = tpu.memref_slice %arg5[%run_scoped3A, %add3A_8] : memref<2x320000xi32, #tpu.memory_space<hbm>> -> memref<1x5000xi32, #tpu.memory_space<hbm>>
      %dma_start3A_242 = tpu.memref_squeeze %dma_start3A_241 : memref<1x5000xi32, #tpu.memory_space<hbm>> -> memref<5000xi32, #tpu.memory_space<hbm>>
      %dma_start3A_243 = tpu.memref_slice %arg5[%run_scoped3A, %add3A_8] : memref<2x320000xi32, #tpu.memory_space<hbm>> -> memref<1x5000xi32, #tpu.memory_space<hbm>>
      %dma_start3A_244 = tpu.memref_squeeze %dma_start3A_243 : memref<1x5000xi32, #tpu.memory_space<hbm>> -> memref<5000xi32, #tpu.memory_space<hbm>>
      tpu.enqueue_dma source(%dma_start3A_244 : memref<5000xi32, #tpu.memory_space<hbm>>) target(%arg20 : memref<5000xi32, #tpu.memory_space<vmem>>) target_semaphore(%run_scoped3A_240 : memref<!tpu.dma_semaphore, #tpu.memory_space<semaphore_mem>>)
      %dma_wait3A = tpu.memref_slice %arg5[%run_scoped3A, %add3A_8] : memref<2x320000xi32, #tpu.memory_space<hbm>> -> memref<1x5000xi32, #tpu.memory_space<hbm>>
      %dma_wait3A_245 = tpu.memref_squeeze %dma_wait3A : memref<1x5000xi32, #tpu.memory_space<hbm>> -> memref<5000xi32, #tpu.memory_space<hbm>>
      %dma_wait3A_246 = tpu.memref_slice %arg5[%run_scoped3A, %add3A_8] : memref<2x320000xi32, #tpu.memory_space<hbm>> -> memref<1x5000xi32, #tpu.memory_space<hbm>>
      %dma_wait3A_247 = tpu.memref_squeeze %dma_wait3A_246 : memref<1x5000xi32, #tpu.memory_space<hbm>> -> memref<5000xi32, #tpu.memory_space<hbm>>
      tpu.wait_dma2 semaphore(%run_scoped3A_240 : memref<!tpu.dma_semaphore, #tpu.memory_space<semaphore_mem>>) src(%dma_wait3A_247 : memref<5000xi32, #tpu.memory_space<hbm>>) dst(%arg20 : memref<5000xi32, #tpu.memory_space<vmem>>)
      tpu.yield
    }) : () -> ()
    %run_scoped3A_9 = arith.constant 1 : i32
    "tpu.region"() ({
      %run_scoped3A_240 = tpu.sem_alloc : memref<!tpu.dma_semaphore, #tpu.memory_space<semaphore_mem>>
      %dma_start3A_241 = tpu.memref_slice %arg5[%run_scoped3A_9, %add3A_8] : memref<2x320000xi32, #tpu.memory_space<hbm>> -> memref<1x5000xi32, #tpu.memory_space<hbm>>
      %dma_start3A_242 = tpu.memref_squeeze %dma_start3A_241 : memref<1x5000xi32, #tpu.memory_space<hbm>> -> memref<5000xi32, #tpu.memory_space<hbm>>
      %dma_start3A_243 = tpu.memref_slice %arg5[%run_scoped3A_9, %add3A_8] : memref<2x320000xi32, #tpu.memory_space<hbm>> -> memref<1x5000xi32, #tpu.memory_space<hbm>>
      %dma_start3A_244 = tpu.memref_squeeze %dma_start3A_243 : memref<1x5000xi32, #tpu.memory_space<hbm>> -> memref<5000xi32, #tpu.memory_space<hbm>>
      tpu.enqueue_dma source(%dma_start3A_244 : memref<5000xi32, #tpu.memory_space<hbm>>) target(%arg21 : memref<5000xi32, #tpu.memory_space<vmem>>) target_semaphore(%run_scoped3A_240 : memref<!tpu.dma_semaphore, #tpu.memory_space<semaphore_mem>>)
      %dma_wait3A = tpu.memref_slice %arg5[%run_scoped3A_9, %add3A_8] : memref<2x320000xi32, #tpu.memory_space<hbm>> -> memref<1x5000xi32, #tpu.memory_space<hbm>>
      %dma_wait3A_245 = tpu.memref_squeeze %dma_wait3A : memref<1x5000xi32, #tpu.memory_space<hbm>> -> memref<5000xi32, #tpu.memory_space<hbm>>
      %dma_wait3A_246 = tpu.memref_slice %arg5[%run_scoped3A_9, %add3A_8] : memref<2x320000xi32, #tpu.memory_space<hbm>> -> memref<1x5000xi32, #tpu.memory_space<hbm>>
      %dma_wait3A_247 = tpu.memref_squeeze %dma_wait3A_246 : memref<1x5000xi32, #tpu.memory_space<hbm>> -> memref<5000xi32, #tpu.memory_space<hbm>>
      tpu.wait_dma2 semaphore(%run_scoped3A_240 : memref<!tpu.dma_semaphore, #tpu.memory_space<semaphore_mem>>) src(%dma_wait3A_247 : memref<5000xi32, #tpu.memory_space<hbm>>) dst(%arg21 : memref<5000xi32, #tpu.memory_space<vmem>>)
      tpu.yield
    }) : () -> ()
    %dma_start3A = arith.constant 0 : i32
    %dma_start3A_10 = tpu.memref_slice %arg20[%dma_start3A] : memref<5000xi32, #tpu.memory_space<vmem>> -> memref<40xi32, #tpu.memory_space<vmem>>
    %dma_start3A_11 = arith.constant 0 : i32
    %dma_start3A_12 = arith.constant 0 : i32
    %dma_start3A_13 = tpu.memref_slice %arg2[%dma_start3A_11, %dma_start3A_12] : memref<10000x128xf32, #tpu.memory_space<hbm>> -> memref<10000x128xf32, #tpu.memory_space<hbm>>
    tpu.enqueue_indirect_dma source(%dma_start3A_13 : memref<10000x128xf32, #tpu.memory_space<hbm>>) target(%arg22 : memref<40x128xf32, #tpu.memory_space<vmem>>) offsets(%dma_start3A_10 : memref<40xi32, #tpu.memory_space<vmem>>) semaphore(%arg27 : memref<!tpu.dma_semaphore, #tpu.memory_space<semaphore_mem>>)
    %dma_start3A_14 = arith.constant 40 : i32
    %dma_start3A_15 = tpu.memref_slice %arg20[%dma_start3A_14] : memref<5000xi32, #tpu.memory_space<vmem>> -> memref<40xi32, #tpu.memory_space<vmem>>
    %dma_start3A_16 = arith.constant 0 : i32
    %dma_start3A_17 = arith.constant 0 : i32
    %dma_start3A_18 = tpu.memref_slice %arg2[%dma_start3A_16, %dma_start3A_17] : memref<10000x128xf32, #tpu.memory_space<hbm>> -> memref<10000x128xf32, #tpu.memory_space<hbm>>
    tpu.enqueue_indirect_dma source(%dma_start3A_18 : memref<10000x128xf32, #tpu.memory_space<hbm>>) target(%arg23 : memref<40x128xf32, #tpu.memory_space<vmem>>) offsets(%dma_start3A_15 : memref<40xi32, #tpu.memory_space<vmem>>) semaphore(%arg28 : memref<!tpu.dma_semaphore, #tpu.memory_space<semaphore_mem>>)
    %dma_start3A_19 = arith.constant 80 : i32
    %dma_start3A_20 = tpu.memref_slice %arg20[%dma_start3A_19] : memref<5000xi32, #tpu.memory_space<vmem>> -> memref<40xi32, #tpu.memory_space<vmem>>
    %dma_start3A_21 = arith.constant 0 : i32
    %dma_start3A_22 = arith.constant 0 : i32
    %dma_start3A_23 = tpu.memref_slice %arg2[%dma_start3A_21, %dma_start3A_22] : memref<10000x128xf32, #tpu.memory_space<hbm>> -> memref<10000x128xf32, #tpu.memory_space<hbm>>
    tpu.enqueue_indirect_dma source(%dma_start3A_23 : memref<10000x128xf32, #tpu.memory_space<hbm>>) target(%arg24 : memref<40x128xf32, #tpu.memory_space<vmem>>) offsets(%dma_start3A_20 : memref<40xi32, #tpu.memory_space<vmem>>) semaphore(%arg29 : memref<!tpu.dma_semaphore, #tpu.memory_space<semaphore_mem>>)
    %dma_start3A_24 = arith.constant 120 : i32
    %dma_start3A_25 = tpu.memref_slice %arg20[%dma_start3A_24] : memref<5000xi32, #tpu.memory_space<vmem>> -> memref<40xi32, #tpu.memory_space<vmem>>
    %dma_start3A_26 = arith.constant 0 : i32
    %dma_start3A_27 = arith.constant 0 : i32
    %dma_start3A_28 = tpu.memref_slice %arg2[%dma_start3A_26, %dma_start3A_27] : memref<10000x128xf32, #tpu.memory_space<hbm>> -> memref<10000x128xf32, #tpu.memory_space<hbm>>
    tpu.enqueue_indirect_dma source(%dma_start3A_28 : memref<10000x128xf32, #tpu.memory_space<hbm>>) target(%arg25 : memref<40x128xf32, #tpu.memory_space<vmem>>) offsets(%dma_start3A_25 : memref<40xi32, #tpu.memory_space<vmem>>) semaphore(%arg30 : memref<!tpu.dma_semaphore, #tpu.memory_space<semaphore_mem>>)
    %dma_start3A_29 = arith.constant 160 : i32
    %dma_start3A_30 = tpu.memref_slice %arg20[%dma_start3A_29] : memref<5000xi32, #tpu.memory_space<vmem>> -> memref<40xi32, #tpu.memory_space<vmem>>
    %dma_start3A_31 = arith.constant 0 : i32
    %dma_start3A_32 = arith.constant 0 : i32
    %dma_start3A_33 = tpu.memref_slice %arg2[%dma_start3A_31, %dma_start3A_32] : memref<10000x128xf32, #tpu.memory_space<hbm>> -> memref<10000x128xf32, #tpu.memory_space<hbm>>
    tpu.enqueue_indirect_dma source(%dma_start3A_33 : memref<10000x128xf32, #tpu.memory_space<hbm>>) target(%arg26 : memref<40x128xf32, #tpu.memory_space<vmem>>) offsets(%dma_start3A_30 : memref<40xi32, #tpu.memory_space<vmem>>) semaphore(%arg31 : memref<!tpu.dma_semaphore, #tpu.memory_space<semaphore_mem>>)
    %scan3A = arith.constant 0 : i32
    %scan3A_34 = arith.constant 0 : i32
    %scan3A_35 = arith.constant 25 : i32
    %scan3A_36 = arith.addi %scan3A_34, %scan3A_35 : i32
    %scan3A_37 = arith.constant 1 : i32
    scf.for %scan3A_240 = %scan3A_34 to %scan3A_36 step %scan3A_37  : i32 {
      %mul3A_241 = arith.constant 5 : i32
      %mul3A_242 = arith.muli %mul3A_241, %scan3A_240 : i32
      %add3A_243 = arith.constant 0 : i32
      %add3A_244 = arith.addi %mul3A_242, %add3A_243 : i32
      %mul3A_245 = arith.constant 40 : i32
      %mul3A_246 = arith.muli %add3A_244, %mul3A_245 : i32
      %add3A_247 = arith.constant 0 : i32
      %add3A_248 = arith.addi %mul3A_242, %add3A_247 : i32
      %mul3A_249 = arith.constant 40 : i32
      %mul3A_250 = arith.muli %add3A_248, %mul3A_249 : i32
      %dma_wait3A = tpu.memref_slice %arg20[%mul3A_250] : memref<5000xi32, #tpu.memory_space<vmem>> -> memref<40xi32, #tpu.memory_space<vmem>>
      %dma_wait3A_251 = arith.constant 0 : i32
      %dma_wait3A_252 = arith.constant 0 : i32
      %dma_wait3A_253 = tpu.memref_slice %arg2[%dma_wait3A_251, %dma_wait3A_252] : memref<10000x128xf32, #tpu.memory_space<hbm>> -> memref<10000x128xf32, #tpu.memory_space<hbm>>
      tpu.wait_indirect_dma semaphore(%arg27 : memref<!tpu.dma_semaphore, #tpu.memory_space<semaphore_mem>>) src(%dma_wait3A_253 : memref<10000x128xf32, #tpu.memory_space<hbm>>) dst(%arg22 : memref<40x128xf32, #tpu.memory_space<vmem>>)
      %dma_start3A_254 = tpu.memref_slice %arg21[%mul3A_246] : memref<5000xi32, #tpu.memory_space<vmem>> -> memref<40xi32, #tpu.memory_space<vmem>>
      %dma_start3A_255 = arith.constant 0 : i32
      %dma_start3A_256 = arith.constant 0 : i32
      %dma_start3A_257 = tpu.memref_slice %arg17[%dma_start3A_255, %dma_start3A_256] : memref<10000x128xf32, #tpu.memory_space<vmem_shared>> -> memref<10000x128xf32, #tpu.memory_space<vmem_shared>>
      tpu.enqueue_indirect_dma source(%arg22 : memref<40x128xf32, #tpu.memory_space<vmem>>) target(%dma_start3A_257 : memref<10000x128xf32, #tpu.memory_space<vmem_shared>>) offsets(%dma_start3A_254 : memref<40xi32, #tpu.memory_space<vmem>>) semaphore(%arg32 : memref<!tpu.dma_semaphore, #tpu.memory_space<semaphore_mem>>) {add = true}
      %dma_start3A_258 = tpu.memref_slice %arg21[%mul3A_246] : memref<5000xi32, #tpu.memory_space<vmem>> -> memref<40xi32, #tpu.memory_space<vmem>>
      %dma_start3A_259 = arith.constant 0 : i32
      %dma_start3A_260 = arith.constant 0 : i32
      %dma_start3A_261 = tpu.memref_slice %arg18[%dma_start3A_259, %dma_start3A_260] : memref<10000x16xf32, #tpu.memory_space<vmem_shared>> -> memref<10000x16xf32, #tpu.memory_space<vmem_shared>>
      tpu.enqueue_indirect_dma source(%arg19 : memref<40x16xf32, #tpu.memory_space<vmem>>) target(%dma_start3A_261 : memref<10000x16xf32, #tpu.memory_space<vmem_shared>>) offsets(%dma_start3A_258 : memref<40xi32, #tpu.memory_space<vmem>>) semaphore(%arg37 : memref<!tpu.dma_semaphore, #tpu.memory_space<semaphore_mem>>) {add = true}
      %add3A_262 = arith.constant 1 : i32
      %add3A_263 = arith.addi %mul3A_242, %add3A_262 : i32
      %mul3A_264 = arith.constant 40 : i32
      %mul3A_265 = arith.muli %add3A_263, %mul3A_264 : i32
      %add3A_266 = arith.constant 1 : i32
      %add3A_267 = arith.addi %mul3A_242, %add3A_266 : i32
      %mul3A_268 = arith.constant 40 : i32
      %mul3A_269 = arith.muli %add3A_267, %mul3A_268 : i32
      %dma_wait3A_270 = tpu.memref_slice %arg20[%mul3A_269] : memref<5000xi32, #tpu.memory_space<vmem>> -> memref<40xi32, #tpu.memory_space<vmem>>
      %dma_wait3A_271 = arith.constant 0 : i32
      %dma_wait3A_272 = arith.constant 0 : i32
      %dma_wait3A_273 = tpu.memref_slice %arg2[%dma_wait3A_271, %dma_wait3A_272] : memref<10000x128xf32, #tpu.memory_space<hbm>> -> memref<10000x128xf32, #tpu.memory_space<hbm>>
      tpu.wait_indirect_dma semaphore(%arg28 : memref<!tpu.dma_semaphore, #tpu.memory_space<semaphore_mem>>) src(%dma_wait3A_273 : memref<10000x128xf32, #tpu.memory_space<hbm>>) dst(%arg23 : memref<40x128xf32, #tpu.memory_space<vmem>>)
      %dma_start3A_274 = tpu.memref_slice %arg21[%mul3A_265] : memref<5000xi32, #tpu.memory_space<vmem>> -> memref<40xi32, #tpu.memory_space<vmem>>
      %dma_start3A_275 = arith.constant 0 : i32
      %dma_start3A_276 = arith.constant 0 : i32
      %dma_start3A_277 = tpu.memref_slice %arg17[%dma_start3A_275, %dma_start3A_276] : memref<10000x128xf32, #tpu.memory_space<vmem_shared>> -> memref<10000x128xf32, #tpu.memory_space<vmem_shared>>
      tpu.enqueue_indirect_dma source(%arg23 : memref<40x128xf32, #tpu.memory_space<vmem>>) target(%dma_start3A_277 : memref<10000x128xf32, #tpu.memory_space<vmem_shared>>) offsets(%dma_start3A_274 : memref<40xi32, #tpu.memory_space<vmem>>) semaphore(%arg33 : memref<!tpu.dma_semaphore, #tpu.memory_space<semaphore_mem>>) {add = true}
      %dma_start3A_278 = tpu.memref_slice %arg21[%mul3A_265] : memref<5000xi32, #tpu.memory_space<vmem>> -> memref<40xi32, #tpu.memory_space<vmem>>
      %dma_start3A_279 = arith.constant 0 : i32
      %dma_start3A_280 = arith.constant 0 : i32
      %dma_start3A_281 = tpu.memref_slice %arg18[%dma_start3A_279, %dma_start3A_280] : memref<10000x16xf32, #tpu.memory_space<vmem_shared>> -> memref<10000x16xf32, #tpu.memory_space<vmem_shared>>
      tpu.enqueue_indirect_dma source(%arg19 : memref<40x16xf32, #tpu.memory_space<vmem>>) target(%dma_start3A_281 : memref<10000x16xf32, #tpu.memory_space<vmem_shared>>) offsets(%dma_start3A_278 : memref<40xi32, #tpu.memory_space<vmem>>) semaphore(%arg38 : memref<!tpu.dma_semaphore, #tpu.memory_space<semaphore_mem>>) {add = true}
      %add3A_282 = arith.constant 2 : i32
      %add3A_283 = arith.addi %mul3A_242, %add3A_282 : i32
      %mul3A_284 = arith.constant 40 : i32
      %mul3A_285 = arith.muli %add3A_283, %mul3A_284 : i32
      %add3A_286 = arith.constant 2 : i32
      %add3A_287 = arith.addi %mul3A_242, %add3A_286 : i32
      %mul3A_288 = arith.constant 40 : i32
      %mul3A_289 = arith.muli %add3A_287, %mul3A_288 : i32
      %dma_wait3A_290 = tpu.memref_slice %arg20[%mul3A_289] : memref<5000xi32, #tpu.memory_space<vmem>> -> memref<40xi32, #tpu.memory_space<vmem>>
      %dma_wait3A_291 = arith.constant 0 : i32
      %dma_wait3A_292 = arith.constant 0 : i32
      %dma_wait3A_293 = tpu.memref_slice %arg2[%dma_wait3A_291, %dma_wait3A_292] : memref<10000x128xf32, #tpu.memory_space<hbm>> -> memref<10000x128xf32, #tpu.memory_space<hbm>>
      tpu.wait_indirect_dma semaphore(%arg29 : memref<!tpu.dma_semaphore, #tpu.memory_space<semaphore_mem>>) src(%dma_wait3A_293 : memref<10000x128xf32, #tpu.memory_space<hbm>>) dst(%arg24 : memref<40x128xf32, #tpu.memory_space<vmem>>)
      %dma_start3A_294 = tpu.memref_slice %arg21[%mul3A_285] : memref<5000xi32, #tpu.memory_space<vmem>> -> memref<40xi32, #tpu.memory_space<vmem>>
      %dma_start3A_295 = arith.constant 0 : i32
      %dma_start3A_296 = arith.constant 0 : i32
      %dma_start3A_297 = tpu.memref_slice %arg17[%dma_start3A_295, %dma_start3A_296] : memref<10000x128xf32, #tpu.memory_space<vmem_shared>> -> memref<10000x128xf32, #tpu.memory_space<vmem_shared>>
      tpu.enqueue_indirect_dma source(%arg24 : memref<40x128xf32, #tpu.memory_space<vmem>>) target(%dma_start3A_297 : memref<10000x128xf32, #tpu.memory_space<vmem_shared>>) offsets(%dma_start3A_294 : memref<40xi32, #tpu.memory_space<vmem>>) semaphore(%arg34 : memref<!tpu.dma_semaphore, #tpu.memory_space<semaphore_mem>>) {add = true}
      %dma_start3A_298 = tpu.memref_slice %arg21[%mul3A_285] : memref<5000xi32, #tpu.memory_space<vmem>> -> memref<40xi32, #tpu.memory_space<vmem>>
      %dma_start3A_299 = arith.constant 0 : i32
      %dma_start3A_300 = arith.constant 0 : i32
      %dma_start3A_301 = tpu.memref_slice %arg18[%dma_start3A_299, %dma_start3A_300] : memref<10000x16xf32, #tpu.memory_space<vmem_shared>> -> memref<10000x16xf32, #tpu.memory_space<vmem_shared>>
      tpu.enqueue_indirect_dma source(%arg19 : memref<40x16xf32, #tpu.memory_space<vmem>>) target(%dma_start3A_301 : memref<10000x16xf32, #tpu.memory_space<vmem_shared>>) offsets(%dma_start3A_298 : memref<40xi32, #tpu.memory_space<vmem>>) semaphore(%arg39 : memref<!tpu.dma_semaphore, #tpu.memory_space<semaphore_mem>>) {add = true}
      %add3A_302 = arith.constant 3 : i32
      %add3A_303 = arith.addi %mul3A_242, %add3A_302 : i32
      %mul3A_304 = arith.constant 40 : i32
      %mul3A_305 = arith.muli %add3A_303, %mul3A_304 : i32
      %add3A_306 = arith.constant 3 : i32
      %add3A_307 = arith.addi %mul3A_242, %add3A_306 : i32
      %mul3A_308 = arith.constant 40 : i32
      %mul3A_309 = arith.muli %add3A_307, %mul3A_308 : i32
      %dma_wait3A_310 = tpu.memref_slice %arg20[%mul3A_309] : memref<5000xi32, #tpu.memory_space<vmem>> -> memref<40xi32, #tpu.memory_space<vmem>>
      %dma_wait3A_311 = arith.constant 0 : i32
      %dma_wait3A_312 = arith.constant 0 : i32
      %dma_wait3A_313 = tpu.memref_slice %arg2[%dma_wait3A_311, %dma_wait3A_312] : memref<10000x128xf32, #tpu.memory_space<hbm>> -> memref<10000x128xf32, #tpu.memory_space<hbm>>
      tpu.wait_indirect_dma semaphore(%arg30 : memref<!tpu.dma_semaphore, #tpu.memory_space<semaphore_mem>>) src(%dma_wait3A_313 : memref<10000x128xf32, #tpu.memory_space<hbm>>) dst(%arg25 : memref<40x128xf32, #tpu.memory_space<vmem>>)
      %dma_start3A_314 = tpu.memref_slice %arg21[%mul3A_305] : memref<5000xi32, #tpu.memory_space<vmem>> -> memref<40xi32, #tpu.memory_space<vmem>>
      %dma_start3A_315 = arith.constant 0 : i32
      %dma_start3A_316 = arith.constant 0 : i32
      %dma_start3A_317 = tpu.memref_slice %arg17[%dma_start3A_315, %dma_start3A_316] : memref<10000x128xf32, #tpu.memory_space<vmem_shared>> -> memref<10000x128xf32, #tpu.memory_space<vmem_shared>>
      tpu.enqueue_indirect_dma source(%arg25 : memref<40x128xf32, #tpu.memory_space<vmem>>) target(%dma_start3A_317 : memref<10000x128xf32, #tpu.memory_space<vmem_shared>>) offsets(%dma_start3A_314 : memref<40xi32, #tpu.memory_space<vmem>>) semaphore(%arg35 : memref<!tpu.dma_semaphore, #tpu.memory_space<semaphore_mem>>) {add = true}
      %dma_start3A_318 = tpu.memref_slice %arg21[%mul3A_305] : memref<5000xi32, #tpu.memory_space<vmem>> -> memref<40xi32, #tpu.memory_space<vmem>>
      %dma_start3A_319 = arith.constant 0 : i32
      %dma_start3A_320 = arith.constant 0 : i32
      %dma_start3A_321 = tpu.memref_slice %arg18[%dma_start3A_319, %dma_start3A_320] : memref<10000x16xf32, #tpu.memory_space<vmem_shared>> -> memref<10000x16xf32, #tpu.memory_space<vmem_shared>>
      tpu.enqueue_indirect_dma source(%arg19 : memref<40x16xf32, #tpu.memory_space<vmem>>) target(%dma_start3A_321 : memref<10000x16xf32, #tpu.memory_space<vmem_shared>>) offsets(%dma_start3A_318 : memref<40xi32, #tpu.memory_space<vmem>>) semaphore(%arg40 : memref<!tpu.dma_semaphore, #tpu.memory_space<semaphore_mem>>) {add = true}
      %add3A_322 = arith.constant 4 : i32
      %add3A_323 = arith.addi %mul3A_242, %add3A_322 : i32
      %mul3A_324 = arith.constant 40 : i32
      %mul3A_325 = arith.muli %add3A_323, %mul3A_324 : i32
      %add3A_326 = arith.constant 4 : i32
      %add3A_327 = arith.addi %mul3A_242, %add3A_326 : i32
      %mul3A_328 = arith.constant 40 : i32
      %mul3A_329 = arith.muli %add3A_327, %mul3A_328 : i32
      %dma_wait3A_330 = tpu.memref_slice %arg20[%mul3A_329] : memref<5000xi32, #tpu.memory_space<vmem>> -> memref<40xi32, #tpu.memory_space<vmem>>
      %dma_wait3A_331 = arith.constant 0 : i32
      %dma_wait3A_332 = arith.constant 0 : i32
      %dma_wait3A_333 = tpu.memref_slice %arg2[%dma_wait3A_331, %dma_wait3A_332] : memref<10000x128xf32, #tpu.memory_space<hbm>> -> memref<10000x128xf32, #tpu.memory_space<hbm>>
      tpu.wait_indirect_dma semaphore(%arg31 : memref<!tpu.dma_semaphore, #tpu.memory_space<semaphore_mem>>) src(%dma_wait3A_333 : memref<10000x128xf32, #tpu.memory_space<hbm>>) dst(%arg26 : memref<40x128xf32, #tpu.memory_space<vmem>>)
      %dma_start3A_334 = tpu.memref_slice %arg21[%mul3A_325] : memref<5000xi32, #tpu.memory_space<vmem>> -> memref<40xi32, #tpu.memory_space<vmem>>
      %dma_start3A_335 = arith.constant 0 : i32
      %dma_start3A_336 = arith.constant 0 : i32
      %dma_start3A_337 = tpu.memref_slice %arg17[%dma_start3A_335, %dma_start3A_336] : memref<10000x128xf32, #tpu.memory_space<vmem_shared>> -> memref<10000x128xf32, #tpu.memory_space<vmem_shared>>
      tpu.enqueue_indirect_dma source(%arg26 : memref<40x128xf32, #tpu.memory_space<vmem>>) target(%dma_start3A_337 : memref<10000x128xf32, #tpu.memory_space<vmem_shared>>) offsets(%dma_start3A_334 : memref<40xi32, #tpu.memory_space<vmem>>) semaphore(%arg36 : memref<!tpu.dma_semaphore, #tpu.memory_space<semaphore_mem>>) {add = true}
      %dma_start3A_338 = tpu.memref_slice %arg21[%mul3A_325] : memref<5000xi32, #tpu.memory_space<vmem>> -> memref<40xi32, #tpu.memory_space<vmem>>
      %dma_start3A_339 = arith.constant 0 : i32
      %dma_start3A_340 = arith.constant 0 : i32
      %dma_start3A_341 = tpu.memref_slice %arg18[%dma_start3A_339, %dma_start3A_340] : memref<10000x16xf32, #tpu.memory_space<vmem_shared>> -> memref<10000x16xf32, #tpu.memory_space<vmem_shared>>
      tpu.enqueue_indirect_dma source(%arg19 : memref<40x16xf32, #tpu.memory_space<vmem>>) target(%dma_start3A_341 : memref<10000x16xf32, #tpu.memory_space<vmem_shared>>) offsets(%dma_start3A_338 : memref<40xi32, #tpu.memory_space<vmem>>) semaphore(%arg41 : memref<!tpu.dma_semaphore, #tpu.memory_space<semaphore_mem>>) {add = true}
      %dma_wait3A_342 = tpu.memref_slice %arg21[%mul3A_246] : memref<5000xi32, #tpu.memory_space<vmem>> -> memref<40xi32, #tpu.memory_space<vmem>>
      %dma_wait3A_343 = arith.constant 0 : i32
      %dma_wait3A_344 = arith.constant 0 : i32
      %dma_wait3A_345 = tpu.memref_slice %arg17[%dma_wait3A_343, %dma_wait3A_344] : memref<10000x128xf32, #tpu.memory_space<vmem_shared>> -> memref<10000x128xf32, #tpu.memory_space<vmem_shared>>
      tpu.wait_indirect_dma semaphore(%arg32 : memref<!tpu.dma_semaphore, #tpu.memory_space<semaphore_mem>>) src(%arg22 : memref<40x128xf32, #tpu.memory_space<vmem>>) dst(%dma_wait3A_345 : memref<10000x128xf32, #tpu.memory_space<vmem_shared>>)
      %dma_wait3A_346 = tpu.memref_slice %arg21[%mul3A_246] : memref<5000xi32, #tpu.memory_space<vmem>> -> memref<40xi32, #tpu.memory_space<vmem>>
      %dma_wait3A_347 = arith.constant 0 : i32
      %dma_wait3A_348 = arith.constant 0 : i32
      %dma_wait3A_349 = tpu.memref_slice %arg18[%dma_wait3A_347, %dma_wait3A_348] : memref<10000x16xf32, #tpu.memory_space<vmem_shared>> -> memref<10000x16xf32, #tpu.memory_space<vmem_shared>>
      tpu.wait_indirect_dma semaphore(%arg37 : memref<!tpu.dma_semaphore, #tpu.memory_space<semaphore_mem>>) src(%arg19 : memref<40x16xf32, #tpu.memory_space<vmem>>) dst(%dma_wait3A_349 : memref<10000x16xf32, #tpu.memory_space<vmem_shared>>)
      %lt3A = arith.constant 24 : i32
      %lt3A_350 = arith.cmpi slt, %scan3A_240, %lt3A : i32
      %convert_element_type3A_351 = arith.extui %lt3A_350 : i1 to i32
      %cond3A_352 = arith.constant 0 : i32
      %cond3A_353 = arith.cmpi ne, %convert_element_type3A_351, %cond3A_352 : i32
      scf.if %cond3A_353 {
        %add3A_406 = arith.constant 5 : i32
        %add3A_407 = arith.addi %mul3A_242, %add3A_406 : i32
        %add3A_408 = arith.constant 0 : i32
        %add3A_409 = arith.addi %add3A_407, %add3A_408 : i32
        %mul3A_410 = arith.constant 40 : i32
        %mul3A_411 = arith.muli %add3A_409, %mul3A_410 : i32
        %dma_start3A_412 = tpu.memref_slice %arg20[%mul3A_411] : memref<5000xi32, #tpu.memory_space<vmem>> -> memref<40xi32, #tpu.memory_space<vmem>>
        %dma_start3A_413 = arith.constant 0 : i32
        %dma_start3A_414 = arith.constant 0 : i32
        %dma_start3A_415 = tpu.memref_slice %arg2[%dma_start3A_413, %dma_start3A_414] : memref<10000x128xf32, #tpu.memory_space<hbm>> -> memref<10000x128xf32, #tpu.memory_space<hbm>>
        tpu.enqueue_indirect_dma source(%dma_start3A_415 : memref<10000x128xf32, #tpu.memory_space<hbm>>) target(%arg22 : memref<40x128xf32, #tpu.memory_space<vmem>>) offsets(%dma_start3A_412 : memref<40xi32, #tpu.memory_space<vmem>>) semaphore(%arg27 : memref<!tpu.dma_semaphore, #tpu.memory_space<semaphore_mem>>)
      } else {
      }
      %dma_wait3A_354 = tpu.memref_slice %arg21[%mul3A_265] : memref<5000xi32, #tpu.memory_space<vmem>> -> memref<40xi32, #tpu.memory_space<vmem>>
      %dma_wait3A_355 = arith.constant 0 : i32
      %dma_wait3A_356 = arith.constant 0 : i32
      %dma_wait3A_357 = tpu.memref_slice %arg17[%dma_wait3A_355, %dma_wait3A_356] : memref<10000x128xf32, #tpu.memory_space<vmem_shared>> -> memref<10000x128xf32, #tpu.memory_space<vmem_shared>>
      tpu.wait_indirect_dma semaphore(%arg33 : memref<!tpu.dma_semaphore, #tpu.memory_space<semaphore_mem>>) src(%arg23 : memref<40x128xf32, #tpu.memory_space<vmem>>) dst(%dma_wait3A_357 : memref<10000x128xf32, #tpu.memory_space<vmem_shared>>)
      %dma_wait3A_358 = tpu.memref_slice %arg21[%mul3A_265] : memref<5000xi32, #tpu.memory_space<vmem>> -> memref<40xi32, #tpu.memory_space<vmem>>
      %dma_wait3A_359 = arith.constant 0 : i32
      %dma_wait3A_360 = arith.constant 0 : i32
      %dma_wait3A_361 = tpu.memref_slice %arg18[%dma_wait3A_359, %dma_wait3A_360] : memref<10000x16xf32, #tpu.memory_space<vmem_shared>> -> memref<10000x16xf32, #tpu.memory_space<vmem_shared>>
      tpu.wait_indirect_dma semaphore(%arg38 : memref<!tpu.dma_semaphore, #tpu.memory_space<semaphore_mem>>) src(%arg19 : memref<40x16xf32, #tpu.memory_space<vmem>>) dst(%dma_wait3A_361 : memref<10000x16xf32, #tpu.memory_space<vmem_shared>>)
      %lt3A_362 = arith.constant 24 : i32
      %lt3A_363 = arith.cmpi slt, %scan3A_240, %lt3A_362 : i32
      %convert_element_type3A_364 = arith.extui %lt3A_363 : i1 to i32
      %cond3A_365 = arith.constant 0 : i32
      %cond3A_366 = arith.cmpi ne, %convert_element_type3A_364, %cond3A_365 : i32
      scf.if %cond3A_366 {
        %add3A_406 = arith.constant 5 : i32
        %add3A_407 = arith.addi %mul3A_242, %add3A_406 : i32
        %add3A_408 = arith.constant 1 : i32
        %add3A_409 = arith.addi %add3A_407, %add3A_408 : i32
        %mul3A_410 = arith.constant 40 : i32
        %mul3A_411 = arith.muli %add3A_409, %mul3A_410 : i32
        %dma_start3A_412 = tpu.memref_slice %arg20[%mul3A_411] : memref<5000xi32, #tpu.memory_space<vmem>> -> memref<40xi32, #tpu.memory_space<vmem>>
        %dma_start3A_413 = arith.constant 0 : i32
        %dma_start3A_414 = arith.constant 0 : i32
        %dma_start3A_415 = tpu.memref_slice %arg2[%dma_start3A_413, %dma_start3A_414] : memref<10000x128xf32, #tpu.memory_space<hbm>> -> memref<10000x128xf32, #tpu.memory_space<hbm>>
        tpu.enqueue_indirect_dma source(%dma_start3A_415 : memref<10000x128xf32, #tpu.memory_space<hbm>>) target(%arg23 : memref<40x128xf32, #tpu.memory_space<vmem>>) offsets(%dma_start3A_412 : memref<40xi32, #tpu.memory_space<vmem>>) semaphore(%arg28 : memref<!tpu.dma_semaphore, #tpu.memory_space<semaphore_mem>>)
      } else {
      }
      %dma_wait3A_367 = tpu.memref_slice %arg21[%mul3A_285] : memref<5000xi32, #tpu.memory_space<vmem>> -> memref<40xi32, #tpu.memory_space<vmem>>
      %dma_wait3A_368 = arith.constant 0 : i32
      %dma_wait3A_369 = arith.constant 0 : i32
      %dma_wait3A_370 = tpu.memref_slice %arg17[%dma_wait3A_368, %dma_wait3A_369] : memref<10000x128xf32, #tpu.memory_space<vmem_shared>> -> memref<10000x128xf32, #tpu.memory_space<vmem_shared>>
      tpu.wait_indirect_dma semaphore(%arg34 : memref<!tpu.dma_semaphore, #tpu.memory_space<semaphore_mem>>) src(%arg24 : memref<40x128xf32, #tpu.memory_space<vmem>>) dst(%dma_wait3A_370 : memref<10000x128xf32, #tpu.memory_space<vmem_shared>>)
      %dma_wait3A_371 = tpu.memref_slice %arg21[%mul3A_285] : memref<5000xi32, #tpu.memory_space<vmem>> -> memref<40xi32, #tpu.memory_space<vmem>>
      %dma_wait3A_372 = arith.constant 0 : i32
      %dma_wait3A_373 = arith.constant 0 : i32
      %dma_wait3A_374 = tpu.memref_slice %arg18[%dma_wait3A_372, %dma_wait3A_373] : memref<10000x16xf32, #tpu.memory_space<vmem_shared>> -> memref<10000x16xf32, #tpu.memory_space<vmem_shared>>
      tpu.wait_indirect_dma semaphore(%arg39 : memref<!tpu.dma_semaphore, #tpu.memory_space<semaphore_mem>>) src(%arg19 : memref<40x16xf32, #tpu.memory_space<vmem>>) dst(%dma_wait3A_374 : memref<10000x16xf32, #tpu.memory_space<vmem_shared>>)
      %lt3A_375 = arith.constant 24 : i32
      %lt3A_376 = arith.cmpi slt, %scan3A_240, %lt3A_375 : i32
      %convert_element_type3A_377 = arith.extui %lt3A_376 : i1 to i32
      %cond3A_378 = arith.constant 0 : i32
      %cond3A_379 = arith.cmpi ne, %convert_element_type3A_377, %cond3A_378 : i32
      scf.if %cond3A_379 {
        %add3A_406 = arith.constant 5 : i32
        %add3A_407 = arith.addi %mul3A_242, %add3A_406 : i32
        %add3A_408 = arith.constant 2 : i32
        %add3A_409 = arith.addi %add3A_407, %add3A_408 : i32
        %mul3A_410 = arith.constant 40 : i32
        %mul3A_411 = arith.muli %add3A_409, %mul3A_410 : i32
        %dma_start3A_412 = tpu.memref_slice %arg20[%mul3A_411] : memref<5000xi32, #tpu.memory_space<vmem>> -> memref<40xi32, #tpu.memory_space<vmem>>
        %dma_start3A_413 = arith.constant 0 : i32
        %dma_start3A_414 = arith.constant 0 : i32
        %dma_start3A_415 = tpu.memref_slice %arg2[%dma_start3A_413, %dma_start3A_414] : memref<10000x128xf32, #tpu.memory_space<hbm>> -> memref<10000x128xf32, #tpu.memory_space<hbm>>
        tpu.enqueue_indirect_dma source(%dma_start3A_415 : memref<10000x128xf32, #tpu.memory_space<hbm>>) target(%arg24 : memref<40x128xf32, #tpu.memory_space<vmem>>) offsets(%dma_start3A_412 : memref<40xi32, #tpu.memory_space<vmem>>) semaphore(%arg29 : memref<!tpu.dma_semaphore, #tpu.memory_space<semaphore_mem>>)
      } else {
      }
      %dma_wait3A_380 = tpu.memref_slice %arg21[%mul3A_305] : memref<5000xi32, #tpu.memory_space<vmem>> -> memref<40xi32, #tpu.memory_space<vmem>>
      %dma_wait3A_381 = arith.constant 0 : i32
      %dma_wait3A_382 = arith.constant 0 : i32
      %dma_wait3A_383 = tpu.memref_slice %arg17[%dma_wait3A_381, %dma_wait3A_382] : memref<10000x128xf32, #tpu.memory_space<vmem_shared>> -> memref<10000x128xf32, #tpu.memory_space<vmem_shared>>
      tpu.wait_indirect_dma semaphore(%arg35 : memref<!tpu.dma_semaphore, #tpu.memory_space<semaphore_mem>>) src(%arg25 : memref<40x128xf32, #tpu.memory_space<vmem>>) dst(%dma_wait3A_383 : memref<10000x128xf32, #tpu.memory_space<vmem_shared>>)
      %dma_wait3A_384 = tpu.memref_slice %arg21[%mul3A_305] : memref<5000xi32, #tpu.memory_space<vmem>> -> memref<40xi32, #tpu.memory_space<vmem>>
      %dma_wait3A_385 = arith.constant 0 : i32
      %dma_wait3A_386 = arith.constant 0 : i32
      %dma_wait3A_387 = tpu.memref_slice %arg18[%dma_wait3A_385, %dma_wait3A_386] : memref<10000x16xf32, #tpu.memory_space<vmem_shared>> -> memref<10000x16xf32, #tpu.memory_space<vmem_shared>>
      tpu.wait_indirect_dma semaphore(%arg40 : memref<!tpu.dma_semaphore, #tpu.memory_space<semaphore_mem>>) src(%arg19 : memref<40x16xf32, #tpu.memory_space<vmem>>) dst(%dma_wait3A_387 : memref<10000x16xf32, #tpu.memory_space<vmem_shared>>)
      %lt3A_388 = arith.constant 24 : i32
      %lt3A_389 = arith.cmpi slt, %scan3A_240, %lt3A_388 : i32
      %convert_element_type3A_390 = arith.extui %lt3A_389 : i1 to i32
      %cond3A_391 = arith.constant 0 : i32
      %cond3A_392 = arith.cmpi ne, %convert_element_type3A_390, %cond3A_391 : i32
      scf.if %cond3A_392 {
        %add3A_406 = arith.constant 5 : i32
        %add3A_407 = arith.addi %mul3A_242, %add3A_406 : i32
        %add3A_408 = arith.constant 3 : i32
        %add3A_409 = arith.addi %add3A_407, %add3A_408 : i32
        %mul3A_410 = arith.constant 40 : i32
        %mul3A_411 = arith.muli %add3A_409, %mul3A_410 : i32
        %dma_start3A_412 = tpu.memref_slice %arg20[%mul3A_411] : memref<5000xi32, #tpu.memory_space<vmem>> -> memref<40xi32, #tpu.memory_space<vmem>>
        %dma_start3A_413 = arith.constant 0 : i32
        %dma_start3A_414 = arith.constant 0 : i32
        %dma_start3A_415 = tpu.memref_slice %arg2[%dma_start3A_413, %dma_start3A_414] : memref<10000x128xf32, #tpu.memory_space<hbm>> -> memref<10000x128xf32, #tpu.memory_space<hbm>>
        tpu.enqueue_indirect_dma source(%dma_start3A_415 : memref<10000x128xf32, #tpu.memory_space<hbm>>) target(%arg25 : memref<40x128xf32, #tpu.memory_space<vmem>>) offsets(%dma_start3A_412 : memref<40xi32, #tpu.memory_space<vmem>>) semaphore(%arg30 : memref<!tpu.dma_semaphore, #tpu.memory_space<semaphore_mem>>)
      } else {
      }
      %dma_wait3A_393 = tpu.memref_slice %arg21[%mul3A_325] : memref<5000xi32, #tpu.memory_space<vmem>> -> memref<40xi32, #tpu.memory_space<vmem>>
      %dma_wait3A_394 = arith.constant 0 : i32
      %dma_wait3A_395 = arith.constant 0 : i32
      %dma_wait3A_396 = tpu.memref_slice %arg17[%dma_wait3A_394, %dma_wait3A_395] : memref<10000x128xf32, #tpu.memory_space<vmem_shared>> -> memref<10000x128xf32, #tpu.memory_space<vmem_shared>>
      tpu.wait_indirect_dma semaphore(%arg36 : memref<!tpu.dma_semaphore, #tpu.memory_space<semaphore_mem>>) src(%arg26 : memref<40x128xf32, #tpu.memory_space<vmem>>) dst(%dma_wait3A_396 : memref<10000x128xf32, #tpu.memory_space<vmem_shared>>)
      %dma_wait3A_397 = tpu.memref_slice %arg21[%mul3A_325] : memref<5000xi32, #tpu.memory_space<vmem>> -> memref<40xi32, #tpu.memory_space<vmem>>
      %dma_wait3A_398 = arith.constant 0 : i32
      %dma_wait3A_399 = arith.constant 0 : i32
      %dma_wait3A_400 = tpu.memref_slice %arg18[%dma_wait3A_398, %dma_wait3A_399] : memref<10000x16xf32, #tpu.memory_space<vmem_shared>> -> memref<10000x16xf32, #tpu.memory_space<vmem_shared>>
      tpu.wait_indirect_dma semaphore(%arg41 : memref<!tpu.dma_semaphore, #tpu.memory_space<semaphore_mem>>) src(%arg19 : memref<40x16xf32, #tpu.memory_space<vmem>>) dst(%dma_wait3A_400 : memref<10000x16xf32, #tpu.memory_space<vmem_shared>>)
      %lt3A_401 = arith.constant 24 : i32
      %lt3A_402 = arith.cmpi slt, %scan3A_240, %lt3A_401 : i32
      %convert_element_type3A_403 = arith.extui %lt3A_402 : i1 to i32
      %cond3A_404 = arith.constant 0 : i32
      %cond3A_405 = arith.cmpi ne, %convert_element_type3A_403, %cond3A_404 : i32
      scf.if %cond3A_405 {
        %add3A_406 = arith.constant 5 : i32
        %add3A_407 = arith.addi %mul3A_242, %add3A_406 : i32
        %add3A_408 = arith.constant 4 : i32
        %add3A_409 = arith.addi %add3A_407, %add3A_408 : i32
        %mul3A_410 = arith.constant 40 : i32
        %mul3A_411 = arith.muli %add3A_409, %mul3A_410 : i32
        %dma_start3A_412 = tpu.memref_slice %arg20[%mul3A_411] : memref<5000xi32, #tpu.memory_space<vmem>> -> memref<40xi32, #tpu.memory_space<vmem>>
        %dma_start3A_413 = arith.constant 0 : i32
        %dma_start3A_414 = arith.constant 0 : i32
        %dma_start3A_415 = tpu.memref_slice %arg2[%dma_start3A_413, %dma_start3A_414] : memref<10000x128xf32, #tpu.memory_space<hbm>> -> memref<10000x128xf32, #tpu.memory_space<hbm>>
        tpu.enqueue_indirect_dma source(%dma_start3A_415 : memref<10000x128xf32, #tpu.memory_space<hbm>>) target(%arg26 : memref<40x128xf32, #tpu.memory_space<vmem>>) offsets(%dma_start3A_412 : memref<40xi32, #tpu.memory_space<vmem>>) semaphore(%arg31 : memref<!tpu.dma_semaphore, #tpu.memory_space<semaphore_mem>>)
      } else {
      }
    }
    %scan3A_38 = arith.constant 25 : i32
    %add3A_39 = arith.constant 5000 : i32
    %add3A_40 = arith.addi %mul3A_6, %add3A_39 : i32
    %run_scoped3A_41 = arith.constant 0 : i32
    "tpu.region"() ({
      %run_scoped3A_240 = tpu.sem_alloc : memref<!tpu.dma_semaphore, #tpu.memory_space<semaphore_mem>>
      %dma_start3A_241 = tpu.memref_slice %arg5[%run_scoped3A_41, %add3A_40] : memref<2x320000xi32, #tpu.memory_space<hbm>> -> memref<1x5000xi32, #tpu.memory_space<hbm>>
      %dma_start3A_242 = tpu.memref_squeeze %dma_start3A_241 : memref<1x5000xi32, #tpu.memory_space<hbm>> -> memref<5000xi32, #tpu.memory_space<hbm>>
      %dma_start3A_243 = tpu.memref_slice %arg5[%run_scoped3A_41, %add3A_40] : memref<2x320000xi32, #tpu.memory_space<hbm>> -> memref<1x5000xi32, #tpu.memory_space<hbm>>
      %dma_start3A_244 = tpu.memref_squeeze %dma_start3A_243 : memref<1x5000xi32, #tpu.memory_space<hbm>> -> memref<5000xi32, #tpu.memory_space<hbm>>
      tpu.enqueue_dma source(%dma_start3A_244 : memref<5000xi32, #tpu.memory_space<hbm>>) target(%arg20 : memref<5000xi32, #tpu.memory_space<vmem>>) target_semaphore(%run_scoped3A_240 : memref<!tpu.dma_semaphore, #tpu.memory_space<semaphore_mem>>)
      %dma_wait3A = tpu.memref_slice %arg5[%run_scoped3A_41, %add3A_40] : memref<2x320000xi32, #tpu.memory_space<hbm>> -> memref<1x5000xi32, #tpu.memory_space<hbm>>
      %dma_wait3A_245 = tpu.memref_squeeze %dma_wait3A : memref<1x5000xi32, #tpu.memory_space<hbm>> -> memref<5000xi32, #tpu.memory_space<hbm>>
      %dma_wait3A_246 = tpu.memref_slice %arg5[%run_scoped3A_41, %add3A_40] : memref<2x320000xi32, #tpu.memory_space<hbm>> -> memref<1x5000xi32, #tpu.memory_space<hbm>>
      %dma_wait3A_247 = tpu.memref_squeeze %dma_wait3A_246 : memref<1x5000xi32, #tpu.memory_space<hbm>> -> memref<5000xi32, #tpu.memory_space<hbm>>
      tpu.wait_dma2 semaphore(%run_scoped3A_240 : memref<!tpu.dma_semaphore, #tpu.memory_space<semaphore_mem>>) src(%dma_wait3A_247 : memref<5000xi32, #tpu.memory_space<hbm>>) dst(%arg20 : memref<5000xi32, #tpu.memory_space<vmem>>)
      tpu.yield
    }) : () -> ()
    %run_scoped3A_42 = arith.constant 1 : i32
    "tpu.region"() ({
      %run_scoped3A_240 = tpu.sem_alloc : memref<!tpu.dma_semaphore, #tpu.memory_space<semaphore_mem>>
      %dma_start3A_241 = tpu.memref_slice %arg5[%run_scoped3A_42, %add3A_40] : memref<2x320000xi32, #tpu.memory_space<hbm>> -> memref<1x5000xi32, #tpu.memory_space<hbm>>
      %dma_start3A_242 = tpu.memref_squeeze %dma_start3A_241 : memref<1x5000xi32, #tpu.memory_space<hbm>> -> memref<5000xi32, #tpu.memory_space<hbm>>
      %dma_start3A_243 = tpu.memref_slice %arg5[%run_scoped3A_42, %add3A_40] : memref<2x320000xi32, #tpu.memory_space<hbm>> -> memref<1x5000xi32, #tpu.memory_space<hbm>>
      %dma_start3A_244 = tpu.memref_squeeze %dma_start3A_243 : memref<1x5000xi32, #tpu.memory_space<hbm>> -> memref<5000xi32, #tpu.memory_space<hbm>>
      tpu.enqueue_dma source(%dma_start3A_244 : memref<5000xi32, #tpu.memory_space<hbm>>) target(%arg21 : memref<5000xi32, #tpu.memory_space<vmem>>) target_semaphore(%run_scoped3A_240 : memref<!tpu.dma_semaphore, #tpu.memory_space<semaphore_mem>>)
      %dma_wait3A = tpu.memref_slice %arg5[%run_scoped3A_42, %add3A_40] : memref<2x320000xi32, #tpu.memory_space<hbm>> -> memref<1x5000xi32, #tpu.memory_space<hbm>>
      %dma_wait3A_245 = tpu.memref_squeeze %dma_wait3A : memref<1x5000xi32, #tpu.memory_space<hbm>> -> memref<5000xi32, #tpu.memory_space<hbm>>
      %dma_wait3A_246 = tpu.memref_slice %arg5[%run_scoped3A_42, %add3A_40] : memref<2x320000xi32, #tpu.memory_space<hbm>> -> memref<1x5000xi32, #tpu.memory_space<hbm>>
      %dma_wait3A_247 = tpu.memref_squeeze %dma_wait3A_246 : memref<1x5000xi32, #tpu.memory_space<hbm>> -> memref<5000xi32, #tpu.memory_space<hbm>>
      tpu.wait_dma2 semaphore(%run_scoped3A_240 : memref<!tpu.dma_semaphore, #tpu.memory_space<semaphore_mem>>) src(%dma_wait3A_247 : memref<5000xi32, #tpu.memory_space<hbm>>) dst(%arg21 : memref<5000xi32, #tpu.memory_space<vmem>>)
      tpu.yield
    }) : () -> ()
    %dma_start3A_43 = arith.constant 0 : i32
    %dma_start3A_44 = tpu.memref_slice %arg20[%dma_start3A_43] : memref<5000xi32, #tpu.memory_space<vmem>> -> memref<40xi32, #tpu.memory_space<vmem>>
    %dma_start3A_45 = arith.constant 0 : i32
    %dma_start3A_46 = arith.constant 0 : i32
    %dma_start3A_47 = tpu.memref_slice %arg2[%dma_start3A_45, %dma_start3A_46] : memref<10000x128xf32, #tpu.memory_space<hbm>> -> memref<10000x128xf32, #tpu.memory_space<hbm>>
    tpu.enqueue_indirect_dma source(%dma_start3A_47 : memref<10000x128xf32, #tpu.memory_space<hbm>>) target(%arg22 : memref<40x128xf32, #tpu.memory_space<vmem>>) offsets(%dma_start3A_44 : memref<40xi32, #tpu.memory_space<vmem>>) semaphore(%arg27 : memref<!tpu.dma_semaphore, #tpu.memory_space<semaphore_mem>>)
    %dma_start3A_48 = arith.constant 40 : i32
    %dma_start3A_49 = tpu.memref_slice %arg20[%dma_start3A_48] : memref<5000xi32, #tpu.memory_space<vmem>> -> memref<40xi32, #tpu.memory_space<vmem>>
    %dma_start3A_50 = arith.constant 0 : i32
    %dma_start3A_51 = arith.constant 0 : i32
    %dma_start3A_52 = tpu.memref_slice %arg2[%dma_start3A_50, %dma_start3A_51] : memref<10000x128xf32, #tpu.memory_space<hbm>> -> memref<10000x128xf32, #tpu.memory_space<hbm>>
    tpu.enqueue_indirect_dma source(%dma_start3A_52 : memref<10000x128xf32, #tpu.memory_space<hbm>>) target(%arg23 : memref<40x128xf32, #tpu.memory_space<vmem>>) offsets(%dma_start3A_49 : memref<40xi32, #tpu.memory_space<vmem>>) semaphore(%arg28 : memref<!tpu.dma_semaphore, #tpu.memory_space<semaphore_mem>>)
    %dma_start3A_53 = arith.constant 80 : i32
    %dma_start3A_54 = tpu.memref_slice %arg20[%dma_start3A_53] : memref<5000xi32, #tpu.memory_space<vmem>> -> memref<40xi32, #tpu.memory_space<vmem>>
    %dma_start3A_55 = arith.constant 0 : i32
    %dma_start3A_56 = arith.constant 0 : i32
    %dma_start3A_57 = tpu.memref_slice %arg2[%dma_start3A_55, %dma_start3A_56] : memref<10000x128xf32, #tpu.memory_space<hbm>> -> memref<10000x128xf32, #tpu.memory_space<hbm>>
    tpu.enqueue_indirect_dma source(%dma_start3A_57 : memref<10000x128xf32, #tpu.memory_space<hbm>>) target(%arg24 : memref<40x128xf32, #tpu.memory_space<vmem>>) offsets(%dma_start3A_54 : memref<40xi32, #tpu.memory_space<vmem>>) semaphore(%arg29 : memref<!tpu.dma_semaphore, #tpu.memory_space<semaphore_mem>>)
    %dma_start3A_58 = arith.constant 120 : i32
    %dma_start3A_59 = tpu.memref_slice %arg20[%dma_start3A_58] : memref<5000xi32, #tpu.memory_space<vmem>> -> memref<40xi32, #tpu.memory_space<vmem>>
    %dma_start3A_60 = arith.constant 0 : i32
    %dma_start3A_61 = arith.constant 0 : i32
    %dma_start3A_62 = tpu.memref_slice %arg2[%dma_start3A_60, %dma_start3A_61] : memref<10000x128xf32, #tpu.memory_space<hbm>> -> memref<10000x128xf32, #tpu.memory_space<hbm>>
    tpu.enqueue_indirect_dma source(%dma_start3A_62 : memref<10000x128xf32, #tpu.memory_space<hbm>>) target(%arg25 : memref<40x128xf32, #tpu.memory_space<vmem>>) offsets(%dma_start3A_59 : memref<40xi32, #tpu.memory_space<vmem>>) semaphore(%arg30 : memref<!tpu.dma_semaphore, #tpu.memory_space<semaphore_mem>>)
    %dma_start3A_63 = arith.constant 160 : i32
    %dma_start3A_64 = tpu.memref_slice %arg20[%dma_start3A_63] : memref<5000xi32, #tpu.memory_space<vmem>> -> memref<40xi32, #tpu.memory_space<vmem>>
    %dma_start3A_65 = arith.constant 0 : i32
    %dma_start3A_66 = arith.constant 0 : i32
    %dma_start3A_67 = tpu.memref_slice %arg2[%dma_start3A_65, %dma_start3A_66] : memref<10000x128xf32, #tpu.memory_space<hbm>> -> memref<10000x128xf32, #tpu.memory_space<hbm>>
    tpu.enqueue_indirect_dma source(%dma_start3A_67 : memref<10000x128xf32, #tpu.memory_space<hbm>>) target(%arg26 : memref<40x128xf32, #tpu.memory_space<vmem>>) offsets(%dma_start3A_64 : memref<40xi32, #tpu.memory_space<vmem>>) semaphore(%arg31 : memref<!tpu.dma_semaphore, #tpu.memory_space<semaphore_mem>>)
    %scan3A_68 = arith.constant 0 : i32
    %scan3A_69 = arith.constant 0 : i32
    %scan3A_70 = arith.constant 25 : i32
    %scan3A_71 = arith.addi %scan3A_69, %scan3A_70 : i32
    %scan3A_72 = arith.constant 1 : i32
    scf.for %scan3A_240 = %scan3A_69 to %scan3A_71 step %scan3A_72  : i32 {
      %mul3A_241 = arith.constant 5 : i32
      %mul3A_242 = arith.muli %mul3A_241, %scan3A_240 : i32
      %add3A_243 = arith.constant 0 : i32
      %add3A_244 = arith.addi %mul3A_242, %add3A_243 : i32
      %mul3A_245 = arith.constant 40 : i32
      %mul3A_246 = arith.muli %add3A_244, %mul3A_245 : i32
      %add3A_247 = arith.constant 0 : i32
      %add3A_248 = arith.addi %mul3A_242, %add3A_247 : i32
      %mul3A_249 = arith.constant 40 : i32
      %mul3A_250 = arith.muli %add3A_248, %mul3A_249 : i32
      %dma_wait3A = tpu.memref_slice %arg20[%mul3A_250] : memref<5000xi32, #tpu.memory_space<vmem>> -> memref<40xi32, #tpu.memory_space<vmem>>
      %dma_wait3A_251 = arith.constant 0 : i32
      %dma_wait3A_252 = arith.constant 0 : i32
      %dma_wait3A_253 = tpu.memref_slice %arg2[%dma_wait3A_251, %dma_wait3A_252] : memref<10000x128xf32, #tpu.memory_space<hbm>> -> memref<10000x128xf32, #tpu.memory_space<hbm>>
      tpu.wait_indirect_dma semaphore(%arg27 : memref<!tpu.dma_semaphore, #tpu.memory_space<semaphore_mem>>) src(%dma_wait3A_253 : memref<10000x128xf32, #tpu.memory_space<hbm>>) dst(%arg22 : memref<40x128xf32, #tpu.memory_space<vmem>>)
      %dma_start3A_254 = tpu.memref_slice %arg21[%mul3A_246] : memref<5000xi32, #tpu.memory_space<vmem>> -> memref<40xi32, #tpu.memory_space<vmem>>
      %dma_start3A_255 = arith.constant 0 : i32
      %dma_start3A_256 = arith.constant 0 : i32
      %dma_start3A_257 = tpu.memref_slice %arg17[%dma_start3A_255, %dma_start3A_256] : memref<10000x128xf32, #tpu.memory_space<vmem_shared>> -> memref<10000x128xf32, #tpu.memory_space<vmem_shared>>
      tpu.enqueue_indirect_dma source(%arg22 : memref<40x128xf32, #tpu.memory_space<vmem>>) target(%dma_start3A_257 : memref<10000x128xf32, #tpu.memory_space<vmem_shared>>) offsets(%dma_start3A_254 : memref<40xi32, #tpu.memory_space<vmem>>) semaphore(%arg32 : memref<!tpu.dma_semaphore, #tpu.memory_space<semaphore_mem>>) {add = true}
      %dma_start3A_258 = tpu.memref_slice %arg21[%mul3A_246] : memref<5000xi32, #tpu.memory_space<vmem>> -> memref<40xi32, #tpu.memory_space<vmem>>
      %dma_start3A_259 = arith.constant 0 : i32
      %dma_start3A_260 = arith.constant 0 : i32
      %dma_start3A_261 = tpu.memref_slice %arg18[%dma_start3A_259, %dma_start3A_260] : memref<10000x16xf32, #tpu.memory_space<vmem_shared>> -> memref<10000x16xf32, #tpu.memory_space<vmem_shared>>
      tpu.enqueue_indirect_dma source(%arg19 : memref<40x16xf32, #tpu.memory_space<vmem>>) target(%dma_start3A_261 : memref<10000x16xf32, #tpu.memory_space<vmem_shared>>) offsets(%dma_start3A_258 : memref<40xi32, #tpu.memory_space<vmem>>) semaphore(%arg37 : memref<!tpu.dma_semaphore, #tpu.memory_space<semaphore_mem>>) {add = true}
      %add3A_262 = arith.constant 1 : i32
      %add3A_263 = arith.addi %mul3A_242, %add3A_262 : i32
      %mul3A_264 = arith.constant 40 : i32
      %mul3A_265 = arith.muli %add3A_263, %mul3A_264 : i32
      %add3A_266 = arith.constant 1 : i32
      %add3A_267 = arith.addi %mul3A_242, %add3A_266 : i32
      %mul3A_268 = arith.constant 40 : i32
      %mul3A_269 = arith.muli %add3A_267, %mul3A_268 : i32
      %dma_wait3A_270 = tpu.memref_slice %arg20[%mul3A_269] : memref<5000xi32, #tpu.memory_space<vmem>> -> memref<40xi32, #tpu.memory_space<vmem>>
      %dma_wait3A_271 = arith.constant 0 : i32
      %dma_wait3A_272 = arith.constant 0 : i32
      %dma_wait3A_273 = tpu.memref_slice %arg2[%dma_wait3A_271, %dma_wait3A_272] : memref<10000x128xf32, #tpu.memory_space<hbm>> -> memref<10000x128xf32, #tpu.memory_space<hbm>>
      tpu.wait_indirect_dma semaphore(%arg28 : memref<!tpu.dma_semaphore, #tpu.memory_space<semaphore_mem>>) src(%dma_wait3A_273 : memref<10000x128xf32, #tpu.memory_space<hbm>>) dst(%arg23 : memref<40x128xf32, #tpu.memory_space<vmem>>)
      %dma_start3A_274 = tpu.memref_slice %arg21[%mul3A_265] : memref<5000xi32, #tpu.memory_space<vmem>> -> memref<40xi32, #tpu.memory_space<vmem>>
      %dma_start3A_275 = arith.constant 0 : i32
      %dma_start3A_276 = arith.constant 0 : i32
      %dma_start3A_277 = tpu.memref_slice %arg17[%dma_start3A_275, %dma_start3A_276] : memref<10000x128xf32, #tpu.memory_space<vmem_shared>> -> memref<10000x128xf32, #tpu.memory_space<vmem_shared>>
      tpu.enqueue_indirect_dma source(%arg23 : memref<40x128xf32, #tpu.memory_space<vmem>>) target(%dma_start3A_277 : memref<10000x128xf32, #tpu.memory_space<vmem_shared>>) offsets(%dma_start3A_274 : memref<40xi32, #tpu.memory_space<vmem>>) semaphore(%arg33 : memref<!tpu.dma_semaphore, #tpu.memory_space<semaphore_mem>>) {add = true}
      %dma_start3A_278 = tpu.memref_slice %arg21[%mul3A_265] : memref<5000xi32, #tpu.memory_space<vmem>> -> memref<40xi32, #tpu.memory_space<vmem>>
      %dma_start3A_279 = arith.constant 0 : i32
      %dma_start3A_280 = arith.constant 0 : i32
      %dma_start3A_281 = tpu.memref_slice %arg18[%dma_start3A_279, %dma_start3A_280] : memref<10000x16xf32, #tpu.memory_space<vmem_shared>> -> memref<10000x16xf32, #tpu.memory_space<vmem_shared>>
      tpu.enqueue_indirect_dma source(%arg19 : memref<40x16xf32, #tpu.memory_space<vmem>>) target(%dma_start3A_281 : memref<10000x16xf32, #tpu.memory_space<vmem_shared>>) offsets(%dma_start3A_278 : memref<40xi32, #tpu.memory_space<vmem>>) semaphore(%arg38 : memref<!tpu.dma_semaphore, #tpu.memory_space<semaphore_mem>>) {add = true}
      %add3A_282 = arith.constant 2 : i32
      %add3A_283 = arith.addi %mul3A_242, %add3A_282 : i32
      %mul3A_284 = arith.constant 40 : i32
      %mul3A_285 = arith.muli %add3A_283, %mul3A_284 : i32
      %add3A_286 = arith.constant 2 : i32
      %add3A_287 = arith.addi %mul3A_242, %add3A_286 : i32
      %mul3A_288 = arith.constant 40 : i32
      %mul3A_289 = arith.muli %add3A_287, %mul3A_288 : i32
      %dma_wait3A_290 = tpu.memref_slice %arg20[%mul3A_289] : memref<5000xi32, #tpu.memory_space<vmem>> -> memref<40xi32, #tpu.memory_space<vmem>>
      %dma_wait3A_291 = arith.constant 0 : i32
      %dma_wait3A_292 = arith.constant 0 : i32
      %dma_wait3A_293 = tpu.memref_slice %arg2[%dma_wait3A_291, %dma_wait3A_292] : memref<10000x128xf32, #tpu.memory_space<hbm>> -> memref<10000x128xf32, #tpu.memory_space<hbm>>
      tpu.wait_indirect_dma semaphore(%arg29 : memref<!tpu.dma_semaphore, #tpu.memory_space<semaphore_mem>>) src(%dma_wait3A_293 : memref<10000x128xf32, #tpu.memory_space<hbm>>) dst(%arg24 : memref<40x128xf32, #tpu.memory_space<vmem>>)
      %dma_start3A_294 = tpu.memref_slice %arg21[%mul3A_285] : memref<5000xi32, #tpu.memory_space<vmem>> -> memref<40xi32, #tpu.memory_space<vmem>>
      %dma_start3A_295 = arith.constant 0 : i32
      %dma_start3A_296 = arith.constant 0 : i32
      %dma_start3A_297 = tpu.memref_slice %arg17[%dma_start3A_295, %dma_start3A_296] : memref<10000x128xf32, #tpu.memory_space<vmem_shared>> -> memref<10000x128xf32, #tpu.memory_space<vmem_shared>>
      tpu.enqueue_indirect_dma source(%arg24 : memref<40x128xf32, #tpu.memory_space<vmem>>) target(%dma_start3A_297 : memref<10000x128xf32, #tpu.memory_space<vmem_shared>>) offsets(%dma_start3A_294 : memref<40xi32, #tpu.memory_space<vmem>>) semaphore(%arg34 : memref<!tpu.dma_semaphore, #tpu.memory_space<semaphore_mem>>) {add = true}
      %dma_start3A_298 = tpu.memref_slice %arg21[%mul3A_285] : memref<5000xi32, #tpu.memory_space<vmem>> -> memref<40xi32, #tpu.memory_space<vmem>>
      %dma_start3A_299 = arith.constant 0 : i32
      %dma_start3A_300 = arith.constant 0 : i32
      %dma_start3A_301 = tpu.memref_slice %arg18[%dma_start3A_299, %dma_start3A_300] : memref<10000x16xf32, #tpu.memory_space<vmem_shared>> -> memref<10000x16xf32, #tpu.memory_space<vmem_shared>>
      tpu.enqueue_indirect_dma source(%arg19 : memref<40x16xf32, #tpu.memory_space<vmem>>) target(%dma_start3A_301 : memref<10000x16xf32, #tpu.memory_space<vmem_shared>>) offsets(%dma_start3A_298 : memref<40xi32, #tpu.memory_space<vmem>>) semaphore(%arg39 : memref<!tpu.dma_semaphore, #tpu.memory_space<semaphore_mem>>) {add = true}
      %add3A_302 = arith.constant 3 : i32
      %add3A_303 = arith.addi %mul3A_242, %add3A_302 : i32
      %mul3A_304 = arith.constant 40 : i32
      %mul3A_305 = arith.muli %add3A_303, %mul3A_304 : i32
      %add3A_306 = arith.constant 3 : i32
      %add3A_307 = arith.addi %mul3A_242, %add3A_306 : i32
      %mul3A_308 = arith.constant 40 : i32
      %mul3A_309 = arith.muli %add3A_307, %mul3A_308 : i32
      %dma_wait3A_310 = tpu.memref_slice %arg20[%mul3A_309] : memref<5000xi32, #tpu.memory_space<vmem>> -> memref<40xi32, #tpu.memory_space<vmem>>
      %dma_wait3A_311 = arith.constant 0 : i32
      %dma_wait3A_312 = arith.constant 0 : i32
      %dma_wait3A_313 = tpu.memref_slice %arg2[%dma_wait3A_311, %dma_wait3A_312] : memref<10000x128xf32, #tpu.memory_space<hbm>> -> memref<10000x128xf32, #tpu.memory_space<hbm>>
      tpu.wait_indirect_dma semaphore(%arg30 : memref<!tpu.dma_semaphore, #tpu.memory_space<semaphore_mem>>) src(%dma_wait3A_313 : memref<10000x128xf32, #tpu.memory_space<hbm>>) dst(%arg25 : memref<40x128xf32, #tpu.memory_space<vmem>>)
      %dma_start3A_314 = tpu.memref_slice %arg21[%mul3A_305] : memref<5000xi32, #tpu.memory_space<vmem>> -> memref<40xi32, #tpu.memory_space<vmem>>
      %dma_start3A_315 = arith.constant 0 : i32
      %dma_start3A_316 = arith.constant 0 : i32
      %dma_start3A_317 = tpu.memref_slice %arg17[%dma_start3A_315, %dma_start3A_316] : memref<10000x128xf32, #tpu.memory_space<vmem_shared>> -> memref<10000x128xf32, #tpu.memory_space<vmem_shared>>
      tpu.enqueue_indirect_dma source(%arg25 : memref<40x128xf32, #tpu.memory_space<vmem>>) target(%dma_start3A_317 : memref<10000x128xf32, #tpu.memory_space<vmem_shared>>) offsets(%dma_start3A_314 : memref<40xi32, #tpu.memory_space<vmem>>) semaphore(%arg35 : memref<!tpu.dma_semaphore, #tpu.memory_space<semaphore_mem>>) {add = true}
      %dma_start3A_318 = tpu.memref_slice %arg21[%mul3A_305] : memref<5000xi32, #tpu.memory_space<vmem>> -> memref<40xi32, #tpu.memory_space<vmem>>
      %dma_start3A_319 = arith.constant 0 : i32
      %dma_start3A_320 = arith.constant 0 : i32
      %dma_start3A_321 = tpu.memref_slice %arg18[%dma_start3A_319, %dma_start3A_320] : memref<10000x16xf32, #tpu.memory_space<vmem_shared>> -> memref<10000x16xf32, #tpu.memory_space<vmem_shared>>
      tpu.enqueue_indirect_dma source(%arg19 : memref<40x16xf32, #tpu.memory_space<vmem>>) target(%dma_start3A_321 : memref<10000x16xf32, #tpu.memory_space<vmem_shared>>) offsets(%dma_start3A_318 : memref<40xi32, #tpu.memory_space<vmem>>) semaphore(%arg40 : memref<!tpu.dma_semaphore, #tpu.memory_space<semaphore_mem>>) {add = true}
      %add3A_322 = arith.constant 4 : i32
      %add3A_323 = arith.addi %mul3A_242, %add3A_322 : i32
      %mul3A_324 = arith.constant 40 : i32
      %mul3A_325 = arith.muli %add3A_323, %mul3A_324 : i32
      %add3A_326 = arith.constant 4 : i32
      %add3A_327 = arith.addi %mul3A_242, %add3A_326 : i32
      %mul3A_328 = arith.constant 40 : i32
      %mul3A_329 = arith.muli %add3A_327, %mul3A_328 : i32
      %dma_wait3A_330 = tpu.memref_slice %arg20[%mul3A_329] : memref<5000xi32, #tpu.memory_space<vmem>> -> memref<40xi32, #tpu.memory_space<vmem>>
      %dma_wait3A_331 = arith.constant 0 : i32
      %dma_wait3A_332 = arith.constant 0 : i32
      %dma_wait3A_333 = tpu.memref_slice %arg2[%dma_wait3A_331, %dma_wait3A_332] : memref<10000x128xf32, #tpu.memory_space<hbm>> -> memref<10000x128xf32, #tpu.memory_space<hbm>>
      tpu.wait_indirect_dma semaphore(%arg31 : memref<!tpu.dma_semaphore, #tpu.memory_space<semaphore_mem>>) src(%dma_wait3A_333 : memref<10000x128xf32, #tpu.memory_space<hbm>>) dst(%arg26 : memref<40x128xf32, #tpu.memory_space<vmem>>)
      %dma_start3A_334 = tpu.memref_slice %arg21[%mul3A_325] : memref<5000xi32, #tpu.memory_space<vmem>> -> memref<40xi32, #tpu.memory_space<vmem>>
      %dma_start3A_335 = arith.constant 0 : i32
      %dma_start3A_336 = arith.constant 0 : i32
      %dma_start3A_337 = tpu.memref_slice %arg17[%dma_start3A_335, %dma_start3A_336] : memref<10000x128xf32, #tpu.memory_space<vmem_shared>> -> memref<10000x128xf32, #tpu.memory_space<vmem_shared>>
      tpu.enqueue_indirect_dma source(%arg26 : memref<40x128xf32, #tpu.memory_space<vmem>>) target(%dma_start3A_337 : memref<10000x128xf32, #tpu.memory_space<vmem_shared>>) offsets(%dma_start3A_334 : memref<40xi32, #tpu.memory_space<vmem>>) semaphore(%arg36 : memref<!tpu.dma_semaphore, #tpu.memory_space<semaphore_mem>>) {add = true}
      %dma_start3A_338 = tpu.memref_slice %arg21[%mul3A_325] : memref<5000xi32, #tpu.memory_space<vmem>> -> memref<40xi32, #tpu.memory_space<vmem>>
      %dma_start3A_339 = arith.constant 0 : i32
      %dma_start3A_340 = arith.constant 0 : i32
      %dma_start3A_341 = tpu.memref_slice %arg18[%dma_start3A_339, %dma_start3A_340] : memref<10000x16xf32, #tpu.memory_space<vmem_shared>> -> memref<10000x16xf32, #tpu.memory_space<vmem_shared>>
      tpu.enqueue_indirect_dma source(%arg19 : memref<40x16xf32, #tpu.memory_space<vmem>>) target(%dma_start3A_341 : memref<10000x16xf32, #tpu.memory_space<vmem_shared>>) offsets(%dma_start3A_338 : memref<40xi32, #tpu.memory_space<vmem>>) semaphore(%arg41 : memref<!tpu.dma_semaphore, #tpu.memory_space<semaphore_mem>>) {add = true}
      %dma_wait3A_342 = tpu.memref_slice %arg21[%mul3A_246] : memref<5000xi32, #tpu.memory_space<vmem>> -> memref<40xi32, #tpu.memory_space<vmem>>
      %dma_wait3A_343 = arith.constant 0 : i32
      %dma_wait3A_344 = arith.constant 0 : i32
      %dma_wait3A_345 = tpu.memref_slice %arg17[%dma_wait3A_343, %dma_wait3A_344] : memref<10000x128xf32, #tpu.memory_space<vmem_shared>> -> memref<10000x128xf32, #tpu.memory_space<vmem_shared>>
      tpu.wait_indirect_dma semaphore(%arg32 : memref<!tpu.dma_semaphore, #tpu.memory_space<semaphore_mem>>) src(%arg22 : memref<40x128xf32, #tpu.memory_space<vmem>>) dst(%dma_wait3A_345 : memref<10000x128xf32, #tpu.memory_space<vmem_shared>>)
      %dma_wait3A_346 = tpu.memref_slice %arg21[%mul3A_246] : memref<5000xi32, #tpu.memory_space<vmem>> -> memref<40xi32, #tpu.memory_space<vmem>>
      %dma_wait3A_347 = arith.constant 0 : i32
      %dma_wait3A_348 = arith.constant 0 : i32
      %dma_wait3A_349 = tpu.memref_slice %arg18[%dma_wait3A_347, %dma_wait3A_348] : memref<10000x16xf32, #tpu.memory_space<vmem_shared>> -> memref<10000x16xf32, #tpu.memory_space<vmem_shared>>
      tpu.wait_indirect_dma semaphore(%arg37 : memref<!tpu.dma_semaphore, #tpu.memory_space<semaphore_mem>>) src(%arg19 : memref<40x16xf32, #tpu.memory_space<vmem>>) dst(%dma_wait3A_349 : memref<10000x16xf32, #tpu.memory_space<vmem_shared>>)
      %lt3A = arith.constant 24 : i32
      %lt3A_350 = arith.cmpi slt, %scan3A_240, %lt3A : i32
      %convert_element_type3A_351 = arith.extui %lt3A_350 : i1 to i32
      %cond3A_352 = arith.constant 0 : i32
      %cond3A_353 = arith.cmpi ne, %convert_element_type3A_351, %cond3A_352 : i32
      scf.if %cond3A_353 {
        %add3A_406 = arith.constant 5 : i32
        %add3A_407 = arith.addi %mul3A_242, %add3A_406 : i32
        %add3A_408 = arith.constant 0 : i32
        %add3A_409 = arith.addi %add3A_407, %add3A_408 : i32
        %mul3A_410 = arith.constant 40 : i32
        %mul3A_411 = arith.muli %add3A_409, %mul3A_410 : i32
        %dma_start3A_412 = tpu.memref_slice %arg20[%mul3A_411] : memref<5000xi32, #tpu.memory_space<vmem>> -> memref<40xi32, #tpu.memory_space<vmem>>
        %dma_start3A_413 = arith.constant 0 : i32
        %dma_start3A_414 = arith.constant 0 : i32
        %dma_start3A_415 = tpu.memref_slice %arg2[%dma_start3A_413, %dma_start3A_414] : memref<10000x128xf32, #tpu.memory_space<hbm>> -> memref<10000x128xf32, #tpu.memory_space<hbm>>
        tpu.enqueue_indirect_dma source(%dma_start3A_415 : memref<10000x128xf32, #tpu.memory_space<hbm>>) target(%arg22 : memref<40x128xf32, #tpu.memory_space<vmem>>) offsets(%dma_start3A_412 : memref<40xi32, #tpu.memory_space<vmem>>) semaphore(%arg27 : memref<!tpu.dma_semaphore, #tpu.memory_space<semaphore_mem>>)
      } else {
      }
      %dma_wait3A_354 = tpu.memref_slice %arg21[%mul3A_265] : memref<5000xi32, #tpu.memory_space<vmem>> -> memref<40xi32, #tpu.memory_space<vmem>>
      %dma_wait3A_355 = arith.constant 0 : i32
      %dma_wait3A_356 = arith.constant 0 : i32
      %dma_wait3A_357 = tpu.memref_slice %arg17[%dma_wait3A_355, %dma_wait3A_356] : memref<10000x128xf32, #tpu.memory_space<vmem_shared>> -> memref<10000x128xf32, #tpu.memory_space<vmem_shared>>
      tpu.wait_indirect_dma semaphore(%arg33 : memref<!tpu.dma_semaphore, #tpu.memory_space<semaphore_mem>>) src(%arg23 : memref<40x128xf32, #tpu.memory_space<vmem>>) dst(%dma_wait3A_357 : memref<10000x128xf32, #tpu.memory_space<vmem_shared>>)
      %dma_wait3A_358 = tpu.memref_slice %arg21[%mul3A_265] : memref<5000xi32, #tpu.memory_space<vmem>> -> memref<40xi32, #tpu.memory_space<vmem>>
      %dma_wait3A_359 = arith.constant 0 : i32
      %dma_wait3A_360 = arith.constant 0 : i32
      %dma_wait3A_361 = tpu.memref_slice %arg18[%dma_wait3A_359, %dma_wait3A_360] : memref<10000x16xf32, #tpu.memory_space<vmem_shared>> -> memref<10000x16xf32, #tpu.memory_space<vmem_shared>>
      tpu.wait_indirect_dma semaphore(%arg38 : memref<!tpu.dma_semaphore, #tpu.memory_space<semaphore_mem>>) src(%arg19 : memref<40x16xf32, #tpu.memory_space<vmem>>) dst(%dma_wait3A_361 : memref<10000x16xf32, #tpu.memory_space<vmem_shared>>)
      %lt3A_362 = arith.constant 24 : i32
      %lt3A_363 = arith.cmpi slt, %scan3A_240, %lt3A_362 : i32
      %convert_element_type3A_364 = arith.extui %lt3A_363 : i1 to i32
      %cond3A_365 = arith.constant 0 : i32
      %cond3A_366 = arith.cmpi ne, %convert_element_type3A_364, %cond3A_365 : i32
      scf.if %cond3A_366 {
        %add3A_406 = arith.constant 5 : i32
        %add3A_407 = arith.addi %mul3A_242, %add3A_406 : i32
        %add3A_408 = arith.constant 1 : i32
        %add3A_409 = arith.addi %add3A_407, %add3A_408 : i32
        %mul3A_410 = arith.constant 40 : i32
        %mul3A_411 = arith.muli %add3A_409, %mul3A_410 : i32
        %dma_start3A_412 = tpu.memref_slice %arg20[%mul3A_411] : memref<5000xi32, #tpu.memory_space<vmem>> -> memref<40xi32, #tpu.memory_space<vmem>>
        %dma_start3A_413 = arith.constant 0 : i32
        %dma_start3A_414 = arith.constant 0 : i32
        %dma_start3A_415 = tpu.memref_slice %arg2[%dma_start3A_413, %dma_start3A_414] : memref<10000x128xf32, #tpu.memory_space<hbm>> -> memref<10000x128xf32, #tpu.memory_space<hbm>>
        tpu.enqueue_indirect_dma source(%dma_start3A_415 : memref<10000x128xf32, #tpu.memory_space<hbm>>) target(%arg23 : memref<40x128xf32, #tpu.memory_space<vmem>>) offsets(%dma_start3A_412 : memref<40xi32, #tpu.memory_space<vmem>>) semaphore(%arg28 : memref<!tpu.dma_semaphore, #tpu.memory_space<semaphore_mem>>)
      } else {
      }
      %dma_wait3A_367 = tpu.memref_slice %arg21[%mul3A_285] : memref<5000xi32, #tpu.memory_space<vmem>> -> memref<40xi32, #tpu.memory_space<vmem>>
      %dma_wait3A_368 = arith.constant 0 : i32
      %dma_wait3A_369 = arith.constant 0 : i32
      %dma_wait3A_370 = tpu.memref_slice %arg17[%dma_wait3A_368, %dma_wait3A_369] : memref<10000x128xf32, #tpu.memory_space<vmem_shared>> -> memref<10000x128xf32, #tpu.memory_space<vmem_shared>>
      tpu.wait_indirect_dma semaphore(%arg34 : memref<!tpu.dma_semaphore, #tpu.memory_space<semaphore_mem>>) src(%arg24 : memref<40x128xf32, #tpu.memory_space<vmem>>) dst(%dma_wait3A_370 : memref<10000x128xf32, #tpu.memory_space<vmem_shared>>)
      %dma_wait3A_371 = tpu.memref_slice %arg21[%mul3A_285] : memref<5000xi32, #tpu.memory_space<vmem>> -> memref<40xi32, #tpu.memory_space<vmem>>
      %dma_wait3A_372 = arith.constant 0 : i32
      %dma_wait3A_373 = arith.constant 0 : i32
      %dma_wait3A_374 = tpu.memref_slice %arg18[%dma_wait3A_372, %dma_wait3A_373] : memref<10000x16xf32, #tpu.memory_space<vmem_shared>> -> memref<10000x16xf32, #tpu.memory_space<vmem_shared>>
      tpu.wait_indirect_dma semaphore(%arg39 : memref<!tpu.dma_semaphore, #tpu.memory_space<semaphore_mem>>) src(%arg19 : memref<40x16xf32, #tpu.memory_space<vmem>>) dst(%dma_wait3A_374 : memref<10000x16xf32, #tpu.memory_space<vmem_shared>>)
      %lt3A_375 = arith.constant 24 : i32
      %lt3A_376 = arith.cmpi slt, %scan3A_240, %lt3A_375 : i32
      %convert_element_type3A_377 = arith.extui %lt3A_376 : i1 to i32
      %cond3A_378 = arith.constant 0 : i32
      %cond3A_379 = arith.cmpi ne, %convert_element_type3A_377, %cond3A_378 : i32
      scf.if %cond3A_379 {
        %add3A_406 = arith.constant 5 : i32
        %add3A_407 = arith.addi %mul3A_242, %add3A_406 : i32
        %add3A_408 = arith.constant 2 : i32
        %add3A_409 = arith.addi %add3A_407, %add3A_408 : i32
        %mul3A_410 = arith.constant 40 : i32
        %mul3A_411 = arith.muli %add3A_409, %mul3A_410 : i32
        %dma_start3A_412 = tpu.memref_slice %arg20[%mul3A_411] : memref<5000xi32, #tpu.memory_space<vmem>> -> memref<40xi32, #tpu.memory_space<vmem>>
        %dma_start3A_413 = arith.constant 0 : i32
        %dma_start3A_414 = arith.constant 0 : i32
        %dma_start3A_415 = tpu.memref_slice %arg2[%dma_start3A_413, %dma_start3A_414] : memref<10000x128xf32, #tpu.memory_space<hbm>> -> memref<10000x128xf32, #tpu.memory_space<hbm>>
        tpu.enqueue_indirect_dma source(%dma_start3A_415 : memref<10000x128xf32, #tpu.memory_space<hbm>>) target(%arg24 : memref<40x128xf32, #tpu.memory_space<vmem>>) offsets(%dma_start3A_412 : memref<40xi32, #tpu.memory_space<vmem>>) semaphore(%arg29 : memref<!tpu.dma_semaphore, #tpu.memory_space<semaphore_mem>>)
      } else {
      }
      %dma_wait3A_380 = tpu.memref_slice %arg21[%mul3A_305] : memref<5000xi32, #tpu.memory_space<vmem>> -> memref<40xi32, #tpu.memory_space<vmem>>
      %dma_wait3A_381 = arith.constant 0 : i32
      %dma_wait3A_382 = arith.constant 0 : i32
      %dma_wait3A_383 = tpu.memref_slice %arg17[%dma_wait3A_381, %dma_wait3A_382] : memref<10000x128xf32, #tpu.memory_space<vmem_shared>> -> memref<10000x128xf32, #tpu.memory_space<vmem_shared>>
      tpu.wait_indirect_dma semaphore(%arg35 : memref<!tpu.dma_semaphore, #tpu.memory_space<semaphore_mem>>) src(%arg25 : memref<40x128xf32, #tpu.memory_space<vmem>>) dst(%dma_wait3A_383 : memref<10000x128xf32, #tpu.memory_space<vmem_shared>>)
      %dma_wait3A_384 = tpu.memref_slice %arg21[%mul3A_305] : memref<5000xi32, #tpu.memory_space<vmem>> -> memref<40xi32, #tpu.memory_space<vmem>>
      %dma_wait3A_385 = arith.constant 0 : i32
      %dma_wait3A_386 = arith.constant 0 : i32
      %dma_wait3A_387 = tpu.memref_slice %arg18[%dma_wait3A_385, %dma_wait3A_386] : memref<10000x16xf32, #tpu.memory_space<vmem_shared>> -> memref<10000x16xf32, #tpu.memory_space<vmem_shared>>
      tpu.wait_indirect_dma semaphore(%arg40 : memref<!tpu.dma_semaphore, #tpu.memory_space<semaphore_mem>>) src(%arg19 : memref<40x16xf32, #tpu.memory_space<vmem>>) dst(%dma_wait3A_387 : memref<10000x16xf32, #tpu.memory_space<vmem_shared>>)
      %lt3A_388 = arith.constant 24 : i32
      %lt3A_389 = arith.cmpi slt, %scan3A_240, %lt3A_388 : i32
      %convert_element_type3A_390 = arith.extui %lt3A_389 : i1 to i32
      %cond3A_391 = arith.constant 0 : i32
      %cond3A_392 = arith.cmpi ne, %convert_element_type3A_390, %cond3A_391 : i32
      scf.if %cond3A_392 {
        %add3A_406 = arith.constant 5 : i32
        %add3A_407 = arith.addi %mul3A_242, %add3A_406 : i32
        %add3A_408 = arith.constant 3 : i32
        %add3A_409 = arith.addi %add3A_407, %add3A_408 : i32
        %mul3A_410 = arith.constant 40 : i32
        %mul3A_411 = arith.muli %add3A_409, %mul3A_410 : i32
        %dma_start3A_412 = tpu.memref_slice %arg20[%mul3A_411] : memref<5000xi32, #tpu.memory_space<vmem>> -> memref<40xi32, #tpu.memory_space<vmem>>
        %dma_start3A_413 = arith.constant 0 : i32
        %dma_start3A_414 = arith.constant 0 : i32
        %dma_start3A_415 = tpu.memref_slice %arg2[%dma_start3A_413, %dma_start3A_414] : memref<10000x128xf32, #tpu.memory_space<hbm>> -> memref<10000x128xf32, #tpu.memory_space<hbm>>
        tpu.enqueue_indirect_dma source(%dma_start3A_415 : memref<10000x128xf32, #tpu.memory_space<hbm>>) target(%arg25 : memref<40x128xf32, #tpu.memory_space<vmem>>) offsets(%dma_start3A_412 : memref<40xi32, #tpu.memory_space<vmem>>) semaphore(%arg30 : memref<!tpu.dma_semaphore, #tpu.memory_space<semaphore_mem>>)
      } else {
      }
      %dma_wait3A_393 = tpu.memref_slice %arg21[%mul3A_325] : memref<5000xi32, #tpu.memory_space<vmem>> -> memref<40xi32, #tpu.memory_space<vmem>>
      %dma_wait3A_394 = arith.constant 0 : i32
      %dma_wait3A_395 = arith.constant 0 : i32
      %dma_wait3A_396 = tpu.memref_slice %arg17[%dma_wait3A_394, %dma_wait3A_395] : memref<10000x128xf32, #tpu.memory_space<vmem_shared>> -> memref<10000x128xf32, #tpu.memory_space<vmem_shared>>
      tpu.wait_indirect_dma semaphore(%arg36 : memref<!tpu.dma_semaphore, #tpu.memory_space<semaphore_mem>>) src(%arg26 : memref<40x128xf32, #tpu.memory_space<vmem>>) dst(%dma_wait3A_396 : memref<10000x128xf32, #tpu.memory_space<vmem_shared>>)
      %dma_wait3A_397 = tpu.memref_slice %arg21[%mul3A_325] : memref<5000xi32, #tpu.memory_space<vmem>> -> memref<40xi32, #tpu.memory_space<vmem>>
      %dma_wait3A_398 = arith.constant 0 : i32
      %dma_wait3A_399 = arith.constant 0 : i32
      %dma_wait3A_400 = tpu.memref_slice %arg18[%dma_wait3A_398, %dma_wait3A_399] : memref<10000x16xf32, #tpu.memory_space<vmem_shared>> -> memref<10000x16xf32, #tpu.memory_space<vmem_shared>>
      tpu.wait_indirect_dma semaphore(%arg41 : memref<!tpu.dma_semaphore, #tpu.memory_space<semaphore_mem>>) src(%arg19 : memref<40x16xf32, #tpu.memory_space<vmem>>) dst(%dma_wait3A_400 : memref<10000x16xf32, #tpu.memory_space<vmem_shared>>)
      %lt3A_401 = arith.constant 24 : i32
      %lt3A_402 = arith.cmpi slt, %scan3A_240, %lt3A_401 : i32
      %convert_element_type3A_403 = arith.extui %lt3A_402 : i1 to i32
      %cond3A_404 = arith.constant 0 : i32
      %cond3A_405 = arith.cmpi ne, %convert_element_type3A_403, %cond3A_404 : i32
      scf.if %cond3A_405 {
        %add3A_406 = arith.constant 5 : i32
        %add3A_407 = arith.addi %mul3A_242, %add3A_406 : i32
        %add3A_408 = arith.constant 4 : i32
        %add3A_409 = arith.addi %add3A_407, %add3A_408 : i32
        %mul3A_410 = arith.constant 40 : i32
        %mul3A_411 = arith.muli %add3A_409, %mul3A_410 : i32
        %dma_start3A_412 = tpu.memref_slice %arg20[%mul3A_411] : memref<5000xi32, #tpu.memory_space<vmem>> -> memref<40xi32, #tpu.memory_space<vmem>>
        %dma_start3A_413 = arith.constant 0 : i32
        %dma_start3A_414 = arith.constant 0 : i32
        %dma_start3A_415 = tpu.memref_slice %arg2[%dma_start3A_413, %dma_start3A_414] : memref<10000x128xf32, #tpu.memory_space<hbm>> -> memref<10000x128xf32, #tpu.memory_space<hbm>>
        tpu.enqueue_indirect_dma source(%dma_start3A_415 : memref<10000x128xf32, #tpu.memory_space<hbm>>) target(%arg26 : memref<40x128xf32, #tpu.memory_space<vmem>>) offsets(%dma_start3A_412 : memref<40xi32, #tpu.memory_space<vmem>>) semaphore(%arg31 : memref<!tpu.dma_semaphore, #tpu.memory_space<semaphore_mem>>)
      } else {
      }
    }
    %scan3A_73 = arith.constant 25 : i32
    %barrier3A_74 = arith.constant 0 : index
    tpu.barrier barrier_id(%barrier3A_74)
    %mul3A_75 = arith.constant 624 : i32
    %mul3A_76 = arith.muli %arg1, %mul3A_75 : i32
    "tpu.region"() ({
      %run_scoped3A_240 = tpu.sem_alloc : memref<!tpu.dma_semaphore, #tpu.memory_space<semaphore_mem>>
      %dma_start3A_241 = arith.constant 0 : i32
      %dma_start3A_242 = tpu.memref_slice %arg11[%arg0, %mul3A_76, %dma_start3A_241] : memref<2x10000x128xf32, #tpu.memory_space<hbm>> -> memref<1x624x128xf32, #tpu.memory_space<hbm>>
      %dma_start3A_243 = tpu.memref_squeeze %dma_start3A_242 : memref<1x624x128xf32, #tpu.memory_space<hbm>> -> memref<624x128xf32, #tpu.memory_space<hbm>>
      %dma_start3A_244 = arith.constant 0 : i32
      %dma_start3A_245 = tpu.memref_slice %arg17[%mul3A_76, %dma_start3A_244] : memref<10000x128xf32, #tpu.memory_space<vmem_shared>> -> memref<624x128xf32, #tpu.memory_space<vmem_shared>>
      tpu.enqueue_dma source(%dma_start3A_245 : memref<624x128xf32, #tpu.memory_space<vmem_shared>>) target(%dma_start3A_243 : memref<624x128xf32, #tpu.memory_space<hbm>>) target_semaphore(%run_scoped3A_240 : memref<!tpu.dma_semaphore, #tpu.memory_space<semaphore_mem>>)
      %dma_wait3A = arith.constant 0 : i32
      %dma_wait3A_246 = tpu.memref_slice %arg11[%arg0, %mul3A_76, %dma_wait3A] : memref<2x10000x128xf32, #tpu.memory_space<hbm>> -> memref<1x624x128xf32, #tpu.memory_space<hbm>>
      %dma_wait3A_247 = tpu.memref_squeeze %dma_wait3A_246 : memref<1x624x128xf32, #tpu.memory_space<hbm>> -> memref<624x128xf32, #tpu.memory_space<hbm>>
      %dma_wait3A_248 = arith.constant 0 : i32
      %dma_wait3A_249 = tpu.memref_slice %arg17[%mul3A_76, %dma_wait3A_248] : memref<10000x128xf32, #tpu.memory_space<vmem_shared>> -> memref<624x128xf32, #tpu.memory_space<vmem_shared>>
      tpu.wait_dma2 semaphore(%run_scoped3A_240 : memref<!tpu.dma_semaphore, #tpu.memory_space<semaphore_mem>>) src(%dma_wait3A_249 : memref<624x128xf32, #tpu.memory_space<vmem_shared>>) dst(%dma_wait3A_247 : memref<624x128xf32, #tpu.memory_space<hbm>>)
      tpu.yield
    }) : () -> ()
    %eq3A = arith.constant 0 : i32
    %eq3A_77 = arith.cmpi eq, %arg1, %eq3A : i32
    %convert_element_type3A = arith.extui %eq3A_77 : i1 to i32
    %cond3A = arith.constant 0 : i32
    %cond3A_78 = arith.cmpi ne, %convert_element_type3A, %cond3A : i32
    scf.if %cond3A_78 {
      "tpu.region"() ({
        %run_scoped3A_240 = tpu.sem_alloc : memref<!tpu.dma_semaphore, #tpu.memory_space<semaphore_mem>>
        %dma_start3A_241 = arith.constant 9984 : i32
        %dma_start3A_242 = arith.constant 0 : i32
        %dma_start3A_243 = tpu.memref_slice %arg11[%arg0, %dma_start3A_241, %dma_start3A_242] : memref<2x10000x128xf32, #tpu.memory_space<hbm>> -> memref<1x16x128xf32, #tpu.memory_space<hbm>>
        %dma_start3A_244 = tpu.memref_squeeze %dma_start3A_243 : memref<1x16x128xf32, #tpu.memory_space<hbm>> -> memref<16x128xf32, #tpu.memory_space<hbm>>
        %dma_start3A_245 = arith.constant 9984 : i32
        %dma_start3A_246 = arith.constant 0 : i32
        %dma_start3A_247 = tpu.memref_slice %arg17[%dma_start3A_245, %dma_start3A_246] : memref<10000x128xf32, #tpu.memory_space<vmem_shared>> -> memref<16x128xf32, #tpu.memory_space<vmem_shared>>
        tpu.enqueue_dma source(%dma_start3A_247 : memref<16x128xf32, #tpu.memory_space<vmem_shared>>) target(%dma_start3A_244 : memref<16x128xf32, #tpu.memory_space<hbm>>) target_semaphore(%run_scoped3A_240 : memref<!tpu.dma_semaphore, #tpu.memory_space<semaphore_mem>>)
        %dma_wait3A = arith.constant 9984 : i32
        %dma_wait3A_248 = arith.constant 0 : i32
        %dma_wait3A_249 = tpu.memref_slice %arg11[%arg0, %dma_wait3A, %dma_wait3A_248] : memref<2x10000x128xf32, #tpu.memory_space<hbm>> -> memref<1x16x128xf32, #tpu.memory_space<hbm>>
        %dma_wait3A_250 = tpu.memref_squeeze %dma_wait3A_249 : memref<1x16x128xf32, #tpu.memory_space<hbm>> -> memref<16x128xf32, #tpu.memory_space<hbm>>
        %dma_wait3A_251 = arith.constant 9984 : i32
        %dma_wait3A_252 = arith.constant 0 : i32
        %dma_wait3A_253 = tpu.memref_slice %arg17[%dma_wait3A_251, %dma_wait3A_252] : memref<10000x128xf32, #tpu.memory_space<vmem_shared>> -> memref<16x128xf32, #tpu.memory_space<vmem_shared>>
        tpu.wait_dma2 semaphore(%run_scoped3A_240 : memref<!tpu.dma_semaphore, #tpu.memory_space<semaphore_mem>>) src(%dma_wait3A_253 : memref<16x128xf32, #tpu.memory_space<vmem_shared>>) dst(%dma_wait3A_250 : memref<16x128xf32, #tpu.memory_space<hbm>>)
        tpu.yield
      }) : () -> ()
    } else {
    }
    "tpu.region"() ({
      %run_scoped3A_240 = tpu.sem_alloc : memref<!tpu.dma_semaphore, #tpu.memory_space<semaphore_mem>>
      %dma_start3A_241 = arith.constant 0 : i32
      %dma_start3A_242 = tpu.memref_slice %arg14[%arg0, %mul3A_2, %dma_start3A_241] : memref<2x10000x16xf32, #tpu.memory_space<hbm>> -> memref<1x625x16xf32, #tpu.memory_space<hbm>>
      %dma_start3A_243 = tpu.memref_squeeze %dma_start3A_242 : memref<1x625x16xf32, #tpu.memory_space<hbm>> -> memref<625x16xf32, #tpu.memory_space<hbm>>
      %dma_start3A_244 = arith.constant 0 : i32
      %dma_start3A_245 = tpu.memref_slice %arg18[%mul3A_2, %dma_start3A_244] : memref<10000x16xf32, #tpu.memory_space<vmem_shared>> -> memref<625x16xf32, #tpu.memory_space<vmem_shared>>
      tpu.enqueue_dma source(%dma_start3A_245 : memref<625x16xf32, #tpu.memory_space<vmem_shared>>) target(%dma_start3A_243 : memref<625x16xf32, #tpu.memory_space<hbm>>) target_semaphore(%run_scoped3A_240 : memref<!tpu.dma_semaphore, #tpu.memory_space<semaphore_mem>>)
      %dma_wait3A = arith.constant 0 : i32
      %dma_wait3A_246 = tpu.memref_slice %arg14[%arg0, %mul3A_2, %dma_wait3A] : memref<2x10000x16xf32, #tpu.memory_space<hbm>> -> memref<1x625x16xf32, #tpu.memory_space<hbm>>
      %dma_wait3A_247 = tpu.memref_squeeze %dma_wait3A_246 : memref<1x625x16xf32, #tpu.memory_space<hbm>> -> memref<625x16xf32, #tpu.memory_space<hbm>>
      %dma_wait3A_248 = arith.constant 0 : i32
      %dma_wait3A_249 = tpu.memref_slice %arg18[%mul3A_2, %dma_wait3A_248] : memref<10000x16xf32, #tpu.memory_space<vmem_shared>> -> memref<625x16xf32, #tpu.memory_space<vmem_shared>>
      tpu.wait_dma2 semaphore(%run_scoped3A_240 : memref<!tpu.dma_semaphore, #tpu.memory_space<semaphore_mem>>) src(%dma_wait3A_249 : memref<625x16xf32, #tpu.memory_space<vmem_shared>>) dst(%dma_wait3A_247 : memref<625x16xf32, #tpu.memory_space<hbm>>)
      tpu.yield
    }) : () -> ()
    %barrier3A_79 = arith.constant 0 : index
    tpu.barrier barrier_id(%barrier3A_79)
    "tpu.region"() ({
      %run_scoped3A_240 = tpu.sem_alloc : memref<!tpu.dma_semaphore, #tpu.memory_space<semaphore_mem>>
      %dma_start3A_241 = arith.constant 0 : i32
      %dma_start3A_242 = tpu.memref_slice %arg17[%mul3A_2, %dma_start3A_241] : memref<10000x128xf32, #tpu.memory_space<vmem_shared>> -> memref<625x128xf32, #tpu.memory_space<vmem_shared>>
      tpu.enqueue_dma source(%arg9 : memref<625x128xf32, #tpu.memory_space<hbm>>) target(%dma_start3A_242 : memref<625x128xf32, #tpu.memory_space<vmem_shared>>) target_semaphore(%run_scoped3A_240 : memref<!tpu.dma_semaphore, #tpu.memory_space<semaphore_mem>>)
      %dma_wait3A = arith.constant 0 : i32
      %dma_wait3A_243 = tpu.memref_slice %arg17[%mul3A_2, %dma_wait3A] : memref<10000x128xf32, #tpu.memory_space<vmem_shared>> -> memref<625x128xf32, #tpu.memory_space<vmem_shared>>
      tpu.wait_dma2 semaphore(%run_scoped3A_240 : memref<!tpu.dma_semaphore, #tpu.memory_space<semaphore_mem>>) src(%arg9 : memref<625x128xf32, #tpu.memory_space<hbm>>) dst(%dma_wait3A_243 : memref<625x128xf32, #tpu.memory_space<vmem_shared>>)
      tpu.yield
    }) : () -> ()
    "tpu.region"() ({
      %run_scoped3A_240 = tpu.sem_alloc : memref<!tpu.dma_semaphore, #tpu.memory_space<semaphore_mem>>
      %dma_start3A_241 = arith.constant 0 : i32
      %dma_start3A_242 = tpu.memref_slice %arg18[%mul3A_2, %dma_start3A_241] : memref<10000x16xf32, #tpu.memory_space<vmem_shared>> -> memref<625x16xf32, #tpu.memory_space<vmem_shared>>
      tpu.enqueue_dma source(%arg10 : memref<625x16xf32, #tpu.memory_space<hbm>>) target(%dma_start3A_242 : memref<625x16xf32, #tpu.memory_space<vmem_shared>>) target_semaphore(%run_scoped3A_240 : memref<!tpu.dma_semaphore, #tpu.memory_space<semaphore_mem>>)
      %dma_wait3A = arith.constant 0 : i32
      %dma_wait3A_243 = tpu.memref_slice %arg18[%mul3A_2, %dma_wait3A] : memref<10000x16xf32, #tpu.memory_space<vmem_shared>> -> memref<625x16xf32, #tpu.memory_space<vmem_shared>>
      tpu.wait_dma2 semaphore(%run_scoped3A_240 : memref<!tpu.dma_semaphore, #tpu.memory_space<semaphore_mem>>) src(%arg10 : memref<625x16xf32, #tpu.memory_space<hbm>>) dst(%dma_wait3A_243 : memref<625x16xf32, #tpu.memory_space<vmem_shared>>)
      tpu.yield
    }) : () -> ()
    %barrier3A_80 = arith.constant 0 : index
    tpu.barrier barrier_id(%barrier3A_80)
    %add3A_81 = arith.constant 0 : i32
    %add3A_82 = arith.addi %mul3A_6, %add3A_81 : i32
    %run_scoped3A_83 = arith.constant 0 : i32
    "tpu.region"() ({
      %run_scoped3A_240 = tpu.sem_alloc : memref<!tpu.dma_semaphore, #tpu.memory_space<semaphore_mem>>
      %dma_start3A_241 = tpu.memref_slice %arg6[%run_scoped3A_83, %add3A_82] : memref<2x320000xi32, #tpu.memory_space<hbm>> -> memref<1x5000xi32, #tpu.memory_space<hbm>>
      %dma_start3A_242 = tpu.memref_squeeze %dma_start3A_241 : memref<1x5000xi32, #tpu.memory_space<hbm>> -> memref<5000xi32, #tpu.memory_space<hbm>>
      %dma_start3A_243 = tpu.memref_slice %arg6[%run_scoped3A_83, %add3A_82] : memref<2x320000xi32, #tpu.memory_space<hbm>> -> memref<1x5000xi32, #tpu.memory_space<hbm>>
      %dma_start3A_244 = tpu.memref_squeeze %dma_start3A_243 : memref<1x5000xi32, #tpu.memory_space<hbm>> -> memref<5000xi32, #tpu.memory_space<hbm>>
      tpu.enqueue_dma source(%dma_start3A_244 : memref<5000xi32, #tpu.memory_space<hbm>>) target(%arg20 : memref<5000xi32, #tpu.memory_space<vmem>>) target_semaphore(%run_scoped3A_240 : memref<!tpu.dma_semaphore, #tpu.memory_space<semaphore_mem>>)
      %dma_wait3A = tpu.memref_slice %arg6[%run_scoped3A_83, %add3A_82] : memref<2x320000xi32, #tpu.memory_space<hbm>> -> memref<1x5000xi32, #tpu.memory_space<hbm>>
      %dma_wait3A_245 = tpu.memref_squeeze %dma_wait3A : memref<1x5000xi32, #tpu.memory_space<hbm>> -> memref<5000xi32, #tpu.memory_space<hbm>>
      %dma_wait3A_246 = tpu.memref_slice %arg6[%run_scoped3A_83, %add3A_82] : memref<2x320000xi32, #tpu.memory_space<hbm>> -> memref<1x5000xi32, #tpu.memory_space<hbm>>
      %dma_wait3A_247 = tpu.memref_squeeze %dma_wait3A_246 : memref<1x5000xi32, #tpu.memory_space<hbm>> -> memref<5000xi32, #tpu.memory_space<hbm>>
      tpu.wait_dma2 semaphore(%run_scoped3A_240 : memref<!tpu.dma_semaphore, #tpu.memory_space<semaphore_mem>>) src(%dma_wait3A_247 : memref<5000xi32, #tpu.memory_space<hbm>>) dst(%arg20 : memref<5000xi32, #tpu.memory_space<vmem>>)
      tpu.yield
    }) : () -> ()
    %run_scoped3A_84 = arith.constant 1 : i32
    "tpu.region"() ({
      %run_scoped3A_240 = tpu.sem_alloc : memref<!tpu.dma_semaphore, #tpu.memory_space<semaphore_mem>>
      %dma_start3A_241 = tpu.memref_slice %arg6[%run_scoped3A_84, %add3A_82] : memref<2x320000xi32, #tpu.memory_space<hbm>> -> memref<1x5000xi32, #tpu.memory_space<hbm>>
      %dma_start3A_242 = tpu.memref_squeeze %dma_start3A_241 : memref<1x5000xi32, #tpu.memory_space<hbm>> -> memref<5000xi32, #tpu.memory_space<hbm>>
      %dma_start3A_243 = tpu.memref_slice %arg6[%run_scoped3A_84, %add3A_82] : memref<2x320000xi32, #tpu.memory_space<hbm>> -> memref<1x5000xi32, #tpu.memory_space<hbm>>
      %dma_start3A_244 = tpu.memref_squeeze %dma_start3A_243 : memref<1x5000xi32, #tpu.memory_space<hbm>> -> memref<5000xi32, #tpu.memory_space<hbm>>
      tpu.enqueue_dma source(%dma_start3A_244 : memref<5000xi32, #tpu.memory_space<hbm>>) target(%arg21 : memref<5000xi32, #tpu.memory_space<vmem>>) target_semaphore(%run_scoped3A_240 : memref<!tpu.dma_semaphore, #tpu.memory_space<semaphore_mem>>)
      %dma_wait3A = tpu.memref_slice %arg6[%run_scoped3A_84, %add3A_82] : memref<2x320000xi32, #tpu.memory_space<hbm>> -> memref<1x5000xi32, #tpu.memory_space<hbm>>
      %dma_wait3A_245 = tpu.memref_squeeze %dma_wait3A : memref<1x5000xi32, #tpu.memory_space<hbm>> -> memref<5000xi32, #tpu.memory_space<hbm>>
      %dma_wait3A_246 = tpu.memref_slice %arg6[%run_scoped3A_84, %add3A_82] : memref<2x320000xi32, #tpu.memory_space<hbm>> -> memref<1x5000xi32, #tpu.memory_space<hbm>>
      %dma_wait3A_247 = tpu.memref_squeeze %dma_wait3A_246 : memref<1x5000xi32, #tpu.memory_space<hbm>> -> memref<5000xi32, #tpu.memory_space<hbm>>
      tpu.wait_dma2 semaphore(%run_scoped3A_240 : memref<!tpu.dma_semaphore, #tpu.memory_space<semaphore_mem>>) src(%dma_wait3A_247 : memref<5000xi32, #tpu.memory_space<hbm>>) dst(%arg21 : memref<5000xi32, #tpu.memory_space<vmem>>)
      tpu.yield
    }) : () -> ()
    %dma_start3A_85 = arith.constant 0 : i32
    %dma_start3A_86 = tpu.memref_slice %arg20[%dma_start3A_85] : memref<5000xi32, #tpu.memory_space<vmem>> -> memref<40xi32, #tpu.memory_space<vmem>>
    %dma_start3A_87 = arith.constant 0 : i32
    %dma_start3A_88 = arith.constant 0 : i32
    %dma_start3A_89 = tpu.memref_slice %arg3[%dma_start3A_87, %dma_start3A_88] : memref<10000x128xf32, #tpu.memory_space<hbm>> -> memref<10000x128xf32, #tpu.memory_space<hbm>>
    tpu.enqueue_indirect_dma source(%dma_start3A_89 : memref<10000x128xf32, #tpu.memory_space<hbm>>) target(%arg22 : memref<40x128xf32, #tpu.memory_space<vmem>>) offsets(%dma_start3A_86 : memref<40xi32, #tpu.memory_space<vmem>>) semaphore(%arg27 : memref<!tpu.dma_semaphore, #tpu.memory_space<semaphore_mem>>)
    %dma_start3A_90 = arith.constant 40 : i32
    %dma_start3A_91 = tpu.memref_slice %arg20[%dma_start3A_90] : memref<5000xi32, #tpu.memory_space<vmem>> -> memref<40xi32, #tpu.memory_space<vmem>>
    %dma_start3A_92 = arith.constant 0 : i32
    %dma_start3A_93 = arith.constant 0 : i32
    %dma_start3A_94 = tpu.memref_slice %arg3[%dma_start3A_92, %dma_start3A_93] : memref<10000x128xf32, #tpu.memory_space<hbm>> -> memref<10000x128xf32, #tpu.memory_space<hbm>>
    tpu.enqueue_indirect_dma source(%dma_start3A_94 : memref<10000x128xf32, #tpu.memory_space<hbm>>) target(%arg23 : memref<40x128xf32, #tpu.memory_space<vmem>>) offsets(%dma_start3A_91 : memref<40xi32, #tpu.memory_space<vmem>>) semaphore(%arg28 : memref<!tpu.dma_semaphore, #tpu.memory_space<semaphore_mem>>)
    %dma_start3A_95 = arith.constant 80 : i32
    %dma_start3A_96 = tpu.memref_slice %arg20[%dma_start3A_95] : memref<5000xi32, #tpu.memory_space<vmem>> -> memref<40xi32, #tpu.memory_space<vmem>>
    %dma_start3A_97 = arith.constant 0 : i32
    %dma_start3A_98 = arith.constant 0 : i32
    %dma_start3A_99 = tpu.memref_slice %arg3[%dma_start3A_97, %dma_start3A_98] : memref<10000x128xf32, #tpu.memory_space<hbm>> -> memref<10000x128xf32, #tpu.memory_space<hbm>>
    tpu.enqueue_indirect_dma source(%dma_start3A_99 : memref<10000x128xf32, #tpu.memory_space<hbm>>) target(%arg24 : memref<40x128xf32, #tpu.memory_space<vmem>>) offsets(%dma_start3A_96 : memref<40xi32, #tpu.memory_space<vmem>>) semaphore(%arg29 : memref<!tpu.dma_semaphore, #tpu.memory_space<semaphore_mem>>)
    %dma_start3A_100 = arith.constant 120 : i32
    %dma_start3A_101 = tpu.memref_slice %arg20[%dma_start3A_100] : memref<5000xi32, #tpu.memory_space<vmem>> -> memref<40xi32, #tpu.memory_space<vmem>>
    %dma_start3A_102 = arith.constant 0 : i32
    %dma_start3A_103 = arith.constant 0 : i32
    %dma_start3A_104 = tpu.memref_slice %arg3[%dma_start3A_102, %dma_start3A_103] : memref<10000x128xf32, #tpu.memory_space<hbm>> -> memref<10000x128xf32, #tpu.memory_space<hbm>>
    tpu.enqueue_indirect_dma source(%dma_start3A_104 : memref<10000x128xf32, #tpu.memory_space<hbm>>) target(%arg25 : memref<40x128xf32, #tpu.memory_space<vmem>>) offsets(%dma_start3A_101 : memref<40xi32, #tpu.memory_space<vmem>>) semaphore(%arg30 : memref<!tpu.dma_semaphore, #tpu.memory_space<semaphore_mem>>)
    %dma_start3A_105 = arith.constant 160 : i32
    %dma_start3A_106 = tpu.memref_slice %arg20[%dma_start3A_105] : memref<5000xi32, #tpu.memory_space<vmem>> -> memref<40xi32, #tpu.memory_space<vmem>>
    %dma_start3A_107 = arith.constant 0 : i32
    %dma_start3A_108 = arith.constant 0 : i32
    %dma_start3A_109 = tpu.memref_slice %arg3[%dma_start3A_107, %dma_start3A_108] : memref<10000x128xf32, #tpu.memory_space<hbm>> -> memref<10000x128xf32, #tpu.memory_space<hbm>>
    tpu.enqueue_indirect_dma source(%dma_start3A_109 : memref<10000x128xf32, #tpu.memory_space<hbm>>) target(%arg26 : memref<40x128xf32, #tpu.memory_space<vmem>>) offsets(%dma_start3A_106 : memref<40xi32, #tpu.memory_space<vmem>>) semaphore(%arg31 : memref<!tpu.dma_semaphore, #tpu.memory_space<semaphore_mem>>)
    %scan3A_110 = arith.constant 0 : i32
    %scan3A_111 = arith.constant 0 : i32
    %scan3A_112 = arith.constant 25 : i32
    %scan3A_113 = arith.addi %scan3A_111, %scan3A_112 : i32
    %scan3A_114 = arith.constant 1 : i32
    scf.for %scan3A_240 = %scan3A_111 to %scan3A_113 step %scan3A_114  : i32 {
      %mul3A_241 = arith.constant 5 : i32
      %mul3A_242 = arith.muli %mul3A_241, %scan3A_240 : i32
      %add3A_243 = arith.constant 0 : i32
      %add3A_244 = arith.addi %mul3A_242, %add3A_243 : i32
      %mul3A_245 = arith.constant 40 : i32
      %mul3A_246 = arith.muli %add3A_244, %mul3A_245 : i32
      %add3A_247 = arith.constant 0 : i32
      %add3A_248 = arith.addi %mul3A_242, %add3A_247 : i32
      %mul3A_249 = arith.constant 40 : i32
      %mul3A_250 = arith.muli %add3A_248, %mul3A_249 : i32
      %dma_wait3A = tpu.memref_slice %arg20[%mul3A_250] : memref<5000xi32, #tpu.memory_space<vmem>> -> memref<40xi32, #tpu.memory_space<vmem>>
      %dma_wait3A_251 = arith.constant 0 : i32
      %dma_wait3A_252 = arith.constant 0 : i32
      %dma_wait3A_253 = tpu.memref_slice %arg3[%dma_wait3A_251, %dma_wait3A_252] : memref<10000x128xf32, #tpu.memory_space<hbm>> -> memref<10000x128xf32, #tpu.memory_space<hbm>>
      tpu.wait_indirect_dma semaphore(%arg27 : memref<!tpu.dma_semaphore, #tpu.memory_space<semaphore_mem>>) src(%dma_wait3A_253 : memref<10000x128xf32, #tpu.memory_space<hbm>>) dst(%arg22 : memref<40x128xf32, #tpu.memory_space<vmem>>)
      %dma_start3A_254 = tpu.memref_slice %arg21[%mul3A_246] : memref<5000xi32, #tpu.memory_space<vmem>> -> memref<40xi32, #tpu.memory_space<vmem>>
      %dma_start3A_255 = arith.constant 0 : i32
      %dma_start3A_256 = arith.constant 0 : i32
      %dma_start3A_257 = tpu.memref_slice %arg17[%dma_start3A_255, %dma_start3A_256] : memref<10000x128xf32, #tpu.memory_space<vmem_shared>> -> memref<10000x128xf32, #tpu.memory_space<vmem_shared>>
      tpu.enqueue_indirect_dma source(%arg22 : memref<40x128xf32, #tpu.memory_space<vmem>>) target(%dma_start3A_257 : memref<10000x128xf32, #tpu.memory_space<vmem_shared>>) offsets(%dma_start3A_254 : memref<40xi32, #tpu.memory_space<vmem>>) semaphore(%arg32 : memref<!tpu.dma_semaphore, #tpu.memory_space<semaphore_mem>>) {add = true}
      %dma_start3A_258 = tpu.memref_slice %arg21[%mul3A_246] : memref<5000xi32, #tpu.memory_space<vmem>> -> memref<40xi32, #tpu.memory_space<vmem>>
      %dma_start3A_259 = arith.constant 0 : i32
      %dma_start3A_260 = arith.constant 0 : i32
      %dma_start3A_261 = tpu.memref_slice %arg18[%dma_start3A_259, %dma_start3A_260] : memref<10000x16xf32, #tpu.memory_space<vmem_shared>> -> memref<10000x16xf32, #tpu.memory_space<vmem_shared>>
      tpu.enqueue_indirect_dma source(%arg19 : memref<40x16xf32, #tpu.memory_space<vmem>>) target(%dma_start3A_261 : memref<10000x16xf32, #tpu.memory_space<vmem_shared>>) offsets(%dma_start3A_258 : memref<40xi32, #tpu.memory_space<vmem>>) semaphore(%arg37 : memref<!tpu.dma_semaphore, #tpu.memory_space<semaphore_mem>>) {add = true}
      %add3A_262 = arith.constant 1 : i32
      %add3A_263 = arith.addi %mul3A_242, %add3A_262 : i32
      %mul3A_264 = arith.constant 40 : i32
      %mul3A_265 = arith.muli %add3A_263, %mul3A_264 : i32
      %add3A_266 = arith.constant 1 : i32
      %add3A_267 = arith.addi %mul3A_242, %add3A_266 : i32
      %mul3A_268 = arith.constant 40 : i32
      %mul3A_269 = arith.muli %add3A_267, %mul3A_268 : i32
      %dma_wait3A_270 = tpu.memref_slice %arg20[%mul3A_269] : memref<5000xi32, #tpu.memory_space<vmem>> -> memref<40xi32, #tpu.memory_space<vmem>>
      %dma_wait3A_271 = arith.constant 0 : i32
      %dma_wait3A_272 = arith.constant 0 : i32
      %dma_wait3A_273 = tpu.memref_slice %arg3[%dma_wait3A_271, %dma_wait3A_272] : memref<10000x128xf32, #tpu.memory_space<hbm>> -> memref<10000x128xf32, #tpu.memory_space<hbm>>
      tpu.wait_indirect_dma semaphore(%arg28 : memref<!tpu.dma_semaphore, #tpu.memory_space<semaphore_mem>>) src(%dma_wait3A_273 : memref<10000x128xf32, #tpu.memory_space<hbm>>) dst(%arg23 : memref<40x128xf32, #tpu.memory_space<vmem>>)
      %dma_start3A_274 = tpu.memref_slice %arg21[%mul3A_265] : memref<5000xi32, #tpu.memory_space<vmem>> -> memref<40xi32, #tpu.memory_space<vmem>>
      %dma_start3A_275 = arith.constant 0 : i32
      %dma_start3A_276 = arith.constant 0 : i32
      %dma_start3A_277 = tpu.memref_slice %arg17[%dma_start3A_275, %dma_start3A_276] : memref<10000x128xf32, #tpu.memory_space<vmem_shared>> -> memref<10000x128xf32, #tpu.memory_space<vmem_shared>>
      tpu.enqueue_indirect_dma source(%arg23 : memref<40x128xf32, #tpu.memory_space<vmem>>) target(%dma_start3A_277 : memref<10000x128xf32, #tpu.memory_space<vmem_shared>>) offsets(%dma_start3A_274 : memref<40xi32, #tpu.memory_space<vmem>>) semaphore(%arg33 : memref<!tpu.dma_semaphore, #tpu.memory_space<semaphore_mem>>) {add = true}
      %dma_start3A_278 = tpu.memref_slice %arg21[%mul3A_265] : memref<5000xi32, #tpu.memory_space<vmem>> -> memref<40xi32, #tpu.memory_space<vmem>>
      %dma_start3A_279 = arith.constant 0 : i32
      %dma_start3A_280 = arith.constant 0 : i32
      %dma_start3A_281 = tpu.memref_slice %arg18[%dma_start3A_279, %dma_start3A_280] : memref<10000x16xf32, #tpu.memory_space<vmem_shared>> -> memref<10000x16xf32, #tpu.memory_space<vmem_shared>>
      tpu.enqueue_indirect_dma source(%arg19 : memref<40x16xf32, #tpu.memory_space<vmem>>) target(%dma_start3A_281 : memref<10000x16xf32, #tpu.memory_space<vmem_shared>>) offsets(%dma_start3A_278 : memref<40xi32, #tpu.memory_space<vmem>>) semaphore(%arg38 : memref<!tpu.dma_semaphore, #tpu.memory_space<semaphore_mem>>) {add = true}
      %add3A_282 = arith.constant 2 : i32
      %add3A_283 = arith.addi %mul3A_242, %add3A_282 : i32
      %mul3A_284 = arith.constant 40 : i32
      %mul3A_285 = arith.muli %add3A_283, %mul3A_284 : i32
      %add3A_286 = arith.constant 2 : i32
      %add3A_287 = arith.addi %mul3A_242, %add3A_286 : i32
      %mul3A_288 = arith.constant 40 : i32
      %mul3A_289 = arith.muli %add3A_287, %mul3A_288 : i32
      %dma_wait3A_290 = tpu.memref_slice %arg20[%mul3A_289] : memref<5000xi32, #tpu.memory_space<vmem>> -> memref<40xi32, #tpu.memory_space<vmem>>
      %dma_wait3A_291 = arith.constant 0 : i32
      %dma_wait3A_292 = arith.constant 0 : i32
      %dma_wait3A_293 = tpu.memref_slice %arg3[%dma_wait3A_291, %dma_wait3A_292] : memref<10000x128xf32, #tpu.memory_space<hbm>> -> memref<10000x128xf32, #tpu.memory_space<hbm>>
      tpu.wait_indirect_dma semaphore(%arg29 : memref<!tpu.dma_semaphore, #tpu.memory_space<semaphore_mem>>) src(%dma_wait3A_293 : memref<10000x128xf32, #tpu.memory_space<hbm>>) dst(%arg24 : memref<40x128xf32, #tpu.memory_space<vmem>>)
      %dma_start3A_294 = tpu.memref_slice %arg21[%mul3A_285] : memref<5000xi32, #tpu.memory_space<vmem>> -> memref<40xi32, #tpu.memory_space<vmem>>
      %dma_start3A_295 = arith.constant 0 : i32
      %dma_start3A_296 = arith.constant 0 : i32
      %dma_start3A_297 = tpu.memref_slice %arg17[%dma_start3A_295, %dma_start3A_296] : memref<10000x128xf32, #tpu.memory_space<vmem_shared>> -> memref<10000x128xf32, #tpu.memory_space<vmem_shared>>
      tpu.enqueue_indirect_dma source(%arg24 : memref<40x128xf32, #tpu.memory_space<vmem>>) target(%dma_start3A_297 : memref<10000x128xf32, #tpu.memory_space<vmem_shared>>) offsets(%dma_start3A_294 : memref<40xi32, #tpu.memory_space<vmem>>) semaphore(%arg34 : memref<!tpu.dma_semaphore, #tpu.memory_space<semaphore_mem>>) {add = true}
      %dma_start3A_298 = tpu.memref_slice %arg21[%mul3A_285] : memref<5000xi32, #tpu.memory_space<vmem>> -> memref<40xi32, #tpu.memory_space<vmem>>
      %dma_start3A_299 = arith.constant 0 : i32
      %dma_start3A_300 = arith.constant 0 : i32
      %dma_start3A_301 = tpu.memref_slice %arg18[%dma_start3A_299, %dma_start3A_300] : memref<10000x16xf32, #tpu.memory_space<vmem_shared>> -> memref<10000x16xf32, #tpu.memory_space<vmem_shared>>
      tpu.enqueue_indirect_dma source(%arg19 : memref<40x16xf32, #tpu.memory_space<vmem>>) target(%dma_start3A_301 : memref<10000x16xf32, #tpu.memory_space<vmem_shared>>) offsets(%dma_start3A_298 : memref<40xi32, #tpu.memory_space<vmem>>) semaphore(%arg39 : memref<!tpu.dma_semaphore, #tpu.memory_space<semaphore_mem>>) {add = true}
      %add3A_302 = arith.constant 3 : i32
      %add3A_303 = arith.addi %mul3A_242, %add3A_302 : i32
      %mul3A_304 = arith.constant 40 : i32
      %mul3A_305 = arith.muli %add3A_303, %mul3A_304 : i32
      %add3A_306 = arith.constant 3 : i32
      %add3A_307 = arith.addi %mul3A_242, %add3A_306 : i32
      %mul3A_308 = arith.constant 40 : i32
      %mul3A_309 = arith.muli %add3A_307, %mul3A_308 : i32
      %dma_wait3A_310 = tpu.memref_slice %arg20[%mul3A_309] : memref<5000xi32, #tpu.memory_space<vmem>> -> memref<40xi32, #tpu.memory_space<vmem>>
      %dma_wait3A_311 = arith.constant 0 : i32
      %dma_wait3A_312 = arith.constant 0 : i32
      %dma_wait3A_313 = tpu.memref_slice %arg3[%dma_wait3A_311, %dma_wait3A_312] : memref<10000x128xf32, #tpu.memory_space<hbm>> -> memref<10000x128xf32, #tpu.memory_space<hbm>>
      tpu.wait_indirect_dma semaphore(%arg30 : memref<!tpu.dma_semaphore, #tpu.memory_space<semaphore_mem>>) src(%dma_wait3A_313 : memref<10000x128xf32, #tpu.memory_space<hbm>>) dst(%arg25 : memref<40x128xf32, #tpu.memory_space<vmem>>)
      %dma_start3A_314 = tpu.memref_slice %arg21[%mul3A_305] : memref<5000xi32, #tpu.memory_space<vmem>> -> memref<40xi32, #tpu.memory_space<vmem>>
      %dma_start3A_315 = arith.constant 0 : i32
      %dma_start3A_316 = arith.constant 0 : i32
      %dma_start3A_317 = tpu.memref_slice %arg17[%dma_start3A_315, %dma_start3A_316] : memref<10000x128xf32, #tpu.memory_space<vmem_shared>> -> memref<10000x128xf32, #tpu.memory_space<vmem_shared>>
      tpu.enqueue_indirect_dma source(%arg25 : memref<40x128xf32, #tpu.memory_space<vmem>>) target(%dma_start3A_317 : memref<10000x128xf32, #tpu.memory_space<vmem_shared>>) offsets(%dma_start3A_314 : memref<40xi32, #tpu.memory_space<vmem>>) semaphore(%arg35 : memref<!tpu.dma_semaphore, #tpu.memory_space<semaphore_mem>>) {add = true}
      %dma_start3A_318 = tpu.memref_slice %arg21[%mul3A_305] : memref<5000xi32, #tpu.memory_space<vmem>> -> memref<40xi32, #tpu.memory_space<vmem>>
      %dma_start3A_319 = arith.constant 0 : i32
      %dma_start3A_320 = arith.constant 0 : i32
      %dma_start3A_321 = tpu.memref_slice %arg18[%dma_start3A_319, %dma_start3A_320] : memref<10000x16xf32, #tpu.memory_space<vmem_shared>> -> memref<10000x16xf32, #tpu.memory_space<vmem_shared>>
      tpu.enqueue_indirect_dma source(%arg19 : memref<40x16xf32, #tpu.memory_space<vmem>>) target(%dma_start3A_321 : memref<10000x16xf32, #tpu.memory_space<vmem_shared>>) offsets(%dma_start3A_318 : memref<40xi32, #tpu.memory_space<vmem>>) semaphore(%arg40 : memref<!tpu.dma_semaphore, #tpu.memory_space<semaphore_mem>>) {add = true}
      %add3A_322 = arith.constant 4 : i32
      %add3A_323 = arith.addi %mul3A_242, %add3A_322 : i32
      %mul3A_324 = arith.constant 40 : i32
      %mul3A_325 = arith.muli %add3A_323, %mul3A_324 : i32
      %add3A_326 = arith.constant 4 : i32
      %add3A_327 = arith.addi %mul3A_242, %add3A_326 : i32
      %mul3A_328 = arith.constant 40 : i32
      %mul3A_329 = arith.muli %add3A_327, %mul3A_328 : i32
      %dma_wait3A_330 = tpu.memref_slice %arg20[%mul3A_329] : memref<5000xi32, #tpu.memory_space<vmem>> -> memref<40xi32, #tpu.memory_space<vmem>>
      %dma_wait3A_331 = arith.constant 0 : i32
      %dma_wait3A_332 = arith.constant 0 : i32
      %dma_wait3A_333 = tpu.memref_slice %arg3[%dma_wait3A_331, %dma_wait3A_332] : memref<10000x128xf32, #tpu.memory_space<hbm>> -> memref<10000x128xf32, #tpu.memory_space<hbm>>
      tpu.wait_indirect_dma semaphore(%arg31 : memref<!tpu.dma_semaphore, #tpu.memory_space<semaphore_mem>>) src(%dma_wait3A_333 : memref<10000x128xf32, #tpu.memory_space<hbm>>) dst(%arg26 : memref<40x128xf32, #tpu.memory_space<vmem>>)
      %dma_start3A_334 = tpu.memref_slice %arg21[%mul3A_325] : memref<5000xi32, #tpu.memory_space<vmem>> -> memref<40xi32, #tpu.memory_space<vmem>>
      %dma_start3A_335 = arith.constant 0 : i32
      %dma_start3A_336 = arith.constant 0 : i32
      %dma_start3A_337 = tpu.memref_slice %arg17[%dma_start3A_335, %dma_start3A_336] : memref<10000x128xf32, #tpu.memory_space<vmem_shared>> -> memref<10000x128xf32, #tpu.memory_space<vmem_shared>>
      tpu.enqueue_indirect_dma source(%arg26 : memref<40x128xf32, #tpu.memory_space<vmem>>) target(%dma_start3A_337 : memref<10000x128xf32, #tpu.memory_space<vmem_shared>>) offsets(%dma_start3A_334 : memref<40xi32, #tpu.memory_space<vmem>>) semaphore(%arg36 : memref<!tpu.dma_semaphore, #tpu.memory_space<semaphore_mem>>) {add = true}
      %dma_start3A_338 = tpu.memref_slice %arg21[%mul3A_325] : memref<5000xi32, #tpu.memory_space<vmem>> -> memref<40xi32, #tpu.memory_space<vmem>>
      %dma_start3A_339 = arith.constant 0 : i32
      %dma_start3A_340 = arith.constant 0 : i32
      %dma_start3A_341 = tpu.memref_slice %arg18[%dma_start3A_339, %dma_start3A_340] : memref<10000x16xf32, #tpu.memory_space<vmem_shared>> -> memref<10000x16xf32, #tpu.memory_space<vmem_shared>>
      tpu.enqueue_indirect_dma source(%arg19 : memref<40x16xf32, #tpu.memory_space<vmem>>) target(%dma_start3A_341 : memref<10000x16xf32, #tpu.memory_space<vmem_shared>>) offsets(%dma_start3A_338 : memref<40xi32, #tpu.memory_space<vmem>>) semaphore(%arg41 : memref<!tpu.dma_semaphore, #tpu.memory_space<semaphore_mem>>) {add = true}
      %dma_wait3A_342 = tpu.memref_slice %arg21[%mul3A_246] : memref<5000xi32, #tpu.memory_space<vmem>> -> memref<40xi32, #tpu.memory_space<vmem>>
      %dma_wait3A_343 = arith.constant 0 : i32
      %dma_wait3A_344 = arith.constant 0 : i32
      %dma_wait3A_345 = tpu.memref_slice %arg17[%dma_wait3A_343, %dma_wait3A_344] : memref<10000x128xf32, #tpu.memory_space<vmem_shared>> -> memref<10000x128xf32, #tpu.memory_space<vmem_shared>>
      tpu.wait_indirect_dma semaphore(%arg32 : memref<!tpu.dma_semaphore, #tpu.memory_space<semaphore_mem>>) src(%arg22 : memref<40x128xf32, #tpu.memory_space<vmem>>) dst(%dma_wait3A_345 : memref<10000x128xf32, #tpu.memory_space<vmem_shared>>)
      %dma_wait3A_346 = tpu.memref_slice %arg21[%mul3A_246] : memref<5000xi32, #tpu.memory_space<vmem>> -> memref<40xi32, #tpu.memory_space<vmem>>
      %dma_wait3A_347 = arith.constant 0 : i32
      %dma_wait3A_348 = arith.constant 0 : i32
      %dma_wait3A_349 = tpu.memref_slice %arg18[%dma_wait3A_347, %dma_wait3A_348] : memref<10000x16xf32, #tpu.memory_space<vmem_shared>> -> memref<10000x16xf32, #tpu.memory_space<vmem_shared>>
      tpu.wait_indirect_dma semaphore(%arg37 : memref<!tpu.dma_semaphore, #tpu.memory_space<semaphore_mem>>) src(%arg19 : memref<40x16xf32, #tpu.memory_space<vmem>>) dst(%dma_wait3A_349 : memref<10000x16xf32, #tpu.memory_space<vmem_shared>>)
      %lt3A = arith.constant 24 : i32
      %lt3A_350 = arith.cmpi slt, %scan3A_240, %lt3A : i32
      %convert_element_type3A_351 = arith.extui %lt3A_350 : i1 to i32
      %cond3A_352 = arith.constant 0 : i32
      %cond3A_353 = arith.cmpi ne, %convert_element_type3A_351, %cond3A_352 : i32
      scf.if %cond3A_353 {
        %add3A_406 = arith.constant 5 : i32
        %add3A_407 = arith.addi %mul3A_242, %add3A_406 : i32
        %add3A_408 = arith.constant 0 : i32
        %add3A_409 = arith.addi %add3A_407, %add3A_408 : i32
        %mul3A_410 = arith.constant 40 : i32
        %mul3A_411 = arith.muli %add3A_409, %mul3A_410 : i32
        %dma_start3A_412 = tpu.memref_slice %arg20[%mul3A_411] : memref<5000xi32, #tpu.memory_space<vmem>> -> memref<40xi32, #tpu.memory_space<vmem>>
        %dma_start3A_413 = arith.constant 0 : i32
        %dma_start3A_414 = arith.constant 0 : i32
        %dma_start3A_415 = tpu.memref_slice %arg3[%dma_start3A_413, %dma_start3A_414] : memref<10000x128xf32, #tpu.memory_space<hbm>> -> memref<10000x128xf32, #tpu.memory_space<hbm>>
        tpu.enqueue_indirect_dma source(%dma_start3A_415 : memref<10000x128xf32, #tpu.memory_space<hbm>>) target(%arg22 : memref<40x128xf32, #tpu.memory_space<vmem>>) offsets(%dma_start3A_412 : memref<40xi32, #tpu.memory_space<vmem>>) semaphore(%arg27 : memref<!tpu.dma_semaphore, #tpu.memory_space<semaphore_mem>>)
      } else {
      }
      %dma_wait3A_354 = tpu.memref_slice %arg21[%mul3A_265] : memref<5000xi32, #tpu.memory_space<vmem>> -> memref<40xi32, #tpu.memory_space<vmem>>
      %dma_wait3A_355 = arith.constant 0 : i32
      %dma_wait3A_356 = arith.constant 0 : i32
      %dma_wait3A_357 = tpu.memref_slice %arg17[%dma_wait3A_355, %dma_wait3A_356] : memref<10000x128xf32, #tpu.memory_space<vmem_shared>> -> memref<10000x128xf32, #tpu.memory_space<vmem_shared>>
      tpu.wait_indirect_dma semaphore(%arg33 : memref<!tpu.dma_semaphore, #tpu.memory_space<semaphore_mem>>) src(%arg23 : memref<40x128xf32, #tpu.memory_space<vmem>>) dst(%dma_wait3A_357 : memref<10000x128xf32, #tpu.memory_space<vmem_shared>>)
      %dma_wait3A_358 = tpu.memref_slice %arg21[%mul3A_265] : memref<5000xi32, #tpu.memory_space<vmem>> -> memref<40xi32, #tpu.memory_space<vmem>>
      %dma_wait3A_359 = arith.constant 0 : i32
      %dma_wait3A_360 = arith.constant 0 : i32
      %dma_wait3A_361 = tpu.memref_slice %arg18[%dma_wait3A_359, %dma_wait3A_360] : memref<10000x16xf32, #tpu.memory_space<vmem_shared>> -> memref<10000x16xf32, #tpu.memory_space<vmem_shared>>
      tpu.wait_indirect_dma semaphore(%arg38 : memref<!tpu.dma_semaphore, #tpu.memory_space<semaphore_mem>>) src(%arg19 : memref<40x16xf32, #tpu.memory_space<vmem>>) dst(%dma_wait3A_361 : memref<10000x16xf32, #tpu.memory_space<vmem_shared>>)
      %lt3A_362 = arith.constant 24 : i32
      %lt3A_363 = arith.cmpi slt, %scan3A_240, %lt3A_362 : i32
      %convert_element_type3A_364 = arith.extui %lt3A_363 : i1 to i32
      %cond3A_365 = arith.constant 0 : i32
      %cond3A_366 = arith.cmpi ne, %convert_element_type3A_364, %cond3A_365 : i32
      scf.if %cond3A_366 {
        %add3A_406 = arith.constant 5 : i32
        %add3A_407 = arith.addi %mul3A_242, %add3A_406 : i32
        %add3A_408 = arith.constant 1 : i32
        %add3A_409 = arith.addi %add3A_407, %add3A_408 : i32
        %mul3A_410 = arith.constant 40 : i32
        %mul3A_411 = arith.muli %add3A_409, %mul3A_410 : i32
        %dma_start3A_412 = tpu.memref_slice %arg20[%mul3A_411] : memref<5000xi32, #tpu.memory_space<vmem>> -> memref<40xi32, #tpu.memory_space<vmem>>
        %dma_start3A_413 = arith.constant 0 : i32
        %dma_start3A_414 = arith.constant 0 : i32
        %dma_start3A_415 = tpu.memref_slice %arg3[%dma_start3A_413, %dma_start3A_414] : memref<10000x128xf32, #tpu.memory_space<hbm>> -> memref<10000x128xf32, #tpu.memory_space<hbm>>
        tpu.enqueue_indirect_dma source(%dma_start3A_415 : memref<10000x128xf32, #tpu.memory_space<hbm>>) target(%arg23 : memref<40x128xf32, #tpu.memory_space<vmem>>) offsets(%dma_start3A_412 : memref<40xi32, #tpu.memory_space<vmem>>) semaphore(%arg28 : memref<!tpu.dma_semaphore, #tpu.memory_space<semaphore_mem>>)
      } else {
      }
      %dma_wait3A_367 = tpu.memref_slice %arg21[%mul3A_285] : memref<5000xi32, #tpu.memory_space<vmem>> -> memref<40xi32, #tpu.memory_space<vmem>>
      %dma_wait3A_368 = arith.constant 0 : i32
      %dma_wait3A_369 = arith.constant 0 : i32
      %dma_wait3A_370 = tpu.memref_slice %arg17[%dma_wait3A_368, %dma_wait3A_369] : memref<10000x128xf32, #tpu.memory_space<vmem_shared>> -> memref<10000x128xf32, #tpu.memory_space<vmem_shared>>
      tpu.wait_indirect_dma semaphore(%arg34 : memref<!tpu.dma_semaphore, #tpu.memory_space<semaphore_mem>>) src(%arg24 : memref<40x128xf32, #tpu.memory_space<vmem>>) dst(%dma_wait3A_370 : memref<10000x128xf32, #tpu.memory_space<vmem_shared>>)
      %dma_wait3A_371 = tpu.memref_slice %arg21[%mul3A_285] : memref<5000xi32, #tpu.memory_space<vmem>> -> memref<40xi32, #tpu.memory_space<vmem>>
      %dma_wait3A_372 = arith.constant 0 : i32
      %dma_wait3A_373 = arith.constant 0 : i32
      %dma_wait3A_374 = tpu.memref_slice %arg18[%dma_wait3A_372, %dma_wait3A_373] : memref<10000x16xf32, #tpu.memory_space<vmem_shared>> -> memref<10000x16xf32, #tpu.memory_space<vmem_shared>>
      tpu.wait_indirect_dma semaphore(%arg39 : memref<!tpu.dma_semaphore, #tpu.memory_space<semaphore_mem>>) src(%arg19 : memref<40x16xf32, #tpu.memory_space<vmem>>) dst(%dma_wait3A_374 : memref<10000x16xf32, #tpu.memory_space<vmem_shared>>)
      %lt3A_375 = arith.constant 24 : i32
      %lt3A_376 = arith.cmpi slt, %scan3A_240, %lt3A_375 : i32
      %convert_element_type3A_377 = arith.extui %lt3A_376 : i1 to i32
      %cond3A_378 = arith.constant 0 : i32
      %cond3A_379 = arith.cmpi ne, %convert_element_type3A_377, %cond3A_378 : i32
      scf.if %cond3A_379 {
        %add3A_406 = arith.constant 5 : i32
        %add3A_407 = arith.addi %mul3A_242, %add3A_406 : i32
        %add3A_408 = arith.constant 2 : i32
        %add3A_409 = arith.addi %add3A_407, %add3A_408 : i32
        %mul3A_410 = arith.constant 40 : i32
        %mul3A_411 = arith.muli %add3A_409, %mul3A_410 : i32
        %dma_start3A_412 = tpu.memref_slice %arg20[%mul3A_411] : memref<5000xi32, #tpu.memory_space<vmem>> -> memref<40xi32, #tpu.memory_space<vmem>>
        %dma_start3A_413 = arith.constant 0 : i32
        %dma_start3A_414 = arith.constant 0 : i32
        %dma_start3A_415 = tpu.memref_slice %arg3[%dma_start3A_413, %dma_start3A_414] : memref<10000x128xf32, #tpu.memory_space<hbm>> -> memref<10000x128xf32, #tpu.memory_space<hbm>>
        tpu.enqueue_indirect_dma source(%dma_start3A_415 : memref<10000x128xf32, #tpu.memory_space<hbm>>) target(%arg24 : memref<40x128xf32, #tpu.memory_space<vmem>>) offsets(%dma_start3A_412 : memref<40xi32, #tpu.memory_space<vmem>>) semaphore(%arg29 : memref<!tpu.dma_semaphore, #tpu.memory_space<semaphore_mem>>)
      } else {
      }
      %dma_wait3A_380 = tpu.memref_slice %arg21[%mul3A_305] : memref<5000xi32, #tpu.memory_space<vmem>> -> memref<40xi32, #tpu.memory_space<vmem>>
      %dma_wait3A_381 = arith.constant 0 : i32
      %dma_wait3A_382 = arith.constant 0 : i32
      %dma_wait3A_383 = tpu.memref_slice %arg17[%dma_wait3A_381, %dma_wait3A_382] : memref<10000x128xf32, #tpu.memory_space<vmem_shared>> -> memref<10000x128xf32, #tpu.memory_space<vmem_shared>>
      tpu.wait_indirect_dma semaphore(%arg35 : memref<!tpu.dma_semaphore, #tpu.memory_space<semaphore_mem>>) src(%arg25 : memref<40x128xf32, #tpu.memory_space<vmem>>) dst(%dma_wait3A_383 : memref<10000x128xf32, #tpu.memory_space<vmem_shared>>)
      %dma_wait3A_384 = tpu.memref_slice %arg21[%mul3A_305] : memref<5000xi32, #tpu.memory_space<vmem>> -> memref<40xi32, #tpu.memory_space<vmem>>
      %dma_wait3A_385 = arith.constant 0 : i32
      %dma_wait3A_386 = arith.constant 0 : i32
      %dma_wait3A_387 = tpu.memref_slice %arg18[%dma_wait3A_385, %dma_wait3A_386] : memref<10000x16xf32, #tpu.memory_space<vmem_shared>> -> memref<10000x16xf32, #tpu.memory_space<vmem_shared>>
      tpu.wait_indirect_dma semaphore(%arg40 : memref<!tpu.dma_semaphore, #tpu.memory_space<semaphore_mem>>) src(%arg19 : memref<40x16xf32, #tpu.memory_space<vmem>>) dst(%dma_wait3A_387 : memref<10000x16xf32, #tpu.memory_space<vmem_shared>>)
      %lt3A_388 = arith.constant 24 : i32
      %lt3A_389 = arith.cmpi slt, %scan3A_240, %lt3A_388 : i32
      %convert_element_type3A_390 = arith.extui %lt3A_389 : i1 to i32
      %cond3A_391 = arith.constant 0 : i32
      %cond3A_392 = arith.cmpi ne, %convert_element_type3A_390, %cond3A_391 : i32
      scf.if %cond3A_392 {
        %add3A_406 = arith.constant 5 : i32
        %add3A_407 = arith.addi %mul3A_242, %add3A_406 : i32
        %add3A_408 = arith.constant 3 : i32
        %add3A_409 = arith.addi %add3A_407, %add3A_408 : i32
        %mul3A_410 = arith.constant 40 : i32
        %mul3A_411 = arith.muli %add3A_409, %mul3A_410 : i32
        %dma_start3A_412 = tpu.memref_slice %arg20[%mul3A_411] : memref<5000xi32, #tpu.memory_space<vmem>> -> memref<40xi32, #tpu.memory_space<vmem>>
        %dma_start3A_413 = arith.constant 0 : i32
        %dma_start3A_414 = arith.constant 0 : i32
        %dma_start3A_415 = tpu.memref_slice %arg3[%dma_start3A_413, %dma_start3A_414] : memref<10000x128xf32, #tpu.memory_space<hbm>> -> memref<10000x128xf32, #tpu.memory_space<hbm>>
        tpu.enqueue_indirect_dma source(%dma_start3A_415 : memref<10000x128xf32, #tpu.memory_space<hbm>>) target(%arg25 : memref<40x128xf32, #tpu.memory_space<vmem>>) offsets(%dma_start3A_412 : memref<40xi32, #tpu.memory_space<vmem>>) semaphore(%arg30 : memref<!tpu.dma_semaphore, #tpu.memory_space<semaphore_mem>>)
      } else {
      }
      %dma_wait3A_393 = tpu.memref_slice %arg21[%mul3A_325] : memref<5000xi32, #tpu.memory_space<vmem>> -> memref<40xi32, #tpu.memory_space<vmem>>
      %dma_wait3A_394 = arith.constant 0 : i32
      %dma_wait3A_395 = arith.constant 0 : i32
      %dma_wait3A_396 = tpu.memref_slice %arg17[%dma_wait3A_394, %dma_wait3A_395] : memref<10000x128xf32, #tpu.memory_space<vmem_shared>> -> memref<10000x128xf32, #tpu.memory_space<vmem_shared>>
      tpu.wait_indirect_dma semaphore(%arg36 : memref<!tpu.dma_semaphore, #tpu.memory_space<semaphore_mem>>) src(%arg26 : memref<40x128xf32, #tpu.memory_space<vmem>>) dst(%dma_wait3A_396 : memref<10000x128xf32, #tpu.memory_space<vmem_shared>>)
      %dma_wait3A_397 = tpu.memref_slice %arg21[%mul3A_325] : memref<5000xi32, #tpu.memory_space<vmem>> -> memref<40xi32, #tpu.memory_space<vmem>>
      %dma_wait3A_398 = arith.constant 0 : i32
      %dma_wait3A_399 = arith.constant 0 : i32
      %dma_wait3A_400 = tpu.memref_slice %arg18[%dma_wait3A_398, %dma_wait3A_399] : memref<10000x16xf32, #tpu.memory_space<vmem_shared>> -> memref<10000x16xf32, #tpu.memory_space<vmem_shared>>
      tpu.wait_indirect_dma semaphore(%arg41 : memref<!tpu.dma_semaphore, #tpu.memory_space<semaphore_mem>>) src(%arg19 : memref<40x16xf32, #tpu.memory_space<vmem>>) dst(%dma_wait3A_400 : memref<10000x16xf32, #tpu.memory_space<vmem_shared>>)
      %lt3A_401 = arith.constant 24 : i32
      %lt3A_402 = arith.cmpi slt, %scan3A_240, %lt3A_401 : i32
      %convert_element_type3A_403 = arith.extui %lt3A_402 : i1 to i32
      %cond3A_404 = arith.constant 0 : i32
      %cond3A_405 = arith.cmpi ne, %convert_element_type3A_403, %cond3A_404 : i32
      scf.if %cond3A_405 {
        %add3A_406 = arith.constant 5 : i32
        %add3A_407 = arith.addi %mul3A_242, %add3A_406 : i32
        %add3A_408 = arith.constant 4 : i32
        %add3A_409 = arith.addi %add3A_407, %add3A_408 : i32
        %mul3A_410 = arith.constant 40 : i32
        %mul3A_411 = arith.muli %add3A_409, %mul3A_410 : i32
        %dma_start3A_412 = tpu.memref_slice %arg20[%mul3A_411] : memref<5000xi32, #tpu.memory_space<vmem>> -> memref<40xi32, #tpu.memory_space<vmem>>
        %dma_start3A_413 = arith.constant 0 : i32
        %dma_start3A_414 = arith.constant 0 : i32
        %dma_start3A_415 = tpu.memref_slice %arg3[%dma_start3A_413, %dma_start3A_414] : memref<10000x128xf32, #tpu.memory_space<hbm>> -> memref<10000x128xf32, #tpu.memory_space<hbm>>
        tpu.enqueue_indirect_dma source(%dma_start3A_415 : memref<10000x128xf32, #tpu.memory_space<hbm>>) target(%arg26 : memref<40x128xf32, #tpu.memory_space<vmem>>) offsets(%dma_start3A_412 : memref<40xi32, #tpu.memory_space<vmem>>) semaphore(%arg31 : memref<!tpu.dma_semaphore, #tpu.memory_space<semaphore_mem>>)
      } else {
      }
    }
    %scan3A_115 = arith.constant 25 : i32
    %add3A_116 = arith.constant 5000 : i32
    %add3A_117 = arith.addi %mul3A_6, %add3A_116 : i32
    %run_scoped3A_118 = arith.constant 0 : i32
    "tpu.region"() ({
      %run_scoped3A_240 = tpu.sem_alloc : memref<!tpu.dma_semaphore, #tpu.memory_space<semaphore_mem>>
      %dma_start3A_241 = tpu.memref_slice %arg6[%run_scoped3A_118, %add3A_117] : memref<2x320000xi32, #tpu.memory_space<hbm>> -> memref<1x5000xi32, #tpu.memory_space<hbm>>
      %dma_start3A_242 = tpu.memref_squeeze %dma_start3A_241 : memref<1x5000xi32, #tpu.memory_space<hbm>> -> memref<5000xi32, #tpu.memory_space<hbm>>
      %dma_start3A_243 = tpu.memref_slice %arg6[%run_scoped3A_118, %add3A_117] : memref<2x320000xi32, #tpu.memory_space<hbm>> -> memref<1x5000xi32, #tpu.memory_space<hbm>>
      %dma_start3A_244 = tpu.memref_squeeze %dma_start3A_243 : memref<1x5000xi32, #tpu.memory_space<hbm>> -> memref<5000xi32, #tpu.memory_space<hbm>>
      tpu.enqueue_dma source(%dma_start3A_244 : memref<5000xi32, #tpu.memory_space<hbm>>) target(%arg20 : memref<5000xi32, #tpu.memory_space<vmem>>) target_semaphore(%run_scoped3A_240 : memref<!tpu.dma_semaphore, #tpu.memory_space<semaphore_mem>>)
      %dma_wait3A = tpu.memref_slice %arg6[%run_scoped3A_118, %add3A_117] : memref<2x320000xi32, #tpu.memory_space<hbm>> -> memref<1x5000xi32, #tpu.memory_space<hbm>>
      %dma_wait3A_245 = tpu.memref_squeeze %dma_wait3A : memref<1x5000xi32, #tpu.memory_space<hbm>> -> memref<5000xi32, #tpu.memory_space<hbm>>
      %dma_wait3A_246 = tpu.memref_slice %arg6[%run_scoped3A_118, %add3A_117] : memref<2x320000xi32, #tpu.memory_space<hbm>> -> memref<1x5000xi32, #tpu.memory_space<hbm>>
      %dma_wait3A_247 = tpu.memref_squeeze %dma_wait3A_246 : memref<1x5000xi32, #tpu.memory_space<hbm>> -> memref<5000xi32, #tpu.memory_space<hbm>>
      tpu.wait_dma2 semaphore(%run_scoped3A_240 : memref<!tpu.dma_semaphore, #tpu.memory_space<semaphore_mem>>) src(%dma_wait3A_247 : memref<5000xi32, #tpu.memory_space<hbm>>) dst(%arg20 : memref<5000xi32, #tpu.memory_space<vmem>>)
      tpu.yield
    }) : () -> ()
    %run_scoped3A_119 = arith.constant 1 : i32
    "tpu.region"() ({
      %run_scoped3A_240 = tpu.sem_alloc : memref<!tpu.dma_semaphore, #tpu.memory_space<semaphore_mem>>
      %dma_start3A_241 = tpu.memref_slice %arg6[%run_scoped3A_119, %add3A_117] : memref<2x320000xi32, #tpu.memory_space<hbm>> -> memref<1x5000xi32, #tpu.memory_space<hbm>>
      %dma_start3A_242 = tpu.memref_squeeze %dma_start3A_241 : memref<1x5000xi32, #tpu.memory_space<hbm>> -> memref<5000xi32, #tpu.memory_space<hbm>>
      %dma_start3A_243 = tpu.memref_slice %arg6[%run_scoped3A_119, %add3A_117] : memref<2x320000xi32, #tpu.memory_space<hbm>> -> memref<1x5000xi32, #tpu.memory_space<hbm>>
      %dma_start3A_244 = tpu.memref_squeeze %dma_start3A_243 : memref<1x5000xi32, #tpu.memory_space<hbm>> -> memref<5000xi32, #tpu.memory_space<hbm>>
      tpu.enqueue_dma source(%dma_start3A_244 : memref<5000xi32, #tpu.memory_space<hbm>>) target(%arg21 : memref<5000xi32, #tpu.memory_space<vmem>>) target_semaphore(%run_scoped3A_240 : memref<!tpu.dma_semaphore, #tpu.memory_space<semaphore_mem>>)
      %dma_wait3A = tpu.memref_slice %arg6[%run_scoped3A_119, %add3A_117] : memref<2x320000xi32, #tpu.memory_space<hbm>> -> memref<1x5000xi32, #tpu.memory_space<hbm>>
      %dma_wait3A_245 = tpu.memref_squeeze %dma_wait3A : memref<1x5000xi32, #tpu.memory_space<hbm>> -> memref<5000xi32, #tpu.memory_space<hbm>>
      %dma_wait3A_246 = tpu.memref_slice %arg6[%run_scoped3A_119, %add3A_117] : memref<2x320000xi32, #tpu.memory_space<hbm>> -> memref<1x5000xi32, #tpu.memory_space<hbm>>
      %dma_wait3A_247 = tpu.memref_squeeze %dma_wait3A_246 : memref<1x5000xi32, #tpu.memory_space<hbm>> -> memref<5000xi32, #tpu.memory_space<hbm>>
      tpu.wait_dma2 semaphore(%run_scoped3A_240 : memref<!tpu.dma_semaphore, #tpu.memory_space<semaphore_mem>>) src(%dma_wait3A_247 : memref<5000xi32, #tpu.memory_space<hbm>>) dst(%arg21 : memref<5000xi32, #tpu.memory_space<vmem>>)
      tpu.yield
    }) : () -> ()
    %dma_start3A_120 = arith.constant 0 : i32
    %dma_start3A_121 = tpu.memref_slice %arg20[%dma_start3A_120] : memref<5000xi32, #tpu.memory_space<vmem>> -> memref<40xi32, #tpu.memory_space<vmem>>
    %dma_start3A_122 = arith.constant 0 : i32
    %dma_start3A_123 = arith.constant 0 : i32
    %dma_start3A_124 = tpu.memref_slice %arg3[%dma_start3A_122, %dma_start3A_123] : memref<10000x128xf32, #tpu.memory_space<hbm>> -> memref<10000x128xf32, #tpu.memory_space<hbm>>
    tpu.enqueue_indirect_dma source(%dma_start3A_124 : memref<10000x128xf32, #tpu.memory_space<hbm>>) target(%arg22 : memref<40x128xf32, #tpu.memory_space<vmem>>) offsets(%dma_start3A_121 : memref<40xi32, #tpu.memory_space<vmem>>) semaphore(%arg27 : memref<!tpu.dma_semaphore, #tpu.memory_space<semaphore_mem>>)
    %dma_start3A_125 = arith.constant 40 : i32
    %dma_start3A_126 = tpu.memref_slice %arg20[%dma_start3A_125] : memref<5000xi32, #tpu.memory_space<vmem>> -> memref<40xi32, #tpu.memory_space<vmem>>
    %dma_start3A_127 = arith.constant 0 : i32
    %dma_start3A_128 = arith.constant 0 : i32
    %dma_start3A_129 = tpu.memref_slice %arg3[%dma_start3A_127, %dma_start3A_128] : memref<10000x128xf32, #tpu.memory_space<hbm>> -> memref<10000x128xf32, #tpu.memory_space<hbm>>
    tpu.enqueue_indirect_dma source(%dma_start3A_129 : memref<10000x128xf32, #tpu.memory_space<hbm>>) target(%arg23 : memref<40x128xf32, #tpu.memory_space<vmem>>) offsets(%dma_start3A_126 : memref<40xi32, #tpu.memory_space<vmem>>) semaphore(%arg28 : memref<!tpu.dma_semaphore, #tpu.memory_space<semaphore_mem>>)
    %dma_start3A_130 = arith.constant 80 : i32
    %dma_start3A_131 = tpu.memref_slice %arg20[%dma_start3A_130] : memref<5000xi32, #tpu.memory_space<vmem>> -> memref<40xi32, #tpu.memory_space<vmem>>
    %dma_start3A_132 = arith.constant 0 : i32
    %dma_start3A_133 = arith.constant 0 : i32
    %dma_start3A_134 = tpu.memref_slice %arg3[%dma_start3A_132, %dma_start3A_133] : memref<10000x128xf32, #tpu.memory_space<hbm>> -> memref<10000x128xf32, #tpu.memory_space<hbm>>
    tpu.enqueue_indirect_dma source(%dma_start3A_134 : memref<10000x128xf32, #tpu.memory_space<hbm>>) target(%arg24 : memref<40x128xf32, #tpu.memory_space<vmem>>) offsets(%dma_start3A_131 : memref<40xi32, #tpu.memory_space<vmem>>) semaphore(%arg29 : memref<!tpu.dma_semaphore, #tpu.memory_space<semaphore_mem>>)
    %dma_start3A_135 = arith.constant 120 : i32
    %dma_start3A_136 = tpu.memref_slice %arg20[%dma_start3A_135] : memref<5000xi32, #tpu.memory_space<vmem>> -> memref<40xi32, #tpu.memory_space<vmem>>
    %dma_start3A_137 = arith.constant 0 : i32
    %dma_start3A_138 = arith.constant 0 : i32
    %dma_start3A_139 = tpu.memref_slice %arg3[%dma_start3A_137, %dma_start3A_138] : memref<10000x128xf32, #tpu.memory_space<hbm>> -> memref<10000x128xf32, #tpu.memory_space<hbm>>
    tpu.enqueue_indirect_dma source(%dma_start3A_139 : memref<10000x128xf32, #tpu.memory_space<hbm>>) target(%arg25 : memref<40x128xf32, #tpu.memory_space<vmem>>) offsets(%dma_start3A_136 : memref<40xi32, #tpu.memory_space<vmem>>) semaphore(%arg30 : memref<!tpu.dma_semaphore, #tpu.memory_space<semaphore_mem>>)
    %dma_start3A_140 = arith.constant 160 : i32
    %dma_start3A_141 = tpu.memref_slice %arg20[%dma_start3A_140] : memref<5000xi32, #tpu.memory_space<vmem>> -> memref<40xi32, #tpu.memory_space<vmem>>
    %dma_start3A_142 = arith.constant 0 : i32
    %dma_start3A_143 = arith.constant 0 : i32
    %dma_start3A_144 = tpu.memref_slice %arg3[%dma_start3A_142, %dma_start3A_143] : memref<10000x128xf32, #tpu.memory_space<hbm>> -> memref<10000x128xf32, #tpu.memory_space<hbm>>
    tpu.enqueue_indirect_dma source(%dma_start3A_144 : memref<10000x128xf32, #tpu.memory_space<hbm>>) target(%arg26 : memref<40x128xf32, #tpu.memory_space<vmem>>) offsets(%dma_start3A_141 : memref<40xi32, #tpu.memory_space<vmem>>) semaphore(%arg31 : memref<!tpu.dma_semaphore, #tpu.memory_space<semaphore_mem>>)
    %scan3A_145 = arith.constant 0 : i32
    %scan3A_146 = arith.constant 0 : i32
    %scan3A_147 = arith.constant 25 : i32
    %scan3A_148 = arith.addi %scan3A_146, %scan3A_147 : i32
    %scan3A_149 = arith.constant 1 : i32
    scf.for %scan3A_240 = %scan3A_146 to %scan3A_148 step %scan3A_149  : i32 {
      %mul3A_241 = arith.constant 5 : i32
      %mul3A_242 = arith.muli %mul3A_241, %scan3A_240 : i32
      %add3A_243 = arith.constant 0 : i32
      %add3A_244 = arith.addi %mul3A_242, %add3A_243 : i32
      %mul3A_245 = arith.constant 40 : i32
      %mul3A_246 = arith.muli %add3A_244, %mul3A_245 : i32
      %add3A_247 = arith.constant 0 : i32
      %add3A_248 = arith.addi %mul3A_242, %add3A_247 : i32
      %mul3A_249 = arith.constant 40 : i32
      %mul3A_250 = arith.muli %add3A_248, %mul3A_249 : i32
      %dma_wait3A = tpu.memref_slice %arg20[%mul3A_250] : memref<5000xi32, #tpu.memory_space<vmem>> -> memref<40xi32, #tpu.memory_space<vmem>>
      %dma_wait3A_251 = arith.constant 0 : i32
      %dma_wait3A_252 = arith.constant 0 : i32
      %dma_wait3A_253 = tpu.memref_slice %arg3[%dma_wait3A_251, %dma_wait3A_252] : memref<10000x128xf32, #tpu.memory_space<hbm>> -> memref<10000x128xf32, #tpu.memory_space<hbm>>
      tpu.wait_indirect_dma semaphore(%arg27 : memref<!tpu.dma_semaphore, #tpu.memory_space<semaphore_mem>>) src(%dma_wait3A_253 : memref<10000x128xf32, #tpu.memory_space<hbm>>) dst(%arg22 : memref<40x128xf32, #tpu.memory_space<vmem>>)
      %dma_start3A_254 = tpu.memref_slice %arg21[%mul3A_246] : memref<5000xi32, #tpu.memory_space<vmem>> -> memref<40xi32, #tpu.memory_space<vmem>>
      %dma_start3A_255 = arith.constant 0 : i32
      %dma_start3A_256 = arith.constant 0 : i32
      %dma_start3A_257 = tpu.memref_slice %arg17[%dma_start3A_255, %dma_start3A_256] : memref<10000x128xf32, #tpu.memory_space<vmem_shared>> -> memref<10000x128xf32, #tpu.memory_space<vmem_shared>>
      tpu.enqueue_indirect_dma source(%arg22 : memref<40x128xf32, #tpu.memory_space<vmem>>) target(%dma_start3A_257 : memref<10000x128xf32, #tpu.memory_space<vmem_shared>>) offsets(%dma_start3A_254 : memref<40xi32, #tpu.memory_space<vmem>>) semaphore(%arg32 : memref<!tpu.dma_semaphore, #tpu.memory_space<semaphore_mem>>) {add = true}
      %dma_start3A_258 = tpu.memref_slice %arg21[%mul3A_246] : memref<5000xi32, #tpu.memory_space<vmem>> -> memref<40xi32, #tpu.memory_space<vmem>>
      %dma_start3A_259 = arith.constant 0 : i32
      %dma_start3A_260 = arith.constant 0 : i32
      %dma_start3A_261 = tpu.memref_slice %arg18[%dma_start3A_259, %dma_start3A_260] : memref<10000x16xf32, #tpu.memory_space<vmem_shared>> -> memref<10000x16xf32, #tpu.memory_space<vmem_shared>>
      tpu.enqueue_indirect_dma source(%arg19 : memref<40x16xf32, #tpu.memory_space<vmem>>) target(%dma_start3A_261 : memref<10000x16xf32, #tpu.memory_space<vmem_shared>>) offsets(%dma_start3A_258 : memref<40xi32, #tpu.memory_space<vmem>>) semaphore(%arg37 : memref<!tpu.dma_semaphore, #tpu.memory_space<semaphore_mem>>) {add = true}
      %add3A_262 = arith.constant 1 : i32
      %add3A_263 = arith.addi %mul3A_242, %add3A_262 : i32
      %mul3A_264 = arith.constant 40 : i32
      %mul3A_265 = arith.muli %add3A_263, %mul3A_264 : i32
      %add3A_266 = arith.constant 1 : i32
      %add3A_267 = arith.addi %mul3A_242, %add3A_266 : i32
      %mul3A_268 = arith.constant 40 : i32
      %mul3A_269 = arith.muli %add3A_267, %mul3A_268 : i32
      %dma_wait3A_270 = tpu.memref_slice %arg20[%mul3A_269] : memref<5000xi32, #tpu.memory_space<vmem>> -> memref<40xi32, #tpu.memory_space<vmem>>
      %dma_wait3A_271 = arith.constant 0 : i32
      %dma_wait3A_272 = arith.constant 0 : i32
      %dma_wait3A_273 = tpu.memref_slice %arg3[%dma_wait3A_271, %dma_wait3A_272] : memref<10000x128xf32, #tpu.memory_space<hbm>> -> memref<10000x128xf32, #tpu.memory_space<hbm>>
      tpu.wait_indirect_dma semaphore(%arg28 : memref<!tpu.dma_semaphore, #tpu.memory_space<semaphore_mem>>) src(%dma_wait3A_273 : memref<10000x128xf32, #tpu.memory_space<hbm>>) dst(%arg23 : memref<40x128xf32, #tpu.memory_space<vmem>>)
      %dma_start3A_274 = tpu.memref_slice %arg21[%mul3A_265] : memref<5000xi32, #tpu.memory_space<vmem>> -> memref<40xi32, #tpu.memory_space<vmem>>
      %dma_start3A_275 = arith.constant 0 : i32
      %dma_start3A_276 = arith.constant 0 : i32
      %dma_start3A_277 = tpu.memref_slice %arg17[%dma_start3A_275, %dma_start3A_276] : memref<10000x128xf32, #tpu.memory_space<vmem_shared>> -> memref<10000x128xf32, #tpu.memory_space<vmem_shared>>
      tpu.enqueue_indirect_dma source(%arg23 : memref<40x128xf32, #tpu.memory_space<vmem>>) target(%dma_start3A_277 : memref<10000x128xf32, #tpu.memory_space<vmem_shared>>) offsets(%dma_start3A_274 : memref<40xi32, #tpu.memory_space<vmem>>) semaphore(%arg33 : memref<!tpu.dma_semaphore, #tpu.memory_space<semaphore_mem>>) {add = true}
      %dma_start3A_278 = tpu.memref_slice %arg21[%mul3A_265] : memref<5000xi32, #tpu.memory_space<vmem>> -> memref<40xi32, #tpu.memory_space<vmem>>
      %dma_start3A_279 = arith.constant 0 : i32
      %dma_start3A_280 = arith.constant 0 : i32
      %dma_start3A_281 = tpu.memref_slice %arg18[%dma_start3A_279, %dma_start3A_280] : memref<10000x16xf32, #tpu.memory_space<vmem_shared>> -> memref<10000x16xf32, #tpu.memory_space<vmem_shared>>
      tpu.enqueue_indirect_dma source(%arg19 : memref<40x16xf32, #tpu.memory_space<vmem>>) target(%dma_start3A_281 : memref<10000x16xf32, #tpu.memory_space<vmem_shared>>) offsets(%dma_start3A_278 : memref<40xi32, #tpu.memory_space<vmem>>) semaphore(%arg38 : memref<!tpu.dma_semaphore, #tpu.memory_space<semaphore_mem>>) {add = true}
      %add3A_282 = arith.constant 2 : i32
      %add3A_283 = arith.addi %mul3A_242, %add3A_282 : i32
      %mul3A_284 = arith.constant 40 : i32
      %mul3A_285 = arith.muli %add3A_283, %mul3A_284 : i32
      %add3A_286 = arith.constant 2 : i32
      %add3A_287 = arith.addi %mul3A_242, %add3A_286 : i32
      %mul3A_288 = arith.constant 40 : i32
      %mul3A_289 = arith.muli %add3A_287, %mul3A_288 : i32
      %dma_wait3A_290 = tpu.memref_slice %arg20[%mul3A_289] : memref<5000xi32, #tpu.memory_space<vmem>> -> memref<40xi32, #tpu.memory_space<vmem>>
      %dma_wait3A_291 = arith.constant 0 : i32
      %dma_wait3A_292 = arith.constant 0 : i32
      %dma_wait3A_293 = tpu.memref_slice %arg3[%dma_wait3A_291, %dma_wait3A_292] : memref<10000x128xf32, #tpu.memory_space<hbm>> -> memref<10000x128xf32, #tpu.memory_space<hbm>>
      tpu.wait_indirect_dma semaphore(%arg29 : memref<!tpu.dma_semaphore, #tpu.memory_space<semaphore_mem>>) src(%dma_wait3A_293 : memref<10000x128xf32, #tpu.memory_space<hbm>>) dst(%arg24 : memref<40x128xf32, #tpu.memory_space<vmem>>)
      %dma_start3A_294 = tpu.memref_slice %arg21[%mul3A_285] : memref<5000xi32, #tpu.memory_space<vmem>> -> memref<40xi32, #tpu.memory_space<vmem>>
      %dma_start3A_295 = arith.constant 0 : i32
      %dma_start3A_296 = arith.constant 0 : i32
      %dma_start3A_297 = tpu.memref_slice %arg17[%dma_start3A_295, %dma_start3A_296] : memref<10000x128xf32, #tpu.memory_space<vmem_shared>> -> memref<10000x128xf32, #tpu.memory_space<vmem_shared>>
      tpu.enqueue_indirect_dma source(%arg24 : memref<40x128xf32, #tpu.memory_space<vmem>>) target(%dma_start3A_297 : memref<10000x128xf32, #tpu.memory_space<vmem_shared>>) offsets(%dma_start3A_294 : memref<40xi32, #tpu.memory_space<vmem>>) semaphore(%arg34 : memref<!tpu.dma_semaphore, #tpu.memory_space<semaphore_mem>>) {add = true}
      %dma_start3A_298 = tpu.memref_slice %arg21[%mul3A_285] : memref<5000xi32, #tpu.memory_space<vmem>> -> memref<40xi32, #tpu.memory_space<vmem>>
      %dma_start3A_299 = arith.constant 0 : i32
      %dma_start3A_300 = arith.constant 0 : i32
      %dma_start3A_301 = tpu.memref_slice %arg18[%dma_start3A_299, %dma_start3A_300] : memref<10000x16xf32, #tpu.memory_space<vmem_shared>> -> memref<10000x16xf32, #tpu.memory_space<vmem_shared>>
      tpu.enqueue_indirect_dma source(%arg19 : memref<40x16xf32, #tpu.memory_space<vmem>>) target(%dma_start3A_301 : memref<10000x16xf32, #tpu.memory_space<vmem_shared>>) offsets(%dma_start3A_298 : memref<40xi32, #tpu.memory_space<vmem>>) semaphore(%arg39 : memref<!tpu.dma_semaphore, #tpu.memory_space<semaphore_mem>>) {add = true}
      %add3A_302 = arith.constant 3 : i32
      %add3A_303 = arith.addi %mul3A_242, %add3A_302 : i32
      %mul3A_304 = arith.constant 40 : i32
      %mul3A_305 = arith.muli %add3A_303, %mul3A_304 : i32
      %add3A_306 = arith.constant 3 : i32
      %add3A_307 = arith.addi %mul3A_242, %add3A_306 : i32
      %mul3A_308 = arith.constant 40 : i32
      %mul3A_309 = arith.muli %add3A_307, %mul3A_308 : i32
      %dma_wait3A_310 = tpu.memref_slice %arg20[%mul3A_309] : memref<5000xi32, #tpu.memory_space<vmem>> -> memref<40xi32, #tpu.memory_space<vmem>>
      %dma_wait3A_311 = arith.constant 0 : i32
      %dma_wait3A_312 = arith.constant 0 : i32
      %dma_wait3A_313 = tpu.memref_slice %arg3[%dma_wait3A_311, %dma_wait3A_312] : memref<10000x128xf32, #tpu.memory_space<hbm>> -> memref<10000x128xf32, #tpu.memory_space<hbm>>
      tpu.wait_indirect_dma semaphore(%arg30 : memref<!tpu.dma_semaphore, #tpu.memory_space<semaphore_mem>>) src(%dma_wait3A_313 : memref<10000x128xf32, #tpu.memory_space<hbm>>) dst(%arg25 : memref<40x128xf32, #tpu.memory_space<vmem>>)
      %dma_start3A_314 = tpu.memref_slice %arg21[%mul3A_305] : memref<5000xi32, #tpu.memory_space<vmem>> -> memref<40xi32, #tpu.memory_space<vmem>>
      %dma_start3A_315 = arith.constant 0 : i32
      %dma_start3A_316 = arith.constant 0 : i32
      %dma_start3A_317 = tpu.memref_slice %arg17[%dma_start3A_315, %dma_start3A_316] : memref<10000x128xf32, #tpu.memory_space<vmem_shared>> -> memref<10000x128xf32, #tpu.memory_space<vmem_shared>>
      tpu.enqueue_indirect_dma source(%arg25 : memref<40x128xf32, #tpu.memory_space<vmem>>) target(%dma_start3A_317 : memref<10000x128xf32, #tpu.memory_space<vmem_shared>>) offsets(%dma_start3A_314 : memref<40xi32, #tpu.memory_space<vmem>>) semaphore(%arg35 : memref<!tpu.dma_semaphore, #tpu.memory_space<semaphore_mem>>) {add = true}
      %dma_start3A_318 = tpu.memref_slice %arg21[%mul3A_305] : memref<5000xi32, #tpu.memory_space<vmem>> -> memref<40xi32, #tpu.memory_space<vmem>>
      %dma_start3A_319 = arith.constant 0 : i32
      %dma_start3A_320 = arith.constant 0 : i32
      %dma_start3A_321 = tpu.memref_slice %arg18[%dma_start3A_319, %dma_start3A_320] : memref<10000x16xf32, #tpu.memory_space<vmem_shared>> -> memref<10000x16xf32, #tpu.memory_space<vmem_shared>>
      tpu.enqueue_indirect_dma source(%arg19 : memref<40x16xf32, #tpu.memory_space<vmem>>) target(%dma_start3A_321 : memref<10000x16xf32, #tpu.memory_space<vmem_shared>>) offsets(%dma_start3A_318 : memref<40xi32, #tpu.memory_space<vmem>>) semaphore(%arg40 : memref<!tpu.dma_semaphore, #tpu.memory_space<semaphore_mem>>) {add = true}
      %add3A_322 = arith.constant 4 : i32
      %add3A_323 = arith.addi %mul3A_242, %add3A_322 : i32
      %mul3A_324 = arith.constant 40 : i32
      %mul3A_325 = arith.muli %add3A_323, %mul3A_324 : i32
      %add3A_326 = arith.constant 4 : i32
      %add3A_327 = arith.addi %mul3A_242, %add3A_326 : i32
      %mul3A_328 = arith.constant 40 : i32
      %mul3A_329 = arith.muli %add3A_327, %mul3A_328 : i32
      %dma_wait3A_330 = tpu.memref_slice %arg20[%mul3A_329] : memref<5000xi32, #tpu.memory_space<vmem>> -> memref<40xi32, #tpu.memory_space<vmem>>
      %dma_wait3A_331 = arith.constant 0 : i32
      %dma_wait3A_332 = arith.constant 0 : i32
      %dma_wait3A_333 = tpu.memref_slice %arg3[%dma_wait3A_331, %dma_wait3A_332] : memref<10000x128xf32, #tpu.memory_space<hbm>> -> memref<10000x128xf32, #tpu.memory_space<hbm>>
      tpu.wait_indirect_dma semaphore(%arg31 : memref<!tpu.dma_semaphore, #tpu.memory_space<semaphore_mem>>) src(%dma_wait3A_333 : memref<10000x128xf32, #tpu.memory_space<hbm>>) dst(%arg26 : memref<40x128xf32, #tpu.memory_space<vmem>>)
      %dma_start3A_334 = tpu.memref_slice %arg21[%mul3A_325] : memref<5000xi32, #tpu.memory_space<vmem>> -> memref<40xi32, #tpu.memory_space<vmem>>
      %dma_start3A_335 = arith.constant 0 : i32
      %dma_start3A_336 = arith.constant 0 : i32
      %dma_start3A_337 = tpu.memref_slice %arg17[%dma_start3A_335, %dma_start3A_336] : memref<10000x128xf32, #tpu.memory_space<vmem_shared>> -> memref<10000x128xf32, #tpu.memory_space<vmem_shared>>
      tpu.enqueue_indirect_dma source(%arg26 : memref<40x128xf32, #tpu.memory_space<vmem>>) target(%dma_start3A_337 : memref<10000x128xf32, #tpu.memory_space<vmem_shared>>) offsets(%dma_start3A_334 : memref<40xi32, #tpu.memory_space<vmem>>) semaphore(%arg36 : memref<!tpu.dma_semaphore, #tpu.memory_space<semaphore_mem>>) {add = true}
      %dma_start3A_338 = tpu.memref_slice %arg21[%mul3A_325] : memref<5000xi32, #tpu.memory_space<vmem>> -> memref<40xi32, #tpu.memory_space<vmem>>
      %dma_start3A_339 = arith.constant 0 : i32
      %dma_start3A_340 = arith.constant 0 : i32
      %dma_start3A_341 = tpu.memref_slice %arg18[%dma_start3A_339, %dma_start3A_340] : memref<10000x16xf32, #tpu.memory_space<vmem_shared>> -> memref<10000x16xf32, #tpu.memory_space<vmem_shared>>
      tpu.enqueue_indirect_dma source(%arg19 : memref<40x16xf32, #tpu.memory_space<vmem>>) target(%dma_start3A_341 : memref<10000x16xf32, #tpu.memory_space<vmem_shared>>) offsets(%dma_start3A_338 : memref<40xi32, #tpu.memory_space<vmem>>) semaphore(%arg41 : memref<!tpu.dma_semaphore, #tpu.memory_space<semaphore_mem>>) {add = true}
      %dma_wait3A_342 = tpu.memref_slice %arg21[%mul3A_246] : memref<5000xi32, #tpu.memory_space<vmem>> -> memref<40xi32, #tpu.memory_space<vmem>>
      %dma_wait3A_343 = arith.constant 0 : i32
      %dma_wait3A_344 = arith.constant 0 : i32
      %dma_wait3A_345 = tpu.memref_slice %arg17[%dma_wait3A_343, %dma_wait3A_344] : memref<10000x128xf32, #tpu.memory_space<vmem_shared>> -> memref<10000x128xf32, #tpu.memory_space<vmem_shared>>
      tpu.wait_indirect_dma semaphore(%arg32 : memref<!tpu.dma_semaphore, #tpu.memory_space<semaphore_mem>>) src(%arg22 : memref<40x128xf32, #tpu.memory_space<vmem>>) dst(%dma_wait3A_345 : memref<10000x128xf32, #tpu.memory_space<vmem_shared>>)
      %dma_wait3A_346 = tpu.memref_slice %arg21[%mul3A_246] : memref<5000xi32, #tpu.memory_space<vmem>> -> memref<40xi32, #tpu.memory_space<vmem>>
      %dma_wait3A_347 = arith.constant 0 : i32
      %dma_wait3A_348 = arith.constant 0 : i32
      %dma_wait3A_349 = tpu.memref_slice %arg18[%dma_wait3A_347, %dma_wait3A_348] : memref<10000x16xf32, #tpu.memory_space<vmem_shared>> -> memref<10000x16xf32, #tpu.memory_space<vmem_shared>>
      tpu.wait_indirect_dma semaphore(%arg37 : memref<!tpu.dma_semaphore, #tpu.memory_space<semaphore_mem>>) src(%arg19 : memref<40x16xf32, #tpu.memory_space<vmem>>) dst(%dma_wait3A_349 : memref<10000x16xf32, #tpu.memory_space<vmem_shared>>)
      %lt3A = arith.constant 24 : i32
      %lt3A_350 = arith.cmpi slt, %scan3A_240, %lt3A : i32
      %convert_element_type3A_351 = arith.extui %lt3A_350 : i1 to i32
      %cond3A_352 = arith.constant 0 : i32
      %cond3A_353 = arith.cmpi ne, %convert_element_type3A_351, %cond3A_352 : i32
      scf.if %cond3A_353 {
        %add3A_406 = arith.constant 5 : i32
        %add3A_407 = arith.addi %mul3A_242, %add3A_406 : i32
        %add3A_408 = arith.constant 0 : i32
        %add3A_409 = arith.addi %add3A_407, %add3A_408 : i32
        %mul3A_410 = arith.constant 40 : i32
        %mul3A_411 = arith.muli %add3A_409, %mul3A_410 : i32
        %dma_start3A_412 = tpu.memref_slice %arg20[%mul3A_411] : memref<5000xi32, #tpu.memory_space<vmem>> -> memref<40xi32, #tpu.memory_space<vmem>>
        %dma_start3A_413 = arith.constant 0 : i32
        %dma_start3A_414 = arith.constant 0 : i32
        %dma_start3A_415 = tpu.memref_slice %arg3[%dma_start3A_413, %dma_start3A_414] : memref<10000x128xf32, #tpu.memory_space<hbm>> -> memref<10000x128xf32, #tpu.memory_space<hbm>>
        tpu.enqueue_indirect_dma source(%dma_start3A_415 : memref<10000x128xf32, #tpu.memory_space<hbm>>) target(%arg22 : memref<40x128xf32, #tpu.memory_space<vmem>>) offsets(%dma_start3A_412 : memref<40xi32, #tpu.memory_space<vmem>>) semaphore(%arg27 : memref<!tpu.dma_semaphore, #tpu.memory_space<semaphore_mem>>)
      } else {
      }
      %dma_wait3A_354 = tpu.memref_slice %arg21[%mul3A_265] : memref<5000xi32, #tpu.memory_space<vmem>> -> memref<40xi32, #tpu.memory_space<vmem>>
      %dma_wait3A_355 = arith.constant 0 : i32
      %dma_wait3A_356 = arith.constant 0 : i32
      %dma_wait3A_357 = tpu.memref_slice %arg17[%dma_wait3A_355, %dma_wait3A_356] : memref<10000x128xf32, #tpu.memory_space<vmem_shared>> -> memref<10000x128xf32, #tpu.memory_space<vmem_shared>>
      tpu.wait_indirect_dma semaphore(%arg33 : memref<!tpu.dma_semaphore, #tpu.memory_space<semaphore_mem>>) src(%arg23 : memref<40x128xf32, #tpu.memory_space<vmem>>) dst(%dma_wait3A_357 : memref<10000x128xf32, #tpu.memory_space<vmem_shared>>)
      %dma_wait3A_358 = tpu.memref_slice %arg21[%mul3A_265] : memref<5000xi32, #tpu.memory_space<vmem>> -> memref<40xi32, #tpu.memory_space<vmem>>
      %dma_wait3A_359 = arith.constant 0 : i32
      %dma_wait3A_360 = arith.constant 0 : i32
      %dma_wait3A_361 = tpu.memref_slice %arg18[%dma_wait3A_359, %dma_wait3A_360] : memref<10000x16xf32, #tpu.memory_space<vmem_shared>> -> memref<10000x16xf32, #tpu.memory_space<vmem_shared>>
      tpu.wait_indirect_dma semaphore(%arg38 : memref<!tpu.dma_semaphore, #tpu.memory_space<semaphore_mem>>) src(%arg19 : memref<40x16xf32, #tpu.memory_space<vmem>>) dst(%dma_wait3A_361 : memref<10000x16xf32, #tpu.memory_space<vmem_shared>>)
      %lt3A_362 = arith.constant 24 : i32
      %lt3A_363 = arith.cmpi slt, %scan3A_240, %lt3A_362 : i32
      %convert_element_type3A_364 = arith.extui %lt3A_363 : i1 to i32
      %cond3A_365 = arith.constant 0 : i32
      %cond3A_366 = arith.cmpi ne, %convert_element_type3A_364, %cond3A_365 : i32
      scf.if %cond3A_366 {
        %add3A_406 = arith.constant 5 : i32
        %add3A_407 = arith.addi %mul3A_242, %add3A_406 : i32
        %add3A_408 = arith.constant 1 : i32
        %add3A_409 = arith.addi %add3A_407, %add3A_408 : i32
        %mul3A_410 = arith.constant 40 : i32
        %mul3A_411 = arith.muli %add3A_409, %mul3A_410 : i32
        %dma_start3A_412 = tpu.memref_slice %arg20[%mul3A_411] : memref<5000xi32, #tpu.memory_space<vmem>> -> memref<40xi32, #tpu.memory_space<vmem>>
        %dma_start3A_413 = arith.constant 0 : i32
        %dma_start3A_414 = arith.constant 0 : i32
        %dma_start3A_415 = tpu.memref_slice %arg3[%dma_start3A_413, %dma_start3A_414] : memref<10000x128xf32, #tpu.memory_space<hbm>> -> memref<10000x128xf32, #tpu.memory_space<hbm>>
        tpu.enqueue_indirect_dma source(%dma_start3A_415 : memref<10000x128xf32, #tpu.memory_space<hbm>>) target(%arg23 : memref<40x128xf32, #tpu.memory_space<vmem>>) offsets(%dma_start3A_412 : memref<40xi32, #tpu.memory_space<vmem>>) semaphore(%arg28 : memref<!tpu.dma_semaphore, #tpu.memory_space<semaphore_mem>>)
      } else {
      }
      %dma_wait3A_367 = tpu.memref_slice %arg21[%mul3A_285] : memref<5000xi32, #tpu.memory_space<vmem>> -> memref<40xi32, #tpu.memory_space<vmem>>
      %dma_wait3A_368 = arith.constant 0 : i32
      %dma_wait3A_369 = arith.constant 0 : i32
      %dma_wait3A_370 = tpu.memref_slice %arg17[%dma_wait3A_368, %dma_wait3A_369] : memref<10000x128xf32, #tpu.memory_space<vmem_shared>> -> memref<10000x128xf32, #tpu.memory_space<vmem_shared>>
      tpu.wait_indirect_dma semaphore(%arg34 : memref<!tpu.dma_semaphore, #tpu.memory_space<semaphore_mem>>) src(%arg24 : memref<40x128xf32, #tpu.memory_space<vmem>>) dst(%dma_wait3A_370 : memref<10000x128xf32, #tpu.memory_space<vmem_shared>>)
      %dma_wait3A_371 = tpu.memref_slice %arg21[%mul3A_285] : memref<5000xi32, #tpu.memory_space<vmem>> -> memref<40xi32, #tpu.memory_space<vmem>>
      %dma_wait3A_372 = arith.constant 0 : i32
      %dma_wait3A_373 = arith.constant 0 : i32
      %dma_wait3A_374 = tpu.memref_slice %arg18[%dma_wait3A_372, %dma_wait3A_373] : memref<10000x16xf32, #tpu.memory_space<vmem_shared>> -> memref<10000x16xf32, #tpu.memory_space<vmem_shared>>
      tpu.wait_indirect_dma semaphore(%arg39 : memref<!tpu.dma_semaphore, #tpu.memory_space<semaphore_mem>>) src(%arg19 : memref<40x16xf32, #tpu.memory_space<vmem>>) dst(%dma_wait3A_374 : memref<10000x16xf32, #tpu.memory_space<vmem_shared>>)
      %lt3A_375 = arith.constant 24 : i32
      %lt3A_376 = arith.cmpi slt, %scan3A_240, %lt3A_375 : i32
      %convert_element_type3A_377 = arith.extui %lt3A_376 : i1 to i32
      %cond3A_378 = arith.constant 0 : i32
      %cond3A_379 = arith.cmpi ne, %convert_element_type3A_377, %cond3A_378 : i32
      scf.if %cond3A_379 {
        %add3A_406 = arith.constant 5 : i32
        %add3A_407 = arith.addi %mul3A_242, %add3A_406 : i32
        %add3A_408 = arith.constant 2 : i32
        %add3A_409 = arith.addi %add3A_407, %add3A_408 : i32
        %mul3A_410 = arith.constant 40 : i32
        %mul3A_411 = arith.muli %add3A_409, %mul3A_410 : i32
        %dma_start3A_412 = tpu.memref_slice %arg20[%mul3A_411] : memref<5000xi32, #tpu.memory_space<vmem>> -> memref<40xi32, #tpu.memory_space<vmem>>
        %dma_start3A_413 = arith.constant 0 : i32
        %dma_start3A_414 = arith.constant 0 : i32
        %dma_start3A_415 = tpu.memref_slice %arg3[%dma_start3A_413, %dma_start3A_414] : memref<10000x128xf32, #tpu.memory_space<hbm>> -> memref<10000x128xf32, #tpu.memory_space<hbm>>
        tpu.enqueue_indirect_dma source(%dma_start3A_415 : memref<10000x128xf32, #tpu.memory_space<hbm>>) target(%arg24 : memref<40x128xf32, #tpu.memory_space<vmem>>) offsets(%dma_start3A_412 : memref<40xi32, #tpu.memory_space<vmem>>) semaphore(%arg29 : memref<!tpu.dma_semaphore, #tpu.memory_space<semaphore_mem>>)
      } else {
      }
      %dma_wait3A_380 = tpu.memref_slice %arg21[%mul3A_305] : memref<5000xi32, #tpu.memory_space<vmem>> -> memref<40xi32, #tpu.memory_space<vmem>>
      %dma_wait3A_381 = arith.constant 0 : i32
      %dma_wait3A_382 = arith.constant 0 : i32
      %dma_wait3A_383 = tpu.memref_slice %arg17[%dma_wait3A_381, %dma_wait3A_382] : memref<10000x128xf32, #tpu.memory_space<vmem_shared>> -> memref<10000x128xf32, #tpu.memory_space<vmem_shared>>
      tpu.wait_indirect_dma semaphore(%arg35 : memref<!tpu.dma_semaphore, #tpu.memory_space<semaphore_mem>>) src(%arg25 : memref<40x128xf32, #tpu.memory_space<vmem>>) dst(%dma_wait3A_383 : memref<10000x128xf32, #tpu.memory_space<vmem_shared>>)
      %dma_wait3A_384 = tpu.memref_slice %arg21[%mul3A_305] : memref<5000xi32, #tpu.memory_space<vmem>> -> memref<40xi32, #tpu.memory_space<vmem>>
      %dma_wait3A_385 = arith.constant 0 : i32
      %dma_wait3A_386 = arith.constant 0 : i32
      %dma_wait3A_387 = tpu.memref_slice %arg18[%dma_wait3A_385, %dma_wait3A_386] : memref<10000x16xf32, #tpu.memory_space<vmem_shared>> -> memref<10000x16xf32, #tpu.memory_space<vmem_shared>>
      tpu.wait_indirect_dma semaphore(%arg40 : memref<!tpu.dma_semaphore, #tpu.memory_space<semaphore_mem>>) src(%arg19 : memref<40x16xf32, #tpu.memory_space<vmem>>) dst(%dma_wait3A_387 : memref<10000x16xf32, #tpu.memory_space<vmem_shared>>)
      %lt3A_388 = arith.constant 24 : i32
      %lt3A_389 = arith.cmpi slt, %scan3A_240, %lt3A_388 : i32
      %convert_element_type3A_390 = arith.extui %lt3A_389 : i1 to i32
      %cond3A_391 = arith.constant 0 : i32
      %cond3A_392 = arith.cmpi ne, %convert_element_type3A_390, %cond3A_391 : i32
      scf.if %cond3A_392 {
        %add3A_406 = arith.constant 5 : i32
        %add3A_407 = arith.addi %mul3A_242, %add3A_406 : i32
        %add3A_408 = arith.constant 3 : i32
        %add3A_409 = arith.addi %add3A_407, %add3A_408 : i32
        %mul3A_410 = arith.constant 40 : i32
        %mul3A_411 = arith.muli %add3A_409, %mul3A_410 : i32
        %dma_start3A_412 = tpu.memref_slice %arg20[%mul3A_411] : memref<5000xi32, #tpu.memory_space<vmem>> -> memref<40xi32, #tpu.memory_space<vmem>>
        %dma_start3A_413 = arith.constant 0 : i32
        %dma_start3A_414 = arith.constant 0 : i32
        %dma_start3A_415 = tpu.memref_slice %arg3[%dma_start3A_413, %dma_start3A_414] : memref<10000x128xf32, #tpu.memory_space<hbm>> -> memref<10000x128xf32, #tpu.memory_space<hbm>>
        tpu.enqueue_indirect_dma source(%dma_start3A_415 : memref<10000x128xf32, #tpu.memory_space<hbm>>) target(%arg25 : memref<40x128xf32, #tpu.memory_space<vmem>>) offsets(%dma_start3A_412 : memref<40xi32, #tpu.memory_space<vmem>>) semaphore(%arg30 : memref<!tpu.dma_semaphore, #tpu.memory_space<semaphore_mem>>)
      } else {
      }
      %dma_wait3A_393 = tpu.memref_slice %arg21[%mul3A_325] : memref<5000xi32, #tpu.memory_space<vmem>> -> memref<40xi32, #tpu.memory_space<vmem>>
      %dma_wait3A_394 = arith.constant 0 : i32
      %dma_wait3A_395 = arith.constant 0 : i32
      %dma_wait3A_396 = tpu.memref_slice %arg17[%dma_wait3A_394, %dma_wait3A_395] : memref<10000x128xf32, #tpu.memory_space<vmem_shared>> -> memref<10000x128xf32, #tpu.memory_space<vmem_shared>>
      tpu.wait_indirect_dma semaphore(%arg36 : memref<!tpu.dma_semaphore, #tpu.memory_space<semaphore_mem>>) src(%arg26 : memref<40x128xf32, #tpu.memory_space<vmem>>) dst(%dma_wait3A_396 : memref<10000x128xf32, #tpu.memory_space<vmem_shared>>)
      %dma_wait3A_397 = tpu.memref_slice %arg21[%mul3A_325] : memref<5000xi32, #tpu.memory_space<vmem>> -> memref<40xi32, #tpu.memory_space<vmem>>
      %dma_wait3A_398 = arith.constant 0 : i32
      %dma_wait3A_399 = arith.constant 0 : i32
      %dma_wait3A_400 = tpu.memref_slice %arg18[%dma_wait3A_398, %dma_wait3A_399] : memref<10000x16xf32, #tpu.memory_space<vmem_shared>> -> memref<10000x16xf32, #tpu.memory_space<vmem_shared>>
      tpu.wait_indirect_dma semaphore(%arg41 : memref<!tpu.dma_semaphore, #tpu.memory_space<semaphore_mem>>) src(%arg19 : memref<40x16xf32, #tpu.memory_space<vmem>>) dst(%dma_wait3A_400 : memref<10000x16xf32, #tpu.memory_space<vmem_shared>>)
      %lt3A_401 = arith.constant 24 : i32
      %lt3A_402 = arith.cmpi slt, %scan3A_240, %lt3A_401 : i32
      %convert_element_type3A_403 = arith.extui %lt3A_402 : i1 to i32
      %cond3A_404 = arith.constant 0 : i32
      %cond3A_405 = arith.cmpi ne, %convert_element_type3A_403, %cond3A_404 : i32
      scf.if %cond3A_405 {
        %add3A_406 = arith.constant 5 : i32
        %add3A_407 = arith.addi %mul3A_242, %add3A_406 : i32
        %add3A_408 = arith.constant 4 : i32
        %add3A_409 = arith.addi %add3A_407, %add3A_408 : i32
        %mul3A_410 = arith.constant 40 : i32
        %mul3A_411 = arith.muli %add3A_409, %mul3A_410 : i32
        %dma_start3A_412 = tpu.memref_slice %arg20[%mul3A_411] : memref<5000xi32, #tpu.memory_space<vmem>> -> memref<40xi32, #tpu.memory_space<vmem>>
        %dma_start3A_413 = arith.constant 0 : i32
        %dma_start3A_414 = arith.constant 0 : i32
        %dma_start3A_415 = tpu.memref_slice %arg3[%dma_start3A_413, %dma_start3A_414] : memref<10000x128xf32, #tpu.memory_space<hbm>> -> memref<10000x128xf32, #tpu.memory_space<hbm>>
        tpu.enqueue_indirect_dma source(%dma_start3A_415 : memref<10000x128xf32, #tpu.memory_space<hbm>>) target(%arg26 : memref<40x128xf32, #tpu.memory_space<vmem>>) offsets(%dma_start3A_412 : memref<40xi32, #tpu.memory_space<vmem>>) semaphore(%arg31 : memref<!tpu.dma_semaphore, #tpu.memory_space<semaphore_mem>>)
      } else {
      }
    }
    %scan3A_150 = arith.constant 25 : i32
    %barrier3A_151 = arith.constant 0 : index
    tpu.barrier barrier_id(%barrier3A_151)
    %mul3A_152 = arith.constant 624 : i32
    %mul3A_153 = arith.muli %arg1, %mul3A_152 : i32
    "tpu.region"() ({
      %run_scoped3A_240 = tpu.sem_alloc : memref<!tpu.dma_semaphore, #tpu.memory_space<semaphore_mem>>
      %dma_start3A_241 = arith.constant 0 : i32
      %dma_start3A_242 = tpu.memref_slice %arg12[%arg0, %mul3A_153, %dma_start3A_241] : memref<2x10000x128xf32, #tpu.memory_space<hbm>> -> memref<1x624x128xf32, #tpu.memory_space<hbm>>
      %dma_start3A_243 = tpu.memref_squeeze %dma_start3A_242 : memref<1x624x128xf32, #tpu.memory_space<hbm>> -> memref<624x128xf32, #tpu.memory_space<hbm>>
      %dma_start3A_244 = arith.constant 0 : i32
      %dma_start3A_245 = tpu.memref_slice %arg17[%mul3A_153, %dma_start3A_244] : memref<10000x128xf32, #tpu.memory_space<vmem_shared>> -> memref<624x128xf32, #tpu.memory_space<vmem_shared>>
      tpu.enqueue_dma source(%dma_start3A_245 : memref<624x128xf32, #tpu.memory_space<vmem_shared>>) target(%dma_start3A_243 : memref<624x128xf32, #tpu.memory_space<hbm>>) target_semaphore(%run_scoped3A_240 : memref<!tpu.dma_semaphore, #tpu.memory_space<semaphore_mem>>)
      %dma_wait3A = arith.constant 0 : i32
      %dma_wait3A_246 = tpu.memref_slice %arg12[%arg0, %mul3A_153, %dma_wait3A] : memref<2x10000x128xf32, #tpu.memory_space<hbm>> -> memref<1x624x128xf32, #tpu.memory_space<hbm>>
      %dma_wait3A_247 = tpu.memref_squeeze %dma_wait3A_246 : memref<1x624x128xf32, #tpu.memory_space<hbm>> -> memref<624x128xf32, #tpu.memory_space<hbm>>
      %dma_wait3A_248 = arith.constant 0 : i32
      %dma_wait3A_249 = tpu.memref_slice %arg17[%mul3A_153, %dma_wait3A_248] : memref<10000x128xf32, #tpu.memory_space<vmem_shared>> -> memref<624x128xf32, #tpu.memory_space<vmem_shared>>
      tpu.wait_dma2 semaphore(%run_scoped3A_240 : memref<!tpu.dma_semaphore, #tpu.memory_space<semaphore_mem>>) src(%dma_wait3A_249 : memref<624x128xf32, #tpu.memory_space<vmem_shared>>) dst(%dma_wait3A_247 : memref<624x128xf32, #tpu.memory_space<hbm>>)
      tpu.yield
    }) : () -> ()
    %eq3A_154 = arith.constant 0 : i32
    %eq3A_155 = arith.cmpi eq, %arg1, %eq3A_154 : i32
    %convert_element_type3A_156 = arith.extui %eq3A_155 : i1 to i32
    %cond3A_157 = arith.constant 0 : i32
    %cond3A_158 = arith.cmpi ne, %convert_element_type3A_156, %cond3A_157 : i32
    scf.if %cond3A_158 {
      "tpu.region"() ({
        %run_scoped3A_240 = tpu.sem_alloc : memref<!tpu.dma_semaphore, #tpu.memory_space<semaphore_mem>>
        %dma_start3A_241 = arith.constant 9984 : i32
        %dma_start3A_242 = arith.constant 0 : i32
        %dma_start3A_243 = tpu.memref_slice %arg12[%arg0, %dma_start3A_241, %dma_start3A_242] : memref<2x10000x128xf32, #tpu.memory_space<hbm>> -> memref<1x16x128xf32, #tpu.memory_space<hbm>>
        %dma_start3A_244 = tpu.memref_squeeze %dma_start3A_243 : memref<1x16x128xf32, #tpu.memory_space<hbm>> -> memref<16x128xf32, #tpu.memory_space<hbm>>
        %dma_start3A_245 = arith.constant 9984 : i32
        %dma_start3A_246 = arith.constant 0 : i32
        %dma_start3A_247 = tpu.memref_slice %arg17[%dma_start3A_245, %dma_start3A_246] : memref<10000x128xf32, #tpu.memory_space<vmem_shared>> -> memref<16x128xf32, #tpu.memory_space<vmem_shared>>
        tpu.enqueue_dma source(%dma_start3A_247 : memref<16x128xf32, #tpu.memory_space<vmem_shared>>) target(%dma_start3A_244 : memref<16x128xf32, #tpu.memory_space<hbm>>) target_semaphore(%run_scoped3A_240 : memref<!tpu.dma_semaphore, #tpu.memory_space<semaphore_mem>>)
        %dma_wait3A = arith.constant 9984 : i32
        %dma_wait3A_248 = arith.constant 0 : i32
        %dma_wait3A_249 = tpu.memref_slice %arg12[%arg0, %dma_wait3A, %dma_wait3A_248] : memref<2x10000x128xf32, #tpu.memory_space<hbm>> -> memref<1x16x128xf32, #tpu.memory_space<hbm>>
        %dma_wait3A_250 = tpu.memref_squeeze %dma_wait3A_249 : memref<1x16x128xf32, #tpu.memory_space<hbm>> -> memref<16x128xf32, #tpu.memory_space<hbm>>
        %dma_wait3A_251 = arith.constant 9984 : i32
        %dma_wait3A_252 = arith.constant 0 : i32
        %dma_wait3A_253 = tpu.memref_slice %arg17[%dma_wait3A_251, %dma_wait3A_252] : memref<10000x128xf32, #tpu.memory_space<vmem_shared>> -> memref<16x128xf32, #tpu.memory_space<vmem_shared>>
        tpu.wait_dma2 semaphore(%run_scoped3A_240 : memref<!tpu.dma_semaphore, #tpu.memory_space<semaphore_mem>>) src(%dma_wait3A_253 : memref<16x128xf32, #tpu.memory_space<vmem_shared>>) dst(%dma_wait3A_250 : memref<16x128xf32, #tpu.memory_space<hbm>>)
        tpu.yield
      }) : () -> ()
    } else {
    }
    "tpu.region"() ({
      %run_scoped3A_240 = tpu.sem_alloc : memref<!tpu.dma_semaphore, #tpu.memory_space<semaphore_mem>>
      %dma_start3A_241 = arith.constant 0 : i32
      %dma_start3A_242 = tpu.memref_slice %arg15[%arg0, %mul3A_2, %dma_start3A_241] : memref<2x10000x16xf32, #tpu.memory_space<hbm>> -> memref<1x625x16xf32, #tpu.memory_space<hbm>>
      %dma_start3A_243 = tpu.memref_squeeze %dma_start3A_242 : memref<1x625x16xf32, #tpu.memory_space<hbm>> -> memref<625x16xf32, #tpu.memory_space<hbm>>
      %dma_start3A_244 = arith.constant 0 : i32
      %dma_start3A_245 = tpu.memref_slice %arg18[%mul3A_2, %dma_start3A_244] : memref<10000x16xf32, #tpu.memory_space<vmem_shared>> -> memref<625x16xf32, #tpu.memory_space<vmem_shared>>
      tpu.enqueue_dma source(%dma_start3A_245 : memref<625x16xf32, #tpu.memory_space<vmem_shared>>) target(%dma_start3A_243 : memref<625x16xf32, #tpu.memory_space<hbm>>) target_semaphore(%run_scoped3A_240 : memref<!tpu.dma_semaphore, #tpu.memory_space<semaphore_mem>>)
      %dma_wait3A = arith.constant 0 : i32
      %dma_wait3A_246 = tpu.memref_slice %arg15[%arg0, %mul3A_2, %dma_wait3A] : memref<2x10000x16xf32, #tpu.memory_space<hbm>> -> memref<1x625x16xf32, #tpu.memory_space<hbm>>
      %dma_wait3A_247 = tpu.memref_squeeze %dma_wait3A_246 : memref<1x625x16xf32, #tpu.memory_space<hbm>> -> memref<625x16xf32, #tpu.memory_space<hbm>>
      %dma_wait3A_248 = arith.constant 0 : i32
      %dma_wait3A_249 = tpu.memref_slice %arg18[%mul3A_2, %dma_wait3A_248] : memref<10000x16xf32, #tpu.memory_space<vmem_shared>> -> memref<625x16xf32, #tpu.memory_space<vmem_shared>>
      tpu.wait_dma2 semaphore(%run_scoped3A_240 : memref<!tpu.dma_semaphore, #tpu.memory_space<semaphore_mem>>) src(%dma_wait3A_249 : memref<625x16xf32, #tpu.memory_space<vmem_shared>>) dst(%dma_wait3A_247 : memref<625x16xf32, #tpu.memory_space<hbm>>)
      tpu.yield
    }) : () -> ()
    %barrier3A_159 = arith.constant 0 : index
    tpu.barrier barrier_id(%barrier3A_159)
    "tpu.region"() ({
      %run_scoped3A_240 = tpu.sem_alloc : memref<!tpu.dma_semaphore, #tpu.memory_space<semaphore_mem>>
      %dma_start3A_241 = arith.constant 0 : i32
      %dma_start3A_242 = tpu.memref_slice %arg17[%mul3A_2, %dma_start3A_241] : memref<10000x128xf32, #tpu.memory_space<vmem_shared>> -> memref<625x128xf32, #tpu.memory_space<vmem_shared>>
      tpu.enqueue_dma source(%arg9 : memref<625x128xf32, #tpu.memory_space<hbm>>) target(%dma_start3A_242 : memref<625x128xf32, #tpu.memory_space<vmem_shared>>) target_semaphore(%run_scoped3A_240 : memref<!tpu.dma_semaphore, #tpu.memory_space<semaphore_mem>>)
      %dma_wait3A = arith.constant 0 : i32
      %dma_wait3A_243 = tpu.memref_slice %arg17[%mul3A_2, %dma_wait3A] : memref<10000x128xf32, #tpu.memory_space<vmem_shared>> -> memref<625x128xf32, #tpu.memory_space<vmem_shared>>
      tpu.wait_dma2 semaphore(%run_scoped3A_240 : memref<!tpu.dma_semaphore, #tpu.memory_space<semaphore_mem>>) src(%arg9 : memref<625x128xf32, #tpu.memory_space<hbm>>) dst(%dma_wait3A_243 : memref<625x128xf32, #tpu.memory_space<vmem_shared>>)
      tpu.yield
    }) : () -> ()
    "tpu.region"() ({
      %run_scoped3A_240 = tpu.sem_alloc : memref<!tpu.dma_semaphore, #tpu.memory_space<semaphore_mem>>
      %dma_start3A_241 = arith.constant 0 : i32
      %dma_start3A_242 = tpu.memref_slice %arg18[%mul3A_2, %dma_start3A_241] : memref<10000x16xf32, #tpu.memory_space<vmem_shared>> -> memref<625x16xf32, #tpu.memory_space<vmem_shared>>
      tpu.enqueue_dma source(%arg10 : memref<625x16xf32, #tpu.memory_space<hbm>>) target(%dma_start3A_242 : memref<625x16xf32, #tpu.memory_space<vmem_shared>>) target_semaphore(%run_scoped3A_240 : memref<!tpu.dma_semaphore, #tpu.memory_space<semaphore_mem>>)
      %dma_wait3A = arith.constant 0 : i32
      %dma_wait3A_243 = tpu.memref_slice %arg18[%mul3A_2, %dma_wait3A] : memref<10000x16xf32, #tpu.memory_space<vmem_shared>> -> memref<625x16xf32, #tpu.memory_space<vmem_shared>>
      tpu.wait_dma2 semaphore(%run_scoped3A_240 : memref<!tpu.dma_semaphore, #tpu.memory_space<semaphore_mem>>) src(%arg10 : memref<625x16xf32, #tpu.memory_space<hbm>>) dst(%dma_wait3A_243 : memref<625x16xf32, #tpu.memory_space<vmem_shared>>)
      tpu.yield
    }) : () -> ()
    %barrier3A_160 = arith.constant 0 : index
    tpu.barrier barrier_id(%barrier3A_160)
    %add3A_161 = arith.constant 0 : i32
    %add3A_162 = arith.addi %mul3A_6, %add3A_161 : i32
    %run_scoped3A_163 = arith.constant 0 : i32
    "tpu.region"() ({
      %run_scoped3A_240 = tpu.sem_alloc : memref<!tpu.dma_semaphore, #tpu.memory_space<semaphore_mem>>
      %dma_start3A_241 = tpu.memref_slice %arg7[%run_scoped3A_163, %add3A_162] : memref<2x320000xi32, #tpu.memory_space<hbm>> -> memref<1x5000xi32, #tpu.memory_space<hbm>>
      %dma_start3A_242 = tpu.memref_squeeze %dma_start3A_241 : memref<1x5000xi32, #tpu.memory_space<hbm>> -> memref<5000xi32, #tpu.memory_space<hbm>>
      %dma_start3A_243 = tpu.memref_slice %arg7[%run_scoped3A_163, %add3A_162] : memref<2x320000xi32, #tpu.memory_space<hbm>> -> memref<1x5000xi32, #tpu.memory_space<hbm>>
      %dma_start3A_244 = tpu.memref_squeeze %dma_start3A_243 : memref<1x5000xi32, #tpu.memory_space<hbm>> -> memref<5000xi32, #tpu.memory_space<hbm>>
      tpu.enqueue_dma source(%dma_start3A_244 : memref<5000xi32, #tpu.memory_space<hbm>>) target(%arg20 : memref<5000xi32, #tpu.memory_space<vmem>>) target_semaphore(%run_scoped3A_240 : memref<!tpu.dma_semaphore, #tpu.memory_space<semaphore_mem>>)
      %dma_wait3A = tpu.memref_slice %arg7[%run_scoped3A_163, %add3A_162] : memref<2x320000xi32, #tpu.memory_space<hbm>> -> memref<1x5000xi32, #tpu.memory_space<hbm>>
      %dma_wait3A_245 = tpu.memref_squeeze %dma_wait3A : memref<1x5000xi32, #tpu.memory_space<hbm>> -> memref<5000xi32, #tpu.memory_space<hbm>>
      %dma_wait3A_246 = tpu.memref_slice %arg7[%run_scoped3A_163, %add3A_162] : memref<2x320000xi32, #tpu.memory_space<hbm>> -> memref<1x5000xi32, #tpu.memory_space<hbm>>
      %dma_wait3A_247 = tpu.memref_squeeze %dma_wait3A_246 : memref<1x5000xi32, #tpu.memory_space<hbm>> -> memref<5000xi32, #tpu.memory_space<hbm>>
      tpu.wait_dma2 semaphore(%run_scoped3A_240 : memref<!tpu.dma_semaphore, #tpu.memory_space<semaphore_mem>>) src(%dma_wait3A_247 : memref<5000xi32, #tpu.memory_space<hbm>>) dst(%arg20 : memref<5000xi32, #tpu.memory_space<vmem>>)
      tpu.yield
    }) : () -> ()
    %run_scoped3A_164 = arith.constant 1 : i32
    "tpu.region"() ({
      %run_scoped3A_240 = tpu.sem_alloc : memref<!tpu.dma_semaphore, #tpu.memory_space<semaphore_mem>>
      %dma_start3A_241 = tpu.memref_slice %arg7[%run_scoped3A_164, %add3A_162] : memref<2x320000xi32, #tpu.memory_space<hbm>> -> memref<1x5000xi32, #tpu.memory_space<hbm>>
      %dma_start3A_242 = tpu.memref_squeeze %dma_start3A_241 : memref<1x5000xi32, #tpu.memory_space<hbm>> -> memref<5000xi32, #tpu.memory_space<hbm>>
      %dma_start3A_243 = tpu.memref_slice %arg7[%run_scoped3A_164, %add3A_162] : memref<2x320000xi32, #tpu.memory_space<hbm>> -> memref<1x5000xi32, #tpu.memory_space<hbm>>
      %dma_start3A_244 = tpu.memref_squeeze %dma_start3A_243 : memref<1x5000xi32, #tpu.memory_space<hbm>> -> memref<5000xi32, #tpu.memory_space<hbm>>
      tpu.enqueue_dma source(%dma_start3A_244 : memref<5000xi32, #tpu.memory_space<hbm>>) target(%arg21 : memref<5000xi32, #tpu.memory_space<vmem>>) target_semaphore(%run_scoped3A_240 : memref<!tpu.dma_semaphore, #tpu.memory_space<semaphore_mem>>)
      %dma_wait3A = tpu.memref_slice %arg7[%run_scoped3A_164, %add3A_162] : memref<2x320000xi32, #tpu.memory_space<hbm>> -> memref<1x5000xi32, #tpu.memory_space<hbm>>
      %dma_wait3A_245 = tpu.memref_squeeze %dma_wait3A : memref<1x5000xi32, #tpu.memory_space<hbm>> -> memref<5000xi32, #tpu.memory_space<hbm>>
      %dma_wait3A_246 = tpu.memref_slice %arg7[%run_scoped3A_164, %add3A_162] : memref<2x320000xi32, #tpu.memory_space<hbm>> -> memref<1x5000xi32, #tpu.memory_space<hbm>>
      %dma_wait3A_247 = tpu.memref_squeeze %dma_wait3A_246 : memref<1x5000xi32, #tpu.memory_space<hbm>> -> memref<5000xi32, #tpu.memory_space<hbm>>
      tpu.wait_dma2 semaphore(%run_scoped3A_240 : memref<!tpu.dma_semaphore, #tpu.memory_space<semaphore_mem>>) src(%dma_wait3A_247 : memref<5000xi32, #tpu.memory_space<hbm>>) dst(%arg21 : memref<5000xi32, #tpu.memory_space<vmem>>)
      tpu.yield
    }) : () -> ()
    %dma_start3A_165 = arith.constant 0 : i32
    %dma_start3A_166 = tpu.memref_slice %arg20[%dma_start3A_165] : memref<5000xi32, #tpu.memory_space<vmem>> -> memref<40xi32, #tpu.memory_space<vmem>>
    %dma_start3A_167 = arith.constant 0 : i32
    %dma_start3A_168 = arith.constant 0 : i32
    %dma_start3A_169 = tpu.memref_slice %arg4[%dma_start3A_167, %dma_start3A_168] : memref<10000x128xf32, #tpu.memory_space<hbm>> -> memref<10000x128xf32, #tpu.memory_space<hbm>>
    tpu.enqueue_indirect_dma source(%dma_start3A_169 : memref<10000x128xf32, #tpu.memory_space<hbm>>) target(%arg22 : memref<40x128xf32, #tpu.memory_space<vmem>>) offsets(%dma_start3A_166 : memref<40xi32, #tpu.memory_space<vmem>>) semaphore(%arg27 : memref<!tpu.dma_semaphore, #tpu.memory_space<semaphore_mem>>)
    %dma_start3A_170 = arith.constant 40 : i32
    %dma_start3A_171 = tpu.memref_slice %arg20[%dma_start3A_170] : memref<5000xi32, #tpu.memory_space<vmem>> -> memref<40xi32, #tpu.memory_space<vmem>>
    %dma_start3A_172 = arith.constant 0 : i32
    %dma_start3A_173 = arith.constant 0 : i32
    %dma_start3A_174 = tpu.memref_slice %arg4[%dma_start3A_172, %dma_start3A_173] : memref<10000x128xf32, #tpu.memory_space<hbm>> -> memref<10000x128xf32, #tpu.memory_space<hbm>>
    tpu.enqueue_indirect_dma source(%dma_start3A_174 : memref<10000x128xf32, #tpu.memory_space<hbm>>) target(%arg23 : memref<40x128xf32, #tpu.memory_space<vmem>>) offsets(%dma_start3A_171 : memref<40xi32, #tpu.memory_space<vmem>>) semaphore(%arg28 : memref<!tpu.dma_semaphore, #tpu.memory_space<semaphore_mem>>)
    %dma_start3A_175 = arith.constant 80 : i32
    %dma_start3A_176 = tpu.memref_slice %arg20[%dma_start3A_175] : memref<5000xi32, #tpu.memory_space<vmem>> -> memref<40xi32, #tpu.memory_space<vmem>>
    %dma_start3A_177 = arith.constant 0 : i32
    %dma_start3A_178 = arith.constant 0 : i32
    %dma_start3A_179 = tpu.memref_slice %arg4[%dma_start3A_177, %dma_start3A_178] : memref<10000x128xf32, #tpu.memory_space<hbm>> -> memref<10000x128xf32, #tpu.memory_space<hbm>>
    tpu.enqueue_indirect_dma source(%dma_start3A_179 : memref<10000x128xf32, #tpu.memory_space<hbm>>) target(%arg24 : memref<40x128xf32, #tpu.memory_space<vmem>>) offsets(%dma_start3A_176 : memref<40xi32, #tpu.memory_space<vmem>>) semaphore(%arg29 : memref<!tpu.dma_semaphore, #tpu.memory_space<semaphore_mem>>)
    %dma_start3A_180 = arith.constant 120 : i32
    %dma_start3A_181 = tpu.memref_slice %arg20[%dma_start3A_180] : memref<5000xi32, #tpu.memory_space<vmem>> -> memref<40xi32, #tpu.memory_space<vmem>>
    %dma_start3A_182 = arith.constant 0 : i32
    %dma_start3A_183 = arith.constant 0 : i32
    %dma_start3A_184 = tpu.memref_slice %arg4[%dma_start3A_182, %dma_start3A_183] : memref<10000x128xf32, #tpu.memory_space<hbm>> -> memref<10000x128xf32, #tpu.memory_space<hbm>>
    tpu.enqueue_indirect_dma source(%dma_start3A_184 : memref<10000x128xf32, #tpu.memory_space<hbm>>) target(%arg25 : memref<40x128xf32, #tpu.memory_space<vmem>>) offsets(%dma_start3A_181 : memref<40xi32, #tpu.memory_space<vmem>>) semaphore(%arg30 : memref<!tpu.dma_semaphore, #tpu.memory_space<semaphore_mem>>)
    %dma_start3A_185 = arith.constant 160 : i32
    %dma_start3A_186 = tpu.memref_slice %arg20[%dma_start3A_185] : memref<5000xi32, #tpu.memory_space<vmem>> -> memref<40xi32, #tpu.memory_space<vmem>>
    %dma_start3A_187 = arith.constant 0 : i32
    %dma_start3A_188 = arith.constant 0 : i32
    %dma_start3A_189 = tpu.memref_slice %arg4[%dma_start3A_187, %dma_start3A_188] : memref<10000x128xf32, #tpu.memory_space<hbm>> -> memref<10000x128xf32, #tpu.memory_space<hbm>>
    tpu.enqueue_indirect_dma source(%dma_start3A_189 : memref<10000x128xf32, #tpu.memory_space<hbm>>) target(%arg26 : memref<40x128xf32, #tpu.memory_space<vmem>>) offsets(%dma_start3A_186 : memref<40xi32, #tpu.memory_space<vmem>>) semaphore(%arg31 : memref<!tpu.dma_semaphore, #tpu.memory_space<semaphore_mem>>)
    %scan3A_190 = arith.constant 0 : i32
    %scan3A_191 = arith.constant 0 : i32
    %scan3A_192 = arith.constant 25 : i32
    %scan3A_193 = arith.addi %scan3A_191, %scan3A_192 : i32
    %scan3A_194 = arith.constant 1 : i32
    scf.for %scan3A_240 = %scan3A_191 to %scan3A_193 step %scan3A_194  : i32 {
      %mul3A_241 = arith.constant 5 : i32
      %mul3A_242 = arith.muli %mul3A_241, %scan3A_240 : i32
      %add3A_243 = arith.constant 0 : i32
      %add3A_244 = arith.addi %mul3A_242, %add3A_243 : i32
      %mul3A_245 = arith.constant 40 : i32
      %mul3A_246 = arith.muli %add3A_244, %mul3A_245 : i32
      %add3A_247 = arith.constant 0 : i32
      %add3A_248 = arith.addi %mul3A_242, %add3A_247 : i32
      %mul3A_249 = arith.constant 40 : i32
      %mul3A_250 = arith.muli %add3A_248, %mul3A_249 : i32
      %dma_wait3A = tpu.memref_slice %arg20[%mul3A_250] : memref<5000xi32, #tpu.memory_space<vmem>> -> memref<40xi32, #tpu.memory_space<vmem>>
      %dma_wait3A_251 = arith.constant 0 : i32
      %dma_wait3A_252 = arith.constant 0 : i32
      %dma_wait3A_253 = tpu.memref_slice %arg4[%dma_wait3A_251, %dma_wait3A_252] : memref<10000x128xf32, #tpu.memory_space<hbm>> -> memref<10000x128xf32, #tpu.memory_space<hbm>>
      tpu.wait_indirect_dma semaphore(%arg27 : memref<!tpu.dma_semaphore, #tpu.memory_space<semaphore_mem>>) src(%dma_wait3A_253 : memref<10000x128xf32, #tpu.memory_space<hbm>>) dst(%arg22 : memref<40x128xf32, #tpu.memory_space<vmem>>)
      %dma_start3A_254 = tpu.memref_slice %arg21[%mul3A_246] : memref<5000xi32, #tpu.memory_space<vmem>> -> memref<40xi32, #tpu.memory_space<vmem>>
      %dma_start3A_255 = arith.constant 0 : i32
      %dma_start3A_256 = arith.constant 0 : i32
      %dma_start3A_257 = tpu.memref_slice %arg17[%dma_start3A_255, %dma_start3A_256] : memref<10000x128xf32, #tpu.memory_space<vmem_shared>> -> memref<10000x128xf32, #tpu.memory_space<vmem_shared>>
      tpu.enqueue_indirect_dma source(%arg22 : memref<40x128xf32, #tpu.memory_space<vmem>>) target(%dma_start3A_257 : memref<10000x128xf32, #tpu.memory_space<vmem_shared>>) offsets(%dma_start3A_254 : memref<40xi32, #tpu.memory_space<vmem>>) semaphore(%arg32 : memref<!tpu.dma_semaphore, #tpu.memory_space<semaphore_mem>>) {add = true}
      %dma_start3A_258 = tpu.memref_slice %arg21[%mul3A_246] : memref<5000xi32, #tpu.memory_space<vmem>> -> memref<40xi32, #tpu.memory_space<vmem>>
      %dma_start3A_259 = arith.constant 0 : i32
      %dma_start3A_260 = arith.constant 0 : i32
      %dma_start3A_261 = tpu.memref_slice %arg18[%dma_start3A_259, %dma_start3A_260] : memref<10000x16xf32, #tpu.memory_space<vmem_shared>> -> memref<10000x16xf32, #tpu.memory_space<vmem_shared>>
      tpu.enqueue_indirect_dma source(%arg19 : memref<40x16xf32, #tpu.memory_space<vmem>>) target(%dma_start3A_261 : memref<10000x16xf32, #tpu.memory_space<vmem_shared>>) offsets(%dma_start3A_258 : memref<40xi32, #tpu.memory_space<vmem>>) semaphore(%arg37 : memref<!tpu.dma_semaphore, #tpu.memory_space<semaphore_mem>>) {add = true}
      %add3A_262 = arith.constant 1 : i32
      %add3A_263 = arith.addi %mul3A_242, %add3A_262 : i32
      %mul3A_264 = arith.constant 40 : i32
      %mul3A_265 = arith.muli %add3A_263, %mul3A_264 : i32
      %add3A_266 = arith.constant 1 : i32
      %add3A_267 = arith.addi %mul3A_242, %add3A_266 : i32
      %mul3A_268 = arith.constant 40 : i32
      %mul3A_269 = arith.muli %add3A_267, %mul3A_268 : i32
      %dma_wait3A_270 = tpu.memref_slice %arg20[%mul3A_269] : memref<5000xi32, #tpu.memory_space<vmem>> -> memref<40xi32, #tpu.memory_space<vmem>>
      %dma_wait3A_271 = arith.constant 0 : i32
      %dma_wait3A_272 = arith.constant 0 : i32
      %dma_wait3A_273 = tpu.memref_slice %arg4[%dma_wait3A_271, %dma_wait3A_272] : memref<10000x128xf32, #tpu.memory_space<hbm>> -> memref<10000x128xf32, #tpu.memory_space<hbm>>
      tpu.wait_indirect_dma semaphore(%arg28 : memref<!tpu.dma_semaphore, #tpu.memory_space<semaphore_mem>>) src(%dma_wait3A_273 : memref<10000x128xf32, #tpu.memory_space<hbm>>) dst(%arg23 : memref<40x128xf32, #tpu.memory_space<vmem>>)
      %dma_start3A_274 = tpu.memref_slice %arg21[%mul3A_265] : memref<5000xi32, #tpu.memory_space<vmem>> -> memref<40xi32, #tpu.memory_space<vmem>>
      %dma_start3A_275 = arith.constant 0 : i32
      %dma_start3A_276 = arith.constant 0 : i32
      %dma_start3A_277 = tpu.memref_slice %arg17[%dma_start3A_275, %dma_start3A_276] : memref<10000x128xf32, #tpu.memory_space<vmem_shared>> -> memref<10000x128xf32, #tpu.memory_space<vmem_shared>>
      tpu.enqueue_indirect_dma source(%arg23 : memref<40x128xf32, #tpu.memory_space<vmem>>) target(%dma_start3A_277 : memref<10000x128xf32, #tpu.memory_space<vmem_shared>>) offsets(%dma_start3A_274 : memref<40xi32, #tpu.memory_space<vmem>>) semaphore(%arg33 : memref<!tpu.dma_semaphore, #tpu.memory_space<semaphore_mem>>) {add = true}
      %dma_start3A_278 = tpu.memref_slice %arg21[%mul3A_265] : memref<5000xi32, #tpu.memory_space<vmem>> -> memref<40xi32, #tpu.memory_space<vmem>>
      %dma_start3A_279 = arith.constant 0 : i32
      %dma_start3A_280 = arith.constant 0 : i32
      %dma_start3A_281 = tpu.memref_slice %arg18[%dma_start3A_279, %dma_start3A_280] : memref<10000x16xf32, #tpu.memory_space<vmem_shared>> -> memref<10000x16xf32, #tpu.memory_space<vmem_shared>>
      tpu.enqueue_indirect_dma source(%arg19 : memref<40x16xf32, #tpu.memory_space<vmem>>) target(%dma_start3A_281 : memref<10000x16xf32, #tpu.memory_space<vmem_shared>>) offsets(%dma_start3A_278 : memref<40xi32, #tpu.memory_space<vmem>>) semaphore(%arg38 : memref<!tpu.dma_semaphore, #tpu.memory_space<semaphore_mem>>) {add = true}
      %add3A_282 = arith.constant 2 : i32
      %add3A_283 = arith.addi %mul3A_242, %add3A_282 : i32
      %mul3A_284 = arith.constant 40 : i32
      %mul3A_285 = arith.muli %add3A_283, %mul3A_284 : i32
      %add3A_286 = arith.constant 2 : i32
      %add3A_287 = arith.addi %mul3A_242, %add3A_286 : i32
      %mul3A_288 = arith.constant 40 : i32
      %mul3A_289 = arith.muli %add3A_287, %mul3A_288 : i32
      %dma_wait3A_290 = tpu.memref_slice %arg20[%mul3A_289] : memref<5000xi32, #tpu.memory_space<vmem>> -> memref<40xi32, #tpu.memory_space<vmem>>
      %dma_wait3A_291 = arith.constant 0 : i32
      %dma_wait3A_292 = arith.constant 0 : i32
      %dma_wait3A_293 = tpu.memref_slice %arg4[%dma_wait3A_291, %dma_wait3A_292] : memref<10000x128xf32, #tpu.memory_space<hbm>> -> memref<10000x128xf32, #tpu.memory_space<hbm>>
      tpu.wait_indirect_dma semaphore(%arg29 : memref<!tpu.dma_semaphore, #tpu.memory_space<semaphore_mem>>) src(%dma_wait3A_293 : memref<10000x128xf32, #tpu.memory_space<hbm>>) dst(%arg24 : memref<40x128xf32, #tpu.memory_space<vmem>>)
      %dma_start3A_294 = tpu.memref_slice %arg21[%mul3A_285] : memref<5000xi32, #tpu.memory_space<vmem>> -> memref<40xi32, #tpu.memory_space<vmem>>
      %dma_start3A_295 = arith.constant 0 : i32
      %dma_start3A_296 = arith.constant 0 : i32
      %dma_start3A_297 = tpu.memref_slice %arg17[%dma_start3A_295, %dma_start3A_296] : memref<10000x128xf32, #tpu.memory_space<vmem_shared>> -> memref<10000x128xf32, #tpu.memory_space<vmem_shared>>
      tpu.enqueue_indirect_dma source(%arg24 : memref<40x128xf32, #tpu.memory_space<vmem>>) target(%dma_start3A_297 : memref<10000x128xf32, #tpu.memory_space<vmem_shared>>) offsets(%dma_start3A_294 : memref<40xi32, #tpu.memory_space<vmem>>) semaphore(%arg34 : memref<!tpu.dma_semaphore, #tpu.memory_space<semaphore_mem>>) {add = true}
      %dma_start3A_298 = tpu.memref_slice %arg21[%mul3A_285] : memref<5000xi32, #tpu.memory_space<vmem>> -> memref<40xi32, #tpu.memory_space<vmem>>
      %dma_start3A_299 = arith.constant 0 : i32
      %dma_start3A_300 = arith.constant 0 : i32
      %dma_start3A_301 = tpu.memref_slice %arg18[%dma_start3A_299, %dma_start3A_300] : memref<10000x16xf32, #tpu.memory_space<vmem_shared>> -> memref<10000x16xf32, #tpu.memory_space<vmem_shared>>
      tpu.enqueue_indirect_dma source(%arg19 : memref<40x16xf32, #tpu.memory_space<vmem>>) target(%dma_start3A_301 : memref<10000x16xf32, #tpu.memory_space<vmem_shared>>) offsets(%dma_start3A_298 : memref<40xi32, #tpu.memory_space<vmem>>) semaphore(%arg39 : memref<!tpu.dma_semaphore, #tpu.memory_space<semaphore_mem>>) {add = true}
      %add3A_302 = arith.constant 3 : i32
      %add3A_303 = arith.addi %mul3A_242, %add3A_302 : i32
      %mul3A_304 = arith.constant 40 : i32
      %mul3A_305 = arith.muli %add3A_303, %mul3A_304 : i32
      %add3A_306 = arith.constant 3 : i32
      %add3A_307 = arith.addi %mul3A_242, %add3A_306 : i32
      %mul3A_308 = arith.constant 40 : i32
      %mul3A_309 = arith.muli %add3A_307, %mul3A_308 : i32
      %dma_wait3A_310 = tpu.memref_slice %arg20[%mul3A_309] : memref<5000xi32, #tpu.memory_space<vmem>> -> memref<40xi32, #tpu.memory_space<vmem>>
      %dma_wait3A_311 = arith.constant 0 : i32
      %dma_wait3A_312 = arith.constant 0 : i32
      %dma_wait3A_313 = tpu.memref_slice %arg4[%dma_wait3A_311, %dma_wait3A_312] : memref<10000x128xf32, #tpu.memory_space<hbm>> -> memref<10000x128xf32, #tpu.memory_space<hbm>>
      tpu.wait_indirect_dma semaphore(%arg30 : memref<!tpu.dma_semaphore, #tpu.memory_space<semaphore_mem>>) src(%dma_wait3A_313 : memref<10000x128xf32, #tpu.memory_space<hbm>>) dst(%arg25 : memref<40x128xf32, #tpu.memory_space<vmem>>)
      %dma_start3A_314 = tpu.memref_slice %arg21[%mul3A_305] : memref<5000xi32, #tpu.memory_space<vmem>> -> memref<40xi32, #tpu.memory_space<vmem>>
      %dma_start3A_315 = arith.constant 0 : i32
      %dma_start3A_316 = arith.constant 0 : i32
      %dma_start3A_317 = tpu.memref_slice %arg17[%dma_start3A_315, %dma_start3A_316] : memref<10000x128xf32, #tpu.memory_space<vmem_shared>> -> memref<10000x128xf32, #tpu.memory_space<vmem_shared>>
      tpu.enqueue_indirect_dma source(%arg25 : memref<40x128xf32, #tpu.memory_space<vmem>>) target(%dma_start3A_317 : memref<10000x128xf32, #tpu.memory_space<vmem_shared>>) offsets(%dma_start3A_314 : memref<40xi32, #tpu.memory_space<vmem>>) semaphore(%arg35 : memref<!tpu.dma_semaphore, #tpu.memory_space<semaphore_mem>>) {add = true}
      %dma_start3A_318 = tpu.memref_slice %arg21[%mul3A_305] : memref<5000xi32, #tpu.memory_space<vmem>> -> memref<40xi32, #tpu.memory_space<vmem>>
      %dma_start3A_319 = arith.constant 0 : i32
      %dma_start3A_320 = arith.constant 0 : i32
      %dma_start3A_321 = tpu.memref_slice %arg18[%dma_start3A_319, %dma_start3A_320] : memref<10000x16xf32, #tpu.memory_space<vmem_shared>> -> memref<10000x16xf32, #tpu.memory_space<vmem_shared>>
      tpu.enqueue_indirect_dma source(%arg19 : memref<40x16xf32, #tpu.memory_space<vmem>>) target(%dma_start3A_321 : memref<10000x16xf32, #tpu.memory_space<vmem_shared>>) offsets(%dma_start3A_318 : memref<40xi32, #tpu.memory_space<vmem>>) semaphore(%arg40 : memref<!tpu.dma_semaphore, #tpu.memory_space<semaphore_mem>>) {add = true}
      %add3A_322 = arith.constant 4 : i32
      %add3A_323 = arith.addi %mul3A_242, %add3A_322 : i32
      %mul3A_324 = arith.constant 40 : i32
      %mul3A_325 = arith.muli %add3A_323, %mul3A_324 : i32
      %add3A_326 = arith.constant 4 : i32
      %add3A_327 = arith.addi %mul3A_242, %add3A_326 : i32
      %mul3A_328 = arith.constant 40 : i32
      %mul3A_329 = arith.muli %add3A_327, %mul3A_328 : i32
      %dma_wait3A_330 = tpu.memref_slice %arg20[%mul3A_329] : memref<5000xi32, #tpu.memory_space<vmem>> -> memref<40xi32, #tpu.memory_space<vmem>>
      %dma_wait3A_331 = arith.constant 0 : i32
      %dma_wait3A_332 = arith.constant 0 : i32
      %dma_wait3A_333 = tpu.memref_slice %arg4[%dma_wait3A_331, %dma_wait3A_332] : memref<10000x128xf32, #tpu.memory_space<hbm>> -> memref<10000x128xf32, #tpu.memory_space<hbm>>
      tpu.wait_indirect_dma semaphore(%arg31 : memref<!tpu.dma_semaphore, #tpu.memory_space<semaphore_mem>>) src(%dma_wait3A_333 : memref<10000x128xf32, #tpu.memory_space<hbm>>) dst(%arg26 : memref<40x128xf32, #tpu.memory_space<vmem>>)
      %dma_start3A_334 = tpu.memref_slice %arg21[%mul3A_325] : memref<5000xi32, #tpu.memory_space<vmem>> -> memref<40xi32, #tpu.memory_space<vmem>>
      %dma_start3A_335 = arith.constant 0 : i32
      %dma_start3A_336 = arith.constant 0 : i32
      %dma_start3A_337 = tpu.memref_slice %arg17[%dma_start3A_335, %dma_start3A_336] : memref<10000x128xf32, #tpu.memory_space<vmem_shared>> -> memref<10000x128xf32, #tpu.memory_space<vmem_shared>>
      tpu.enqueue_indirect_dma source(%arg26 : memref<40x128xf32, #tpu.memory_space<vmem>>) target(%dma_start3A_337 : memref<10000x128xf32, #tpu.memory_space<vmem_shared>>) offsets(%dma_start3A_334 : memref<40xi32, #tpu.memory_space<vmem>>) semaphore(%arg36 : memref<!tpu.dma_semaphore, #tpu.memory_space<semaphore_mem>>) {add = true}
      %dma_start3A_338 = tpu.memref_slice %arg21[%mul3A_325] : memref<5000xi32, #tpu.memory_space<vmem>> -> memref<40xi32, #tpu.memory_space<vmem>>
      %dma_start3A_339 = arith.constant 0 : i32
      %dma_start3A_340 = arith.constant 0 : i32
      %dma_start3A_341 = tpu.memref_slice %arg18[%dma_start3A_339, %dma_start3A_340] : memref<10000x16xf32, #tpu.memory_space<vmem_shared>> -> memref<10000x16xf32, #tpu.memory_space<vmem_shared>>
      tpu.enqueue_indirect_dma source(%arg19 : memref<40x16xf32, #tpu.memory_space<vmem>>) target(%dma_start3A_341 : memref<10000x16xf32, #tpu.memory_space<vmem_shared>>) offsets(%dma_start3A_338 : memref<40xi32, #tpu.memory_space<vmem>>) semaphore(%arg41 : memref<!tpu.dma_semaphore, #tpu.memory_space<semaphore_mem>>) {add = true}
      %dma_wait3A_342 = tpu.memref_slice %arg21[%mul3A_246] : memref<5000xi32, #tpu.memory_space<vmem>> -> memref<40xi32, #tpu.memory_space<vmem>>
      %dma_wait3A_343 = arith.constant 0 : i32
      %dma_wait3A_344 = arith.constant 0 : i32
      %dma_wait3A_345 = tpu.memref_slice %arg17[%dma_wait3A_343, %dma_wait3A_344] : memref<10000x128xf32, #tpu.memory_space<vmem_shared>> -> memref<10000x128xf32, #tpu.memory_space<vmem_shared>>
      tpu.wait_indirect_dma semaphore(%arg32 : memref<!tpu.dma_semaphore, #tpu.memory_space<semaphore_mem>>) src(%arg22 : memref<40x128xf32, #tpu.memory_space<vmem>>) dst(%dma_wait3A_345 : memref<10000x128xf32, #tpu.memory_space<vmem_shared>>)
      %dma_wait3A_346 = tpu.memref_slice %arg21[%mul3A_246] : memref<5000xi32, #tpu.memory_space<vmem>> -> memref<40xi32, #tpu.memory_space<vmem>>
      %dma_wait3A_347 = arith.constant 0 : i32
      %dma_wait3A_348 = arith.constant 0 : i32
      %dma_wait3A_349 = tpu.memref_slice %arg18[%dma_wait3A_347, %dma_wait3A_348] : memref<10000x16xf32, #tpu.memory_space<vmem_shared>> -> memref<10000x16xf32, #tpu.memory_space<vmem_shared>>
      tpu.wait_indirect_dma semaphore(%arg37 : memref<!tpu.dma_semaphore, #tpu.memory_space<semaphore_mem>>) src(%arg19 : memref<40x16xf32, #tpu.memory_space<vmem>>) dst(%dma_wait3A_349 : memref<10000x16xf32, #tpu.memory_space<vmem_shared>>)
      %lt3A = arith.constant 24 : i32
      %lt3A_350 = arith.cmpi slt, %scan3A_240, %lt3A : i32
      %convert_element_type3A_351 = arith.extui %lt3A_350 : i1 to i32
      %cond3A_352 = arith.constant 0 : i32
      %cond3A_353 = arith.cmpi ne, %convert_element_type3A_351, %cond3A_352 : i32
      scf.if %cond3A_353 {
        %add3A_406 = arith.constant 5 : i32
        %add3A_407 = arith.addi %mul3A_242, %add3A_406 : i32
        %add3A_408 = arith.constant 0 : i32
        %add3A_409 = arith.addi %add3A_407, %add3A_408 : i32
        %mul3A_410 = arith.constant 40 : i32
        %mul3A_411 = arith.muli %add3A_409, %mul3A_410 : i32
        %dma_start3A_412 = tpu.memref_slice %arg20[%mul3A_411] : memref<5000xi32, #tpu.memory_space<vmem>> -> memref<40xi32, #tpu.memory_space<vmem>>
        %dma_start3A_413 = arith.constant 0 : i32
        %dma_start3A_414 = arith.constant 0 : i32
        %dma_start3A_415 = tpu.memref_slice %arg4[%dma_start3A_413, %dma_start3A_414] : memref<10000x128xf32, #tpu.memory_space<hbm>> -> memref<10000x128xf32, #tpu.memory_space<hbm>>
        tpu.enqueue_indirect_dma source(%dma_start3A_415 : memref<10000x128xf32, #tpu.memory_space<hbm>>) target(%arg22 : memref<40x128xf32, #tpu.memory_space<vmem>>) offsets(%dma_start3A_412 : memref<40xi32, #tpu.memory_space<vmem>>) semaphore(%arg27 : memref<!tpu.dma_semaphore, #tpu.memory_space<semaphore_mem>>)
      } else {
      }
      %dma_wait3A_354 = tpu.memref_slice %arg21[%mul3A_265] : memref<5000xi32, #tpu.memory_space<vmem>> -> memref<40xi32, #tpu.memory_space<vmem>>
      %dma_wait3A_355 = arith.constant 0 : i32
      %dma_wait3A_356 = arith.constant 0 : i32
      %dma_wait3A_357 = tpu.memref_slice %arg17[%dma_wait3A_355, %dma_wait3A_356] : memref<10000x128xf32, #tpu.memory_space<vmem_shared>> -> memref<10000x128xf32, #tpu.memory_space<vmem_shared>>
      tpu.wait_indirect_dma semaphore(%arg33 : memref<!tpu.dma_semaphore, #tpu.memory_space<semaphore_mem>>) src(%arg23 : memref<40x128xf32, #tpu.memory_space<vmem>>) dst(%dma_wait3A_357 : memref<10000x128xf32, #tpu.memory_space<vmem_shared>>)
      %dma_wait3A_358 = tpu.memref_slice %arg21[%mul3A_265] : memref<5000xi32, #tpu.memory_space<vmem>> -> memref<40xi32, #tpu.memory_space<vmem>>
      %dma_wait3A_359 = arith.constant 0 : i32
      %dma_wait3A_360 = arith.constant 0 : i32
      %dma_wait3A_361 = tpu.memref_slice %arg18[%dma_wait3A_359, %dma_wait3A_360] : memref<10000x16xf32, #tpu.memory_space<vmem_shared>> -> memref<10000x16xf32, #tpu.memory_space<vmem_shared>>
      tpu.wait_indirect_dma semaphore(%arg38 : memref<!tpu.dma_semaphore, #tpu.memory_space<semaphore_mem>>) src(%arg19 : memref<40x16xf32, #tpu.memory_space<vmem>>) dst(%dma_wait3A_361 : memref<10000x16xf32, #tpu.memory_space<vmem_shared>>)
      %lt3A_362 = arith.constant 24 : i32
      %lt3A_363 = arith.cmpi slt, %scan3A_240, %lt3A_362 : i32
      %convert_element_type3A_364 = arith.extui %lt3A_363 : i1 to i32
      %cond3A_365 = arith.constant 0 : i32
      %cond3A_366 = arith.cmpi ne, %convert_element_type3A_364, %cond3A_365 : i32
      scf.if %cond3A_366 {
        %add3A_406 = arith.constant 5 : i32
        %add3A_407 = arith.addi %mul3A_242, %add3A_406 : i32
        %add3A_408 = arith.constant 1 : i32
        %add3A_409 = arith.addi %add3A_407, %add3A_408 : i32
        %mul3A_410 = arith.constant 40 : i32
        %mul3A_411 = arith.muli %add3A_409, %mul3A_410 : i32
        %dma_start3A_412 = tpu.memref_slice %arg20[%mul3A_411] : memref<5000xi32, #tpu.memory_space<vmem>> -> memref<40xi32, #tpu.memory_space<vmem>>
        %dma_start3A_413 = arith.constant 0 : i32
        %dma_start3A_414 = arith.constant 0 : i32
        %dma_start3A_415 = tpu.memref_slice %arg4[%dma_start3A_413, %dma_start3A_414] : memref<10000x128xf32, #tpu.memory_space<hbm>> -> memref<10000x128xf32, #tpu.memory_space<hbm>>
        tpu.enqueue_indirect_dma source(%dma_start3A_415 : memref<10000x128xf32, #tpu.memory_space<hbm>>) target(%arg23 : memref<40x128xf32, #tpu.memory_space<vmem>>) offsets(%dma_start3A_412 : memref<40xi32, #tpu.memory_space<vmem>>) semaphore(%arg28 : memref<!tpu.dma_semaphore, #tpu.memory_space<semaphore_mem>>)
      } else {
      }
      %dma_wait3A_367 = tpu.memref_slice %arg21[%mul3A_285] : memref<5000xi32, #tpu.memory_space<vmem>> -> memref<40xi32, #tpu.memory_space<vmem>>
      %dma_wait3A_368 = arith.constant 0 : i32
      %dma_wait3A_369 = arith.constant 0 : i32
      %dma_wait3A_370 = tpu.memref_slice %arg17[%dma_wait3A_368, %dma_wait3A_369] : memref<10000x128xf32, #tpu.memory_space<vmem_shared>> -> memref<10000x128xf32, #tpu.memory_space<vmem_shared>>
      tpu.wait_indirect_dma semaphore(%arg34 : memref<!tpu.dma_semaphore, #tpu.memory_space<semaphore_mem>>) src(%arg24 : memref<40x128xf32, #tpu.memory_space<vmem>>) dst(%dma_wait3A_370 : memref<10000x128xf32, #tpu.memory_space<vmem_shared>>)
      %dma_wait3A_371 = tpu.memref_slice %arg21[%mul3A_285] : memref<5000xi32, #tpu.memory_space<vmem>> -> memref<40xi32, #tpu.memory_space<vmem>>
      %dma_wait3A_372 = arith.constant 0 : i32
      %dma_wait3A_373 = arith.constant 0 : i32
      %dma_wait3A_374 = tpu.memref_slice %arg18[%dma_wait3A_372, %dma_wait3A_373] : memref<10000x16xf32, #tpu.memory_space<vmem_shared>> -> memref<10000x16xf32, #tpu.memory_space<vmem_shared>>
      tpu.wait_indirect_dma semaphore(%arg39 : memref<!tpu.dma_semaphore, #tpu.memory_space<semaphore_mem>>) src(%arg19 : memref<40x16xf32, #tpu.memory_space<vmem>>) dst(%dma_wait3A_374 : memref<10000x16xf32, #tpu.memory_space<vmem_shared>>)
      %lt3A_375 = arith.constant 24 : i32
      %lt3A_376 = arith.cmpi slt, %scan3A_240, %lt3A_375 : i32
      %convert_element_type3A_377 = arith.extui %lt3A_376 : i1 to i32
      %cond3A_378 = arith.constant 0 : i32
      %cond3A_379 = arith.cmpi ne, %convert_element_type3A_377, %cond3A_378 : i32
      scf.if %cond3A_379 {
        %add3A_406 = arith.constant 5 : i32
        %add3A_407 = arith.addi %mul3A_242, %add3A_406 : i32
        %add3A_408 = arith.constant 2 : i32
        %add3A_409 = arith.addi %add3A_407, %add3A_408 : i32
        %mul3A_410 = arith.constant 40 : i32
        %mul3A_411 = arith.muli %add3A_409, %mul3A_410 : i32
        %dma_start3A_412 = tpu.memref_slice %arg20[%mul3A_411] : memref<5000xi32, #tpu.memory_space<vmem>> -> memref<40xi32, #tpu.memory_space<vmem>>
        %dma_start3A_413 = arith.constant 0 : i32
        %dma_start3A_414 = arith.constant 0 : i32
        %dma_start3A_415 = tpu.memref_slice %arg4[%dma_start3A_413, %dma_start3A_414] : memref<10000x128xf32, #tpu.memory_space<hbm>> -> memref<10000x128xf32, #tpu.memory_space<hbm>>
        tpu.enqueue_indirect_dma source(%dma_start3A_415 : memref<10000x128xf32, #tpu.memory_space<hbm>>) target(%arg24 : memref<40x128xf32, #tpu.memory_space<vmem>>) offsets(%dma_start3A_412 : memref<40xi32, #tpu.memory_space<vmem>>) semaphore(%arg29 : memref<!tpu.dma_semaphore, #tpu.memory_space<semaphore_mem>>)
      } else {
      }
      %dma_wait3A_380 = tpu.memref_slice %arg21[%mul3A_305] : memref<5000xi32, #tpu.memory_space<vmem>> -> memref<40xi32, #tpu.memory_space<vmem>>
      %dma_wait3A_381 = arith.constant 0 : i32
      %dma_wait3A_382 = arith.constant 0 : i32
      %dma_wait3A_383 = tpu.memref_slice %arg17[%dma_wait3A_381, %dma_wait3A_382] : memref<10000x128xf32, #tpu.memory_space<vmem_shared>> -> memref<10000x128xf32, #tpu.memory_space<vmem_shared>>
      tpu.wait_indirect_dma semaphore(%arg35 : memref<!tpu.dma_semaphore, #tpu.memory_space<semaphore_mem>>) src(%arg25 : memref<40x128xf32, #tpu.memory_space<vmem>>) dst(%dma_wait3A_383 : memref<10000x128xf32, #tpu.memory_space<vmem_shared>>)
      %dma_wait3A_384 = tpu.memref_slice %arg21[%mul3A_305] : memref<5000xi32, #tpu.memory_space<vmem>> -> memref<40xi32, #tpu.memory_space<vmem>>
      %dma_wait3A_385 = arith.constant 0 : i32
      %dma_wait3A_386 = arith.constant 0 : i32
      %dma_wait3A_387 = tpu.memref_slice %arg18[%dma_wait3A_385, %dma_wait3A_386] : memref<10000x16xf32, #tpu.memory_space<vmem_shared>> -> memref<10000x16xf32, #tpu.memory_space<vmem_shared>>
      tpu.wait_indirect_dma semaphore(%arg40 : memref<!tpu.dma_semaphore, #tpu.memory_space<semaphore_mem>>) src(%arg19 : memref<40x16xf32, #tpu.memory_space<vmem>>) dst(%dma_wait3A_387 : memref<10000x16xf32, #tpu.memory_space<vmem_shared>>)
      %lt3A_388 = arith.constant 24 : i32
      %lt3A_389 = arith.cmpi slt, %scan3A_240, %lt3A_388 : i32
      %convert_element_type3A_390 = arith.extui %lt3A_389 : i1 to i32
      %cond3A_391 = arith.constant 0 : i32
      %cond3A_392 = arith.cmpi ne, %convert_element_type3A_390, %cond3A_391 : i32
      scf.if %cond3A_392 {
        %add3A_406 = arith.constant 5 : i32
        %add3A_407 = arith.addi %mul3A_242, %add3A_406 : i32
        %add3A_408 = arith.constant 3 : i32
        %add3A_409 = arith.addi %add3A_407, %add3A_408 : i32
        %mul3A_410 = arith.constant 40 : i32
        %mul3A_411 = arith.muli %add3A_409, %mul3A_410 : i32
        %dma_start3A_412 = tpu.memref_slice %arg20[%mul3A_411] : memref<5000xi32, #tpu.memory_space<vmem>> -> memref<40xi32, #tpu.memory_space<vmem>>
        %dma_start3A_413 = arith.constant 0 : i32
        %dma_start3A_414 = arith.constant 0 : i32
        %dma_start3A_415 = tpu.memref_slice %arg4[%dma_start3A_413, %dma_start3A_414] : memref<10000x128xf32, #tpu.memory_space<hbm>> -> memref<10000x128xf32, #tpu.memory_space<hbm>>
        tpu.enqueue_indirect_dma source(%dma_start3A_415 : memref<10000x128xf32, #tpu.memory_space<hbm>>) target(%arg25 : memref<40x128xf32, #tpu.memory_space<vmem>>) offsets(%dma_start3A_412 : memref<40xi32, #tpu.memory_space<vmem>>) semaphore(%arg30 : memref<!tpu.dma_semaphore, #tpu.memory_space<semaphore_mem>>)
      } else {
      }
      %dma_wait3A_393 = tpu.memref_slice %arg21[%mul3A_325] : memref<5000xi32, #tpu.memory_space<vmem>> -> memref<40xi32, #tpu.memory_space<vmem>>
      %dma_wait3A_394 = arith.constant 0 : i32
      %dma_wait3A_395 = arith.constant 0 : i32
      %dma_wait3A_396 = tpu.memref_slice %arg17[%dma_wait3A_394, %dma_wait3A_395] : memref<10000x128xf32, #tpu.memory_space<vmem_shared>> -> memref<10000x128xf32, #tpu.memory_space<vmem_shared>>
      tpu.wait_indirect_dma semaphore(%arg36 : memref<!tpu.dma_semaphore, #tpu.memory_space<semaphore_mem>>) src(%arg26 : memref<40x128xf32, #tpu.memory_space<vmem>>) dst(%dma_wait3A_396 : memref<10000x128xf32, #tpu.memory_space<vmem_shared>>)
      %dma_wait3A_397 = tpu.memref_slice %arg21[%mul3A_325] : memref<5000xi32, #tpu.memory_space<vmem>> -> memref<40xi32, #tpu.memory_space<vmem>>
      %dma_wait3A_398 = arith.constant 0 : i32
      %dma_wait3A_399 = arith.constant 0 : i32
      %dma_wait3A_400 = tpu.memref_slice %arg18[%dma_wait3A_398, %dma_wait3A_399] : memref<10000x16xf32, #tpu.memory_space<vmem_shared>> -> memref<10000x16xf32, #tpu.memory_space<vmem_shared>>
      tpu.wait_indirect_dma semaphore(%arg41 : memref<!tpu.dma_semaphore, #tpu.memory_space<semaphore_mem>>) src(%arg19 : memref<40x16xf32, #tpu.memory_space<vmem>>) dst(%dma_wait3A_400 : memref<10000x16xf32, #tpu.memory_space<vmem_shared>>)
      %lt3A_401 = arith.constant 24 : i32
      %lt3A_402 = arith.cmpi slt, %scan3A_240, %lt3A_401 : i32
      %convert_element_type3A_403 = arith.extui %lt3A_402 : i1 to i32
      %cond3A_404 = arith.constant 0 : i32
      %cond3A_405 = arith.cmpi ne, %convert_element_type3A_403, %cond3A_404 : i32
      scf.if %cond3A_405 {
        %add3A_406 = arith.constant 5 : i32
        %add3A_407 = arith.addi %mul3A_242, %add3A_406 : i32
        %add3A_408 = arith.constant 4 : i32
        %add3A_409 = arith.addi %add3A_407, %add3A_408 : i32
        %mul3A_410 = arith.constant 40 : i32
        %mul3A_411 = arith.muli %add3A_409, %mul3A_410 : i32
        %dma_start3A_412 = tpu.memref_slice %arg20[%mul3A_411] : memref<5000xi32, #tpu.memory_space<vmem>> -> memref<40xi32, #tpu.memory_space<vmem>>
        %dma_start3A_413 = arith.constant 0 : i32
        %dma_start3A_414 = arith.constant 0 : i32
        %dma_start3A_415 = tpu.memref_slice %arg4[%dma_start3A_413, %dma_start3A_414] : memref<10000x128xf32, #tpu.memory_space<hbm>> -> memref<10000x128xf32, #tpu.memory_space<hbm>>
        tpu.enqueue_indirect_dma source(%dma_start3A_415 : memref<10000x128xf32, #tpu.memory_space<hbm>>) target(%arg26 : memref<40x128xf32, #tpu.memory_space<vmem>>) offsets(%dma_start3A_412 : memref<40xi32, #tpu.memory_space<vmem>>) semaphore(%arg31 : memref<!tpu.dma_semaphore, #tpu.memory_space<semaphore_mem>>)
      } else {
      }
    }
    %scan3A_195 = arith.constant 25 : i32
    %add3A_196 = arith.constant 5000 : i32
    %add3A_197 = arith.addi %mul3A_6, %add3A_196 : i32
    %run_scoped3A_198 = arith.constant 0 : i32
    "tpu.region"() ({
      %run_scoped3A_240 = tpu.sem_alloc : memref<!tpu.dma_semaphore, #tpu.memory_space<semaphore_mem>>
      %dma_start3A_241 = tpu.memref_slice %arg7[%run_scoped3A_198, %add3A_197] : memref<2x320000xi32, #tpu.memory_space<hbm>> -> memref<1x5000xi32, #tpu.memory_space<hbm>>
      %dma_start3A_242 = tpu.memref_squeeze %dma_start3A_241 : memref<1x5000xi32, #tpu.memory_space<hbm>> -> memref<5000xi32, #tpu.memory_space<hbm>>
      %dma_start3A_243 = tpu.memref_slice %arg7[%run_scoped3A_198, %add3A_197] : memref<2x320000xi32, #tpu.memory_space<hbm>> -> memref<1x5000xi32, #tpu.memory_space<hbm>>
      %dma_start3A_244 = tpu.memref_squeeze %dma_start3A_243 : memref<1x5000xi32, #tpu.memory_space<hbm>> -> memref<5000xi32, #tpu.memory_space<hbm>>
      tpu.enqueue_dma source(%dma_start3A_244 : memref<5000xi32, #tpu.memory_space<hbm>>) target(%arg20 : memref<5000xi32, #tpu.memory_space<vmem>>) target_semaphore(%run_scoped3A_240 : memref<!tpu.dma_semaphore, #tpu.memory_space<semaphore_mem>>)
      %dma_wait3A = tpu.memref_slice %arg7[%run_scoped3A_198, %add3A_197] : memref<2x320000xi32, #tpu.memory_space<hbm>> -> memref<1x5000xi32, #tpu.memory_space<hbm>>
      %dma_wait3A_245 = tpu.memref_squeeze %dma_wait3A : memref<1x5000xi32, #tpu.memory_space<hbm>> -> memref<5000xi32, #tpu.memory_space<hbm>>
      %dma_wait3A_246 = tpu.memref_slice %arg7[%run_scoped3A_198, %add3A_197] : memref<2x320000xi32, #tpu.memory_space<hbm>> -> memref<1x5000xi32, #tpu.memory_space<hbm>>
      %dma_wait3A_247 = tpu.memref_squeeze %dma_wait3A_246 : memref<1x5000xi32, #tpu.memory_space<hbm>> -> memref<5000xi32, #tpu.memory_space<hbm>>
      tpu.wait_dma2 semaphore(%run_scoped3A_240 : memref<!tpu.dma_semaphore, #tpu.memory_space<semaphore_mem>>) src(%dma_wait3A_247 : memref<5000xi32, #tpu.memory_space<hbm>>) dst(%arg20 : memref<5000xi32, #tpu.memory_space<vmem>>)
      tpu.yield
    }) : () -> ()
    %run_scoped3A_199 = arith.constant 1 : i32
    "tpu.region"() ({
      %run_scoped3A_240 = tpu.sem_alloc : memref<!tpu.dma_semaphore, #tpu.memory_space<semaphore_mem>>
      %dma_start3A_241 = tpu.memref_slice %arg7[%run_scoped3A_199, %add3A_197] : memref<2x320000xi32, #tpu.memory_space<hbm>> -> memref<1x5000xi32, #tpu.memory_space<hbm>>
      %dma_start3A_242 = tpu.memref_squeeze %dma_start3A_241 : memref<1x5000xi32, #tpu.memory_space<hbm>> -> memref<5000xi32, #tpu.memory_space<hbm>>
      %dma_start3A_243 = tpu.memref_slice %arg7[%run_scoped3A_199, %add3A_197] : memref<2x320000xi32, #tpu.memory_space<hbm>> -> memref<1x5000xi32, #tpu.memory_space<hbm>>
      %dma_start3A_244 = tpu.memref_squeeze %dma_start3A_243 : memref<1x5000xi32, #tpu.memory_space<hbm>> -> memref<5000xi32, #tpu.memory_space<hbm>>
      tpu.enqueue_dma source(%dma_start3A_244 : memref<5000xi32, #tpu.memory_space<hbm>>) target(%arg21 : memref<5000xi32, #tpu.memory_space<vmem>>) target_semaphore(%run_scoped3A_240 : memref<!tpu.dma_semaphore, #tpu.memory_space<semaphore_mem>>)
      %dma_wait3A = tpu.memref_slice %arg7[%run_scoped3A_199, %add3A_197] : memref<2x320000xi32, #tpu.memory_space<hbm>> -> memref<1x5000xi32, #tpu.memory_space<hbm>>
      %dma_wait3A_245 = tpu.memref_squeeze %dma_wait3A : memref<1x5000xi32, #tpu.memory_space<hbm>> -> memref<5000xi32, #tpu.memory_space<hbm>>
      %dma_wait3A_246 = tpu.memref_slice %arg7[%run_scoped3A_199, %add3A_197] : memref<2x320000xi32, #tpu.memory_space<hbm>> -> memref<1x5000xi32, #tpu.memory_space<hbm>>
      %dma_wait3A_247 = tpu.memref_squeeze %dma_wait3A_246 : memref<1x5000xi32, #tpu.memory_space<hbm>> -> memref<5000xi32, #tpu.memory_space<hbm>>
      tpu.wait_dma2 semaphore(%run_scoped3A_240 : memref<!tpu.dma_semaphore, #tpu.memory_space<semaphore_mem>>) src(%dma_wait3A_247 : memref<5000xi32, #tpu.memory_space<hbm>>) dst(%arg21 : memref<5000xi32, #tpu.memory_space<vmem>>)
      tpu.yield
    }) : () -> ()
    %dma_start3A_200 = arith.constant 0 : i32
    %dma_start3A_201 = tpu.memref_slice %arg20[%dma_start3A_200] : memref<5000xi32, #tpu.memory_space<vmem>> -> memref<40xi32, #tpu.memory_space<vmem>>
    %dma_start3A_202 = arith.constant 0 : i32
    %dma_start3A_203 = arith.constant 0 : i32
    %dma_start3A_204 = tpu.memref_slice %arg4[%dma_start3A_202, %dma_start3A_203] : memref<10000x128xf32, #tpu.memory_space<hbm>> -> memref<10000x128xf32, #tpu.memory_space<hbm>>
    tpu.enqueue_indirect_dma source(%dma_start3A_204 : memref<10000x128xf32, #tpu.memory_space<hbm>>) target(%arg22 : memref<40x128xf32, #tpu.memory_space<vmem>>) offsets(%dma_start3A_201 : memref<40xi32, #tpu.memory_space<vmem>>) semaphore(%arg27 : memref<!tpu.dma_semaphore, #tpu.memory_space<semaphore_mem>>)
    %dma_start3A_205 = arith.constant 40 : i32
    %dma_start3A_206 = tpu.memref_slice %arg20[%dma_start3A_205] : memref<5000xi32, #tpu.memory_space<vmem>> -> memref<40xi32, #tpu.memory_space<vmem>>
    %dma_start3A_207 = arith.constant 0 : i32
    %dma_start3A_208 = arith.constant 0 : i32
    %dma_start3A_209 = tpu.memref_slice %arg4[%dma_start3A_207, %dma_start3A_208] : memref<10000x128xf32, #tpu.memory_space<hbm>> -> memref<10000x128xf32, #tpu.memory_space<hbm>>
    tpu.enqueue_indirect_dma source(%dma_start3A_209 : memref<10000x128xf32, #tpu.memory_space<hbm>>) target(%arg23 : memref<40x128xf32, #tpu.memory_space<vmem>>) offsets(%dma_start3A_206 : memref<40xi32, #tpu.memory_space<vmem>>) semaphore(%arg28 : memref<!tpu.dma_semaphore, #tpu.memory_space<semaphore_mem>>)
    %dma_start3A_210 = arith.constant 80 : i32
    %dma_start3A_211 = tpu.memref_slice %arg20[%dma_start3A_210] : memref<5000xi32, #tpu.memory_space<vmem>> -> memref<40xi32, #tpu.memory_space<vmem>>
    %dma_start3A_212 = arith.constant 0 : i32
    %dma_start3A_213 = arith.constant 0 : i32
    %dma_start3A_214 = tpu.memref_slice %arg4[%dma_start3A_212, %dma_start3A_213] : memref<10000x128xf32, #tpu.memory_space<hbm>> -> memref<10000x128xf32, #tpu.memory_space<hbm>>
    tpu.enqueue_indirect_dma source(%dma_start3A_214 : memref<10000x128xf32, #tpu.memory_space<hbm>>) target(%arg24 : memref<40x128xf32, #tpu.memory_space<vmem>>) offsets(%dma_start3A_211 : memref<40xi32, #tpu.memory_space<vmem>>) semaphore(%arg29 : memref<!tpu.dma_semaphore, #tpu.memory_space<semaphore_mem>>)
    %dma_start3A_215 = arith.constant 120 : i32
    %dma_start3A_216 = tpu.memref_slice %arg20[%dma_start3A_215] : memref<5000xi32, #tpu.memory_space<vmem>> -> memref<40xi32, #tpu.memory_space<vmem>>
    %dma_start3A_217 = arith.constant 0 : i32
    %dma_start3A_218 = arith.constant 0 : i32
    %dma_start3A_219 = tpu.memref_slice %arg4[%dma_start3A_217, %dma_start3A_218] : memref<10000x128xf32, #tpu.memory_space<hbm>> -> memref<10000x128xf32, #tpu.memory_space<hbm>>
    tpu.enqueue_indirect_dma source(%dma_start3A_219 : memref<10000x128xf32, #tpu.memory_space<hbm>>) target(%arg25 : memref<40x128xf32, #tpu.memory_space<vmem>>) offsets(%dma_start3A_216 : memref<40xi32, #tpu.memory_space<vmem>>) semaphore(%arg30 : memref<!tpu.dma_semaphore, #tpu.memory_space<semaphore_mem>>)
    %dma_start3A_220 = arith.constant 160 : i32
    %dma_start3A_221 = tpu.memref_slice %arg20[%dma_start3A_220] : memref<5000xi32, #tpu.memory_space<vmem>> -> memref<40xi32, #tpu.memory_space<vmem>>
    %dma_start3A_222 = arith.constant 0 : i32
    %dma_start3A_223 = arith.constant 0 : i32
    %dma_start3A_224 = tpu.memref_slice %arg4[%dma_start3A_222, %dma_start3A_223] : memref<10000x128xf32, #tpu.memory_space<hbm>> -> memref<10000x128xf32, #tpu.memory_space<hbm>>
    tpu.enqueue_indirect_dma source(%dma_start3A_224 : memref<10000x128xf32, #tpu.memory_space<hbm>>) target(%arg26 : memref<40x128xf32, #tpu.memory_space<vmem>>) offsets(%dma_start3A_221 : memref<40xi32, #tpu.memory_space<vmem>>) semaphore(%arg31 : memref<!tpu.dma_semaphore, #tpu.memory_space<semaphore_mem>>)
    %scan3A_225 = arith.constant 0 : i32
    %scan3A_226 = arith.constant 0 : i32
    %scan3A_227 = arith.constant 25 : i32
    %scan3A_228 = arith.addi %scan3A_226, %scan3A_227 : i32
    %scan3A_229 = arith.constant 1 : i32
    scf.for %scan3A_240 = %scan3A_226 to %scan3A_228 step %scan3A_229  : i32 {
      %mul3A_241 = arith.constant 5 : i32
      %mul3A_242 = arith.muli %mul3A_241, %scan3A_240 : i32
      %add3A_243 = arith.constant 0 : i32
      %add3A_244 = arith.addi %mul3A_242, %add3A_243 : i32
      %mul3A_245 = arith.constant 40 : i32
      %mul3A_246 = arith.muli %add3A_244, %mul3A_245 : i32
      %add3A_247 = arith.constant 0 : i32
      %add3A_248 = arith.addi %mul3A_242, %add3A_247 : i32
      %mul3A_249 = arith.constant 40 : i32
      %mul3A_250 = arith.muli %add3A_248, %mul3A_249 : i32
      %dma_wait3A = tpu.memref_slice %arg20[%mul3A_250] : memref<5000xi32, #tpu.memory_space<vmem>> -> memref<40xi32, #tpu.memory_space<vmem>>
      %dma_wait3A_251 = arith.constant 0 : i32
      %dma_wait3A_252 = arith.constant 0 : i32
      %dma_wait3A_253 = tpu.memref_slice %arg4[%dma_wait3A_251, %dma_wait3A_252] : memref<10000x128xf32, #tpu.memory_space<hbm>> -> memref<10000x128xf32, #tpu.memory_space<hbm>>
      tpu.wait_indirect_dma semaphore(%arg27 : memref<!tpu.dma_semaphore, #tpu.memory_space<semaphore_mem>>) src(%dma_wait3A_253 : memref<10000x128xf32, #tpu.memory_space<hbm>>) dst(%arg22 : memref<40x128xf32, #tpu.memory_space<vmem>>)
      %dma_start3A_254 = tpu.memref_slice %arg21[%mul3A_246] : memref<5000xi32, #tpu.memory_space<vmem>> -> memref<40xi32, #tpu.memory_space<vmem>>
      %dma_start3A_255 = arith.constant 0 : i32
      %dma_start3A_256 = arith.constant 0 : i32
      %dma_start3A_257 = tpu.memref_slice %arg17[%dma_start3A_255, %dma_start3A_256] : memref<10000x128xf32, #tpu.memory_space<vmem_shared>> -> memref<10000x128xf32, #tpu.memory_space<vmem_shared>>
      tpu.enqueue_indirect_dma source(%arg22 : memref<40x128xf32, #tpu.memory_space<vmem>>) target(%dma_start3A_257 : memref<10000x128xf32, #tpu.memory_space<vmem_shared>>) offsets(%dma_start3A_254 : memref<40xi32, #tpu.memory_space<vmem>>) semaphore(%arg32 : memref<!tpu.dma_semaphore, #tpu.memory_space<semaphore_mem>>) {add = true}
      %dma_start3A_258 = tpu.memref_slice %arg21[%mul3A_246] : memref<5000xi32, #tpu.memory_space<vmem>> -> memref<40xi32, #tpu.memory_space<vmem>>
      %dma_start3A_259 = arith.constant 0 : i32
      %dma_start3A_260 = arith.constant 0 : i32
      %dma_start3A_261 = tpu.memref_slice %arg18[%dma_start3A_259, %dma_start3A_260] : memref<10000x16xf32, #tpu.memory_space<vmem_shared>> -> memref<10000x16xf32, #tpu.memory_space<vmem_shared>>
      tpu.enqueue_indirect_dma source(%arg19 : memref<40x16xf32, #tpu.memory_space<vmem>>) target(%dma_start3A_261 : memref<10000x16xf32, #tpu.memory_space<vmem_shared>>) offsets(%dma_start3A_258 : memref<40xi32, #tpu.memory_space<vmem>>) semaphore(%arg37 : memref<!tpu.dma_semaphore, #tpu.memory_space<semaphore_mem>>) {add = true}
      %add3A_262 = arith.constant 1 : i32
      %add3A_263 = arith.addi %mul3A_242, %add3A_262 : i32
      %mul3A_264 = arith.constant 40 : i32
      %mul3A_265 = arith.muli %add3A_263, %mul3A_264 : i32
      %add3A_266 = arith.constant 1 : i32
      %add3A_267 = arith.addi %mul3A_242, %add3A_266 : i32
      %mul3A_268 = arith.constant 40 : i32
      %mul3A_269 = arith.muli %add3A_267, %mul3A_268 : i32
      %dma_wait3A_270 = tpu.memref_slice %arg20[%mul3A_269] : memref<5000xi32, #tpu.memory_space<vmem>> -> memref<40xi32, #tpu.memory_space<vmem>>
      %dma_wait3A_271 = arith.constant 0 : i32
      %dma_wait3A_272 = arith.constant 0 : i32
      %dma_wait3A_273 = tpu.memref_slice %arg4[%dma_wait3A_271, %dma_wait3A_272] : memref<10000x128xf32, #tpu.memory_space<hbm>> -> memref<10000x128xf32, #tpu.memory_space<hbm>>
      tpu.wait_indirect_dma semaphore(%arg28 : memref<!tpu.dma_semaphore, #tpu.memory_space<semaphore_mem>>) src(%dma_wait3A_273 : memref<10000x128xf32, #tpu.memory_space<hbm>>) dst(%arg23 : memref<40x128xf32, #tpu.memory_space<vmem>>)
      %dma_start3A_274 = tpu.memref_slice %arg21[%mul3A_265] : memref<5000xi32, #tpu.memory_space<vmem>> -> memref<40xi32, #tpu.memory_space<vmem>>
      %dma_start3A_275 = arith.constant 0 : i32
      %dma_start3A_276 = arith.constant 0 : i32
      %dma_start3A_277 = tpu.memref_slice %arg17[%dma_start3A_275, %dma_start3A_276] : memref<10000x128xf32, #tpu.memory_space<vmem_shared>> -> memref<10000x128xf32, #tpu.memory_space<vmem_shared>>
      tpu.enqueue_indirect_dma source(%arg23 : memref<40x128xf32, #tpu.memory_space<vmem>>) target(%dma_start3A_277 : memref<10000x128xf32, #tpu.memory_space<vmem_shared>>) offsets(%dma_start3A_274 : memref<40xi32, #tpu.memory_space<vmem>>) semaphore(%arg33 : memref<!tpu.dma_semaphore, #tpu.memory_space<semaphore_mem>>) {add = true}
      %dma_start3A_278 = tpu.memref_slice %arg21[%mul3A_265] : memref<5000xi32, #tpu.memory_space<vmem>> -> memref<40xi32, #tpu.memory_space<vmem>>
      %dma_start3A_279 = arith.constant 0 : i32
      %dma_start3A_280 = arith.constant 0 : i32
      %dma_start3A_281 = tpu.memref_slice %arg18[%dma_start3A_279, %dma_start3A_280] : memref<10000x16xf32, #tpu.memory_space<vmem_shared>> -> memref<10000x16xf32, #tpu.memory_space<vmem_shared>>
      tpu.enqueue_indirect_dma source(%arg19 : memref<40x16xf32, #tpu.memory_space<vmem>>) target(%dma_start3A_281 : memref<10000x16xf32, #tpu.memory_space<vmem_shared>>) offsets(%dma_start3A_278 : memref<40xi32, #tpu.memory_space<vmem>>) semaphore(%arg38 : memref<!tpu.dma_semaphore, #tpu.memory_space<semaphore_mem>>) {add = true}
      %add3A_282 = arith.constant 2 : i32
      %add3A_283 = arith.addi %mul3A_242, %add3A_282 : i32
      %mul3A_284 = arith.constant 40 : i32
      %mul3A_285 = arith.muli %add3A_283, %mul3A_284 : i32
      %add3A_286 = arith.constant 2 : i32
      %add3A_287 = arith.addi %mul3A_242, %add3A_286 : i32
      %mul3A_288 = arith.constant 40 : i32
      %mul3A_289 = arith.muli %add3A_287, %mul3A_288 : i32
      %dma_wait3A_290 = tpu.memref_slice %arg20[%mul3A_289] : memref<5000xi32, #tpu.memory_space<vmem>> -> memref<40xi32, #tpu.memory_space<vmem>>
      %dma_wait3A_291 = arith.constant 0 : i32
      %dma_wait3A_292 = arith.constant 0 : i32
      %dma_wait3A_293 = tpu.memref_slice %arg4[%dma_wait3A_291, %dma_wait3A_292] : memref<10000x128xf32, #tpu.memory_space<hbm>> -> memref<10000x128xf32, #tpu.memory_space<hbm>>
      tpu.wait_indirect_dma semaphore(%arg29 : memref<!tpu.dma_semaphore, #tpu.memory_space<semaphore_mem>>) src(%dma_wait3A_293 : memref<10000x128xf32, #tpu.memory_space<hbm>>) dst(%arg24 : memref<40x128xf32, #tpu.memory_space<vmem>>)
      %dma_start3A_294 = tpu.memref_slice %arg21[%mul3A_285] : memref<5000xi32, #tpu.memory_space<vmem>> -> memref<40xi32, #tpu.memory_space<vmem>>
      %dma_start3A_295 = arith.constant 0 : i32
      %dma_start3A_296 = arith.constant 0 : i32
      %dma_start3A_297 = tpu.memref_slice %arg17[%dma_start3A_295, %dma_start3A_296] : memref<10000x128xf32, #tpu.memory_space<vmem_shared>> -> memref<10000x128xf32, #tpu.memory_space<vmem_shared>>
      tpu.enqueue_indirect_dma source(%arg24 : memref<40x128xf32, #tpu.memory_space<vmem>>) target(%dma_start3A_297 : memref<10000x128xf32, #tpu.memory_space<vmem_shared>>) offsets(%dma_start3A_294 : memref<40xi32, #tpu.memory_space<vmem>>) semaphore(%arg34 : memref<!tpu.dma_semaphore, #tpu.memory_space<semaphore_mem>>) {add = true}
      %dma_start3A_298 = tpu.memref_slice %arg21[%mul3A_285] : memref<5000xi32, #tpu.memory_space<vmem>> -> memref<40xi32, #tpu.memory_space<vmem>>
      %dma_start3A_299 = arith.constant 0 : i32
      %dma_start3A_300 = arith.constant 0 : i32
      %dma_start3A_301 = tpu.memref_slice %arg18[%dma_start3A_299, %dma_start3A_300] : memref<10000x16xf32, #tpu.memory_space<vmem_shared>> -> memref<10000x16xf32, #tpu.memory_space<vmem_shared>>
      tpu.enqueue_indirect_dma source(%arg19 : memref<40x16xf32, #tpu.memory_space<vmem>>) target(%dma_start3A_301 : memref<10000x16xf32, #tpu.memory_space<vmem_shared>>) offsets(%dma_start3A_298 : memref<40xi32, #tpu.memory_space<vmem>>) semaphore(%arg39 : memref<!tpu.dma_semaphore, #tpu.memory_space<semaphore_mem>>) {add = true}
      %add3A_302 = arith.constant 3 : i32
      %add3A_303 = arith.addi %mul3A_242, %add3A_302 : i32
      %mul3A_304 = arith.constant 40 : i32
      %mul3A_305 = arith.muli %add3A_303, %mul3A_304 : i32
      %add3A_306 = arith.constant 3 : i32
      %add3A_307 = arith.addi %mul3A_242, %add3A_306 : i32
      %mul3A_308 = arith.constant 40 : i32
      %mul3A_309 = arith.muli %add3A_307, %mul3A_308 : i32
      %dma_wait3A_310 = tpu.memref_slice %arg20[%mul3A_309] : memref<5000xi32, #tpu.memory_space<vmem>> -> memref<40xi32, #tpu.memory_space<vmem>>
      %dma_wait3A_311 = arith.constant 0 : i32
      %dma_wait3A_312 = arith.constant 0 : i32
      %dma_wait3A_313 = tpu.memref_slice %arg4[%dma_wait3A_311, %dma_wait3A_312] : memref<10000x128xf32, #tpu.memory_space<hbm>> -> memref<10000x128xf32, #tpu.memory_space<hbm>>
      tpu.wait_indirect_dma semaphore(%arg30 : memref<!tpu.dma_semaphore, #tpu.memory_space<semaphore_mem>>) src(%dma_wait3A_313 : memref<10000x128xf32, #tpu.memory_space<hbm>>) dst(%arg25 : memref<40x128xf32, #tpu.memory_space<vmem>>)
      %dma_start3A_314 = tpu.memref_slice %arg21[%mul3A_305] : memref<5000xi32, #tpu.memory_space<vmem>> -> memref<40xi32, #tpu.memory_space<vmem>>
      %dma_start3A_315 = arith.constant 0 : i32
      %dma_start3A_316 = arith.constant 0 : i32
      %dma_start3A_317 = tpu.memref_slice %arg17[%dma_start3A_315, %dma_start3A_316] : memref<10000x128xf32, #tpu.memory_space<vmem_shared>> -> memref<10000x128xf32, #tpu.memory_space<vmem_shared>>
      tpu.enqueue_indirect_dma source(%arg25 : memref<40x128xf32, #tpu.memory_space<vmem>>) target(%dma_start3A_317 : memref<10000x128xf32, #tpu.memory_space<vmem_shared>>) offsets(%dma_start3A_314 : memref<40xi32, #tpu.memory_space<vmem>>) semaphore(%arg35 : memref<!tpu.dma_semaphore, #tpu.memory_space<semaphore_mem>>) {add = true}
      %dma_start3A_318 = tpu.memref_slice %arg21[%mul3A_305] : memref<5000xi32, #tpu.memory_space<vmem>> -> memref<40xi32, #tpu.memory_space<vmem>>
      %dma_start3A_319 = arith.constant 0 : i32
      %dma_start3A_320 = arith.constant 0 : i32
      %dma_start3A_321 = tpu.memref_slice %arg18[%dma_start3A_319, %dma_start3A_320] : memref<10000x16xf32, #tpu.memory_space<vmem_shared>> -> memref<10000x16xf32, #tpu.memory_space<vmem_shared>>
      tpu.enqueue_indirect_dma source(%arg19 : memref<40x16xf32, #tpu.memory_space<vmem>>) target(%dma_start3A_321 : memref<10000x16xf32, #tpu.memory_space<vmem_shared>>) offsets(%dma_start3A_318 : memref<40xi32, #tpu.memory_space<vmem>>) semaphore(%arg40 : memref<!tpu.dma_semaphore, #tpu.memory_space<semaphore_mem>>) {add = true}
      %add3A_322 = arith.constant 4 : i32
      %add3A_323 = arith.addi %mul3A_242, %add3A_322 : i32
      %mul3A_324 = arith.constant 40 : i32
      %mul3A_325 = arith.muli %add3A_323, %mul3A_324 : i32
      %add3A_326 = arith.constant 4 : i32
      %add3A_327 = arith.addi %mul3A_242, %add3A_326 : i32
      %mul3A_328 = arith.constant 40 : i32
      %mul3A_329 = arith.muli %add3A_327, %mul3A_328 : i32
      %dma_wait3A_330 = tpu.memref_slice %arg20[%mul3A_329] : memref<5000xi32, #tpu.memory_space<vmem>> -> memref<40xi32, #tpu.memory_space<vmem>>
      %dma_wait3A_331 = arith.constant 0 : i32
      %dma_wait3A_332 = arith.constant 0 : i32
      %dma_wait3A_333 = tpu.memref_slice %arg4[%dma_wait3A_331, %dma_wait3A_332] : memref<10000x128xf32, #tpu.memory_space<hbm>> -> memref<10000x128xf32, #tpu.memory_space<hbm>>
      tpu.wait_indirect_dma semaphore(%arg31 : memref<!tpu.dma_semaphore, #tpu.memory_space<semaphore_mem>>) src(%dma_wait3A_333 : memref<10000x128xf32, #tpu.memory_space<hbm>>) dst(%arg26 : memref<40x128xf32, #tpu.memory_space<vmem>>)
      %dma_start3A_334 = tpu.memref_slice %arg21[%mul3A_325] : memref<5000xi32, #tpu.memory_space<vmem>> -> memref<40xi32, #tpu.memory_space<vmem>>
      %dma_start3A_335 = arith.constant 0 : i32
      %dma_start3A_336 = arith.constant 0 : i32
      %dma_start3A_337 = tpu.memref_slice %arg17[%dma_start3A_335, %dma_start3A_336] : memref<10000x128xf32, #tpu.memory_space<vmem_shared>> -> memref<10000x128xf32, #tpu.memory_space<vmem_shared>>
      tpu.enqueue_indirect_dma source(%arg26 : memref<40x128xf32, #tpu.memory_space<vmem>>) target(%dma_start3A_337 : memref<10000x128xf32, #tpu.memory_space<vmem_shared>>) offsets(%dma_start3A_334 : memref<40xi32, #tpu.memory_space<vmem>>) semaphore(%arg36 : memref<!tpu.dma_semaphore, #tpu.memory_space<semaphore_mem>>) {add = true}
      %dma_start3A_338 = tpu.memref_slice %arg21[%mul3A_325] : memref<5000xi32, #tpu.memory_space<vmem>> -> memref<40xi32, #tpu.memory_space<vmem>>
      %dma_start3A_339 = arith.constant 0 : i32
      %dma_start3A_340 = arith.constant 0 : i32
      %dma_start3A_341 = tpu.memref_slice %arg18[%dma_start3A_339, %dma_start3A_340] : memref<10000x16xf32, #tpu.memory_space<vmem_shared>> -> memref<10000x16xf32, #tpu.memory_space<vmem_shared>>
      tpu.enqueue_indirect_dma source(%arg19 : memref<40x16xf32, #tpu.memory_space<vmem>>) target(%dma_start3A_341 : memref<10000x16xf32, #tpu.memory_space<vmem_shared>>) offsets(%dma_start3A_338 : memref<40xi32, #tpu.memory_space<vmem>>) semaphore(%arg41 : memref<!tpu.dma_semaphore, #tpu.memory_space<semaphore_mem>>) {add = true}
      %dma_wait3A_342 = tpu.memref_slice %arg21[%mul3A_246] : memref<5000xi32, #tpu.memory_space<vmem>> -> memref<40xi32, #tpu.memory_space<vmem>>
      %dma_wait3A_343 = arith.constant 0 : i32
      %dma_wait3A_344 = arith.constant 0 : i32
      %dma_wait3A_345 = tpu.memref_slice %arg17[%dma_wait3A_343, %dma_wait3A_344] : memref<10000x128xf32, #tpu.memory_space<vmem_shared>> -> memref<10000x128xf32, #tpu.memory_space<vmem_shared>>
      tpu.wait_indirect_dma semaphore(%arg32 : memref<!tpu.dma_semaphore, #tpu.memory_space<semaphore_mem>>) src(%arg22 : memref<40x128xf32, #tpu.memory_space<vmem>>) dst(%dma_wait3A_345 : memref<10000x128xf32, #tpu.memory_space<vmem_shared>>)
      %dma_wait3A_346 = tpu.memref_slice %arg21[%mul3A_246] : memref<5000xi32, #tpu.memory_space<vmem>> -> memref<40xi32, #tpu.memory_space<vmem>>
      %dma_wait3A_347 = arith.constant 0 : i32
      %dma_wait3A_348 = arith.constant 0 : i32
      %dma_wait3A_349 = tpu.memref_slice %arg18[%dma_wait3A_347, %dma_wait3A_348] : memref<10000x16xf32, #tpu.memory_space<vmem_shared>> -> memref<10000x16xf32, #tpu.memory_space<vmem_shared>>
      tpu.wait_indirect_dma semaphore(%arg37 : memref<!tpu.dma_semaphore, #tpu.memory_space<semaphore_mem>>) src(%arg19 : memref<40x16xf32, #tpu.memory_space<vmem>>) dst(%dma_wait3A_349 : memref<10000x16xf32, #tpu.memory_space<vmem_shared>>)
      %lt3A = arith.constant 24 : i32
      %lt3A_350 = arith.cmpi slt, %scan3A_240, %lt3A : i32
      %convert_element_type3A_351 = arith.extui %lt3A_350 : i1 to i32
      %cond3A_352 = arith.constant 0 : i32
      %cond3A_353 = arith.cmpi ne, %convert_element_type3A_351, %cond3A_352 : i32
      scf.if %cond3A_353 {
        %add3A_406 = arith.constant 5 : i32
        %add3A_407 = arith.addi %mul3A_242, %add3A_406 : i32
        %add3A_408 = arith.constant 0 : i32
        %add3A_409 = arith.addi %add3A_407, %add3A_408 : i32
        %mul3A_410 = arith.constant 40 : i32
        %mul3A_411 = arith.muli %add3A_409, %mul3A_410 : i32
        %dma_start3A_412 = tpu.memref_slice %arg20[%mul3A_411] : memref<5000xi32, #tpu.memory_space<vmem>> -> memref<40xi32, #tpu.memory_space<vmem>>
        %dma_start3A_413 = arith.constant 0 : i32
        %dma_start3A_414 = arith.constant 0 : i32
        %dma_start3A_415 = tpu.memref_slice %arg4[%dma_start3A_413, %dma_start3A_414] : memref<10000x128xf32, #tpu.memory_space<hbm>> -> memref<10000x128xf32, #tpu.memory_space<hbm>>
        tpu.enqueue_indirect_dma source(%dma_start3A_415 : memref<10000x128xf32, #tpu.memory_space<hbm>>) target(%arg22 : memref<40x128xf32, #tpu.memory_space<vmem>>) offsets(%dma_start3A_412 : memref<40xi32, #tpu.memory_space<vmem>>) semaphore(%arg27 : memref<!tpu.dma_semaphore, #tpu.memory_space<semaphore_mem>>)
      } else {
      }
      %dma_wait3A_354 = tpu.memref_slice %arg21[%mul3A_265] : memref<5000xi32, #tpu.memory_space<vmem>> -> memref<40xi32, #tpu.memory_space<vmem>>
      %dma_wait3A_355 = arith.constant 0 : i32
      %dma_wait3A_356 = arith.constant 0 : i32
      %dma_wait3A_357 = tpu.memref_slice %arg17[%dma_wait3A_355, %dma_wait3A_356] : memref<10000x128xf32, #tpu.memory_space<vmem_shared>> -> memref<10000x128xf32, #tpu.memory_space<vmem_shared>>
      tpu.wait_indirect_dma semaphore(%arg33 : memref<!tpu.dma_semaphore, #tpu.memory_space<semaphore_mem>>) src(%arg23 : memref<40x128xf32, #tpu.memory_space<vmem>>) dst(%dma_wait3A_357 : memref<10000x128xf32, #tpu.memory_space<vmem_shared>>)
      %dma_wait3A_358 = tpu.memref_slice %arg21[%mul3A_265] : memref<5000xi32, #tpu.memory_space<vmem>> -> memref<40xi32, #tpu.memory_space<vmem>>
      %dma_wait3A_359 = arith.constant 0 : i32
      %dma_wait3A_360 = arith.constant 0 : i32
      %dma_wait3A_361 = tpu.memref_slice %arg18[%dma_wait3A_359, %dma_wait3A_360] : memref<10000x16xf32, #tpu.memory_space<vmem_shared>> -> memref<10000x16xf32, #tpu.memory_space<vmem_shared>>
      tpu.wait_indirect_dma semaphore(%arg38 : memref<!tpu.dma_semaphore, #tpu.memory_space<semaphore_mem>>) src(%arg19 : memref<40x16xf32, #tpu.memory_space<vmem>>) dst(%dma_wait3A_361 : memref<10000x16xf32, #tpu.memory_space<vmem_shared>>)
      %lt3A_362 = arith.constant 24 : i32
      %lt3A_363 = arith.cmpi slt, %scan3A_240, %lt3A_362 : i32
      %convert_element_type3A_364 = arith.extui %lt3A_363 : i1 to i32
      %cond3A_365 = arith.constant 0 : i32
      %cond3A_366 = arith.cmpi ne, %convert_element_type3A_364, %cond3A_365 : i32
      scf.if %cond3A_366 {
        %add3A_406 = arith.constant 5 : i32
        %add3A_407 = arith.addi %mul3A_242, %add3A_406 : i32
        %add3A_408 = arith.constant 1 : i32
        %add3A_409 = arith.addi %add3A_407, %add3A_408 : i32
        %mul3A_410 = arith.constant 40 : i32
        %mul3A_411 = arith.muli %add3A_409, %mul3A_410 : i32
        %dma_start3A_412 = tpu.memref_slice %arg20[%mul3A_411] : memref<5000xi32, #tpu.memory_space<vmem>> -> memref<40xi32, #tpu.memory_space<vmem>>
        %dma_start3A_413 = arith.constant 0 : i32
        %dma_start3A_414 = arith.constant 0 : i32
        %dma_start3A_415 = tpu.memref_slice %arg4[%dma_start3A_413, %dma_start3A_414] : memref<10000x128xf32, #tpu.memory_space<hbm>> -> memref<10000x128xf32, #tpu.memory_space<hbm>>
        tpu.enqueue_indirect_dma source(%dma_start3A_415 : memref<10000x128xf32, #tpu.memory_space<hbm>>) target(%arg23 : memref<40x128xf32, #tpu.memory_space<vmem>>) offsets(%dma_start3A_412 : memref<40xi32, #tpu.memory_space<vmem>>) semaphore(%arg28 : memref<!tpu.dma_semaphore, #tpu.memory_space<semaphore_mem>>)
      } else {
      }
      %dma_wait3A_367 = tpu.memref_slice %arg21[%mul3A_285] : memref<5000xi32, #tpu.memory_space<vmem>> -> memref<40xi32, #tpu.memory_space<vmem>>
      %dma_wait3A_368 = arith.constant 0 : i32
      %dma_wait3A_369 = arith.constant 0 : i32
      %dma_wait3A_370 = tpu.memref_slice %arg17[%dma_wait3A_368, %dma_wait3A_369] : memref<10000x128xf32, #tpu.memory_space<vmem_shared>> -> memref<10000x128xf32, #tpu.memory_space<vmem_shared>>
      tpu.wait_indirect_dma semaphore(%arg34 : memref<!tpu.dma_semaphore, #tpu.memory_space<semaphore_mem>>) src(%arg24 : memref<40x128xf32, #tpu.memory_space<vmem>>) dst(%dma_wait3A_370 : memref<10000x128xf32, #tpu.memory_space<vmem_shared>>)
      %dma_wait3A_371 = tpu.memref_slice %arg21[%mul3A_285] : memref<5000xi32, #tpu.memory_space<vmem>> -> memref<40xi32, #tpu.memory_space<vmem>>
      %dma_wait3A_372 = arith.constant 0 : i32
      %dma_wait3A_373 = arith.constant 0 : i32
      %dma_wait3A_374 = tpu.memref_slice %arg18[%dma_wait3A_372, %dma_wait3A_373] : memref<10000x16xf32, #tpu.memory_space<vmem_shared>> -> memref<10000x16xf32, #tpu.memory_space<vmem_shared>>
      tpu.wait_indirect_dma semaphore(%arg39 : memref<!tpu.dma_semaphore, #tpu.memory_space<semaphore_mem>>) src(%arg19 : memref<40x16xf32, #tpu.memory_space<vmem>>) dst(%dma_wait3A_374 : memref<10000x16xf32, #tpu.memory_space<vmem_shared>>)
      %lt3A_375 = arith.constant 24 : i32
      %lt3A_376 = arith.cmpi slt, %scan3A_240, %lt3A_375 : i32
      %convert_element_type3A_377 = arith.extui %lt3A_376 : i1 to i32
      %cond3A_378 = arith.constant 0 : i32
      %cond3A_379 = arith.cmpi ne, %convert_element_type3A_377, %cond3A_378 : i32
      scf.if %cond3A_379 {
        %add3A_406 = arith.constant 5 : i32
        %add3A_407 = arith.addi %mul3A_242, %add3A_406 : i32
        %add3A_408 = arith.constant 2 : i32
        %add3A_409 = arith.addi %add3A_407, %add3A_408 : i32
        %mul3A_410 = arith.constant 40 : i32
        %mul3A_411 = arith.muli %add3A_409, %mul3A_410 : i32
        %dma_start3A_412 = tpu.memref_slice %arg20[%mul3A_411] : memref<5000xi32, #tpu.memory_space<vmem>> -> memref<40xi32, #tpu.memory_space<vmem>>
        %dma_start3A_413 = arith.constant 0 : i32
        %dma_start3A_414 = arith.constant 0 : i32
        %dma_start3A_415 = tpu.memref_slice %arg4[%dma_start3A_413, %dma_start3A_414] : memref<10000x128xf32, #tpu.memory_space<hbm>> -> memref<10000x128xf32, #tpu.memory_space<hbm>>
        tpu.enqueue_indirect_dma source(%dma_start3A_415 : memref<10000x128xf32, #tpu.memory_space<hbm>>) target(%arg24 : memref<40x128xf32, #tpu.memory_space<vmem>>) offsets(%dma_start3A_412 : memref<40xi32, #tpu.memory_space<vmem>>) semaphore(%arg29 : memref<!tpu.dma_semaphore, #tpu.memory_space<semaphore_mem>>)
      } else {
      }
      %dma_wait3A_380 = tpu.memref_slice %arg21[%mul3A_305] : memref<5000xi32, #tpu.memory_space<vmem>> -> memref<40xi32, #tpu.memory_space<vmem>>
      %dma_wait3A_381 = arith.constant 0 : i32
      %dma_wait3A_382 = arith.constant 0 : i32
      %dma_wait3A_383 = tpu.memref_slice %arg17[%dma_wait3A_381, %dma_wait3A_382] : memref<10000x128xf32, #tpu.memory_space<vmem_shared>> -> memref<10000x128xf32, #tpu.memory_space<vmem_shared>>
      tpu.wait_indirect_dma semaphore(%arg35 : memref<!tpu.dma_semaphore, #tpu.memory_space<semaphore_mem>>) src(%arg25 : memref<40x128xf32, #tpu.memory_space<vmem>>) dst(%dma_wait3A_383 : memref<10000x128xf32, #tpu.memory_space<vmem_shared>>)
      %dma_wait3A_384 = tpu.memref_slice %arg21[%mul3A_305] : memref<5000xi32, #tpu.memory_space<vmem>> -> memref<40xi32, #tpu.memory_space<vmem>>
      %dma_wait3A_385 = arith.constant 0 : i32
      %dma_wait3A_386 = arith.constant 0 : i32
      %dma_wait3A_387 = tpu.memref_slice %arg18[%dma_wait3A_385, %dma_wait3A_386] : memref<10000x16xf32, #tpu.memory_space<vmem_shared>> -> memref<10000x16xf32, #tpu.memory_space<vmem_shared>>
      tpu.wait_indirect_dma semaphore(%arg40 : memref<!tpu.dma_semaphore, #tpu.memory_space<semaphore_mem>>) src(%arg19 : memref<40x16xf32, #tpu.memory_space<vmem>>) dst(%dma_wait3A_387 : memref<10000x16xf32, #tpu.memory_space<vmem_shared>>)
      %lt3A_388 = arith.constant 24 : i32
      %lt3A_389 = arith.cmpi slt, %scan3A_240, %lt3A_388 : i32
      %convert_element_type3A_390 = arith.extui %lt3A_389 : i1 to i32
      %cond3A_391 = arith.constant 0 : i32
      %cond3A_392 = arith.cmpi ne, %convert_element_type3A_390, %cond3A_391 : i32
      scf.if %cond3A_392 {
        %add3A_406 = arith.constant 5 : i32
        %add3A_407 = arith.addi %mul3A_242, %add3A_406 : i32
        %add3A_408 = arith.constant 3 : i32
        %add3A_409 = arith.addi %add3A_407, %add3A_408 : i32
        %mul3A_410 = arith.constant 40 : i32
        %mul3A_411 = arith.muli %add3A_409, %mul3A_410 : i32
        %dma_start3A_412 = tpu.memref_slice %arg20[%mul3A_411] : memref<5000xi32, #tpu.memory_space<vmem>> -> memref<40xi32, #tpu.memory_space<vmem>>
        %dma_start3A_413 = arith.constant 0 : i32
        %dma_start3A_414 = arith.constant 0 : i32
        %dma_start3A_415 = tpu.memref_slice %arg4[%dma_start3A_413, %dma_start3A_414] : memref<10000x128xf32, #tpu.memory_space<hbm>> -> memref<10000x128xf32, #tpu.memory_space<hbm>>
        tpu.enqueue_indirect_dma source(%dma_start3A_415 : memref<10000x128xf32, #tpu.memory_space<hbm>>) target(%arg25 : memref<40x128xf32, #tpu.memory_space<vmem>>) offsets(%dma_start3A_412 : memref<40xi32, #tpu.memory_space<vmem>>) semaphore(%arg30 : memref<!tpu.dma_semaphore, #tpu.memory_space<semaphore_mem>>)
      } else {
      }
      %dma_wait3A_393 = tpu.memref_slice %arg21[%mul3A_325] : memref<5000xi32, #tpu.memory_space<vmem>> -> memref<40xi32, #tpu.memory_space<vmem>>
      %dma_wait3A_394 = arith.constant 0 : i32
      %dma_wait3A_395 = arith.constant 0 : i32
      %dma_wait3A_396 = tpu.memref_slice %arg17[%dma_wait3A_394, %dma_wait3A_395] : memref<10000x128xf32, #tpu.memory_space<vmem_shared>> -> memref<10000x128xf32, #tpu.memory_space<vmem_shared>>
      tpu.wait_indirect_dma semaphore(%arg36 : memref<!tpu.dma_semaphore, #tpu.memory_space<semaphore_mem>>) src(%arg26 : memref<40x128xf32, #tpu.memory_space<vmem>>) dst(%dma_wait3A_396 : memref<10000x128xf32, #tpu.memory_space<vmem_shared>>)
      %dma_wait3A_397 = tpu.memref_slice %arg21[%mul3A_325] : memref<5000xi32, #tpu.memory_space<vmem>> -> memref<40xi32, #tpu.memory_space<vmem>>
      %dma_wait3A_398 = arith.constant 0 : i32
      %dma_wait3A_399 = arith.constant 0 : i32
      %dma_wait3A_400 = tpu.memref_slice %arg18[%dma_wait3A_398, %dma_wait3A_399] : memref<10000x16xf32, #tpu.memory_space<vmem_shared>> -> memref<10000x16xf32, #tpu.memory_space<vmem_shared>>
      tpu.wait_indirect_dma semaphore(%arg41 : memref<!tpu.dma_semaphore, #tpu.memory_space<semaphore_mem>>) src(%arg19 : memref<40x16xf32, #tpu.memory_space<vmem>>) dst(%dma_wait3A_400 : memref<10000x16xf32, #tpu.memory_space<vmem_shared>>)
      %lt3A_401 = arith.constant 24 : i32
      %lt3A_402 = arith.cmpi slt, %scan3A_240, %lt3A_401 : i32
      %convert_element_type3A_403 = arith.extui %lt3A_402 : i1 to i32
      %cond3A_404 = arith.constant 0 : i32
      %cond3A_405 = arith.cmpi ne, %convert_element_type3A_403, %cond3A_404 : i32
      scf.if %cond3A_405 {
        %add3A_406 = arith.constant 5 : i32
        %add3A_407 = arith.addi %mul3A_242, %add3A_406 : i32
        %add3A_408 = arith.constant 4 : i32
        %add3A_409 = arith.addi %add3A_407, %add3A_408 : i32
        %mul3A_410 = arith.constant 40 : i32
        %mul3A_411 = arith.muli %add3A_409, %mul3A_410 : i32
        %dma_start3A_412 = tpu.memref_slice %arg20[%mul3A_411] : memref<5000xi32, #tpu.memory_space<vmem>> -> memref<40xi32, #tpu.memory_space<vmem>>
        %dma_start3A_413 = arith.constant 0 : i32
        %dma_start3A_414 = arith.constant 0 : i32
        %dma_start3A_415 = tpu.memref_slice %arg4[%dma_start3A_413, %dma_start3A_414] : memref<10000x128xf32, #tpu.memory_space<hbm>> -> memref<10000x128xf32, #tpu.memory_space<hbm>>
        tpu.enqueue_indirect_dma source(%dma_start3A_415 : memref<10000x128xf32, #tpu.memory_space<hbm>>) target(%arg26 : memref<40x128xf32, #tpu.memory_space<vmem>>) offsets(%dma_start3A_412 : memref<40xi32, #tpu.memory_space<vmem>>) semaphore(%arg31 : memref<!tpu.dma_semaphore, #tpu.memory_space<semaphore_mem>>)
      } else {
      }
    }
    %scan3A_230 = arith.constant 25 : i32
    %barrier3A_231 = arith.constant 0 : index
    tpu.barrier barrier_id(%barrier3A_231)
    %mul3A_232 = arith.constant 624 : i32
    %mul3A_233 = arith.muli %arg1, %mul3A_232 : i32
    "tpu.region"() ({
      %run_scoped3A_240 = tpu.sem_alloc : memref<!tpu.dma_semaphore, #tpu.memory_space<semaphore_mem>>
      %dma_start3A_241 = arith.constant 0 : i32
      %dma_start3A_242 = tpu.memref_slice %arg13[%arg0, %mul3A_233, %dma_start3A_241] : memref<2x10000x128xf32, #tpu.memory_space<hbm>> -> memref<1x624x128xf32, #tpu.memory_space<hbm>>
      %dma_start3A_243 = tpu.memref_squeeze %dma_start3A_242 : memref<1x624x128xf32, #tpu.memory_space<hbm>> -> memref<624x128xf32, #tpu.memory_space<hbm>>
      %dma_start3A_244 = arith.constant 0 : i32
      %dma_start3A_245 = tpu.memref_slice %arg17[%mul3A_233, %dma_start3A_244] : memref<10000x128xf32, #tpu.memory_space<vmem_shared>> -> memref<624x128xf32, #tpu.memory_space<vmem_shared>>
      tpu.enqueue_dma source(%dma_start3A_245 : memref<624x128xf32, #tpu.memory_space<vmem_shared>>) target(%dma_start3A_243 : memref<624x128xf32, #tpu.memory_space<hbm>>) target_semaphore(%run_scoped3A_240 : memref<!tpu.dma_semaphore, #tpu.memory_space<semaphore_mem>>)
      %dma_wait3A = arith.constant 0 : i32
      %dma_wait3A_246 = tpu.memref_slice %arg13[%arg0, %mul3A_233, %dma_wait3A] : memref<2x10000x128xf32, #tpu.memory_space<hbm>> -> memref<1x624x128xf32, #tpu.memory_space<hbm>>
      %dma_wait3A_247 = tpu.memref_squeeze %dma_wait3A_246 : memref<1x624x128xf32, #tpu.memory_space<hbm>> -> memref<624x128xf32, #tpu.memory_space<hbm>>
      %dma_wait3A_248 = arith.constant 0 : i32
      %dma_wait3A_249 = tpu.memref_slice %arg17[%mul3A_233, %dma_wait3A_248] : memref<10000x128xf32, #tpu.memory_space<vmem_shared>> -> memref<624x128xf32, #tpu.memory_space<vmem_shared>>
      tpu.wait_dma2 semaphore(%run_scoped3A_240 : memref<!tpu.dma_semaphore, #tpu.memory_space<semaphore_mem>>) src(%dma_wait3A_249 : memref<624x128xf32, #tpu.memory_space<vmem_shared>>) dst(%dma_wait3A_247 : memref<624x128xf32, #tpu.memory_space<hbm>>)
      tpu.yield
    }) : () -> ()
    %eq3A_234 = arith.constant 0 : i32
    %eq3A_235 = arith.cmpi eq, %arg1, %eq3A_234 : i32
    %convert_element_type3A_236 = arith.extui %eq3A_235 : i1 to i32
    %cond3A_237 = arith.constant 0 : i32
    %cond3A_238 = arith.cmpi ne, %convert_element_type3A_236, %cond3A_237 : i32
    scf.if %cond3A_238 {
      "tpu.region"() ({
        %run_scoped3A_240 = tpu.sem_alloc : memref<!tpu.dma_semaphore, #tpu.memory_space<semaphore_mem>>
        %dma_start3A_241 = arith.constant 9984 : i32
        %dma_start3A_242 = arith.constant 0 : i32
        %dma_start3A_243 = tpu.memref_slice %arg13[%arg0, %dma_start3A_241, %dma_start3A_242] : memref<2x10000x128xf32, #tpu.memory_space<hbm>> -> memref<1x16x128xf32, #tpu.memory_space<hbm>>
        %dma_start3A_244 = tpu.memref_squeeze %dma_start3A_243 : memref<1x16x128xf32, #tpu.memory_space<hbm>> -> memref<16x128xf32, #tpu.memory_space<hbm>>
        %dma_start3A_245 = arith.constant 9984 : i32
        %dma_start3A_246 = arith.constant 0 : i32
        %dma_start3A_247 = tpu.memref_slice %arg17[%dma_start3A_245, %dma_start3A_246] : memref<10000x128xf32, #tpu.memory_space<vmem_shared>> -> memref<16x128xf32, #tpu.memory_space<vmem_shared>>
        tpu.enqueue_dma source(%dma_start3A_247 : memref<16x128xf32, #tpu.memory_space<vmem_shared>>) target(%dma_start3A_244 : memref<16x128xf32, #tpu.memory_space<hbm>>) target_semaphore(%run_scoped3A_240 : memref<!tpu.dma_semaphore, #tpu.memory_space<semaphore_mem>>)
        %dma_wait3A = arith.constant 9984 : i32
        %dma_wait3A_248 = arith.constant 0 : i32
        %dma_wait3A_249 = tpu.memref_slice %arg13[%arg0, %dma_wait3A, %dma_wait3A_248] : memref<2x10000x128xf32, #tpu.memory_space<hbm>> -> memref<1x16x128xf32, #tpu.memory_space<hbm>>
        %dma_wait3A_250 = tpu.memref_squeeze %dma_wait3A_249 : memref<1x16x128xf32, #tpu.memory_space<hbm>> -> memref<16x128xf32, #tpu.memory_space<hbm>>
        %dma_wait3A_251 = arith.constant 9984 : i32
        %dma_wait3A_252 = arith.constant 0 : i32
        %dma_wait3A_253 = tpu.memref_slice %arg17[%dma_wait3A_251, %dma_wait3A_252] : memref<10000x128xf32, #tpu.memory_space<vmem_shared>> -> memref<16x128xf32, #tpu.memory_space<vmem_shared>>
        tpu.wait_dma2 semaphore(%run_scoped3A_240 : memref<!tpu.dma_semaphore, #tpu.memory_space<semaphore_mem>>) src(%dma_wait3A_253 : memref<16x128xf32, #tpu.memory_space<vmem_shared>>) dst(%dma_wait3A_250 : memref<16x128xf32, #tpu.memory_space<hbm>>)
        tpu.yield
      }) : () -> ()
    } else {
    }
    "tpu.region"() ({
      %run_scoped3A_240 = tpu.sem_alloc : memref<!tpu.dma_semaphore, #tpu.memory_space<semaphore_mem>>
      %dma_start3A_241 = arith.constant 0 : i32
      %dma_start3A_242 = tpu.memref_slice %arg16[%arg0, %mul3A_2, %dma_start3A_241] : memref<2x10000x16xf32, #tpu.memory_space<hbm>> -> memref<1x625x16xf32, #tpu.memory_space<hbm>>
      %dma_start3A_243 = tpu.memref_squeeze %dma_start3A_242 : memref<1x625x16xf32, #tpu.memory_space<hbm>> -> memref<625x16xf32, #tpu.memory_space<hbm>>
      %dma_start3A_244 = arith.constant 0 : i32
      %dma_start3A_245 = tpu.memref_slice %arg18[%mul3A_2, %dma_start3A_244] : memref<10000x16xf32, #tpu.memory_space<vmem_shared>> -> memref<625x16xf32, #tpu.memory_space<vmem_shared>>
      tpu.enqueue_dma source(%dma_start3A_245 : memref<625x16xf32, #tpu.memory_space<vmem_shared>>) target(%dma_start3A_243 : memref<625x16xf32, #tpu.memory_space<hbm>>) target_semaphore(%run_scoped3A_240 : memref<!tpu.dma_semaphore, #tpu.memory_space<semaphore_mem>>)
      %dma_wait3A = arith.constant 0 : i32
      %dma_wait3A_246 = tpu.memref_slice %arg16[%arg0, %mul3A_2, %dma_wait3A] : memref<2x10000x16xf32, #tpu.memory_space<hbm>> -> memref<1x625x16xf32, #tpu.memory_space<hbm>>
      %dma_wait3A_247 = tpu.memref_squeeze %dma_wait3A_246 : memref<1x625x16xf32, #tpu.memory_space<hbm>> -> memref<625x16xf32, #tpu.memory_space<hbm>>
      %dma_wait3A_248 = arith.constant 0 : i32
      %dma_wait3A_249 = tpu.memref_slice %arg18[%mul3A_2, %dma_wait3A_248] : memref<10000x16xf32, #tpu.memory_space<vmem_shared>> -> memref<625x16xf32, #tpu.memory_space<vmem_shared>>
      tpu.wait_dma2 semaphore(%run_scoped3A_240 : memref<!tpu.dma_semaphore, #tpu.memory_space<semaphore_mem>>) src(%dma_wait3A_249 : memref<625x16xf32, #tpu.memory_space<vmem_shared>>) dst(%dma_wait3A_247 : memref<625x16xf32, #tpu.memory_space<hbm>>)
      tpu.yield
    }) : () -> ()
    %barrier3A_239 = arith.constant 0 : index
    tpu.barrier barrier_id(%barrier3A_239)
    return
  }
}

module attributes {stable_mosaic.version = 14 : i64} {
  func.func @_mm_body(%arg0: i32, %arg1: memref<1x1xf32, #tpu.memory_space<smem>>, %arg2: memref<2000x128xf32, #tpu.memory_space<vmem>>, %arg3: memref<2000x128xf32, #tpu.memory_space<vmem>>, %arg4: memref<2000x128xf32, #tpu.memory_space<vmem>>, %arg5: memref<3x128x128xf32, #tpu.memory_space<vmem>>, %arg6: memref<3x128x128xf32, #tpu.memory_space<vmem>>, %arg7: memref<1x128xf32, #tpu.memory_space<vmem>>, %arg8: memref<2000x128xf32, #tpu.memory_space<vmem>>, %arg9: memref<2000x128xf32, #tpu.memory_space<vmem>>, %arg10: memref<2000x128xf32, #tpu.memory_space<vmem>>, %arg11: memref<2000x128xf32, #tpu.memory_space<vmem>>) attributes {dimension_semantics = [#tpu.dimension_semantics<arbitrary>], iteration_bounds = array<i64: 5>, scalar_prefetch = 0 : i64, scratch_operands = 0 : i64, tpu.core_type = #tpu.core_type<tc>, window_params = [{transform_indices = @transform_0, window_bounds = array<i64: 1, 1>}, {transform_indices = @transform_1, window_bounds = array<i64: 2000, 128>}, {transform_indices = @transform_2, window_bounds = array<i64: 2000, 128>}, {transform_indices = @transform_3, window_bounds = array<i64: 2000, 128>}, {pipeline_mode = #tpu.pipeline_mode<synchronous>, transform_indices = @transform_4, window_bounds = array<i64: 3, 128, 128>}, {pipeline_mode = #tpu.pipeline_mode<synchronous>, transform_indices = @transform_5, window_bounds = array<i64: 3, 128, 128>}, {pipeline_mode = #tpu.pipeline_mode<synchronous>, transform_indices = @transform_6, window_bounds = array<i64: 1, 128>}, {transform_indices = @transform_7, window_bounds = array<i64: 2000, 128>}, {transform_indices = @transform_8, window_bounds = array<i64: 2000, 128>}, {transform_indices = @transform_9, window_bounds = array<i64: 2000, 128>}, {transform_indices = @transform_10, window_bounds = array<i64: 2000, 128>}]} {
    %get3A = arith.constant 0 : index
    %get3A_0 = arith.constant 0 : index
    %get3A_1 = memref.load %arg1[%get3A, %get3A_0] : memref<1x1xf32, #tpu.memory_space<smem>>
    %sub3A = arith.constant 1.000000e+00 : f32
    %sub3A_2 = arith.subf %sub3A, %get3A_1 : f32
    %get3A_3 = arith.constant 0 : index
    %get3A_4 = arith.constant 0 : index
    %get3A_5 = vector.load %arg7[%get3A_3, %get3A_4] : memref<1x128xf32, #tpu.memory_space<vmem>>, vector<1x128xf32>
    %get3A_6 = vector.shape_cast %get3A_5 : vector<1x128xf32> to vector<128xf32>
    %broadcast_in_dim3A = vector.shape_cast %get3A_6 : vector<128xf32> to vector<1x128xf32>
    %get3A_7 = arith.constant 0 : index
    %get3A_8 = arith.constant 0 : index
    %get3A_9 = vector.load %arg2[%get3A_7, %get3A_8] : memref<2000x128xf32, #tpu.memory_space<vmem>>, vector<2000x128xf32>
    %get3A_10 = arith.constant 0 : index
    %get3A_11 = arith.constant 0 : index
    %get3A_12 = arith.constant 0 : index
    %get3A_13 = vector.load %arg5[%get3A_10, %get3A_11, %get3A_12] : memref<3x128x128xf32, #tpu.memory_space<vmem>>, vector<1x128x128xf32>
    %get3A_14 = vector.shape_cast %get3A_13 : vector<1x128x128xf32> to vector<128x128xf32>
    %dot_general3A = arith.constant dense<0.000000e+00> : vector<2000x128xf32>
    %dot_general3A_15 = tpu.matmul %get3A_9, %get3A_14, %dot_general3A {dimension_numbers = #tpu.dot_dimension_numbers<[1], [0], [0], [1], [0, 0, 1, 1], [], []>, transpose_lhs_hint = false} : vector<2000x128xf32>, vector<128x128xf32>, vector<2000x128xf32> -> vector<2000x128xf32>
    %swap3A = arith.constant 0 : index
    %swap3A_16 = arith.constant 0 : index
    %swap3A_17 = vector.load %arg8[%swap3A, %swap3A_16] : memref<2000x128xf32, #tpu.memory_space<vmem>>, vector<2000x128xf32>
    tpu.vector_store %arg8[%swap3A, %swap3A_16], %dot_general3A_15 {strides = array<i32>} : memref<2000x128xf32, #tpu.memory_space<vmem>>, vector<2000x128xf32>,
    %get3A_18 = arith.constant 0 : index
    %get3A_19 = arith.constant 0 : index
    %get3A_20 = arith.constant 0 : index
    %get3A_21 = vector.load %arg6[%get3A_18, %get3A_19, %get3A_20] : memref<3x128x128xf32, #tpu.memory_space<vmem>>, vector<1x128x128xf32>
    %get3A_22 = vector.shape_cast %get3A_21 : vector<1x128x128xf32> to vector<128x128xf32>
    %dot_general3A_23 = arith.constant dense<0.000000e+00> : vector<2000x128xf32>
    %dot_general3A_24 = tpu.matmul %get3A_9, %get3A_22, %dot_general3A_23 {dimension_numbers = #tpu.dot_dimension_numbers<[1], [0], [0], [1], [0, 0, 1, 1], [], []>, transpose_lhs_hint = false} : vector<2000x128xf32>, vector<128x128xf32>, vector<2000x128xf32> -> vector<2000x128xf32>
    %mul3A = arith.constant 1.000000e+00 : f32
    %mul3A_25 = vector.broadcast %mul3A : f32 to vector<2000x128xf32>
    %mul3A_26 = arith.mulf %mul3A_25, %dot_general3A_24 : vector<2000x128xf32>
    %add3A = vector.broadcast %broadcast_in_dim3A : vector<1x128xf32> to vector<2000x128xf32>
    %add3A_27 = arith.addf %add3A, %mul3A_26 : vector<2000x128xf32>
    %get3A_28 = arith.constant 0 : index
    %get3A_29 = arith.constant 0 : index
    %get3A_30 = vector.load %arg3[%get3A_28, %get3A_29] : memref<2000x128xf32, #tpu.memory_space<vmem>>, vector<2000x128xf32>
    %get3A_31 = arith.constant 1 : index
    %get3A_32 = arith.constant 0 : index
    %get3A_33 = arith.constant 0 : index
    %get3A_34 = vector.load %arg5[%get3A_31, %get3A_32, %get3A_33] : memref<3x128x128xf32, #tpu.memory_space<vmem>>, vector<1x128x128xf32>
    %get3A_35 = vector.shape_cast %get3A_34 : vector<1x128x128xf32> to vector<128x128xf32>
    %dot_general3A_36 = arith.constant dense<0.000000e+00> : vector<2000x128xf32>
    %dot_general3A_37 = tpu.matmul %get3A_30, %get3A_35, %dot_general3A_36 {dimension_numbers = #tpu.dot_dimension_numbers<[1], [0], [0], [1], [0, 0, 1, 1], [], []>, transpose_lhs_hint = false} : vector<2000x128xf32>, vector<128x128xf32>, vector<2000x128xf32> -> vector<2000x128xf32>
    %swap3A_38 = arith.constant 0 : index
    %swap3A_39 = arith.constant 0 : index
    %swap3A_40 = vector.load %arg9[%swap3A_38, %swap3A_39] : memref<2000x128xf32, #tpu.memory_space<vmem>>, vector<2000x128xf32>
    tpu.vector_store %arg9[%swap3A_38, %swap3A_39], %dot_general3A_37 {strides = array<i32>} : memref<2000x128xf32, #tpu.memory_space<vmem>>, vector<2000x128xf32>,
    %get3A_41 = arith.constant 1 : index
    %get3A_42 = arith.constant 0 : index
    %get3A_43 = arith.constant 0 : index
    %get3A_44 = vector.load %arg6[%get3A_41, %get3A_42, %get3A_43] : memref<3x128x128xf32, #tpu.memory_space<vmem>>, vector<1x128x128xf32>
    %get3A_45 = vector.shape_cast %get3A_44 : vector<1x128x128xf32> to vector<128x128xf32>
    %dot_general3A_46 = arith.constant dense<0.000000e+00> : vector<2000x128xf32>
    %dot_general3A_47 = tpu.matmul %get3A_30, %get3A_45, %dot_general3A_46 {dimension_numbers = #tpu.dot_dimension_numbers<[1], [0], [0], [1], [0, 0, 1, 1], [], []>, transpose_lhs_hint = false} : vector<2000x128xf32>, vector<128x128xf32>, vector<2000x128xf32> -> vector<2000x128xf32>
    %mul3A_48 = vector.broadcast %get3A_1 : f32 to vector<2000x128xf32>
    %mul3A_49 = arith.mulf %mul3A_48, %dot_general3A_47 : vector<2000x128xf32>
    %add3A_50 = arith.addf %add3A_27, %mul3A_49 : vector<2000x128xf32>
    %get3A_51 = arith.constant 0 : index
    %get3A_52 = arith.constant 0 : index
    %get3A_53 = vector.load %arg4[%get3A_51, %get3A_52] : memref<2000x128xf32, #tpu.memory_space<vmem>>, vector<2000x128xf32>
    %get3A_54 = arith.constant 2 : index
    %get3A_55 = arith.constant 0 : index
    %get3A_56 = arith.constant 0 : index
    %get3A_57 = vector.load %arg5[%get3A_54, %get3A_55, %get3A_56] : memref<3x128x128xf32, #tpu.memory_space<vmem>>, vector<1x128x128xf32>
    %get3A_58 = vector.shape_cast %get3A_57 : vector<1x128x128xf32> to vector<128x128xf32>
    %dot_general3A_59 = arith.constant dense<0.000000e+00> : vector<2000x128xf32>
    %dot_general3A_60 = tpu.matmul %get3A_53, %get3A_58, %dot_general3A_59 {dimension_numbers = #tpu.dot_dimension_numbers<[1], [0], [0], [1], [0, 0, 1, 1], [], []>, transpose_lhs_hint = false} : vector<2000x128xf32>, vector<128x128xf32>, vector<2000x128xf32> -> vector<2000x128xf32>
    %swap3A_61 = arith.constant 0 : index
    %swap3A_62 = arith.constant 0 : index
    %swap3A_63 = vector.load %arg10[%swap3A_61, %swap3A_62] : memref<2000x128xf32, #tpu.memory_space<vmem>>, vector<2000x128xf32>
    tpu.vector_store %arg10[%swap3A_61, %swap3A_62], %dot_general3A_60 {strides = array<i32>} : memref<2000x128xf32, #tpu.memory_space<vmem>>, vector<2000x128xf32>,
    %get3A_64 = arith.constant 2 : index
    %get3A_65 = arith.constant 0 : index
    %get3A_66 = arith.constant 0 : index
    %get3A_67 = vector.load %arg6[%get3A_64, %get3A_65, %get3A_66] : memref<3x128x128xf32, #tpu.memory_space<vmem>>, vector<1x128x128xf32>
    %get3A_68 = vector.shape_cast %get3A_67 : vector<1x128x128xf32> to vector<128x128xf32>
    %dot_general3A_69 = arith.constant dense<0.000000e+00> : vector<2000x128xf32>
    %dot_general3A_70 = tpu.matmul %get3A_53, %get3A_68, %dot_general3A_69 {dimension_numbers = #tpu.dot_dimension_numbers<[1], [0], [0], [1], [0, 0, 1, 1], [], []>, transpose_lhs_hint = false} : vector<2000x128xf32>, vector<128x128xf32>, vector<2000x128xf32> -> vector<2000x128xf32>
    %mul3A_71 = vector.broadcast %sub3A_2 : f32 to vector<2000x128xf32>
    %mul3A_72 = arith.mulf %mul3A_71, %dot_general3A_70 : vector<2000x128xf32>
    %add3A_73 = arith.addf %add3A_50, %mul3A_72 : vector<2000x128xf32>
    %swap3A_74 = arith.constant 0 : index
    %swap3A_75 = arith.constant 0 : index
    %swap3A_76 = vector.load %arg11[%swap3A_74, %swap3A_75] : memref<2000x128xf32, #tpu.memory_space<vmem>>, vector<2000x128xf32>
    tpu.vector_store %arg11[%swap3A_74, %swap3A_75], %add3A_73 {strides = array<i32>} : memref<2000x128xf32, #tpu.memory_space<vmem>>, vector<2000x128xf32>,
    return
  }
  func.func @transform_0(%arg0: i32) -> (i32, i32) {
    %c0_i32 = arith.constant 0 : i32
    %c0_i32_0 = arith.constant 0 : i32
    %c0_i32_1 = arith.constant 0 : i32
    return %c0_i32, %c0_i32_0 : i32, i32
  }
  func.func @transform_1(%arg0: i32) -> (i32, i32) {
    %c0_i32 = arith.constant 0 : i32
    %c0_i32_0 = arith.constant 0 : i32
    return %arg0, %c0_i32 : i32, i32
  }
  func.func @transform_2(%arg0: i32) -> (i32, i32) {
    %c0_i32 = arith.constant 0 : i32
    %c0_i32_0 = arith.constant 0 : i32
    return %arg0, %c0_i32 : i32, i32
  }
  func.func @transform_3(%arg0: i32) -> (i32, i32) {
    %c0_i32 = arith.constant 0 : i32
    %c0_i32_0 = arith.constant 0 : i32
    return %arg0, %c0_i32 : i32, i32
  }
  func.func @transform_4(%arg0: i32) -> (i32, i32, i32) {
    %c0_i32 = arith.constant 0 : i32
    %c0_i32_0 = arith.constant 0 : i32
    %c0_i32_1 = arith.constant 0 : i32
    %c0_i32_2 = arith.constant 0 : i32
    return %c0_i32, %c0_i32_0, %c0_i32_1 : i32, i32, i32
  }
  func.func @transform_5(%arg0: i32) -> (i32, i32, i32) {
    %c0_i32 = arith.constant 0 : i32
    %c0_i32_0 = arith.constant 0 : i32
    %c0_i32_1 = arith.constant 0 : i32
    %c0_i32_2 = arith.constant 0 : i32
    return %c0_i32, %c0_i32_0, %c0_i32_1 : i32, i32, i32
  }
  func.func @transform_6(%arg0: i32) -> (i32, i32) {
    %c0_i32 = arith.constant 0 : i32
    %c0_i32_0 = arith.constant 0 : i32
    %c0_i32_1 = arith.constant 0 : i32
    return %c0_i32, %c0_i32_0 : i32, i32
  }
  func.func @transform_7(%arg0: i32) -> (i32, i32) {
    %c0_i32 = arith.constant 0 : i32
    %c0_i32_0 = arith.constant 0 : i32
    return %arg0, %c0_i32 : i32, i32
  }
  func.func @transform_8(%arg0: i32) -> (i32, i32) {
    %c0_i32 = arith.constant 0 : i32
    %c0_i32_0 = arith.constant 0 : i32
    return %arg0, %c0_i32 : i32, i32
  }
  func.func @transform_9(%arg0: i32) -> (i32, i32) {
    %c0_i32 = arith.constant 0 : i32
    %c0_i32_0 = arith.constant 0 : i32
    return %arg0, %c0_i32 : i32, i32
  }
  func.func @transform_10(%arg0: i32) -> (i32, i32) {
    %c0_i32 = arith.constant 0 : i32
    %c0_i32_0 = arith.constant 0 : i32
    return %arg0, %c0_i32 : i32, i32
  }
}

module attributes {stable_mosaic.version = 14 : i64} {
  func.func @_comb_body(%arg0: i32, %arg1: memref<1x1xf32, #tpu.memory_space<smem>>, %arg2: memref<2x2000x128xf32, #tpu.memory_space<vmem>>, %arg3: memref<2x2000x128xf32, #tpu.memory_space<vmem>>, %arg4: memref<2x2000x128xf32, #tpu.memory_space<vmem>>, %arg5: memref<2x2000x16xf32, #tpu.memory_space<vmem>>, %arg6: memref<2x2000x16xf32, #tpu.memory_space<vmem>>, %arg7: memref<2x2000x16xf32, #tpu.memory_space<vmem>>, %arg8: memref<2000x128xf32, #tpu.memory_space<vmem>>, %arg9: memref<2000x128xf32, #tpu.memory_space<vmem>>) attributes {dimension_semantics = [#tpu.dimension_semantics<arbitrary>], iteration_bounds = array<i64: 5>, scalar_prefetch = 0 : i64, scratch_operands = 0 : i64, tpu.core_type = #tpu.core_type<tc>, window_params = [{transform_indices = @transform_0, window_bounds = array<i64: 1, 1>}, {transform_indices = @transform_1, window_bounds = array<i64: 2, 2000, 128>}, {transform_indices = @transform_2, window_bounds = array<i64: 2, 2000, 128>}, {transform_indices = @transform_3, window_bounds = array<i64: 2, 2000, 128>}, {transform_indices = @transform_4, window_bounds = array<i64: 2, 2000, 16>}, {transform_indices = @transform_5, window_bounds = array<i64: 2, 2000, 16>}, {transform_indices = @transform_6, window_bounds = array<i64: 2, 2000, 16>}, {transform_indices = @transform_7, window_bounds = array<i64: 2000, 128>}, {transform_indices = @transform_8, window_bounds = array<i64: 2000, 128>}]} {
    %get3A = arith.constant 0 : index
    %get3A_0 = arith.constant 0 : index
    %get3A_1 = memref.load %arg1[%get3A, %get3A_0] : memref<1x1xf32, #tpu.memory_space<smem>>
    %sub3A = arith.constant 1.000000e+00 : f32
    %sub3A_2 = arith.subf %sub3A, %get3A_1 : f32
    %get3A_3 = arith.constant 0 : index
    %get3A_4 = arith.constant 0 : index
    %get3A_5 = vector.load %arg8[%get3A_3, %get3A_4] : memref<2000x128xf32, #tpu.memory_space<vmem>>, vector<2000x128xf32>
    %get3A_6 = arith.constant 0 : index
    %get3A_7 = arith.constant 0 : index
    %get3A_8 = arith.constant 0 : index
    %get3A_9 = vector.load %arg2[%get3A_6, %get3A_7, %get3A_8] : memref<2x2000x128xf32, #tpu.memory_space<vmem>>, vector<1x2000x128xf32>
    %get3A_10 = vector.shape_cast %get3A_9 : vector<1x2000x128xf32> to vector<2000x128xf32>
    %get3A_11 = arith.constant 1 : index
    %get3A_12 = arith.constant 0 : index
    %get3A_13 = arith.constant 0 : index
    %get3A_14 = vector.load %arg2[%get3A_11, %get3A_12, %get3A_13] : memref<2x2000x128xf32, #tpu.memory_space<vmem>>, vector<1x2000x128xf32>
    %get3A_15 = vector.shape_cast %get3A_14 : vector<1x2000x128xf32> to vector<2000x128xf32>
    %add3A = arith.addf %get3A_10, %get3A_15 : vector<2000x128xf32>
    %get3A_16 = arith.constant 0 : index
    %get3A_17 = arith.constant 0 : index
    %get3A_18 = arith.constant 0 : index
    %get3A_19 = vector.load %arg5[%get3A_16, %get3A_17, %get3A_18] : memref<2x2000x16xf32, #tpu.memory_space<vmem>>, vector<1x2000x1xf32>
    %get3A_20 = vector.shape_cast %get3A_19 : vector<1x2000x1xf32> to vector<2000xf32>
    %get3A_21 = arith.constant 1 : index
    %get3A_22 = arith.constant 0 : index
    %get3A_23 = arith.constant 0 : index
    %get3A_24 = vector.load %arg5[%get3A_21, %get3A_22, %get3A_23] : memref<2x2000x16xf32, #tpu.memory_space<vmem>>, vector<1x2000x1xf32>
    %get3A_25 = vector.shape_cast %get3A_24 : vector<1x2000x1xf32> to vector<2000xf32>
    %add3A_26 = arith.addf %get3A_20, %get3A_25 : vector<2000xf32>
    %max3A = arith.constant 1.000000e+00 : f32
    %max3A_27 = vector.broadcast %max3A : f32 to vector<2000xf32>
    %max3A_28 = arith.maximumf %add3A_26, %max3A_27 : vector<2000xf32>
    %broadcast_in_dim3A = vector.shape_cast %max3A_28 : vector<2000xf32> to vector<2000x1xf32>
    %div3A = vector.broadcast %broadcast_in_dim3A : vector<2000x1xf32> to vector<2000x128xf32>
    %div3A_29 = arith.divf %add3A, %div3A : vector<2000x128xf32>
    %mul3A = arith.constant 1.000000e+00 : f32
    %mul3A_30 = vector.broadcast %mul3A : f32 to vector<2000x128xf32>
    %mul3A_31 = arith.mulf %mul3A_30, %div3A_29 : vector<2000x128xf32>
    %add3A_32 = arith.addf %get3A_5, %mul3A_31 : vector<2000x128xf32>
    %get3A_33 = arith.constant 0 : index
    %get3A_34 = arith.constant 0 : index
    %get3A_35 = arith.constant 0 : index
    %get3A_36 = vector.load %arg3[%get3A_33, %get3A_34, %get3A_35] : memref<2x2000x128xf32, #tpu.memory_space<vmem>>, vector<1x2000x128xf32>
    %get3A_37 = vector.shape_cast %get3A_36 : vector<1x2000x128xf32> to vector<2000x128xf32>
    %get3A_38 = arith.constant 1 : index
    %get3A_39 = arith.constant 0 : index
    %get3A_40 = arith.constant 0 : index
    %get3A_41 = vector.load %arg3[%get3A_38, %get3A_39, %get3A_40] : memref<2x2000x128xf32, #tpu.memory_space<vmem>>, vector<1x2000x128xf32>
    %get3A_42 = vector.shape_cast %get3A_41 : vector<1x2000x128xf32> to vector<2000x128xf32>
    %add3A_43 = arith.addf %get3A_37, %get3A_42 : vector<2000x128xf32>
    %get3A_44 = arith.constant 0 : index
    %get3A_45 = arith.constant 0 : index
    %get3A_46 = arith.constant 0 : index
    %get3A_47 = vector.load %arg6[%get3A_44, %get3A_45, %get3A_46] : memref<2x2000x16xf32, #tpu.memory_space<vmem>>, vector<1x2000x1xf32>
    %get3A_48 = vector.shape_cast %get3A_47 : vector<1x2000x1xf32> to vector<2000xf32>
    %get3A_49 = arith.constant 1 : index
    %get3A_50 = arith.constant 0 : index
    %get3A_51 = arith.constant 0 : index
    %get3A_52 = vector.load %arg6[%get3A_49, %get3A_50, %get3A_51] : memref<2x2000x16xf32, #tpu.memory_space<vmem>>, vector<1x2000x1xf32>
    %get3A_53 = vector.shape_cast %get3A_52 : vector<1x2000x1xf32> to vector<2000xf32>
    %add3A_54 = arith.addf %get3A_48, %get3A_53 : vector<2000xf32>
    %max3A_55 = arith.constant 1.000000e+00 : f32
    %max3A_56 = vector.broadcast %max3A_55 : f32 to vector<2000xf32>
    %max3A_57 = arith.maximumf %add3A_54, %max3A_56 : vector<2000xf32>
    %broadcast_in_dim3A_58 = vector.shape_cast %max3A_57 : vector<2000xf32> to vector<2000x1xf32>
    %div3A_59 = vector.broadcast %broadcast_in_dim3A_58 : vector<2000x1xf32> to vector<2000x128xf32>
    %div3A_60 = arith.divf %add3A_43, %div3A_59 : vector<2000x128xf32>
    %mul3A_61 = vector.broadcast %get3A_1 : f32 to vector<2000x128xf32>
    %mul3A_62 = arith.mulf %mul3A_61, %div3A_60 : vector<2000x128xf32>
    %add3A_63 = arith.addf %add3A_32, %mul3A_62 : vector<2000x128xf32>
    %get3A_64 = arith.constant 0 : index
    %get3A_65 = arith.constant 0 : index
    %get3A_66 = arith.constant 0 : index
    %get3A_67 = vector.load %arg4[%get3A_64, %get3A_65, %get3A_66] : memref<2x2000x128xf32, #tpu.memory_space<vmem>>, vector<1x2000x128xf32>
    %get3A_68 = vector.shape_cast %get3A_67 : vector<1x2000x128xf32> to vector<2000x128xf32>
    %get3A_69 = arith.constant 1 : index
    %get3A_70 = arith.constant 0 : index
    %get3A_71 = arith.constant 0 : index
    %get3A_72 = vector.load %arg4[%get3A_69, %get3A_70, %get3A_71] : memref<2x2000x128xf32, #tpu.memory_space<vmem>>, vector<1x2000x128xf32>
    %get3A_73 = vector.shape_cast %get3A_72 : vector<1x2000x128xf32> to vector<2000x128xf32>
    %add3A_74 = arith.addf %get3A_68, %get3A_73 : vector<2000x128xf32>
    %get3A_75 = arith.constant 0 : index
    %get3A_76 = arith.constant 0 : index
    %get3A_77 = arith.constant 0 : index
    %get3A_78 = vector.load %arg7[%get3A_75, %get3A_76, %get3A_77] : memref<2x2000x16xf32, #tpu.memory_space<vmem>>, vector<1x2000x1xf32>
    %get3A_79 = vector.shape_cast %get3A_78 : vector<1x2000x1xf32> to vector<2000xf32>
    %get3A_80 = arith.constant 1 : index
    %get3A_81 = arith.constant 0 : index
    %get3A_82 = arith.constant 0 : index
    %get3A_83 = vector.load %arg7[%get3A_80, %get3A_81, %get3A_82] : memref<2x2000x16xf32, #tpu.memory_space<vmem>>, vector<1x2000x1xf32>
    %get3A_84 = vector.shape_cast %get3A_83 : vector<1x2000x1xf32> to vector<2000xf32>
    %add3A_85 = arith.addf %get3A_79, %get3A_84 : vector<2000xf32>
    %max3A_86 = arith.constant 1.000000e+00 : f32
    %max3A_87 = vector.broadcast %max3A_86 : f32 to vector<2000xf32>
    %max3A_88 = arith.maximumf %add3A_85, %max3A_87 : vector<2000xf32>
    %broadcast_in_dim3A_89 = vector.shape_cast %max3A_88 : vector<2000xf32> to vector<2000x1xf32>
    %div3A_90 = vector.broadcast %broadcast_in_dim3A_89 : vector<2000x1xf32> to vector<2000x128xf32>
    %div3A_91 = arith.divf %add3A_74, %div3A_90 : vector<2000x128xf32>
    %mul3A_92 = vector.broadcast %sub3A_2 : f32 to vector<2000x128xf32>
    %mul3A_93 = arith.mulf %mul3A_92, %div3A_91 : vector<2000x128xf32>
    %add3A_94 = arith.addf %add3A_63, %mul3A_93 : vector<2000x128xf32>
    %swap3A = arith.constant 0 : index
    %swap3A_95 = arith.constant 0 : index
    %swap3A_96 = vector.load %arg9[%swap3A, %swap3A_95] : memref<2000x128xf32, #tpu.memory_space<vmem>>, vector<2000x128xf32>
    tpu.vector_store %arg9[%swap3A, %swap3A_95], %add3A_94 {strides = array<i32>} : memref<2000x128xf32, #tpu.memory_space<vmem>>, vector<2000x128xf32>,
    return
  }
  func.func @transform_0(%arg0: i32) -> (i32, i32) {
    %c0_i32 = arith.constant 0 : i32
    %c0_i32_0 = arith.constant 0 : i32
    %c0_i32_1 = arith.constant 0 : i32
    return %c0_i32, %c0_i32_0 : i32, i32
  }
  func.func @transform_1(%arg0: i32) -> (i32, i32, i32) {
    %c0_i32 = arith.constant 0 : i32
    %c0_i32_0 = arith.constant 0 : i32
    %c0_i32_1 = arith.constant 0 : i32
    return %c0_i32, %arg0, %c0_i32_0 : i32, i32, i32
  }
  func.func @transform_2(%arg0: i32) -> (i32, i32, i32) {
    %c0_i32 = arith.constant 0 : i32
    %c0_i32_0 = arith.constant 0 : i32
    %c0_i32_1 = arith.constant 0 : i32
    return %c0_i32, %arg0, %c0_i32_0 : i32, i32, i32
  }
  func.func @transform_3(%arg0: i32) -> (i32, i32, i32) {
    %c0_i32 = arith.constant 0 : i32
    %c0_i32_0 = arith.constant 0 : i32
    %c0_i32_1 = arith.constant 0 : i32
    return %c0_i32, %arg0, %c0_i32_0 : i32, i32, i32
  }
  func.func @transform_4(%arg0: i32) -> (i32, i32, i32) {
    %c0_i32 = arith.constant 0 : i32
    %c0_i32_0 = arith.constant 0 : i32
    %c0_i32_1 = arith.constant 0 : i32
    return %c0_i32, %arg0, %c0_i32_0 : i32, i32, i32
  }
  func.func @transform_5(%arg0: i32) -> (i32, i32, i32) {
    %c0_i32 = arith.constant 0 : i32
    %c0_i32_0 = arith.constant 0 : i32
    %c0_i32_1 = arith.constant 0 : i32
    return %c0_i32, %arg0, %c0_i32_0 : i32, i32, i32
  }
  func.func @transform_6(%arg0: i32) -> (i32, i32, i32) {
    %c0_i32 = arith.constant 0 : i32
    %c0_i32_0 = arith.constant 0 : i32
    %c0_i32_1 = arith.constant 0 : i32
    return %c0_i32, %arg0, %c0_i32_0 : i32, i32, i32
  }
  func.func @transform_7(%arg0: i32) -> (i32, i32) {
    %c0_i32 = arith.constant 0 : i32
    %c0_i32_0 = arith.constant 0 : i32
    return %arg0, %c0_i32 : i32, i32
  }
  func.func @transform_8(%arg0: i32) -> (i32, i32) {
    %c0_i32 = arith.constant 0 : i32
    %c0_i32_0 = arith.constant 0 : i32
    return %arg0, %c0_i32 : i32, i32
  }
}

</mosaic_0001>

<sc_bundles>
// kernel: kernel.5.cloned.1.call-start
scs
__scs_entry_jumppad:
0x0: {  	(pc) =	sbr.rel $0x88, $3  }
0x1: {  	(tag) =	ssettag $0x0;
	lr =	simm.s32 $0x1  }
0x2: {  	[smem:$0x3F91] =	sst lr;
	_ =	strace $0xD0000000  }
0x3: {  	_ = 	snop  }
0x4: {  	_ = 	snop  }
0x5: {  	_ = 	snop  }
0x6: {  	_ = 	snop  }
0x7: {  	_ = 	snop  }
__scs_overlays_trampoline_lowered:
0x8: {  	[smem:$0x3FA0] =	sst s0  }
0x9: {  	[smem:$0x3FA1] =	sst s1  }
0xa: {  	[smem:$0x3FA2] =	sst s2  }
0xb: {  	[smem:$0x3FA3] =	sst s3  }
0xc: {  	[smem:$0x3FA4] =	sst s4  }
0xd: {  	[smem:$0x3FA5] =	sst s5  }
0xe: {  	[smem:$0x3FA6] =	sst s6  }
0xf: {  	[smem:$0x3FA7] =	sst s7  }
0x10: {  	[smem:$0x3FA8] =	sst s8  }
0x11: {  	[smem:$0x3FA9] =	sst s9;
	s0 =	simm.s32 @!p0 $0x0  }
0x12: {  	s1 =	sld [smem:$0x3F8F];
	s0 =	simm.s32 @p0 $0x1  }
0x13: {  	[smem:$0x3FAA] =	sst s0;
	s0 =	simm.s32 @!p1 $0x0  }
0x14: {  	s2 =	sld [smem:$0x3F8E];
	s0 =	simm.s32 @p1 $0x1  }
0x15: {  	[smem:$0x3FAB] =	sst s0;
	s0 =	simm.s32 @!p2 $0x0  }
0x16: {  	s3 =	sld [smem:$0x3FDB];
	s0 =	simm.s32 @p2 $0x1  }
0x17: {  	s4 =	simm.s32 $0x1BF5;
	[smem:$0x3FAD] =	sst s0  }
0x18: {  	s0 =	sld [smem:$0x3F90];
	_ =	swait.ge [sflag:s4], $0x0  }
0x19: {  	s7 =	sld [smem:$0x3F91]  }
0x1a: {  	s8 =	sadd.s32 $0xFFFFE003, lr  }
0x1b: {  	s9 =	sadd.s32 $0xFFFFFEF7, lr;
	s5 =	simm.s32 $0xFFFFFFFF;
	p2 =	slt.u32 s8, $0xFFFFF086  }
0x1c: {  	p1 =	slt.u32 s9, $0xF7A;
	s5 =	simm.s32 @!p2 $0x0  }
0x1d: {  	s5 =	simm.s32 @p1 $0x1;
	p0 =	seq.s32 s7, s2  }
0x1e: {  	s7 =	smul.u32 @!p0 $0xF7A, s2;
	p2 =	seq.s32 @!p0 s5, $0x0  }
0x1f: {  	s9 =	smul.u32 $0xF7A, s1;
	s8 =	simm.s32 @!p0 $0x1BF5;
	p2 =	por !p2, p0  }
0x20: {  	[sflag:s8] =	ssyncset.s32 @!p0 $0xFFFFF086;
	s6 =	sadd.s32 @!p0 s3, s7;
	s7 =	simm.s32 @!p0 $0x108  }
0x21: {  	s3 =	sadd.s32 s3, s9;
	s6 =	sadd.s32 @!p0 $0x88, s6;
	s7 =	simm.s32 @p2 $0x1082  }
0x22: {  	[simem:s7], [sflag:s8] =	dma.local @!p0 [hbm:s6], $0xF7A  }
0x23: {  	s9 =	sor.u32 $0xD0000000, s2;
	s6 =	simm.s32 $0x108;
	_ =	swait.ge @!p0 [sflag:s8], $0x0  }
0x24: {  	s3 =	sadd.s32 $0x88, s3;
	s6 =	simm.s32 @!p1 $0x1082;
	[sflag:s4] =	ssyncset.s32 $0xFFFFF086  }
0x25: {  	[simem:s6], [sflag:s4] =	dma.local [hbm:s3], $0xF7A  }
0x26: {  	[smem:$0x3F91] =	sst s1;
	(tag) =	ssettag s2;
	_ =	strace s9  }
0x27: {  	s1 =	sld [smem:$0x3FA1]  }
0x28: {  	s2 =	sld [smem:$0x3FA2]  }
0x29: {  	s4 =	sld [smem:$0x3FA4]  }
0x2a: {  	p0 =	seq.s32 s5, $0x0;
	s5 =	sld [smem:$0x3FA5]  }
0x2b: {  	s6 =	sld [smem:$0x3FA6]  }
0x2c: {  	s7 =	sld [smem:$0x3FA7]  }
0x2d: {  	s3 =	simm.s32 $0x108;
	s8 =	sld [smem:$0x3FA8]  }
0x2e: {  	s3 =	simm.s32 @!p0 $0x1082;
	s9 =	sld [smem:$0x3FA9]  }
0x2f: {  	lr =	sadd.s32 s0, s3;
	s0 =	sld [smem:$0x3FA0]  }
0x30: {  	s3 =	sld [smem:$0x3FA3]  }
0x31: {  	[smem:$0x3FAC] =	sst s10  }
0x32: {  	s10 =	sld [smem:$0x3FAA];
	_ =	sdelay $0x3  }
0x33: {  	p0 =	seq.s32 s10, $0x1;
	s10 =	sld [smem:$0x3FAC];
	_ =	sdelay $0x3  }
0x34: {  	[smem:$0x3FAC] =	sst s10  }
0x35: {  	s10 =	sld [smem:$0x3FAB];
	_ =	sdelay $0x3  }
0x36: {  	p1 =	seq.s32 s10, $0x1;
	s10 =	sld [smem:$0x3FAC];
	_ =	sdelay $0x3  }
0x37: {  	[smem:$0x3FAC] =	sst s10  }
0x38: {  	s10 =	sld [smem:$0x3FAD]  }
0x39: {  	_ = 	snop;
	(pc) =	sbr.ind lr, $3  }
0x3a: {  	_ = 	snop  }
0x3b: {  	_ = 	snop  }
0x3c: {  	p2 =	seq.s32 s10, $0x1;
	s10 =	sld [smem:$0x3FAC]  }
0x3d: {  	_ =	shalt  }
0x3e: {  	_ =	shalt  }
0x3f: {  	_ =	shalt  }
0x40: {  	_ =	shalt  }
0x41: {  	_ =	shalt  }
0x42: {  	_ =	shalt  }
0x43: {  	_ =	shalt  }
0x44: {  	_ =	shalt  }
0x45: {  	_ =	shalt  }
0x46: {  	_ =	shalt  }
0x47: {  	_ =	shalt  }
0x48: {  	_ =	shalt  }
0x49: {  	_ =	shalt  }
0x4a: {  	_ =	shalt  }
0x4b: {  	_ =	shalt  }
0x4c: {  	_ =	shalt  }
0x4d: {  	_ =	shalt  }
0x4e: {  	_ =	shalt  }
0x4f: {  	_ =	shalt  }
0x50: {  	_ =	shalt  }
0x51: {  	_ =	shalt  }
0x52: {  	_ =	shalt  }
0x53: {  	_ =	shalt  }
0x54: {  	_ =	shalt  }
0x55: {  	_ =	shalt  }
0x56: {  	_ =	shalt  }
0x57: {  	_ =	shalt  }
0x58: {  	_ =	shalt  }
0x59: {  	_ =	shalt  }
0x5a: {  	_ =	shalt  }
0x5b: {  	_ =	shalt  }
0x5c: {  	_ =	shalt  }
0x5d: {  	_ =	shalt  }
0x5e: {  	_ =	shalt  }
0x5f: {  	_ =	shalt  }
0x60: {  	_ =	shalt  }
0x61: {  	_ =	shalt  }
0x62: {  	_ =	shalt  }
0x63: {  	_ =	shalt  }
0x64: {  	_ =	shalt  }
0x65: {  	_ =	shalt  }
0x66: {  	_ =	shalt  }
0x67: {  	_ =	shalt  }
0x68: {  	_ =	shalt  }
0x69: {  	_ =	shalt  }
0x6a: {  	_ =	shalt  }
0x6b: {  	_ =	shalt  }
0x6c: {  	_ =	shalt  }
0x6d: {  	_ =	shalt  }
0x6e: {  	_ =	shalt  }
0x6f: {  	_ =	shalt  }
0x70: {  	_ =	shalt  }
0x71: {  	_ =	shalt  }
0x72: {  	_ =	shalt  }
0x73: {  	_ =	shalt  }
0x74: {  	_ =	shalt  }
0x75: {  	_ =	shalt  }
0x76: {  	_ =	shalt  }
0x77: {  	_ =	shalt  }
0x78: {  	_ =	shalt  }
0x79: {  	_ =	shalt  }
0x7a: {  	_ =	shalt  }
0x7b: {  	_ =	shalt  }
0x7c: {  	_ =	shalt  }
0x7d: {  	_ =	shalt  }
0x7e: {  	_ =	shalt  }
0x7f: {  	_ =	shalt  }
0x80: {  	_ =	shalt  }
0x81: {  	_ =	shalt  }
0x82: {  	_ =	shalt  }
0x83: {  	_ =	shalt  }
0x84: {  	_ =	shalt  }
0x85: {  	_ =	shalt  }
0x86: {  	_ =	shalt  }
0x87: {  	_ =	shalt  }
.Lfunc_end0:
.L_simem_size_0:
called_computation_lowered:
.L_overlay_start_0:
0x88: {  	s2 =	sld [smem:$0x3FD9]  }
0x89: {  	s3 =	sld [smem:$0x3FFE];
	_ =	sdelay $0x1  }
0x8a: {  	s1 =	srdreg.scid  }
0x8b: {  	s0 =	sand.u32 $0x1, s1  }
0x8c: {  	s17 =	sshll.u32 s0, $0xA;
	s2 =	sadd.s32 s3, s2  }
0x8d: {  	s2 =	sadd.s32 s2, s17  }
0x8e: {  	[smem:$0x3FB8] =	sst s2  }
0x8f: {  	_ = 	snop  }
0x90: {  	s2 =	sld [smem:$0x3FD0];
	(tm) =	ssettm $0x1  }
0x91: {  	s18 =	sld [smem:$0x3FFB];
	_ =	sdelay $0x3  }
0x92: {  	_ =	strace s18  }
0x93: {  	s3 =	sld [smem:$0x3FFC];
	_ =	sdelay $0x3  }
0x94: {  	_ =	strace s3  }
0x95: {  	s3 =	sld [smem:$0x3FFD];
	_ =	sdelay $0x3  }
0x96: {  	_ =	strace s3  }
0x97: {  	_ =	strace $0x8FFFFFFF  }
0x98: {  	s19 =	sld [smem:$0x3FDB];
	_ =	sdelay $0x1  }
0x99: {  	s4 =	simm.s32 $_scs_section_size  }
0x9a: {  	s5 =	simm.s32 $_size__tile_overlayer_lowered;
	s6 =	simm.s32 $_tile_overlayer_lowered  }
0x9b: {  	s22 =	simm.s32 $0x1BFF;
	s21 =	sshll.u32 s6, $0x1;
	s3 =	sadd.s32 s4, s19  }
0x9c: {  	s7 =	simm.s32 $0x0;
	s20 =	sshll.u32 s5, $0x1;
	s5 =	sadd.s32 s21, s3  }
0x9d: {  	[timem:s7], [sflag:s22] =	dma.local [hbm:s5], s20  }
0x9e: {  	_ =	swait.ge [sflag:s22], s20  }
0x9f: {  	s4 =	ssub.s32 $0x0, s20;
	[sflag:s22] =	ssyncset.done $0x0  }
0xa0: {  	[sflag:s22] =	ssyncadd.s32 s4;
	_ =	sdelay $0x1  }
0xa1: {  	s23 =	simm.s32 $0x1B8B  }
0xa2: {  	_ =	swait.ge [sflag:s23], $0x1  }
0xa3: {  	[sflag:s23] =	ssyncset.done $0x0  }
0xa4: {  	s25 =	simm.s32 $0x1B8E;
	s24 =	sld [smem:$0x3FFE];
	[sflag:s23] =	ssyncadd.s32 $0xFFFFFFFF  }
0xa5: {  	s26 =	simm.s32 $execute0_lowered;
	[smem:$0x3FD2] =	sst s25  }
0xa6: {  	s5 =	sshll.u32 s26, $0x1;
	_ =	strace $0x80000046;
	[dreg:$0x1] =	wrdreg $0xFFFFFFFF  }
0xa7: {  	s28 =	simm.s32 $_size_execute0_lowered;
	s3 =	sadd.s32 s3, s5;
	[dreg:$0x0] =	wrdreg $0x0  }
0xa8: {  	s5 =	sshll.u32 s28, $0x1;
	[dreg:$0x2] =	wrdreg s3  }
0xa9: {  	[dreg:$0x3] =	wrdreg s5  }
0xaa: {  	[dreg:$0x4] =	wrdreg $0xC0  }
0xab: {  	_ =	task [dreg:s7], $0x5FFFF  }
0xac: {  	[dreg:$0x1] =	wrdreg $0xFFFFFFFF  }
0xad: {  	[dreg:$0x0] =	wrdreg $0x60  }
0xae: {  	[dreg:$0x2] =	wrdreg s2  }
0xaf: {  	[dreg:$0x3] =	wrdreg s24  }
0xb0: {  	[dreg:$0x4] =	wrdreg $0x0  }
0xb1: {  	[dreg:$0x5] =	wrdreg $0x138800  }
0xb2: {  	[dreg:$0x6] =	wrdreg $0x9  }
0xb3: {  	_ =	task.clear_ibuf [dreg:s7], $0x7FFFF;
	_ =	strace $0x90000046  }
0xb4: {  	s29 =	simm.s32 $0x9;
	_ =	strace $0x80000048  }
0xb5: {  	_ =	swait.ge [sflag:s29], $0x1  }
0xb6: {  	[sflag:s29] =	ssyncadd.s32 $0xFFFFFFFF  }
0xb7: {  	_ =	strace $0x90000048  }
0xb8: {  	_ =	sfence  }
0xb9: {  	s30 =	sld [smem:$0x0];
	_ =	sdelay $0x2  }
0xba: {  	s31 =	sshll.u32 s1, $0xD;
	s1 =	sshrl.u32 s1, $0x2  }
0xbb: {  	s3 =	sand.u32 $0x4000, s31;
	s1 =	sadd.s32 s1, s30  }
0xbc: {  	s0 =	sor.u32 s3, s0;
	s1 =	sshll.u32 s1, $0x11  }
0xbd: {  	s0 =	sor.u32 s1, s0  }
0xbe: {  	s0 =	sadd.s32 $0x8F2B, s0  }
0xbf: {  	[sflag:s0] =	ssyncadd.remote.s32 $0x1  }
0xc0: {  	_ =	sfence.sel $0xFFFF  }
0xc1: {  	[dreg:$0x0] =	wrdreg $0xFFFFFFFF;
	(pc) =	sbr.abs _section_cstart, $3  }
0xc2: {  	[dreg:$0x1] =	wrdreg $0xFFFFFFFF  }
0xc3: {  	_ =	task.clear_ibuf [dreg:s7], $0x2FFFF;
	_ =	strace $0x9FFFFFFF  }
0xc4: {  	(tm) =	ssettm $0x7FFFFFFF  }
0xc5: {  	_ =	shalt  }
tec
execute0_lowered:
.L_overlay_start_1:
0x0: {  	(tag) =	ssettag $0x1  }
0x1: {  	s0 =	rddreg [dreg:$0x0]  }
0x2: {  	s2 =	rddreg [dreg:$0x1]  }
0x3: {  	s1 =	rddreg [dreg:$0x2]  }
0x4: {  	s3 =	srdreg.scid;
	s4 =	simm.s32 $0x0;
	s18 =	stileid.u32  }
0x5: {  	s30 =	simm.s32 $0x2;
	s31 =	simm.s32 $0x3;
	s28 =	simm.s32 $0xF  }
0x6: {  	s3 =	sand.u32 $0x1, s3;
	[smem:$0x7FF] =	sst s4;
	s4 =	smul.u32 $0x2710, s18  }
0x7: {  	s6 =	sadd.s32 $0x2600, s2;
	s8 =	sadd.s32 $0x16000, s2;
	s5 =	sshll.u32 s3, $0x4  }
0x8: {  	s9 =	sadd.s32 $0x29A00, s2;
	s16 =	smul.u32 $0x13800, s18;
	s5 =	sor.u32 s18, s5  }
0x9: {  	s10 =	sadd.s32 $0xAC000, s2;
	s11 =	sadd.s32 $0xFA200, s2;
	s5 =	smul.u32 $0x2710, s5  }
0xa: {  	p0 =	sne.s32 s18, $0x0;
	s7 =	smul.u32 $0x27100, s3;
	s12 =	ssub.s32 $0x2, s3  }
0xb: {  	s3 =	smul.u32 $0x138800, s3;
	s13 =	sshrl.u32 s12, $0x1;
	s14 =	sshrl.u32 s5, $0x3  }
0xc: {  	s7 =	sadd.s32 s4, s7;
	s12 =	ssub.s32 s12, s13;
	s23 =	sadd.s32 s6, s14  }
0xd: {  	s26 =	sadd.s32 s16, s3;
	s29 =	sadd.s32 s8, s14;
	[dreg:$0x5] =	wrdreg s23  }
0xe: {  	s15 =	sadd.s32 $0x1388, s5;
	s21 =	sadd.s32 s9, s14;
	[dreg:$0x9] =	wrdreg s29  }
0xf: {  	s5 =	sadd.s32 $0x4F588, s5;
	s24 =	sadd.s32 $0x9C40, s14;
	[dreg:$0xd] =	wrdreg s21  }
0x10: {  	s15 =	sshrl.u32 s15, $0x3;
	s17 =	sadd.s32 s6, s24;
	s21 =	rddreg [dreg:$0x3]  }
0x11: {  	s5 =	sshrl.u32 s5, $0x3;
	s25 =	sadd.s32 s6, s15;
	[dreg:$0x6] =	wrdreg s17  }
0x12: {  	s3 =	sshrl.u32 s3, $0x3;
	s6 =	sadd.s32 s6, s5;
	[dreg:$0x7] =	wrdreg s25  }
0x13: {  	s13 =	sadd.s32 $0x2400, s2;
	s19 =	sadd.s32 s8, s24;
	[dreg:$0x8] =	wrdreg s6  }
0x14: {  	s3 =	sadd.s32 $0x27000, s3;
	s20 =	sadd.s32 s8, s15;
	[dreg:$0xa] =	wrdreg s19  }
0x15: {  	s14 =	sadd.s32 $0x8BE00, s2;
	s8 =	sadd.s32 s8, s5;
	[dreg:$0xb] =	wrdreg s20  }
0x16: {  	s22 =	sadd.s32 s9, s24;
	s23 =	sadd.s32 s9, s15;
	[dreg:$0xc] =	wrdreg s8  }
0x17: {  	s5 =	sadd.s32 s9, s5;
	s29 =	sadd.s32 s11, s3;
	[dreg:$0xe] =	wrdreg s22  }
0x18: {  	s9 =	smul.u32 $0x4E200, s18;
	s18 =	simm.s32 $0x4;
	[dreg:$0xf] =	wrdreg s23  }
0x19: {  	s6 =	sshrl.u32 s26, $0x3;
	[dreg:$0x10] =	wrdreg s5;
	s25 =	sadd.s32 s10, s3  }
0x1a: {  	[dreg:$0x14] =	wrdreg s29;
	s8 =	sadd.s32 $0x148400, s2;
	s17 =	sadd.s32 s4, s21  }
0x1b: {  	s19 =	sadd.s32 s16, s1;
	s29 =	sadd.s32 $0x138000, s1;
	s4 =	simm.s32 $0x6  }
0x1c: {  	s5 =	simm.s32 $0xB;
	s24 =	sadd.s32 s10, s6;
	[dreg:$0x12] =	wrdreg s25  }
0x1d: {  	s26 =	sadd.s32 s11, s6;
	s6 =	sadd.s32 s8, s6;
	[dreg:$0x11] =	wrdreg s24  }
0x1e: {  	s3 =	sadd.s32 s8, s3;
	s10 =	sshrl.u32 s7, $0x3;
	[dreg:$0x13] =	wrdreg s26  }
0x1f: {  	s11 =	sshrl.u32 s9, $0x2;
	s25 =	sadd.s32 $0x64600, s2;
	[dreg:$0x15] =	wrdreg s6  }
0x20: {  	s8 =	simm.s32 $0x15F90;
	s9 =	simm.s32 $0x10;
	[dreg:$0x16] =	wrdreg s3  }
0x21: {  	s3 =	sadd.s32 s10, s2;
	_ =	strace $0x80000047;
	[dreg:$0x17] =	wrdreg s13  }
0x22: {  	s24 =	sadd.s32 $0x3D400, s2;
	s2 =	sadd.s32 $0x8B800, s2;
	[dreg:$0x18] =	wrdreg s14  }
0x23: {  	s7 =	simm.s32 $0xD;
	s15 =	sadd.s32 s11, s1;
	[dreg:$0x19] =	wrdreg s2  }
0x24: {  	s26 =	smax.u32 s12, $0x1;
	s12 =	simm.s32 $0x28;
	[dreg:$0x1a] =	wrdreg s15  }
0x25: {  	s6 =	simm.s32 $0x8;
	s11 =	simm.s32 $0x0;
	[dreg:$0x1b] =	wrdreg s17  }
0x26: {  	[dreg:$0x1c] =	wrdreg s19;
	s20 =	sadd.s32 $0x8E600, s3;
	s22 =	sadd.s32 $0x98400, s3  }
.Ltmp0:
0x27: {  	s23 =	sadd.s32 $0xA2200, s3;
	[smem:$0x7FC] =	sst s26;
	(pc) =	sbr.rel .LBB2_1-.Ltmp0, $4  }
0x28: {  	[smem:$0x7FD] =	sst s29;
	s13 =	simm.s32 $0x18920;
	s15 =	simm.s32 $0x19D20  }
0x29: {  	s17 =	simm.s32 $0x1B120;
	s26 =	simm.s32 $0x1;
	[dreg:$0x1d] =	wrdreg s20  }
0x2a: {  	s3 =	simm.s32 $0x5;
	s2 =	simm.s32 $0xA;
	[dreg:$0x1e] =	wrdreg s22  }
0x2b: {  	[dreg:$0x1f] =	wrdreg s23;
	s20 =	simm.s32 $0x1C520;
	s23 =	simm.s32 $0x1D920  }
.LBB2_19:
0x2c: {  	[bflag:$0x0] =	sbarrier.arrive $0xFFFF  }
0x2d: {  	s14 =	sld [smem:$0x7F7];
	_ =	sdelay $0x1  }
0x2e: {  	s10 =	rddreg [dreg:$0x15]  }
0x2f: {  	[hbm:s10], [sflag:s11] =	dma.local [spmem:s14], $0x2700  }
0x30: {  	_ =	swait.ge [sflag:s9], $0x2700  }
0x31: {  	s14 =	sld [smem:$0x7F8]  }
0x32: {  	[sflag:s9] =	ssyncset.done $0x0  }
0x33: {  	s10 =	rddreg [dreg:$0x16];
	[sflag:s9] =	ssyncadd.s32 $0xFFFFD900  }
0x34: {  	[hbm:s10], [sflag:s11] =	dma.local @!p0 [spmem:s14], $0x100  }
0x35: {  	s10 =	simm.s32 @!p0 $0x10  }
0x36: {  	_ =	swait.ge @!p0 [sflag:s10], $0x100  }
0x37: {  	s19 =	sld [smem:$0x7FB]  }
0x38: {  	[sflag:s10] =	ssyncset.done @!p0 $0x0  }
0x39: {  	s16 =	rddreg [dreg:$0x1f];
	[sflag:s10] =	ssyncadd.s32 @!p0 $0xFFFFFF00  }
0x3a: {  	[hbm:s16], [sflag:s11] =	dma.local [spmem:s19], $0x4E2  }
0x3b: {  	_ =	swait.ge [sflag:s9], $0x4E2  }
0x3c: {  	s22 =	sld [smem:$0x7F9]  }
0x3d: {  	s29 =	sld [smem:$0x7FC];
	_ =	sdelay $0x1  }
0x3e: {  	s11 =	sadd.s32 $0x1, s22  }
0x3f: {  	p1 =	sne.s32 s11, s29  }
.Ltmp1:
0x40: {  	_ = 	snop;
	(pc) =	sbr.rel @!p1 .LBB2_20-.Ltmp1, $3  }
0x41: {  	[sflag:s9] =	ssyncset.done $0x0  }
0x42: {  	[sflag:s9] =	ssyncadd.s32 $0xFFFFFB1E  }
0x43: {  	[bflag:$0x0] =	sbarrier.arrive $0xFFFF;
	_ =	sdelay $0x1  }
.LBB2_1:
0x44: {  	[smem:$0x7F9] =	sst s11  }
0x45: {  	s14 =	simm.s32 $0x0;
	s10 =	rddreg [dreg:$0x17]  }
0x46: {  	[tilespmem:s8], [sflag:$0x10] =	stream.linear.gather [hbm4b:s10+s14], $0x280, $0x38;
	[tilespmem:$0x1ED20] =	vst v63  }
0x47: {  	s19 =	stileid.u32;
	_ =	swait.ge [sflag:s9], $0x280  }
0x48: {  	s10 =	sshll.u32 s19, $0x6;
	s22 =	rddreg [dreg:$0x1a]  }
0x49: {  	[sflag:s9] =	ssyncset.done $0x0;
	s29 =	rddreg [dreg:$0x18];
	s16 =	sshrl.u32 s22, $0x3  }
0x4a: {  	s11 =	sor.u32 $0x1C10, s10;
	[sflag:s9] =	ssyncadd.s32 $0xFFFFFD80;
	[smem:$0x7FA] =	sst s16  }
0x4b: {  	[spmem:s16], [sflag:s11] =	dma.local [hbm:s29], $0x2710  }
0x4c: {  	_ =	swait.ge [sflag:s9], $0x2710  }
0x4d: {  	s19 =	rddreg [dreg:$0x1b]  }
0x4e: {  	[sflag:s9] =	ssyncset.done $0x0;
	s29 =	rddreg [dreg:$0x19];
	s22 =	sshrl.u32 s19, $0x3  }
0x4f: {  	[sflag:s9] =	ssyncadd.s32 $0xFFFFD8F0;
	[smem:$0x7FB] =	sst s22  }
0x50: {  	[spmem:s22], [sflag:s11] =	dma.local [hbm:s29], $0x4E2  }
0x51: {  	_ =	swait.ge [sflag:s9], $0x4E2  }
0x52: {  	[sflag:s9] =	ssyncset.done $0x0  }
0x53: {  	[sflag:s9] =	ssyncadd.s32 $0xFFFFFB1E  }
0x54: {  	[bflag:$0x0] =	sbarrier.arrive $0xFFFF  }
0x55: {  	s22 =	simm.s32 $0x16210;
	s19 =	rddreg [dreg:$0x5]  }
0x56: {  	[tilespmem:s22], [sflag:$0x10] =	stream.linear.gather [hbm4b:s19+s14], $0x1388, $0x38;
	[tilespmem:$0x1ED20] =	vst v63  }
0x57: {  	_ =	swait.ge [sflag:s9], $0x1388  }
0x58: {  	[sflag:s9] =	ssyncset.done $0x0  }
0x59: {  	s19 =	simm.s32 $0x17598;
	s29 =	rddreg [dreg:$0x6];
	[sflag:s9] =	ssyncadd.s32 $0xFFFFEC78  }
0x5a: {  	[tilespmem:s19], [sflag:$0x10] =	stream.linear.gather [hbm4b:s29+s14], $0x1388, $0x38;
	[tilespmem:$0x1ED20] =	vst v63  }
0x5b: {  	_ =	swait.ge [sflag:s9], $0x1388  }
0x5c: {  	[sflag:s9] =	ssyncset.done $0x0  }
0x5d: {  	[sflag:s9] =	ssyncadd.s32 $0xFFFFEC78  }
0x5e: {  	[tilespmem:s13], [sflag:$0x1] =	stream.indirect.gather [hbm4b:s0+s12], $0x80, s22, s12, $0xb8;
	[tilespmem:$0x1ED20] =	vst v63  }
0x5f: {  	s16 =	simm.s32 $0x16238  }
0x60: {  	[tilespmem:s15], [sflag:$0x2] =	stream.indirect.gather [hbm4b:s0+s12], $0x80, s16, s12, $0xb8;
	[tilespmem:$0x1ED20] =	vst v63  }
0x61: {  	s19 =	simm.s32 $0x16260  }
0x62: {  	[tilespmem:s17], [sflag:$0x3] =	stream.indirect.gather [hbm4b:s0+s12], $0x80, s19, s12, $0xb8;
	[tilespmem:$0x1ED20] =	vst v63  }
0x63: {  	s22 =	simm.s32 $0x16288  }
0x64: {  	[tilespmem:s20], [sflag:$0x4] =	stream.indirect.gather [hbm4b:s0+s12], $0x80, s22, s12, $0xb8;
	[tilespmem:$0x1ED20] =	vst v63  }
0x65: {  	s10 =	simm.s32 $0x0;
	s29 =	simm.s32 $0x162B0  }
0x66: {  	[tilespmem:s23], [sflag:$0x5] =	stream.indirect.gather [hbm4b:s0+s12], $0x80, s29, s12, $0xb8;
	[tilespmem:$0x1ED20] =	vst v63  }
.LBB2_2:
0x67: {  	_ =	swait.ge [sflag:s26], $0x1400  }
0x68: {  	s19 =	sshra.s32 s10, $0x2;
	[sflag:s26] =	ssyncset.done $0x0  }
0x69: {  	s16 =	sadd.s32 $0x17598, s19;
	[sflag:s26] =	ssyncadd.s32 $0xFFFFEC00  }
0x6a: {  	[spmem:s1] =	stream.indirect.scatter.add.f32 [tilespmem:s13], [sflag:$0x6], $0x80, s16, s12, $0xb8;
	[tilespmem:$0x1ED20] =	vst v63  }
0x6b: {  	_ = 	snop  }
0x6c: {  	[spmem:s21] =	stream.indirect.scatter.add.f32 [tilespmem:s8], [sflag:$0xB], $0x10, s16, s12, $0xb8;
	[tilespmem:$0x1ED20] =	vst v63  }
0x6d: {  	_ =	swait.ge [sflag:s30], $0x1400  }
0x6e: {  	[sflag:s30] =	ssyncset.done $0x0  }
0x6f: {  	s29 =	sadd.s32 $0x175C0, s19;
	[sflag:s30] =	ssyncadd.s32 $0xFFFFEC00  }
0x70: {  	[spmem:s1] =	stream.indirect.scatter.add.f32 [tilespmem:s15], [sflag:$0x7], $0x80, s29, s12, $0xb8;
	[tilespmem:$0x1ED20] =	vst v63  }
0x71: {  	_ = 	snop  }
0x72: {  	[spmem:s21] =	stream.indirect.scatter.add.f32 [tilespmem:s8], [sflag:$0xC], $0x10, s29, s12, $0xb8;
	[tilespmem:$0x1ED20] =	vst v63  }
0x73: {  	_ =	swait.ge [sflag:s31], $0x1400  }
0x74: {  	[sflag:s31] =	ssyncset.done $0x0  }
0x75: {  	s14 =	sadd.s32 $0x175E8, s19;
	[sflag:s31] =	ssyncadd.s32 $0xFFFFEC00  }
0x76: {  	[spmem:s1] =	stream.indirect.scatter.add.f32 [tilespmem:s17], [sflag:$0x8], $0x80, s14, s12, $0xb8;
	[tilespmem:$0x1ED20] =	vst v63  }
0x77: {  	_ = 	snop  }
0x78: {  	[spmem:s21] =	stream.indirect.scatter.add.f32 [tilespmem:s8], [sflag:$0xD], $0x10, s14, s12, $0xb8;
	[tilespmem:$0x1ED20] =	vst v63  }
0x79: {  	_ =	swait.ge [sflag:s18], $0x1400  }
0x7a: {  	[sflag:s18] =	ssyncset.done $0x0  }
0x7b: {  	s22 =	sadd.s32 $0x17610, s19;
	[sflag:s18] =	ssyncadd.s32 $0xFFFFEC00  }
0x7c: {  	[spmem:s1] =	stream.indirect.scatter.add.f32 [tilespmem:s20], [sflag:$0x9], $0x80, s22, s12, $0xb8;
	[tilespmem:$0x1ED20] =	vst v63  }
0x7d: {  	_ = 	snop  }
0x7e: {  	[spmem:s21] =	stream.indirect.scatter.add.f32 [tilespmem:s8], [sflag:$0xE], $0x10, s22, s12, $0xb8;
	[tilespmem:$0x1ED20] =	vst v63  }
0x7f: {  	_ =	swait.ge [sflag:s3], $0x1400  }
0x80: {  	[sflag:s3] =	ssyncset.done $0x0  }
0x81: {  	s29 =	sadd.s32 $0x17638, s19;
	[sflag:s3] =	ssyncadd.s32 $0xFFFFEC00  }
0x82: {  	[spmem:s1] =	stream.indirect.scatter.add.f32 [tilespmem:s23], [sflag:$0xA], $0x80, s29, s12, $0xb8;
	[tilespmem:$0x1ED20] =	vst v63  }
0x83: {  	_ = 	snop  }
0x84: {  	[spmem:s21] =	stream.indirect.scatter.add.f32 [tilespmem:s8], [sflag:$0xF], $0x10, s29, s12, $0xb8;
	[tilespmem:$0x1ED20] =	vst v63  }
0x85: {  	_ =	swait.ge [sflag:s4], $0x1400  }
0x86: {  	[sflag:s4] =	ssyncset.done $0x0  }
0x87: {  	[sflag:s4] =	ssyncadd.s32 $0xFFFFEC00  }
0x88: {  	_ =	swait.ge [sflag:s5], $0x280  }
0x89: {  	p1 =	seq.s32 s10, $0x4B00;
	[sflag:s5] =	ssyncset.done $0x0  }
0x8a: {  	s16 =	simm.s32 @p1 $0x7;
	[sflag:s5] =	ssyncadd.s32 $0xFFFFFD80  }
0x8b: {  	_ =	swait.ge @p1 [sflag:s16], $0x1400  }
0x8c: {  	[sflag:s16] =	ssyncset.done @p1 $0x0  }
0x8d: {  	[sflag:s16] =	ssyncadd.s32 @p1 $0xFFFFEC00;
	s16 =	simm.s32 @p1 $0xC  }
0x8e: {  	_ =	swait.ge @p1 [sflag:s16], $0x280  }
0x8f: {  	[sflag:s16] =	ssyncset.done @p1 $0x0  }
0x90: {  	[sflag:s16] =	ssyncadd.s32 @p1 $0xFFFFFD80;
	s16 =	sshra.s32 @!p1 s10, $0x2  }
0x91: {  	s14 =	simm.s32 @!p1 $0x18920;
	s29 =	simm.s32 @!p1 $0x28;
	s22 =	sadd.s32 @!p1 $0x162D8, s16  }
0x92: {  	[tilespmem:s14], [sflag:$0x1] =	stream.indirect.gather @!p1 [hbm4b:s0+s29], $0x80, s22, s29, $0xb8;
	[tilespmem:$0x1ED20] =	vst v63  }
0x93: {  	s14 =	simm.s32 @!p1 $0x7  }
0x94: {  	_ =	swait.ge @!p1 [sflag:s14], $0x1400  }
0x95: {  	[sflag:s14] =	ssyncset.done @!p1 $0x0  }
0x96: {  	[sflag:s14] =	ssyncadd.s32 @!p1 $0xFFFFEC00;
	s14 =	simm.s32 @!p1 $0xC  }
0x97: {  	_ =	swait.ge @!p1 [sflag:s14], $0x280  }
0x98: {  	[sflag:s14] =	ssyncset.done @!p1 $0x0  }
0x99: {  	s22 =	simm.s32 @!p1 $0x19D20;
	[sflag:s14] =	ssyncadd.s32 @!p1 $0xFFFFFD80;
	s14 =	sadd.s32 @!p1 $0x16300, s16  }
0x9a: {  	[tilespmem:s22], [sflag:$0x2] =	stream.indirect.gather @!p1 [hbm4b:s0+s29], $0x80, s14, s29, $0xb8;
	[tilespmem:$0x1ED20] =	vst v63  }
0x9b: {  	_ =	swait.ge [sflag:s6], $0x1400  }
0x9c: {  	[sflag:s6] =	ssyncset.done $0x0  }
0x9d: {  	[sflag:s6] =	ssyncadd.s32 $0xFFFFEC00  }
0x9e: {  	_ =	swait.ge [sflag:s7], $0x280  }
0x9f: {  	[sflag:s7] =	ssyncset.done $0x0  }
0xa0: {  	s14 =	simm.s32 @p1 $0x9;
	[sflag:s7] =	ssyncadd.s32 $0xFFFFFD80  }
0xa1: {  	_ =	swait.ge @p1 [sflag:s14], $0x1400  }
0xa2: {  	[sflag:s14] =	ssyncset.done @p1 $0x0  }
0xa3: {  	[sflag:s14] =	ssyncadd.s32 @p1 $0xFFFFEC00;
	s14 =	simm.s32 @p1 $0xE  }
0xa4: {  	_ =	swait.ge @p1 [sflag:s14], $0x280  }
0xa5: {  	[sflag:s14] =	ssyncset.done @p1 $0x0  }
0xa6: {  	s22 =	simm.s32 @!p1 $0x1B120;
	[sflag:s14] =	ssyncadd.s32 @p1 $0xFFFFFD80;
	s14 =	sadd.s32 @!p1 $0x16328, s16  }
0xa7: {  	[tilespmem:s22], [sflag:$0x3] =	stream.indirect.gather @!p1 [hbm4b:s0+s29], $0x80, s14, s29, $0xb8;
	[tilespmem:$0x1ED20] =	vst v63  }
0xa8: {  	s14 =	simm.s32 @!p1 $0x9  }
0xa9: {  	_ =	swait.ge @!p1 [sflag:s14], $0x1400  }
0xaa: {  	[sflag:s14] =	ssyncset.done @!p1 $0x0  }
0xab: {  	[sflag:s14] =	ssyncadd.s32 @!p1 $0xFFFFEC00;
	s14 =	simm.s32 @!p1 $0xE  }
0xac: {  	_ =	swait.ge @!p1 [sflag:s14], $0x280  }
0xad: {  	[sflag:s14] =	ssyncset.done @!p1 $0x0  }
0xae: {  	[sflag:s14] =	ssyncadd.s32 @!p1 $0xFFFFFD80;
	s14 =	sadd.s32 @!p1 $0x16350, s16;
	s16 =	simm.s32 @!p1 $0x1C520  }
0xaf: {  	[tilespmem:s16], [sflag:$0x4] =	stream.indirect.gather @!p1 [hbm4b:s0+s29], $0x80, s14, s29, $0xb8;
	[tilespmem:$0x1ED20] =	vst v63  }
0xb0: {  	_ =	swait.ge [sflag:s2], $0x1400  }
.Ltmp2:
0xb1: {  	[sflag:s2] =	ssyncset.done $0x0;
	(pc) =	sbr.rel @p1 .LBB2_4-.Ltmp2, $4  }
0xb2: {  	[sflag:s2] =	ssyncadd.s32 $0xFFFFEC00  }
0xb3: {  	_ =	swait.ge [sflag:s28], $0x280  }
0xb4: {  	[sflag:s28] =	ssyncset.done $0x0  }
0xb5: {  	[sflag:s28] =	ssyncadd.s32 $0xFFFFFD80  }
.Ltmp3:
0xb6: {  	(pc) =	sbr.rel .LBB2_2-.Ltmp3, $3  }
0xb7: {  	_ =	sdelay $0x1  }
0xb8: {  	s14 =	sadd.s32 $0x16378, s19;
	s10 =	sadd.s32 $0x320, s10  }
0xb9: {  	[tilespmem:s23], [sflag:$0x5] =	stream.indirect.gather [hbm4b:s0+s12], $0x80, s14, s12, $0xb8;
	[tilespmem:$0x1ED20] =	vst v63  }
.LBB2_4:
0xba: {  	s19 =	simm.s32 $0x0;
	s10 =	rddreg [dreg:$0x7];
	s14 =	simm.s32 $0x16210  }
0xbb: {  	[tilespmem:s14], [sflag:$0x10] =	stream.linear.gather [hbm4b:s10+s19], $0x1388, $0x38;
	[tilespmem:$0x1ED20] =	vst v63  }
0xbc: {  	_ =	swait.ge [sflag:s9], $0x1388  }
0xbd: {  	[sflag:s9] =	ssyncset.done $0x0  }
0xbe: {  	s16 =	simm.s32 $0x17598;
	s29 =	rddreg [dreg:$0x8];
	[sflag:s9] =	ssyncadd.s32 $0xFFFFEC78  }
0xbf: {  	[tilespmem:s16], [sflag:$0x10] =	stream.linear.gather [hbm4b:s29+s19], $0x1388, $0x38;
	[tilespmem:$0x1ED20] =	vst v63  }
0xc0: {  	_ =	swait.ge [sflag:s9], $0x1388  }
0xc1: {  	[sflag:s9] =	ssyncset.done $0x0  }
0xc2: {  	[sflag:s9] =	ssyncadd.s32 $0xFFFFEC78  }
0xc3: {  	[tilespmem:s13], [sflag:$0x1] =	stream.indirect.gather [hbm4b:s0+s12], $0x80, s14, s12, $0xb8;
	[tilespmem:$0x1ED20] =	vst v63  }
0xc4: {  	s14 =	simm.s32 $0x16238  }
0xc5: {  	[tilespmem:s15], [sflag:$0x2] =	stream.indirect.gather [hbm4b:s0+s12], $0x80, s14, s12, $0xb8;
	[tilespmem:$0x1ED20] =	vst v63  }
0xc6: {  	s16 =	simm.s32 $0x16260  }
0xc7: {  	[tilespmem:s17], [sflag:$0x3] =	stream.indirect.gather [hbm4b:s0+s12], $0x80, s16, s12, $0xb8;
	[tilespmem:$0x1ED20] =	vst v63  }
0xc8: {  	s22 =	simm.s32 $0x16288  }
0xc9: {  	[tilespmem:s20], [sflag:$0x4] =	stream.indirect.gather [hbm4b:s0+s12], $0x80, s22, s12, $0xb8;
	[tilespmem:$0x1ED20] =	vst v63  }
0xca: {  	s29 =	simm.s32 $0x162B0  }
0xcb: {  	[tilespmem:s23], [sflag:$0x5] =	stream.indirect.gather [hbm4b:s0+s12], $0x80, s29, s12, $0xb8;
	[tilespmem:$0x1ED20] =	vst v63  }
.LBB2_5:
0xcc: {  	_ =	swait.ge [sflag:s26], $0x1400  }
0xcd: {  	s10 =	sshra.s32 s19, $0x2;
	[sflag:s26] =	ssyncset.done $0x0  }
0xce: {  	s14 =	sadd.s32 $0x17598, s10;
	[sflag:s26] =	ssyncadd.s32 $0xFFFFEC00  }
0xcf: {  	[spmem:s1] =	stream.indirect.scatter.add.f32 [tilespmem:s13], [sflag:$0x6], $0x80, s14, s12, $0xb8;
	[tilespmem:$0x1ED20] =	vst v63  }
0xd0: {  	_ = 	snop  }
0xd1: {  	[spmem:s21] =	stream.indirect.scatter.add.f32 [tilespmem:s8], [sflag:$0xB], $0x10, s14, s12, $0xb8;
	[tilespmem:$0x1ED20] =	vst v63  }
0xd2: {  	_ =	swait.ge [sflag:s30], $0x1400  }
0xd3: {  	[sflag:s30] =	ssyncset.done $0x0  }
0xd4: {  	s29 =	sadd.s32 $0x175C0, s10;
	[sflag:s30] =	ssyncadd.s32 $0xFFFFEC00  }
0xd5: {  	[spmem:s1] =	stream.indirect.scatter.add.f32 [tilespmem:s15], [sflag:$0x7], $0x80, s29, s12, $0xb8;
	[tilespmem:$0x1ED20] =	vst v63  }
0xd6: {  	_ = 	snop  }
0xd7: {  	[spmem:s21] =	stream.indirect.scatter.add.f32 [tilespmem:s8], [sflag:$0xC], $0x10, s29, s12, $0xb8;
	[tilespmem:$0x1ED20] =	vst v63  }
0xd8: {  	_ =	swait.ge [sflag:s31], $0x1400  }
0xd9: {  	[sflag:s31] =	ssyncset.done $0x0  }
0xda: {  	s16 =	sadd.s32 $0x175E8, s10;
	[sflag:s31] =	ssyncadd.s32 $0xFFFFEC00  }
0xdb: {  	[spmem:s1] =	stream.indirect.scatter.add.f32 [tilespmem:s17], [sflag:$0x8], $0x80, s16, s12, $0xb8;
	[tilespmem:$0x1ED20] =	vst v63  }
0xdc: {  	_ = 	snop  }
0xdd: {  	[spmem:s21] =	stream.indirect.scatter.add.f32 [tilespmem:s8], [sflag:$0xD], $0x10, s16, s12, $0xb8;
	[tilespmem:$0x1ED20] =	vst v63  }
0xde: {  	_ =	swait.ge [sflag:s18], $0x1400  }
0xdf: {  	[sflag:s18] =	ssyncset.done $0x0  }
0xe0: {  	s22 =	sadd.s32 $0x17610, s10;
	[sflag:s18] =	ssyncadd.s32 $0xFFFFEC00  }
0xe1: {  	[spmem:s1] =	stream.indirect.scatter.add.f32 [tilespmem:s20], [sflag:$0x9], $0x80, s22, s12, $0xb8;
	[tilespmem:$0x1ED20] =	vst v63  }
0xe2: {  	_ = 	snop  }
0xe3: {  	[spmem:s21] =	stream.indirect.scatter.add.f32 [tilespmem:s8], [sflag:$0xE], $0x10, s22, s12, $0xb8;
	[tilespmem:$0x1ED20] =	vst v63  }
0xe4: {  	_ =	swait.ge [sflag:s3], $0x1400  }
0xe5: {  	[sflag:s3] =	ssyncset.done $0x0  }
0xe6: {  	s29 =	sadd.s32 $0x17638, s10;
	[sflag:s3] =	ssyncadd.s32 $0xFFFFEC00  }
0xe7: {  	[spmem:s1] =	stream.indirect.scatter.add.f32 [tilespmem:s23], [sflag:$0xA], $0x80, s29, s12, $0xb8;
	[tilespmem:$0x1ED20] =	vst v63  }
0xe8: {  	_ = 	snop  }
0xe9: {  	[spmem:s21] =	stream.indirect.scatter.add.f32 [tilespmem:s8], [sflag:$0xF], $0x10, s29, s12, $0xb8;
	[tilespmem:$0x1ED20] =	vst v63  }
0xea: {  	_ =	swait.ge [sflag:s4], $0x1400  }
0xeb: {  	[sflag:s4] =	ssyncset.done $0x0  }
0xec: {  	[sflag:s4] =	ssyncadd.s32 $0xFFFFEC00  }
0xed: {  	_ =	swait.ge [sflag:s5], $0x280  }
0xee: {  	p1 =	seq.s32 s19, $0x4B00;
	[sflag:s5] =	ssyncset.done $0x0  }
0xef: {  	s14 =	simm.s32 @p1 $0x7;
	[sflag:s5] =	ssyncadd.s32 $0xFFFFFD80  }
0xf0: {  	_ =	swait.ge @p1 [sflag:s14], $0x1400  }
0xf1: {  	[sflag:s14] =	ssyncset.done @p1 $0x0  }
0xf2: {  	[sflag:s14] =	ssyncadd.s32 @p1 $0xFFFFEC00;
	s14 =	simm.s32 @p1 $0xC  }
0xf3: {  	_ =	swait.ge @p1 [sflag:s14], $0x280  }
0xf4: {  	[sflag:s14] =	ssyncset.done @p1 $0x0  }
0xf5: {  	[sflag:s14] =	ssyncadd.s32 @p1 $0xFFFFFD80;
	s14 =	sshra.s32 @!p1 s19, $0x2  }
0xf6: {  	s22 =	simm.s32 @!p1 $0x28;
	s29 =	simm.s32 @!p1 $0x18920;
	s16 =	sadd.s32 @!p1 $0x162D8, s14  }
0xf7: {  	[tilespmem:s29], [sflag:$0x1] =	stream.indirect.gather @!p1 [hbm4b:s0+s22], $0x80, s16, s22, $0xb8;
	[tilespmem:$0x1ED20] =	vst v63  }
0xf8: {  	s16 =	simm.s32 @!p1 $0x7  }
0xf9: {  	_ =	swait.ge @!p1 [sflag:s16], $0x1400  }
0xfa: {  	[sflag:s16] =	ssyncset.done @!p1 $0x0  }
0xfb: {  	[sflag:s16] =	ssyncadd.s32 @!p1 $0xFFFFEC00;
	s16 =	simm.s32 @!p1 $0xC  }
0xfc: {  	_ =	swait.ge @!p1 [sflag:s16], $0x280  }
0xfd: {  	[sflag:s16] =	ssyncset.done @!p1 $0x0  }
0xfe: {  	s29 =	simm.s32 @!p1 $0x19D20;
	[sflag:s16] =	ssyncadd.s32 @!p1 $0xFFFFFD80;
	s16 =	sadd.s32 @!p1 $0x16300, s14  }
0xff: {  	[tilespmem:s29], [sflag:$0x2] =	stream.indirect.gather @!p1 [hbm4b:s0+s22], $0x80, s16, s22, $0xb8;
	[tilespmem:$0x1ED20] =	vst v63  }
0x100: {  	_ =	swait.ge [sflag:s6], $0x1400  }
0x101: {  	[sflag:s6] =	ssyncset.done $0x0  }
0x102: {  	[sflag:s6] =	ssyncadd.s32 $0xFFFFEC00  }
0x103: {  	_ =	swait.ge [sflag:s7], $0x280  }
0x104: {  	[sflag:s7] =	ssyncset.done $0x0  }
0x105: {  	s16 =	simm.s32 @p1 $0x9;
	[sflag:s7] =	ssyncadd.s32 $0xFFFFFD80  }
0x106: {  	_ =	swait.ge @p1 [sflag:s16], $0x1400  }
0x107: {  	[sflag:s16] =	ssyncset.done @p1 $0x0  }
0x108: {  	[sflag:s16] =	ssyncadd.s32 @p1 $0xFFFFEC00;
	s16 =	simm.s32 @p1 $0xE  }
0x109: {  	_ =	swait.ge @p1 [sflag:s16], $0x280  }
0x10a: {  	[sflag:s16] =	ssyncset.done @p1 $0x0  }
0x10b: {  	s29 =	simm.s32 @!p1 $0x1B120;
	[sflag:s16] =	ssyncadd.s32 @p1 $0xFFFFFD80;
	s16 =	sadd.s32 @!p1 $0x16328, s14  }
0x10c: {  	[tilespmem:s29], [sflag:$0x3] =	stream.indirect.gather @!p1 [hbm4b:s0+s22], $0x80, s16, s22, $0xb8;
	[tilespmem:$0x1ED20] =	vst v63  }
0x10d: {  	s16 =	simm.s32 @!p1 $0x9  }
0x10e: {  	_ =	swait.ge @!p1 [sflag:s16], $0x1400  }
0x10f: {  	[sflag:s16] =	ssyncset.done @!p1 $0x0  }
0x110: {  	[sflag:s16] =	ssyncadd.s32 @!p1 $0xFFFFEC00;
	s16 =	simm.s32 @!p1 $0xE  }
0x111: {  	_ =	swait.ge @!p1 [sflag:s16], $0x280  }
0x112: {  	[sflag:s16] =	ssyncset.done @!p1 $0x0  }
0x113: {  	s14 =	sadd.s32 @!p1 $0x16350, s14;
	[sflag:s16] =	ssyncadd.s32 @!p1 $0xFFFFFD80;
	s16 =	simm.s32 @!p1 $0x1C520  }
0x114: {  	[tilespmem:s16], [sflag:$0x4] =	stream.indirect.gather @!p1 [hbm4b:s0+s22], $0x80, s14, s22, $0xb8;
	[tilespmem:$0x1ED20] =	vst v63  }
0x115: {  	_ =	swait.ge [sflag:s2], $0x1400  }
.Ltmp4:
0x116: {  	[sflag:s2] =	ssyncset.done $0x0;
	(pc) =	sbr.rel @p1 .LBB2_7-.Ltmp4, $4  }
0x117: {  	[sflag:s2] =	ssyncadd.s32 $0xFFFFEC00  }
0x118: {  	_ =	swait.ge [sflag:s28], $0x280  }
0x119: {  	[sflag:s28] =	ssyncset.done $0x0  }
0x11a: {  	[sflag:s28] =	ssyncadd.s32 $0xFFFFFD80  }
.Ltmp5:
0x11b: {  	(pc) =	sbr.rel .LBB2_5-.Ltmp5, $3  }
0x11c: {  	_ =	sdelay $0x1  }
0x11d: {  	s10 =	sadd.s32 $0x16378, s10;
	s19 =	sadd.s32 $0x320, s19  }
0x11e: {  	[tilespmem:s23], [sflag:$0x5] =	stream.indirect.gather [hbm4b:s0+s12], $0x80, s10, s12, $0xb8;
	[tilespmem:$0x1ED20] =	vst v63  }
.LBB2_7:
0x11f: {  	[bflag:$0x0] =	sbarrier.arrive $0xFFFF  }
0x120: {  	s10 =	rddreg [dreg:$0x1c]  }
0x121: {  	s16 =	rddreg [dreg:$0x11];
	s14 =	sshrl.u32 s10, $0x3  }
0x122: {  	[smem:$0x7F7] =	sst s14  }
0x123: {  	[hbm:s16], [sflag:s11] =	dma.local [spmem:s14], $0x2700  }
0x124: {  	_ =	swait.ge [sflag:s9], $0x2700  }
0x125: {  	s10 =	sld [smem:$0x7FD];
	_ =	sdelay $0x2  }
0x126: {  	[sflag:s9] =	ssyncset.done $0x0;
	s14 =	sshrl.u32 @!p0 s10, $0x3;
	s10 =	rddreg [dreg:$0x12]  }
0x127: {  	[sflag:s9] =	ssyncadd.s32 $0xFFFFD900;
	[smem:$0x7F8] =	sst s14  }
0x128: {  	[hbm:s10], [sflag:s11] =	dma.local @!p0 [spmem:s14], $0x100  }
0x129: {  	s10 =	simm.s32 @!p0 $0x10  }
0x12a: {  	_ =	swait.ge @!p0 [sflag:s10], $0x100  }
0x12b: {  	s22 =	sld [smem:$0x7FB]  }
0x12c: {  	[sflag:s10] =	ssyncset.done @!p0 $0x0  }
0x12d: {  	s19 =	rddreg [dreg:$0x1d];
	[sflag:s10] =	ssyncadd.s32 @!p0 $0xFFFFFF00  }
0x12e: {  	[hbm:s19], [sflag:s11] =	dma.local [spmem:s22], $0x4E2  }
0x12f: {  	_ =	swait.ge [sflag:s9], $0x4E2  }
0x130: {  	[sflag:s9] =	ssyncset.done $0x0  }
0x131: {  	[sflag:s9] =	ssyncadd.s32 $0xFFFFFB1E  }
0x132: {  	[bflag:$0x0] =	sbarrier.arrive $0xFFFF  }
0x133: {  	s16 =	sld [smem:$0x7FA];
	_ =	sdelay $0x1  }
0x134: {  	s29 =	rddreg [dreg:$0x18]  }
0x135: {  	[spmem:s16], [sflag:s11] =	dma.local [hbm:s29], $0x2710  }
0x136: {  	_ =	swait.ge [sflag:s9], $0x2710  }
0x137: {  	[sflag:s9] =	ssyncset.done $0x0  }
0x138: {  	s16 =	rddreg [dreg:$0x19];
	[sflag:s9] =	ssyncadd.s32 $0xFFFFD8F0  }
0x139: {  	[spmem:s22], [sflag:s11] =	dma.local [hbm:s16], $0x4E2  }
0x13a: {  	_ =	swait.ge [sflag:s9], $0x4E2  }
0x13b: {  	[sflag:s9] =	ssyncset.done $0x0  }
0x13c: {  	[sflag:s9] =	ssyncadd.s32 $0xFFFFFB1E  }
0x13d: {  	[bflag:$0x0] =	sbarrier.arrive $0xFFFF  }
0x13e: {  	s10 =	simm.s32 $0x0;
	s22 =	simm.s32 $0x16210;
	s19 =	rddreg [dreg:$0x9]  }
0x13f: {  	[tilespmem:s22], [sflag:$0x10] =	stream.linear.gather [hbm4b:s19+s10], $0x1388, $0x38;
	[tilespmem:$0x1ED20] =	vst v63  }
0x140: {  	_ =	swait.ge [sflag:s9], $0x1388  }
0x141: {  	[sflag:s9] =	ssyncset.done $0x0  }
0x142: {  	s19 =	simm.s32 $0x17598;
	s29 =	rddreg [dreg:$0xa];
	[sflag:s9] =	ssyncadd.s32 $0xFFFFEC78  }
0x143: {  	[tilespmem:s19], [sflag:$0x10] =	stream.linear.gather [hbm4b:s29+s10], $0x1388, $0x38;
	[tilespmem:$0x1ED20] =	vst v63  }
0x144: {  	_ =	swait.ge [sflag:s9], $0x1388  }
0x145: {  	[sflag:s9] =	ssyncset.done $0x0  }
0x146: {  	[sflag:s9] =	ssyncadd.s32 $0xFFFFEC78  }
0x147: {  	[tilespmem:s13], [sflag:$0x1] =	stream.indirect.gather [hbm4b:s24+s12], $0x80, s22, s12, $0xb8;
	[tilespmem:$0x1ED20] =	vst v63  }
0x148: {  	s16 =	simm.s32 $0x16238  }
0x149: {  	[tilespmem:s15], [sflag:$0x2] =	stream.indirect.gather [hbm4b:s24+s12], $0x80, s16, s12, $0xb8;
	[tilespmem:$0x1ED20] =	vst v63  }
0x14a: {  	s19 =	simm.s32 $0x16260  }
0x14b: {  	[tilespmem:s17], [sflag:$0x3] =	stream.indirect.gather [hbm4b:s24+s12], $0x80, s19, s12, $0xb8;
	[tilespmem:$0x1ED20] =	vst v63  }
0x14c: {  	s22 =	simm.s32 $0x16288  }
0x14d: {  	[tilespmem:s20], [sflag:$0x4] =	stream.indirect.gather [hbm4b:s24+s12], $0x80, s22, s12, $0xb8;
	[tilespmem:$0x1ED20] =	vst v63  }
0x14e: {  	s29 =	simm.s32 $0x162B0  }
0x14f: {  	[tilespmem:s23], [sflag:$0x5] =	stream.indirect.gather [hbm4b:s24+s12], $0x80, s29, s12, $0xb8;
	[tilespmem:$0x1ED20] =	vst v63  }
.LBB2_8:
0x150: {  	_ =	swait.ge [sflag:s26], $0x1400  }
0x151: {  	s16 =	sshra.s32 s10, $0x2;
	[sflag:s26] =	ssyncset.done $0x0  }
0x152: {  	s14 =	sadd.s32 $0x17598, s16;
	[sflag:s26] =	ssyncadd.s32 $0xFFFFEC00  }
0x153: {  	[spmem:s1] =	stream.indirect.scatter.add.f32 [tilespmem:s13], [sflag:$0x6], $0x80, s14, s12, $0xb8;
	[tilespmem:$0x1ED20] =	vst v63  }
0x154: {  	_ = 	snop  }
0x155: {  	[spmem:s21] =	stream.indirect.scatter.add.f32 [tilespmem:s8], [sflag:$0xB], $0x10, s14, s12, $0xb8;
	[tilespmem:$0x1ED20] =	vst v63  }
0x156: {  	_ =	swait.ge [sflag:s30], $0x1400  }
0x157: {  	[sflag:s30] =	ssyncset.done $0x0  }
0x158: {  	s29 =	sadd.s32 $0x175C0, s16;
	[sflag:s30] =	ssyncadd.s32 $0xFFFFEC00  }
0x159: {  	[spmem:s1] =	stream.indirect.scatter.add.f32 [tilespmem:s15], [sflag:$0x7], $0x80, s29, s12, $0xb8;
	[tilespmem:$0x1ED20] =	vst v63  }
0x15a: {  	_ = 	snop  }
0x15b: {  	[spmem:s21] =	stream.indirect.scatter.add.f32 [tilespmem:s8], [sflag:$0xC], $0x10, s29, s12, $0xb8;
	[tilespmem:$0x1ED20] =	vst v63  }
0x15c: {  	_ =	swait.ge [sflag:s31], $0x1400  }
0x15d: {  	[sflag:s31] =	ssyncset.done $0x0  }
0x15e: {  	s19 =	sadd.s32 $0x175E8, s16;
	[sflag:s31] =	ssyncadd.s32 $0xFFFFEC00  }
0x15f: {  	[spmem:s1] =	stream.indirect.scatter.add.f32 [tilespmem:s17], [sflag:$0x8], $0x80, s19, s12, $0xb8;
	[tilespmem:$0x1ED20] =	vst v63  }
0x160: {  	_ = 	snop  }
0x161: {  	[spmem:s21] =	stream.indirect.scatter.add.f32 [tilespmem:s8], [sflag:$0xD], $0x10, s19, s12, $0xb8;
	[tilespmem:$0x1ED20] =	vst v63  }
0x162: {  	_ =	swait.ge [sflag:s18], $0x1400  }
0x163: {  	[sflag:s18] =	ssyncset.done $0x0  }
0x164: {  	s22 =	sadd.s32 $0x17610, s16;
	[sflag:s18] =	ssyncadd.s32 $0xFFFFEC00  }
0x165: {  	[spmem:s1] =	stream.indirect.scatter.add.f32 [tilespmem:s20], [sflag:$0x9], $0x80, s22, s12, $0xb8;
	[tilespmem:$0x1ED20] =	vst v63  }
0x166: {  	_ = 	snop  }
0x167: {  	[spmem:s21] =	stream.indirect.scatter.add.f32 [tilespmem:s8], [sflag:$0xE], $0x10, s22, s12, $0xb8;
	[tilespmem:$0x1ED20] =	vst v63  }
0x168: {  	_ =	swait.ge [sflag:s3], $0x1400  }
0x169: {  	[sflag:s3] =	ssyncset.done $0x0  }
0x16a: {  	s29 =	sadd.s32 $0x17638, s16;
	[sflag:s3] =	ssyncadd.s32 $0xFFFFEC00  }
0x16b: {  	[spmem:s1] =	stream.indirect.scatter.add.f32 [tilespmem:s23], [sflag:$0xA], $0x80, s29, s12, $0xb8;
	[tilespmem:$0x1ED20] =	vst v63  }
0x16c: {  	_ = 	snop  }
0x16d: {  	[spmem:s21] =	stream.indirect.scatter.add.f32 [tilespmem:s8], [sflag:$0xF], $0x10, s29, s12, $0xb8;
	[tilespmem:$0x1ED20] =	vst v63  }
0x16e: {  	_ =	swait.ge [sflag:s4], $0x1400  }
0x16f: {  	[sflag:s4] =	ssyncset.done $0x0  }
0x170: {  	[sflag:s4] =	ssyncadd.s32 $0xFFFFEC00  }
0x171: {  	_ =	swait.ge [sflag:s5], $0x280  }
0x172: {  	p1 =	seq.s32 s10, $0x4B00;
	[sflag:s5] =	ssyncset.done $0x0  }
0x173: {  	s14 =	simm.s32 @p1 $0x7;
	[sflag:s5] =	ssyncadd.s32 $0xFFFFFD80  }
0x174: {  	_ =	swait.ge @p1 [sflag:s14], $0x1400  }
0x175: {  	[sflag:s14] =	ssyncset.done @p1 $0x0  }
0x176: {  	[sflag:s14] =	ssyncadd.s32 @p1 $0xFFFFEC00;
	s14 =	simm.s32 @p1 $0xC  }
0x177: {  	_ =	swait.ge @p1 [sflag:s14], $0x280  }
0x178: {  	[sflag:s14] =	ssyncset.done @p1 $0x0  }
0x179: {  	[sflag:s14] =	ssyncadd.s32 @p1 $0xFFFFFD80;
	s14 =	sshra.s32 @!p1 s10, $0x2  }
0x17a: {  	s19 =	simm.s32 @!p1 $0x28;
	s22 =	simm.s32 @!p1 $0x18920;
	s29 =	sadd.s32 @!p1 $0x162D8, s14  }
0x17b: {  	[tilespmem:s22], [sflag:$0x1] =	stream.indirect.gather @!p1 [hbm4b:s24+s19], $0x80, s29, s19, $0xb8;
	[tilespmem:$0x1ED20] =	vst v63  }
0x17c: {  	s22 =	simm.s32 @!p1 $0x7  }
0x17d: {  	_ =	swait.ge @!p1 [sflag:s22], $0x1400  }
0x17e: {  	[sflag:s22] =	ssyncset.done @!p1 $0x0  }
0x17f: {  	[sflag:s22] =	ssyncadd.s32 @!p1 $0xFFFFEC00;
	s22 =	simm.s32 @!p1 $0xC  }
0x180: {  	_ =	swait.ge @!p1 [sflag:s22], $0x280  }
0x181: {  	[sflag:s22] =	ssyncset.done @!p1 $0x0  }
0x182: {  	s29 =	simm.s32 @!p1 $0x19D20;
	[sflag:s22] =	ssyncadd.s32 @!p1 $0xFFFFFD80;
	s22 =	sadd.s32 @!p1 $0x16300, s14  }
0x183: {  	[tilespmem:s29], [sflag:$0x2] =	stream.indirect.gather @!p1 [hbm4b:s24+s19], $0x80, s22, s19, $0xb8;
	[tilespmem:$0x1ED20] =	vst v63  }
0x184: {  	_ =	swait.ge [sflag:s6], $0x1400  }
0x185: {  	[sflag:s6] =	ssyncset.done $0x0  }
0x186: {  	[sflag:s6] =	ssyncadd.s32 $0xFFFFEC00  }
0x187: {  	_ =	swait.ge [sflag:s7], $0x280  }
0x188: {  	[sflag:s7] =	ssyncset.done $0x0  }
0x189: {  	s22 =	simm.s32 @p1 $0x9;
	[sflag:s7] =	ssyncadd.s32 $0xFFFFFD80  }
0x18a: {  	_ =	swait.ge @p1 [sflag:s22], $0x1400  }
0x18b: {  	[sflag:s22] =	ssyncset.done @p1 $0x0  }
0x18c: {  	[sflag:s22] =	ssyncadd.s32 @p1 $0xFFFFEC00;
	s22 =	simm.s32 @p1 $0xE  }
0x18d: {  	_ =	swait.ge @p1 [sflag:s22], $0x280  }
0x18e: {  	[sflag:s22] =	ssyncset.done @p1 $0x0  }
0x18f: {  	s29 =	simm.s32 @!p1 $0x1B120;
	[sflag:s22] =	ssyncadd.s32 @p1 $0xFFFFFD80;
	s22 =	sadd.s32 @!p1 $0x16328, s14  }
0x190: {  	[tilespmem:s29], [sflag:$0x3] =	stream.indirect.gather @!p1 [hbm4b:s24+s19], $0x80, s22, s19, $0xb8;
	[tilespmem:$0x1ED20] =	vst v63  }
0x191: {  	s22 =	simm.s32 @!p1 $0x9  }
0x192: {  	_ =	swait.ge @!p1 [sflag:s22], $0x1400  }
0x193: {  	[sflag:s22] =	ssyncset.done @!p1 $0x0  }
0x194: {  	[sflag:s22] =	ssyncadd.s32 @!p1 $0xFFFFEC00;
	s22 =	simm.s32 @!p1 $0xE  }
0x195: {  	_ =	swait.ge @!p1 [sflag:s22], $0x280  }
0x196: {  	[sflag:s22] =	ssyncset.done @!p1 $0x0  }
0x197: {  	s14 =	sadd.s32 @!p1 $0x16350, s14;
	[sflag:s22] =	ssyncadd.s32 @!p1 $0xFFFFFD80;
	s22 =	simm.s32 @!p1 $0x1C520  }
0x198: {  	[tilespmem:s22], [sflag:$0x4] =	stream.indirect.gather @!p1 [hbm4b:s24+s19], $0x80, s14, s19, $0xb8;
	[tilespmem:$0x1ED20] =	vst v63  }
0x199: {  	_ =	swait.ge [sflag:s2], $0x1400  }
.Ltmp6:
0x19a: {  	[sflag:s2] =	ssyncset.done $0x0;
	(pc) =	sbr.rel @p1 .LBB2_10-.Ltmp6, $4  }
0x19b: {  	[sflag:s2] =	ssyncadd.s32 $0xFFFFEC00  }
0x19c: {  	_ =	swait.ge [sflag:s28], $0x280  }
0x19d: {  	[sflag:s28] =	ssyncset.done $0x0  }
0x19e: {  	[sflag:s28] =	ssyncadd.s32 $0xFFFFFD80  }
.Ltmp7:
0x19f: {  	(pc) =	sbr.rel .LBB2_8-.Ltmp7, $3  }
0x1a0: {  	_ =	sdelay $0x1  }
0x1a1: {  	s14 =	sadd.s32 $0x16378, s16;
	s10 =	sadd.s32 $0x320, s10  }
0x1a2: {  	[tilespmem:s23], [sflag:$0x5] =	stream.indirect.gather [hbm4b:s24+s12], $0x80, s14, s12, $0xb8;
	[tilespmem:$0x1ED20] =	vst v63  }
.LBB2_10:
0x1a3: {  	s10 =	simm.s32 $0x0;
	s14 =	rddreg [dreg:$0xb];
	s16 =	simm.s32 $0x16210  }
0x1a4: {  	[tilespmem:s16], [sflag:$0x10] =	stream.linear.gather [hbm4b:s14+s10], $0x1388, $0x38;
	[tilespmem:$0x1ED20] =	vst v63  }
0x1a5: {  	_ =	swait.ge [sflag:s9], $0x1388  }
0x1a6: {  	[sflag:s9] =	ssyncset.done $0x0  }
0x1a7: {  	s19 =	simm.s32 $0x17598;
	s29 =	rddreg [dreg:$0xc];
	[sflag:s9] =	ssyncadd.s32 $0xFFFFEC78  }
0x1a8: {  	[tilespmem:s19], [sflag:$0x10] =	stream.linear.gather [hbm4b:s29+s10], $0x1388, $0x38;
	[tilespmem:$0x1ED20] =	vst v63  }
0x1a9: {  	_ =	swait.ge [sflag:s9], $0x1388  }
0x1aa: {  	[sflag:s9] =	ssyncset.done $0x0  }
0x1ab: {  	[sflag:s9] =	ssyncadd.s32 $0xFFFFEC78  }
0x1ac: {  	[tilespmem:s13], [sflag:$0x1] =	stream.indirect.gather [hbm4b:s24+s12], $0x80, s16, s12, $0xb8;
	[tilespmem:$0x1ED20] =	vst v63  }
0x1ad: {  	s16 =	simm.s32 $0x16238  }
0x1ae: {  	[tilespmem:s15], [sflag:$0x2] =	stream.indirect.gather [hbm4b:s24+s12], $0x80, s16, s12, $0xb8;
	[tilespmem:$0x1ED20] =	vst v63  }
0x1af: {  	s19 =	simm.s32 $0x16260  }
0x1b0: {  	[tilespmem:s17], [sflag:$0x3] =	stream.indirect.gather [hbm4b:s24+s12], $0x80, s19, s12, $0xb8;
	[tilespmem:$0x1ED20] =	vst v63  }
0x1b1: {  	s22 =	simm.s32 $0x16288  }
0x1b2: {  	[tilespmem:s20], [sflag:$0x4] =	stream.indirect.gather [hbm4b:s24+s12], $0x80, s22, s12, $0xb8;
	[tilespmem:$0x1ED20] =	vst v63  }
0x1b3: {  	s29 =	simm.s32 $0x162B0  }
0x1b4: {  	[tilespmem:s23], [sflag:$0x5] =	stream.indirect.gather [hbm4b:s24+s12], $0x80, s29, s12, $0xb8;
	[tilespmem:$0x1ED20] =	vst v63  }
.LBB2_11:
0x1b5: {  	_ =	swait.ge [sflag:s26], $0x1400  }
0x1b6: {  	s16 =	sshra.s32 s10, $0x2;
	[sflag:s26] =	ssyncset.done $0x0  }
0x1b7: {  	s14 =	sadd.s32 $0x17598, s16;
	[sflag:s26] =	ssyncadd.s32 $0xFFFFEC00  }
0x1b8: {  	[spmem:s1] =	stream.indirect.scatter.add.f32 [tilespmem:s13], [sflag:$0x6], $0x80, s14, s12, $0xb8;
	[tilespmem:$0x1ED20] =	vst v63  }
0x1b9: {  	_ = 	snop  }
0x1ba: {  	[spmem:s21] =	stream.indirect.scatter.add.f32 [tilespmem:s8], [sflag:$0xB], $0x10, s14, s12, $0xb8;
	[tilespmem:$0x1ED20] =	vst v63  }
0x1bb: {  	_ =	swait.ge [sflag:s30], $0x1400  }
0x1bc: {  	[sflag:s30] =	ssyncset.done $0x0  }
0x1bd: {  	s29 =	sadd.s32 $0x175C0, s16;
	[sflag:s30] =	ssyncadd.s32 $0xFFFFEC00  }
0x1be: {  	[spmem:s1] =	stream.indirect.scatter.add.f32 [tilespmem:s15], [sflag:$0x7], $0x80, s29, s12, $0xb8;
	[tilespmem:$0x1ED20] =	vst v63  }
0x1bf: {  	_ = 	snop  }
0x1c0: {  	[spmem:s21] =	stream.indirect.scatter.add.f32 [tilespmem:s8], [sflag:$0xC], $0x10, s29, s12, $0xb8;
	[tilespmem:$0x1ED20] =	vst v63  }
0x1c1: {  	_ =	swait.ge [sflag:s31], $0x1400  }
0x1c2: {  	[sflag:s31] =	ssyncset.done $0x0  }
0x1c3: {  	s19 =	sadd.s32 $0x175E8, s16;
	[sflag:s31] =	ssyncadd.s32 $0xFFFFEC00  }
0x1c4: {  	[spmem:s1] =	stream.indirect.scatter.add.f32 [tilespmem:s17], [sflag:$0x8], $0x80, s19, s12, $0xb8;
	[tilespmem:$0x1ED20] =	vst v63  }
0x1c5: {  	_ = 	snop  }
0x1c6: {  	[spmem:s21] =	stream.indirect.scatter.add.f32 [tilespmem:s8], [sflag:$0xD], $0x10, s19, s12, $0xb8;
	[tilespmem:$0x1ED20] =	vst v63  }
0x1c7: {  	_ =	swait.ge [sflag:s18], $0x1400  }
0x1c8: {  	[sflag:s18] =	ssyncset.done $0x0  }
0x1c9: {  	s22 =	sadd.s32 $0x17610, s16;
	[sflag:s18] =	ssyncadd.s32 $0xFFFFEC00  }
0x1ca: {  	[spmem:s1] =	stream.indirect.scatter.add.f32 [tilespmem:s20], [sflag:$0x9], $0x80, s22, s12, $0xb8;
	[tilespmem:$0x1ED20] =	vst v63  }
0x1cb: {  	_ = 	snop  }
0x1cc: {  	[spmem:s21] =	stream.indirect.scatter.add.f32 [tilespmem:s8], [sflag:$0xE], $0x10, s22, s12, $0xb8;
	[tilespmem:$0x1ED20] =	vst v63  }
0x1cd: {  	_ =	swait.ge [sflag:s3], $0x1400  }
0x1ce: {  	[sflag:s3] =	ssyncset.done $0x0  }
0x1cf: {  	s29 =	sadd.s32 $0x17638, s16;
	[sflag:s3] =	ssyncadd.s32 $0xFFFFEC00  }
0x1d0: {  	[spmem:s1] =	stream.indirect.scatter.add.f32 [tilespmem:s23], [sflag:$0xA], $0x80, s29, s12, $0xb8;
	[tilespmem:$0x1ED20] =	vst v63  }
0x1d1: {  	_ = 	snop  }
0x1d2: {  	[spmem:s21] =	stream.indirect.scatter.add.f32 [tilespmem:s8], [sflag:$0xF], $0x10, s29, s12, $0xb8;
	[tilespmem:$0x1ED20] =	vst v63  }
0x1d3: {  	_ =	swait.ge [sflag:s4], $0x1400  }
0x1d4: {  	[sflag:s4] =	ssyncset.done $0x0  }
0x1d5: {  	[sflag:s4] =	ssyncadd.s32 $0xFFFFEC00  }
0x1d6: {  	_ =	swait.ge [sflag:s5], $0x280  }
0x1d7: {  	p1 =	seq.s32 s10, $0x4B00;
	[sflag:s5] =	ssyncset.done $0x0  }
0x1d8: {  	s14 =	simm.s32 @p1 $0x7;
	[sflag:s5] =	ssyncadd.s32 $0xFFFFFD80  }
0x1d9: {  	_ =	swait.ge @p1 [sflag:s14], $0x1400  }
0x1da: {  	[sflag:s14] =	ssyncset.done @p1 $0x0  }
0x1db: {  	[sflag:s14] =	ssyncadd.s32 @p1 $0xFFFFEC00;
	s14 =	simm.s32 @p1 $0xC  }
0x1dc: {  	_ =	swait.ge @p1 [sflag:s14], $0x280  }
0x1dd: {  	[sflag:s14] =	ssyncset.done @p1 $0x0  }
0x1de: {  	[sflag:s14] =	ssyncadd.s32 @p1 $0xFFFFFD80;
	s14 =	sshra.s32 @!p1 s10, $0x2  }
0x1df: {  	s22 =	simm.s32 @!p1 $0x28;
	s29 =	simm.s32 @!p1 $0x18920;
	s19 =	sadd.s32 @!p1 $0x162D8, s14  }
0x1e0: {  	[tilespmem:s29], [sflag:$0x1] =	stream.indirect.gather @!p1 [hbm4b:s24+s22], $0x80, s19, s22, $0xb8;
	[tilespmem:$0x1ED20] =	vst v63  }
0x1e1: {  	s19 =	simm.s32 @!p1 $0x7  }
0x1e2: {  	_ =	swait.ge @!p1 [sflag:s19], $0x1400  }
0x1e3: {  	[sflag:s19] =	ssyncset.done @!p1 $0x0  }
0x1e4: {  	[sflag:s19] =	ssyncadd.s32 @!p1 $0xFFFFEC00;
	s19 =	simm.s32 @!p1 $0xC  }
0x1e5: {  	_ =	swait.ge @!p1 [sflag:s19], $0x280  }
0x1e6: {  	[sflag:s19] =	ssyncset.done @!p1 $0x0  }
0x1e7: {  	s29 =	simm.s32 @!p1 $0x19D20;
	[sflag:s19] =	ssyncadd.s32 @!p1 $0xFFFFFD80;
	s19 =	sadd.s32 @!p1 $0x16300, s14  }
0x1e8: {  	[tilespmem:s29], [sflag:$0x2] =	stream.indirect.gather @!p1 [hbm4b:s24+s22], $0x80, s19, s22, $0xb8;
	[tilespmem:$0x1ED20] =	vst v63  }
0x1e9: {  	_ =	swait.ge [sflag:s6], $0x1400  }
0x1ea: {  	[sflag:s6] =	ssyncset.done $0x0  }
0x1eb: {  	[sflag:s6] =	ssyncadd.s32 $0xFFFFEC00  }
0x1ec: {  	_ =	swait.ge [sflag:s7], $0x280  }
0x1ed: {  	[sflag:s7] =	ssyncset.done $0x0  }
0x1ee: {  	s19 =	simm.s32 @p1 $0x9;
	[sflag:s7] =	ssyncadd.s32 $0xFFFFFD80  }
0x1ef: {  	_ =	swait.ge @p1 [sflag:s19], $0x1400  }
0x1f0: {  	[sflag:s19] =	ssyncset.done @p1 $0x0  }
0x1f1: {  	[sflag:s19] =	ssyncadd.s32 @p1 $0xFFFFEC00;
	s19 =	simm.s32 @p1 $0xE  }
0x1f2: {  	_ =	swait.ge @p1 [sflag:s19], $0x280  }
0x1f3: {  	[sflag:s19] =	ssyncset.done @p1 $0x0  }
0x1f4: {  	s29 =	simm.s32 @!p1 $0x1B120;
	[sflag:s19] =	ssyncadd.s32 @p1 $0xFFFFFD80;
	s19 =	sadd.s32 @!p1 $0x16328, s14  }
0x1f5: {  	[tilespmem:s29], [sflag:$0x3] =	stream.indirect.gather @!p1 [hbm4b:s24+s22], $0x80, s19, s22, $0xb8;
	[tilespmem:$0x1ED20] =	vst v63  }
0x1f6: {  	s19 =	simm.s32 @!p1 $0x9  }
0x1f7: {  	_ =	swait.ge @!p1 [sflag:s19], $0x1400  }
0x1f8: {  	[sflag:s19] =	ssyncset.done @!p1 $0x0  }
0x1f9: {  	[sflag:s19] =	ssyncadd.s32 @!p1 $0xFFFFEC00;
	s19 =	simm.s32 @!p1 $0xE  }
0x1fa: {  	_ =	swait.ge @!p1 [sflag:s19], $0x280  }
0x1fb: {  	[sflag:s19] =	ssyncset.done @!p1 $0x0  }
0x1fc: {  	s14 =	sadd.s32 @!p1 $0x16350, s14;
	[sflag:s19] =	ssyncadd.s32 @!p1 $0xFFFFFD80;
	s19 =	simm.s32 @!p1 $0x1C520  }
0x1fd: {  	[tilespmem:s19], [sflag:$0x4] =	stream.indirect.gather @!p1 [hbm4b:s24+s22], $0x80, s14, s22, $0xb8;
	[tilespmem:$0x1ED20] =	vst v63  }
0x1fe: {  	_ =	swait.ge [sflag:s2], $0x1400  }
.Ltmp8:
0x1ff: {  	[sflag:s2] =	ssyncset.done $0x0;
	(pc) =	sbr.rel @p1 .LBB2_13-.Ltmp8, $4  }
0x200: {  	[sflag:s2] =	ssyncadd.s32 $0xFFFFEC00  }
0x201: {  	_ =	swait.ge [sflag:s28], $0x280  }
0x202: {  	[sflag:s28] =	ssyncset.done $0x0  }
0x203: {  	[sflag:s28] =	ssyncadd.s32 $0xFFFFFD80  }
.Ltmp9:
0x204: {  	(pc) =	sbr.rel .LBB2_11-.Ltmp9, $3  }
0x205: {  	_ =	sdelay $0x1  }
0x206: {  	s14 =	sadd.s32 $0x16378, s16;
	s10 =	sadd.s32 $0x320, s10  }
0x207: {  	[tilespmem:s23], [sflag:$0x5] =	stream.indirect.gather [hbm4b:s24+s12], $0x80, s14, s12, $0xb8;
	[tilespmem:$0x1ED20] =	vst v63  }
.LBB2_13:
0x208: {  	[bflag:$0x0] =	sbarrier.arrive $0xFFFF  }
0x209: {  	s14 =	sld [smem:$0x7F7];
	_ =	sdelay $0x1  }
0x20a: {  	s10 =	rddreg [dreg:$0x13]  }
0x20b: {  	[hbm:s10], [sflag:s11] =	dma.local [spmem:s14], $0x2700  }
0x20c: {  	_ =	swait.ge [sflag:s9], $0x2700  }
0x20d: {  	s14 =	sld [smem:$0x7F8]  }
0x20e: {  	[sflag:s9] =	ssyncset.done $0x0  }
0x20f: {  	s10 =	rddreg [dreg:$0x14];
	[sflag:s9] =	ssyncadd.s32 $0xFFFFD900  }
0x210: {  	[hbm:s10], [sflag:s11] =	dma.local @!p0 [spmem:s14], $0x100  }
0x211: {  	s10 =	simm.s32 @!p0 $0x10  }
0x212: {  	_ =	swait.ge @!p0 [sflag:s10], $0x100  }
0x213: {  	s22 =	sld [smem:$0x7FB]  }
0x214: {  	[sflag:s10] =	ssyncset.done @!p0 $0x0  }
0x215: {  	s19 =	rddreg [dreg:$0x1e];
	[sflag:s10] =	ssyncadd.s32 @!p0 $0xFFFFFF00  }
0x216: {  	[hbm:s19], [sflag:s11] =	dma.local [spmem:s22], $0x4E2  }
0x217: {  	_ =	swait.ge [sflag:s9], $0x4E2  }
0x218: {  	[sflag:s9] =	ssyncset.done $0x0  }
0x219: {  	[sflag:s9] =	ssyncadd.s32 $0xFFFFFB1E  }
0x21a: {  	[bflag:$0x0] =	sbarrier.arrive $0xFFFF  }
0x21b: {  	s16 =	sld [smem:$0x7FA];
	_ =	sdelay $0x1  }
0x21c: {  	s29 =	rddreg [dreg:$0x18]  }
0x21d: {  	[spmem:s16], [sflag:s11] =	dma.local [hbm:s29], $0x2710  }
0x21e: {  	_ =	swait.ge [sflag:s9], $0x2710  }
0x21f: {  	[sflag:s9] =	ssyncset.done $0x0  }
0x220: {  	s16 =	rddreg [dreg:$0x19];
	[sflag:s9] =	ssyncadd.s32 $0xFFFFD8F0  }
0x221: {  	[spmem:s22], [sflag:s11] =	dma.local [hbm:s16], $0x4E2  }
0x222: {  	_ =	swait.ge [sflag:s9], $0x4E2  }
0x223: {  	[sflag:s9] =	ssyncset.done $0x0  }
0x224: {  	[sflag:s9] =	ssyncadd.s32 $0xFFFFFB1E  }
0x225: {  	[bflag:$0x0] =	sbarrier.arrive $0xFFFF  }
0x226: {  	s10 =	simm.s32 $0x0;
	s22 =	simm.s32 $0x16210;
	s19 =	rddreg [dreg:$0xd]  }
0x227: {  	[tilespmem:s22], [sflag:$0x10] =	stream.linear.gather [hbm4b:s19+s10], $0x1388, $0x38;
	[tilespmem:$0x1ED20] =	vst v63  }
0x228: {  	_ =	swait.ge [sflag:s9], $0x1388  }
0x229: {  	[sflag:s9] =	ssyncset.done $0x0  }
0x22a: {  	s19 =	simm.s32 $0x17598;
	s29 =	rddreg [dreg:$0xe];
	[sflag:s9] =	ssyncadd.s32 $0xFFFFEC78  }
0x22b: {  	[tilespmem:s19], [sflag:$0x10] =	stream.linear.gather [hbm4b:s29+s10], $0x1388, $0x38;
	[tilespmem:$0x1ED20] =	vst v63  }
0x22c: {  	_ =	swait.ge [sflag:s9], $0x1388  }
0x22d: {  	[sflag:s9] =	ssyncset.done $0x0  }
0x22e: {  	[sflag:s9] =	ssyncadd.s32 $0xFFFFEC78  }
0x22f: {  	[tilespmem:s13], [sflag:$0x1] =	stream.indirect.gather [hbm4b:s25+s12], $0x80, s22, s12, $0xb8;
	[tilespmem:$0x1ED20] =	vst v63  }
0x230: {  	s16 =	simm.s32 $0x16238  }
0x231: {  	[tilespmem:s15], [sflag:$0x2] =	stream.indirect.gather [hbm4b:s25+s12], $0x80, s16, s12, $0xb8;
	[tilespmem:$0x1ED20] =	vst v63  }
0x232: {  	s19 =	simm.s32 $0x16260  }
0x233: {  	[tilespmem:s17], [sflag:$0x3] =	stream.indirect.gather [hbm4b:s25+s12], $0x80, s19, s12, $0xb8;
	[tilespmem:$0x1ED20] =	vst v63  }
0x234: {  	s22 =	simm.s32 $0x16288  }
0x235: {  	[tilespmem:s20], [sflag:$0x4] =	stream.indirect.gather [hbm4b:s25+s12], $0x80, s22, s12, $0xb8;
	[tilespmem:$0x1ED20] =	vst v63  }
0x236: {  	s29 =	simm.s32 $0x162B0  }
0x237: {  	[tilespmem:s23], [sflag:$0x5] =	stream.indirect.gather [hbm4b:s25+s12], $0x80, s29, s12, $0xb8;
	[tilespmem:$0x1ED20] =	vst v63  }
.LBB2_14:
0x238: {  	_ =	swait.ge [sflag:s26], $0x1400  }
0x239: {  	s16 =	sshra.s32 s10, $0x2;
	[sflag:s26] =	ssyncset.done $0x0  }
0x23a: {  	s14 =	sadd.s32 $0x17598, s16;
	[sflag:s26] =	ssyncadd.s32 $0xFFFFEC00  }
0x23b: {  	[spmem:s1] =	stream.indirect.scatter.add.f32 [tilespmem:s13], [sflag:$0x6], $0x80, s14, s12, $0xb8;
	[tilespmem:$0x1ED20] =	vst v63  }
0x23c: {  	_ = 	snop  }
0x23d: {  	[spmem:s21] =	stream.indirect.scatter.add.f32 [tilespmem:s8], [sflag:$0xB], $0x10, s14, s12, $0xb8;
	[tilespmem:$0x1ED20] =	vst v63  }
0x23e: {  	_ =	swait.ge [sflag:s30], $0x1400  }
0x23f: {  	[sflag:s30] =	ssyncset.done $0x0  }
0x240: {  	s29 =	sadd.s32 $0x175C0, s16;
	[sflag:s30] =	ssyncadd.s32 $0xFFFFEC00  }
0x241: {  	[spmem:s1] =	stream.indirect.scatter.add.f32 [tilespmem:s15], [sflag:$0x7], $0x80, s29, s12, $0xb8;
	[tilespmem:$0x1ED20] =	vst v63  }
0x242: {  	_ = 	snop  }
0x243: {  	[spmem:s21] =	stream.indirect.scatter.add.f32 [tilespmem:s8], [sflag:$0xC], $0x10, s29, s12, $0xb8;
	[tilespmem:$0x1ED20] =	vst v63  }
0x244: {  	_ =	swait.ge [sflag:s31], $0x1400  }
0x245: {  	[sflag:s31] =	ssyncset.done $0x0  }
0x246: {  	s19 =	sadd.s32 $0x175E8, s16;
	[sflag:s31] =	ssyncadd.s32 $0xFFFFEC00  }
0x247: {  	[spmem:s1] =	stream.indirect.scatter.add.f32 [tilespmem:s17], [sflag:$0x8], $0x80, s19, s12, $0xb8;
	[tilespmem:$0x1ED20] =	vst v63  }
0x248: {  	_ = 	snop  }
0x249: {  	[spmem:s21] =	stream.indirect.scatter.add.f32 [tilespmem:s8], [sflag:$0xD], $0x10, s19, s12, $0xb8;
	[tilespmem:$0x1ED20] =	vst v63  }
0x24a: {  	_ =	swait.ge [sflag:s18], $0x1400  }
0x24b: {  	[sflag:s18] =	ssyncset.done $0x0  }
0x24c: {  	s22 =	sadd.s32 $0x17610, s16;
	[sflag:s18] =	ssyncadd.s32 $0xFFFFEC00  }
0x24d: {  	[spmem:s1] =	stream.indirect.scatter.add.f32 [tilespmem:s20], [sflag:$0x9], $0x80, s22, s12, $0xb8;
	[tilespmem:$0x1ED20] =	vst v63  }
0x24e: {  	_ = 	snop  }
0x24f: {  	[spmem:s21] =	stream.indirect.scatter.add.f32 [tilespmem:s8], [sflag:$0xE], $0x10, s22, s12, $0xb8;
	[tilespmem:$0x1ED20] =	vst v63  }
0x250: {  	_ =	swait.ge [sflag:s3], $0x1400  }
0x251: {  	[sflag:s3] =	ssyncset.done $0x0  }
0x252: {  	s29 =	sadd.s32 $0x17638, s16;
	[sflag:s3] =	ssyncadd.s32 $0xFFFFEC00  }
0x253: {  	[spmem:s1] =	stream.indirect.scatter.add.f32 [tilespmem:s23], [sflag:$0xA], $0x80, s29, s12, $0xb8;
	[tilespmem:$0x1ED20] =	vst v63  }
0x254: {  	_ = 	snop  }
0x255: {  	[spmem:s21] =	stream.indirect.scatter.add.f32 [tilespmem:s8], [sflag:$0xF], $0x10, s29, s12, $0xb8;
	[tilespmem:$0x1ED20] =	vst v63  }
0x256: {  	_ =	swait.ge [sflag:s4], $0x1400  }
0x257: {  	[sflag:s4] =	ssyncset.done $0x0  }
0x258: {  	[sflag:s4] =	ssyncadd.s32 $0xFFFFEC00  }
0x259: {  	_ =	swait.ge [sflag:s5], $0x280  }
0x25a: {  	p1 =	seq.s32 s10, $0x4B00;
	[sflag:s5] =	ssyncset.done $0x0  }
0x25b: {  	s14 =	simm.s32 @p1 $0x7;
	[sflag:s5] =	ssyncadd.s32 $0xFFFFFD80  }
0x25c: {  	_ =	swait.ge @p1 [sflag:s14], $0x1400  }
0x25d: {  	[sflag:s14] =	ssyncset.done @p1 $0x0  }
0x25e: {  	[sflag:s14] =	ssyncadd.s32 @p1 $0xFFFFEC00;
	s14 =	simm.s32 @p1 $0xC  }
0x25f: {  	_ =	swait.ge @p1 [sflag:s14], $0x280  }
0x260: {  	[sflag:s14] =	ssyncset.done @p1 $0x0  }
0x261: {  	[sflag:s14] =	ssyncadd.s32 @p1 $0xFFFFFD80;
	s14 =	sshra.s32 @!p1 s10, $0x2  }
0x262: {  	s22 =	simm.s32 @!p1 $0x28;
	s29 =	simm.s32 @!p1 $0x18920;
	s19 =	sadd.s32 @!p1 $0x162D8, s14  }
0x263: {  	[tilespmem:s29], [sflag:$0x1] =	stream.indirect.gather @!p1 [hbm4b:s25+s22], $0x80, s19, s22, $0xb8;
	[tilespmem:$0x1ED20] =	vst v63  }
0x264: {  	s19 =	simm.s32 @!p1 $0x7  }
0x265: {  	_ =	swait.ge @!p1 [sflag:s19], $0x1400  }
0x266: {  	[sflag:s19] =	ssyncset.done @!p1 $0x0  }
0x267: {  	[sflag:s19] =	ssyncadd.s32 @!p1 $0xFFFFEC00;
	s19 =	simm.s32 @!p1 $0xC  }
0x268: {  	_ =	swait.ge @!p1 [sflag:s19], $0x280  }
0x269: {  	[sflag:s19] =	ssyncset.done @!p1 $0x0  }
0x26a: {  	s29 =	simm.s32 @!p1 $0x19D20;
	[sflag:s19] =	ssyncadd.s32 @!p1 $0xFFFFFD80;
	s19 =	sadd.s32 @!p1 $0x16300, s14  }
0x26b: {  	[tilespmem:s29], [sflag:$0x2] =	stream.indirect.gather @!p1 [hbm4b:s25+s22], $0x80, s19, s22, $0xb8;
	[tilespmem:$0x1ED20] =	vst v63  }
0x26c: {  	_ =	swait.ge [sflag:s6], $0x1400  }
0x26d: {  	[sflag:s6] =	ssyncset.done $0x0  }
0x26e: {  	[sflag:s6] =	ssyncadd.s32 $0xFFFFEC00  }
0x26f: {  	_ =	swait.ge [sflag:s7], $0x280  }
0x270: {  	[sflag:s7] =	ssyncset.done $0x0  }
0x271: {  	s19 =	simm.s32 @p1 $0x9;
	[sflag:s7] =	ssyncadd.s32 $0xFFFFFD80  }
0x272: {  	_ =	swait.ge @p1 [sflag:s19], $0x1400  }
0x273: {  	[sflag:s19] =	ssyncset.done @p1 $0x0  }
0x274: {  	[sflag:s19] =	ssyncadd.s32 @p1 $0xFFFFEC00;
	s19 =	simm.s32 @p1 $0xE  }
0x275: {  	_ =	swait.ge @p1 [sflag:s19], $0x280  }
0x276: {  	[sflag:s19] =	ssyncset.done @p1 $0x0  }
0x277: {  	s29 =	simm.s32 @!p1 $0x1B120;
	[sflag:s19] =	ssyncadd.s32 @p1 $0xFFFFFD80;
	s19 =	sadd.s32 @!p1 $0x16328, s14  }
0x278: {  	[tilespmem:s29], [sflag:$0x3] =	stream.indirect.gather @!p1 [hbm4b:s25+s22], $0x80, s19, s22, $0xb8;
	[tilespmem:$0x1ED20] =	vst v63  }
0x279: {  	s19 =	simm.s32 @!p1 $0x9  }
0x27a: {  	_ =	swait.ge @!p1 [sflag:s19], $0x1400  }
0x27b: {  	[sflag:s19] =	ssyncset.done @!p1 $0x0  }
0x27c: {  	[sflag:s19] =	ssyncadd.s32 @!p1 $0xFFFFEC00;
	s19 =	simm.s32 @!p1 $0xE  }
0x27d: {  	_ =	swait.ge @!p1 [sflag:s19], $0x280  }
0x27e: {  	[sflag:s19] =	ssyncset.done @!p1 $0x0  }
0x27f: {  	s14 =	sadd.s32 @!p1 $0x16350, s14;
	[sflag:s19] =	ssyncadd.s32 @!p1 $0xFFFFFD80;
	s19 =	simm.s32 @!p1 $0x1C520  }
0x280: {  	[tilespmem:s19], [sflag:$0x4] =	stream.indirect.gather @!p1 [hbm4b:s25+s22], $0x80, s14, s22, $0xb8;
	[tilespmem:$0x1ED20] =	vst v63  }
0x281: {  	_ =	swait.ge [sflag:s2], $0x1400  }
.Ltmp10:
0x282: {  	[sflag:s2] =	ssyncset.done $0x0;
	(pc) =	sbr.rel @p1 .LBB2_16-.Ltmp10, $4  }
0x283: {  	[sflag:s2] =	ssyncadd.s32 $0xFFFFEC00  }
0x284: {  	_ =	swait.ge [sflag:s28], $0x280  }
0x285: {  	[sflag:s28] =	ssyncset.done $0x0  }
0x286: {  	[sflag:s28] =	ssyncadd.s32 $0xFFFFFD80  }
.Ltmp11:
0x287: {  	(pc) =	sbr.rel .LBB2_14-.Ltmp11, $3  }
0x288: {  	_ =	sdelay $0x1  }
0x289: {  	s14 =	sadd.s32 $0x16378, s16;
	s10 =	sadd.s32 $0x320, s10  }
0x28a: {  	[tilespmem:s23], [sflag:$0x5] =	stream.indirect.gather [hbm4b:s25+s12], $0x80, s14, s12, $0xb8;
	[tilespmem:$0x1ED20] =	vst v63  }
.LBB2_16:
0x28b: {  	s10 =	simm.s32 $0x0;
	s14 =	rddreg [dreg:$0xf];
	s16 =	simm.s32 $0x16210  }
0x28c: {  	[tilespmem:s16], [sflag:$0x10] =	stream.linear.gather [hbm4b:s14+s10], $0x1388, $0x38;
	[tilespmem:$0x1ED20] =	vst v63  }
0x28d: {  	_ =	swait.ge [sflag:s9], $0x1388  }
0x28e: {  	[sflag:s9] =	ssyncset.done $0x0  }
0x28f: {  	s19 =	simm.s32 $0x17598;
	s29 =	rddreg [dreg:$0x10];
	[sflag:s9] =	ssyncadd.s32 $0xFFFFEC78  }
0x290: {  	[tilespmem:s19], [sflag:$0x10] =	stream.linear.gather [hbm4b:s29+s10], $0x1388, $0x38;
	[tilespmem:$0x1ED20] =	vst v63  }
0x291: {  	_ =	swait.ge [sflag:s9], $0x1388  }
0x292: {  	[sflag:s9] =	ssyncset.done $0x0  }
0x293: {  	[sflag:s9] =	ssyncadd.s32 $0xFFFFEC78  }
0x294: {  	[tilespmem:s13], [sflag:$0x1] =	stream.indirect.gather [hbm4b:s25+s12], $0x80, s16, s12, $0xb8;
	[tilespmem:$0x1ED20] =	vst v63  }
0x295: {  	s16 =	simm.s32 $0x16238  }
0x296: {  	[tilespmem:s15], [sflag:$0x2] =	stream.indirect.gather [hbm4b:s25+s12], $0x80, s16, s12, $0xb8;
	[tilespmem:$0x1ED20] =	vst v63  }
0x297: {  	s19 =	simm.s32 $0x16260  }
0x298: {  	[tilespmem:s17], [sflag:$0x3] =	stream.indirect.gather [hbm4b:s25+s12], $0x80, s19, s12, $0xb8;
	[tilespmem:$0x1ED20] =	vst v63  }
0x299: {  	s22 =	simm.s32 $0x16288  }
0x29a: {  	[tilespmem:s20], [sflag:$0x4] =	stream.indirect.gather [hbm4b:s25+s12], $0x80, s22, s12, $0xb8;
	[tilespmem:$0x1ED20] =	vst v63  }
0x29b: {  	s29 =	simm.s32 $0x162B0  }
0x29c: {  	[tilespmem:s23], [sflag:$0x5] =	stream.indirect.gather [hbm4b:s25+s12], $0x80, s29, s12, $0xb8;
	[tilespmem:$0x1ED20] =	vst v63  }
.LBB2_17:
0x29d: {  	_ =	swait.ge [sflag:s26], $0x1400  }
0x29e: {  	s16 =	sshra.s32 s10, $0x2;
	[sflag:s26] =	ssyncset.done $0x0  }
0x29f: {  	s14 =	sadd.s32 $0x17598, s16;
	[sflag:s26] =	ssyncadd.s32 $0xFFFFEC00  }
0x2a0: {  	[spmem:s1] =	stream.indirect.scatter.add.f32 [tilespmem:s13], [sflag:$0x6], $0x80, s14, s12, $0xb8;
	[tilespmem:$0x1ED20] =	vst v63  }
0x2a1: {  	_ = 	snop  }
0x2a2: {  	[spmem:s21] =	stream.indirect.scatter.add.f32 [tilespmem:s8], [sflag:$0xB], $0x10, s14, s12, $0xb8;
	[tilespmem:$0x1ED20] =	vst v63  }
0x2a3: {  	_ =	swait.ge [sflag:s30], $0x1400  }
0x2a4: {  	[sflag:s30] =	ssyncset.done $0x0  }
0x2a5: {  	s29 =	sadd.s32 $0x175C0, s16;
	[sflag:s30] =	ssyncadd.s32 $0xFFFFEC00  }
0x2a6: {  	[spmem:s1] =	stream.indirect.scatter.add.f32 [tilespmem:s15], [sflag:$0x7], $0x80, s29, s12, $0xb8;
	[tilespmem:$0x1ED20] =	vst v63  }
0x2a7: {  	_ = 	snop  }
0x2a8: {  	[spmem:s21] =	stream.indirect.scatter.add.f32 [tilespmem:s8], [sflag:$0xC], $0x10, s29, s12, $0xb8;
	[tilespmem:$0x1ED20] =	vst v63  }
0x2a9: {  	_ =	swait.ge [sflag:s31], $0x1400  }
0x2aa: {  	[sflag:s31] =	ssyncset.done $0x0  }
0x2ab: {  	s19 =	sadd.s32 $0x175E8, s16;
	[sflag:s31] =	ssyncadd.s32 $0xFFFFEC00  }
0x2ac: {  	[spmem:s1] =	stream.indirect.scatter.add.f32 [tilespmem:s17], [sflag:$0x8], $0x80, s19, s12, $0xb8;
	[tilespmem:$0x1ED20] =	vst v63  }
0x2ad: {  	_ = 	snop  }
0x2ae: {  	[spmem:s21] =	stream.indirect.scatter.add.f32 [tilespmem:s8], [sflag:$0xD], $0x10, s19, s12, $0xb8;
	[tilespmem:$0x1ED20] =	vst v63  }
0x2af: {  	_ =	swait.ge [sflag:s18], $0x1400  }
0x2b0: {  	[sflag:s18] =	ssyncset.done $0x0  }
0x2b1: {  	s22 =	sadd.s32 $0x17610, s16;
	[sflag:s18] =	ssyncadd.s32 $0xFFFFEC00  }
0x2b2: {  	[spmem:s1] =	stream.indirect.scatter.add.f32 [tilespmem:s20], [sflag:$0x9], $0x80, s22, s12, $0xb8;
	[tilespmem:$0x1ED20] =	vst v63  }
0x2b3: {  	_ = 	snop  }
0x2b4: {  	[spmem:s21] =	stream.indirect.scatter.add.f32 [tilespmem:s8], [sflag:$0xE], $0x10, s22, s12, $0xb8;
	[tilespmem:$0x1ED20] =	vst v63  }
0x2b5: {  	_ =	swait.ge [sflag:s3], $0x1400  }
0x2b6: {  	[sflag:s3] =	ssyncset.done $0x0  }
0x2b7: {  	s29 =	sadd.s32 $0x17638, s16;
	[sflag:s3] =	ssyncadd.s32 $0xFFFFEC00  }
0x2b8: {  	[spmem:s1] =	stream.indirect.scatter.add.f32 [tilespmem:s23], [sflag:$0xA], $0x80, s29, s12, $0xb8;
	[tilespmem:$0x1ED20] =	vst v63  }
0x2b9: {  	_ = 	snop  }
0x2ba: {  	[spmem:s21] =	stream.indirect.scatter.add.f32 [tilespmem:s8], [sflag:$0xF], $0x10, s29, s12, $0xb8;
	[tilespmem:$0x1ED20] =	vst v63  }
0x2bb: {  	_ =	swait.ge [sflag:s4], $0x1400  }
0x2bc: {  	[sflag:s4] =	ssyncset.done $0x0  }
0x2bd: {  	[sflag:s4] =	ssyncadd.s32 $0xFFFFEC00  }
0x2be: {  	_ =	swait.ge [sflag:s5], $0x280  }
0x2bf: {  	p1 =	seq.s32 s10, $0x4B00;
	[sflag:s5] =	ssyncset.done $0x0  }
0x2c0: {  	s14 =	simm.s32 @p1 $0x7;
	[sflag:s5] =	ssyncadd.s32 $0xFFFFFD80  }
0x2c1: {  	_ =	swait.ge @p1 [sflag:s14], $0x1400  }
0x2c2: {  	[sflag:s14] =	ssyncset.done @p1 $0x0  }
0x2c3: {  	[sflag:s14] =	ssyncadd.s32 @p1 $0xFFFFEC00;
	s14 =	simm.s32 @p1 $0xC  }
0x2c4: {  	_ =	swait.ge @p1 [sflag:s14], $0x280  }
0x2c5: {  	[sflag:s14] =	ssyncset.done @p1 $0x0  }
0x2c6: {  	[sflag:s14] =	ssyncadd.s32 @p1 $0xFFFFFD80;
	s14 =	sshra.s32 @!p1 s10, $0x2  }
0x2c7: {  	s22 =	simm.s32 @!p1 $0x28;
	s29 =	simm.s32 @!p1 $0x18920;
	s19 =	sadd.s32 @!p1 $0x162D8, s14  }
0x2c8: {  	[tilespmem:s29], [sflag:$0x1] =	stream.indirect.gather @!p1 [hbm4b:s25+s22], $0x80, s19, s22, $0xb8;
	[tilespmem:$0x1ED20] =	vst v63  }
0x2c9: {  	s19 =	simm.s32 @!p1 $0x7  }
0x2ca: {  	_ =	swait.ge @!p1 [sflag:s19], $0x1400  }
0x2cb: {  	[sflag:s19] =	ssyncset.done @!p1 $0x0  }
0x2cc: {  	[sflag:s19] =	ssyncadd.s32 @!p1 $0xFFFFEC00;
	s19 =	simm.s32 @!p1 $0xC  }
0x2cd: {  	_ =	swait.ge @!p1 [sflag:s19], $0x280  }
0x2ce: {  	[sflag:s19] =	ssyncset.done @!p1 $0x0  }
0x2cf: {  	s29 =	simm.s32 @!p1 $0x19D20;
	[sflag:s19] =	ssyncadd.s32 @!p1 $0xFFFFFD80;
	s19 =	sadd.s32 @!p1 $0x16300, s14  }
0x2d0: {  	[tilespmem:s29], [sflag:$0x2] =	stream.indirect.gather @!p1 [hbm4b:s25+s22], $0x80, s19, s22, $0xb8;
	[tilespmem:$0x1ED20] =	vst v63  }
0x2d1: {  	_ =	swait.ge [sflag:s6], $0x1400  }
0x2d2: {  	[sflag:s6] =	ssyncset.done $0x0  }
0x2d3: {  	[sflag:s6] =	ssyncadd.s32 $0xFFFFEC00  }
0x2d4: {  	_ =	swait.ge [sflag:s7], $0x280  }
0x2d5: {  	[sflag:s7] =	ssyncset.done $0x0  }
0x2d6: {  	s19 =	simm.s32 @p1 $0x9;
	[sflag:s7] =	ssyncadd.s32 $0xFFFFFD80  }
0x2d7: {  	_ =	swait.ge @p1 [sflag:s19], $0x1400  }
0x2d8: {  	[sflag:s19] =	ssyncset.done @p1 $0x0  }
0x2d9: {  	[sflag:s19] =	ssyncadd.s32 @p1 $0xFFFFEC00;
	s19 =	simm.s32 @p1 $0xE  }
0x2da: {  	_ =	swait.ge @p1 [sflag:s19], $0x280  }
0x2db: {  	[sflag:s19] =	ssyncset.done @p1 $0x0  }
0x2dc: {  	s29 =	simm.s32 @!p1 $0x1B120;
	[sflag:s19] =	ssyncadd.s32 @p1 $0xFFFFFD80;
	s19 =	sadd.s32 @!p1 $0x16328, s14  }
0x2dd: {  	[tilespmem:s29], [sflag:$0x3] =	stream.indirect.gather @!p1 [hbm4b:s25+s22], $0x80, s19, s22, $0xb8;
	[tilespmem:$0x1ED20] =	vst v63  }
0x2de: {  	s19 =	simm.s32 @!p1 $0x9  }
0x2df: {  	_ =	swait.ge @!p1 [sflag:s19], $0x1400  }
0x2e0: {  	[sflag:s19] =	ssyncset.done @!p1 $0x0  }
0x2e1: {  	[sflag:s19] =	ssyncadd.s32 @!p1 $0xFFFFEC00;
	s19 =	simm.s32 @!p1 $0xE  }
0x2e2: {  	_ =	swait.ge @!p1 [sflag:s19], $0x280  }
0x2e3: {  	[sflag:s19] =	ssyncset.done @!p1 $0x0  }
0x2e4: {  	s14 =	sadd.s32 @!p1 $0x16350, s14;
	[sflag:s19] =	ssyncadd.s32 @!p1 $0xFFFFFD80;
	s19 =	simm.s32 @!p1 $0x1C520  }
0x2e5: {  	[tilespmem:s19], [sflag:$0x4] =	stream.indirect.gather @!p1 [hbm4b:s25+s22], $0x80, s14, s22, $0xb8;
	[tilespmem:$0x1ED20] =	vst v63  }
0x2e6: {  	_ =	swait.ge [sflag:s2], $0x1400  }
.Ltmp12:
0x2e7: {  	[sflag:s2] =	ssyncset.done $0x0;
	(pc) =	sbr.rel @p1 .LBB2_19-.Ltmp12, $4  }
0x2e8: {  	[sflag:s2] =	ssyncadd.s32 $0xFFFFEC00  }
0x2e9: {  	_ =	swait.ge [sflag:s28], $0x280  }
0x2ea: {  	[sflag:s28] =	ssyncset.done $0x0  }
0x2eb: {  	[sflag:s28] =	ssyncadd.s32 $0xFFFFFD80  }
.Ltmp13:
0x2ec: {  	(pc) =	sbr.rel .LBB2_17-.Ltmp13, $3  }
0x2ed: {  	_ =	sdelay $0x1  }
0x2ee: {  	s14 =	sadd.s32 $0x16378, s16;
	s10 =	sadd.s32 $0x320, s10  }
0x2ef: {  	[tilespmem:s23], [sflag:$0x5] =	stream.indirect.gather [hbm4b:s25+s12], $0x80, s14, s12, $0xb8;
	[tilespmem:$0x1ED20] =	vst v63  }
.LBB2_20:
0x2f0: {  	_ =	sfence.sel $0x180000  }
0x2f1: {  	[bflag:$0x0] =	sbarrier.arrive $0xFFFF  }
0x2f2: {  	_ =	strace $0x90000047  }
0x2f3: {  	[bflag:$0x2] =	sbarrier.arrive $0xFFFF  }
0x2f4: {  	s0 =	rddreg [dreg:$0x4]  }
0x2f5: {  	s0 =	sadd.s32 @!p0 $0x100000, s0  }
0x2f6: {  	[sflag:s0] =	ssyncadd.tile.s32 @!p0 $0x1;
	_ =	shalt  }
.Lfunc_end2:
_tile_overlayer_lowered:
.L_overlay_start_2:
0x2f7: {  	(tag) =	ssettag $0x2  }
0x2f8: {  	s0 =	rddreg [dreg:$0x0];
	s2 =	stileid.u32  }
0x2f9: {  	s1 =	rddreg [dreg:$0x1];
	p0 =	sne.s32 s2, $0x0  }
0x2fa: {  	s3 =	rddreg [dreg:$0x2];
	[bflag:$0x3] =	sbarrier.arrive $0xFFFF;
	s2 =	simm.s32 @!p0 $0x1C10  }
0x2fb: {  	[timem:s3], [sflag:s2] =	dma.local @!p0 [hbm:s0], s1  }
0x2fc: {  	s0 =	simm.s32 @!p0 $0x10  }
0x2fd: {  	_ =	swait.ge @!p0 [sflag:s0], s1  }
0x2fe: {  	s1 =	ssub.s32 @!p0 $0x0, s1;
	[sflag:s0] =	ssyncset.done @!p0 $0x0  }
0x2ff: {  	[sflag:s0] =	ssyncadd.s32 @!p0 s1  }
0x300: {  	[bflag:$0x3] =	sbarrier.arrive $0xFFFF  }
0x301: {  	_ =	shalt  }

</sc_bundles>
